<compile_context>
chip_gen: v7x
topology: tpu7x:2x2x1
jax: 0.10.2.dev20260603
libtpu: 0.0.44.dev20260713+nightly
codegen_flags: <defaults>
</compile_context>

<pallas_src>
import functools

import jax
import jax.numpy as jnp
from jax import lax
from jax.experimental import pallas as pl
from jax.experimental.pallas import tpu as pltpu
from jax.experimental.pallas import tpu_sc as plsc

_NF = 8
_NB = 16
_L = 16
_NW = 32
_N = 204800
_P = _N // _NW
_C = 256
_NCHUNK = _P // _C


def _body(x_hbm, ev_hbm, fo_hbm, out_hbm, evv, fov, xin, outt):
    wid = lax.axis_index("s") * 2 + lax.axis_index("c")
    base0 = wid * _P
    pltpu.sync_copy(ev_hbm, evv)
    pltpu.sync_copy(fo_hbm, fov)
    iota = jnp.arange(_L, dtype=jnp.int32)

    def chunk_body(ci, carry):
        base = base0 + ci * _C
        pltpu.sync_copy(x_hbm.at[:, pl.ds(base, _C)], xin)

        def g_body(g, carry2):
            row = g * _L + iota
            for i in range(_NF):
                v = xin[i, pl.ds(g * _L, _L)]
                evec = evv[i, :]
                fvec = fov[i, :]
                dmin = jnp.full((_L,), 3.4e38, jnp.float32)
                dmax = jnp.full((_L,), -3.4e38, jnp.float32)
                fsel = jnp.zeros((_L,), jnp.float32)
                ds = []
                for j in range(_NB):
                    e = jnp.broadcast_to(evec[j], (_L,))
                    d = jnp.abs(v - e)
                    lt = d < dmin
                    fj = jnp.broadcast_to(fvec[j], (_L,))
                    fsel = jnp.where(lt, fj, fsel)
                    dmin = jnp.minimum(dmin, d)
                    dmax = jnp.maximum(dmax, d)
                    ds.append(d)
                nf = -fsel
                smax = jnp.maximum(dmin * nf, dmax * nf)
                acc = jnp.zeros((_L,), jnp.float32)
                ts = []
                for j in range(_NB):
                    t = jnp.exp(ds[j] * nf - smax)
                    acc = acc + t
                    ts.append(t)
                inv = 1.0 / acc
                for j in range(_NB):
                    col = jnp.full((_L,), i * _NB + j, jnp.int32)
                    plsc.store_scatter(outt, [row, col], ts[j] * inv)
            return carry2

        lax.fori_loop(0, _C // _L, g_body, 0)
        pltpu.sync_copy(outt, out_hbm.at[pl.ds(base, _C)])
        return carry

    lax.fori_loop(0, _NCHUNK, chunk_body, 0)


def kernel(x, evaluates, focuses):
    x2 = x.reshape(_N, _NF).T
    fo2 = focuses.reshape(_NF, _NB)
    mesh = plsc.VectorSubcoreMesh(core_axis_name="c", subcore_axis_name="s")
    k = functools.partial(
        pl.kernel,
        mesh=mesh,
        out_type=jax.ShapeDtypeStruct((_N, _NF * _NB), jnp.float32),
        scratch_types=[
            pltpu.VMEM((_NF, _NB), jnp.float32),
            pltpu.VMEM((_NF, _NB), jnp.float32),
            pltpu.VMEM((_NF, _C), jnp.float32),
            pltpu.VMEM((_C, _NF * _NB), jnp.float32),
        ],
        compiler_params=pltpu.CompilerParams(needs_layout_passes=False),
    )(_body)
    out = k(x2, evaluates, fo2)
    return out.reshape(x.shape[0], x.shape[1], _NF * _NB)

# --- scband reference (transcript-rebuilt; emitter-appended) ---
"""Pipeline reference for scband-hwlayer-43774306681056 (READ-ONLY COPY).

The authoritative reference and input builder live on the scoring server;
editing this copy changes nothing except your own understanding.
"""

import jax, jax.numpy as jnp
import numpy as np

N_FEATURES = 8
N_BINS = 16

def setup_inputs(seed: int = 0) -> dict:
    key = jax.random.key(seed)
    x = jax.random.normal(key, (4096, 50, N_FEATURES), dtype=jnp.float32)
    # learned parameters per init_kwargs: evaluate = linspace(-2.0, 1.75, 16), focus = 1.0
    evaluates = jnp.tile(jnp.arange(N_BINS, dtype=jnp.float32) * 0.25 - 2.0, (N_FEATURES, 1))
    focuses = jnp.ones((N_FEATURES, N_BINS, 1), dtype=jnp.float32)
    return {"x": x, "evaluates": evaluates, "focuses": focuses}

def reference(x, evaluates, focuses):
    y_list = []
    for i in range(N_FEATURES):
        d = x[..., i]
        d = d[..., None]
        d = jnp.abs(d - evaluates[i])            # [..., N_BINS]
        f_idx = jnp.argmin(d, axis=-1)            # [...], int
        f = jnp.take(focuses[i], f_idx, axis=0)   # embedding lookup -> [..., 1]
        d = d * f * -1.0
        d = jax.nn.softmax(d, axis=-1)
        y_list.append(d)
    y = jnp.concatenate(y_list, axis=-1)          # [..., N_FEATURES * N_BINS]
    return y

if __name__ == "__main__":
    import jax
    _d = setup_inputs()
    print(jax.jit(kernel)(*tuple(_d.values())))

</pallas_src>

<mosaic_0001>
#map = affine_map<(d0, d1) -> (0, 0)>
module attributes {stable_mosaic.version = 14 : i64} {
  func.func @_body(%arg0: i32, %arg1: i32, %arg2: memref<8x204800xf32, #tpu.memory_space<hbm>>, %arg3: memref<8x16xf32, #tpu.memory_space<hbm>>, %arg4: memref<8x16xf32, #tpu.memory_space<hbm>>, %arg5: memref<204800x128xf32, #tpu.memory_space<hbm>>, %arg6: memref<8x16xf32, #tpu.memory_space<vmem>>, %arg7: memref<8x16xf32, #tpu.memory_space<vmem>>, %arg8: memref<8x256xf32, #tpu.memory_space<vmem>>, %arg9: memref<256x128xf32, #tpu.memory_space<vmem>>) attributes {dimension_semantics = [#tpu.dimension_semantics<core_parallel>, #tpu.dimension_semantics<subcore_parallel>], iteration_bounds = array<i64: 2, 16>, scalar_prefetch = 0 : i64, scratch_operands = 4 : i64, tpu.core_type = #tpu.core_type<sc_vector_subcore>, window_params = [{transform_indices = #map}, {transform_indices = #map}, {transform_indices = #map}, {transform_indices = #map}]} {
    %mul3A = arith.constant 2 : i32
    %mul3A_0 = arith.muli %arg1, %mul3A : i32
    %add3A = arith.addi %mul3A_0, %arg0 : i32
    %mul3A_1 = arith.constant 6400 : i32
    %mul3A_2 = arith.muli %add3A, %mul3A_1 : i32
    "tpu.region"() ({
      %run_scoped3A = tpu.sem_alloc : memref<!tpu.dma_semaphore, #tpu.memory_space<semaphore_mem>>
      tpu.enqueue_dma source(%arg3 : memref<8x16xf32, #tpu.memory_space<hbm>>) target(%arg6 : memref<8x16xf32, #tpu.memory_space<vmem>>) target_semaphore(%run_scoped3A : memref<!tpu.dma_semaphore, #tpu.memory_space<semaphore_mem>>)
      tpu.wait_dma2 semaphore(%run_scoped3A : memref<!tpu.dma_semaphore, #tpu.memory_space<semaphore_mem>>) src(%arg3 : memref<8x16xf32, #tpu.memory_space<hbm>>) dst(%arg6 : memref<8x16xf32, #tpu.memory_space<vmem>>)
      tpu.yield
    }) : () -> ()
    "tpu.region"() ({
      %run_scoped3A = tpu.sem_alloc : memref<!tpu.dma_semaphore, #tpu.memory_space<semaphore_mem>>
      tpu.enqueue_dma source(%arg4 : memref<8x16xf32, #tpu.memory_space<hbm>>) target(%arg7 : memref<8x16xf32, #tpu.memory_space<vmem>>) target_semaphore(%run_scoped3A : memref<!tpu.dma_semaphore, #tpu.memory_space<semaphore_mem>>)
      tpu.wait_dma2 semaphore(%run_scoped3A : memref<!tpu.dma_semaphore, #tpu.memory_space<semaphore_mem>>) src(%arg4 : memref<8x16xf32, #tpu.memory_space<hbm>>) dst(%arg7 : memref<8x16xf32, #tpu.memory_space<vmem>>)
      tpu.yield
    }) : () -> ()
    %iota3A = tpu.iota {dimensions = array<i32: 0>} : vector<16xi32>
    %scan3A = arith.constant 0 : i32
    %scan3A_3 = arith.constant 0 : i32
    %scan3A_4 = arith.constant 25 : i32
    %scan3A_5 = arith.addi %scan3A_3, %scan3A_4 : i32
    %scan3A_6 = arith.constant 1 : i32
    scf.for %scan3A_8 = %scan3A_3 to %scan3A_5 step %scan3A_6  : i32 {
      %mul3A_9 = arith.constant 256 : i32
      %mul3A_10 = arith.muli %scan3A_8, %mul3A_9 : i32
      %add3A_11 = arith.addi %mul3A_2, %mul3A_10 : i32
      "tpu.region"() ({
        %run_scoped3A = tpu.sem_alloc : memref<!tpu.dma_semaphore, #tpu.memory_space<semaphore_mem>>
        %dma_start3A = arith.constant 0 : i32
        %dma_start3A_18 = tpu.memref_slice %arg2[%dma_start3A, %add3A_11] : memref<8x204800xf32, #tpu.memory_space<hbm>> -> memref<8x256xf32, #tpu.memory_space<hbm>>
        %dma_start3A_19 = arith.constant 0 : i32
        %dma_start3A_20 = tpu.memref_slice %arg2[%dma_start3A_19, %add3A_11] : memref<8x204800xf32, #tpu.memory_space<hbm>> -> memref<8x256xf32, #tpu.memory_space<hbm>>
        tpu.enqueue_dma source(%dma_start3A_20 : memref<8x256xf32, #tpu.memory_space<hbm>>) target(%arg8 : memref<8x256xf32, #tpu.memory_space<vmem>>) target_semaphore(%run_scoped3A : memref<!tpu.dma_semaphore, #tpu.memory_space<semaphore_mem>>)
        %dma_wait3A = arith.constant 0 : i32
        %dma_wait3A_21 = tpu.memref_slice %arg2[%dma_wait3A, %add3A_11] : memref<8x204800xf32, #tpu.memory_space<hbm>> -> memref<8x256xf32, #tpu.memory_space<hbm>>
        %dma_wait3A_22 = arith.constant 0 : i32
        %dma_wait3A_23 = tpu.memref_slice %arg2[%dma_wait3A_22, %add3A_11] : memref<8x204800xf32, #tpu.memory_space<hbm>> -> memref<8x256xf32, #tpu.memory_space<hbm>>
        tpu.wait_dma2 semaphore(%run_scoped3A : memref<!tpu.dma_semaphore, #tpu.memory_space<semaphore_mem>>) src(%dma_wait3A_23 : memref<8x256xf32, #tpu.memory_space<hbm>>) dst(%arg8 : memref<8x256xf32, #tpu.memory_space<vmem>>)
        tpu.yield
      }) : () -> ()
      %scan3A_12 = arith.constant 0 : i32
      %scan3A_13 = arith.constant 0 : i32
      %scan3A_14 = arith.constant 16 : i32
      %scan3A_15 = arith.addi %scan3A_13, %scan3A_14 : i32
      %scan3A_16 = arith.constant 1 : i32
      scf.for %scan3A_18 = %scan3A_13 to %scan3A_15 step %scan3A_16  : i32 {
        %mul3A_19 = arith.constant 16 : i32
        %mul3A_20 = arith.muli %scan3A_18, %mul3A_19 : i32
        %add3A_21 = vector.broadcast %mul3A_20 : i32 to vector<16xi32>
        %add3A_22 = arith.addi %add3A_21, %iota3A : vector<16xi32>
        %mul3A_23 = arith.constant 16 : i32
        %mul3A_24 = arith.muli %scan3A_18, %mul3A_23 : i32
        %get3A = arith.constant 0 : i32
        %get3A_25 = arith.index_cast %get3A : i32 to index
        %get3A_26 = arith.index_cast %mul3A_24 : i32 to index
        %get3A_27 = tpu.vector_load %arg8[%get3A_25, %get3A_26] {strides = array<i32>} : memref<8x256xf32, #tpu.memory_space<vmem>>, vector<16xf32>,
        %get3A_28 = arith.constant 0 : i32
        %get3A_29 = arith.index_cast %get3A_28 : i32 to index
        %get3A_30 = arith.constant 0 : index
        %get3A_31 = tpu.vector_load %arg6[%get3A_29, %get3A_30] {strides = array<i32>} : memref<8x16xf32, #tpu.memory_space<vmem>>, vector<16xf32>,
        %get3A_32 = arith.constant 0 : i32
        %get3A_33 = arith.index_cast %get3A_32 : i32 to index
        %get3A_34 = arith.constant 0 : index
        %get3A_35 = tpu.vector_load %arg7[%get3A_33, %get3A_34] {strides = array<i32>} : memref<8x16xf32, #tpu.memory_space<vmem>>, vector<16xf32>,
        %broadcast_in_dim3A = arith.constant 3.400000e+38 : f32
        %broadcast_in_dim3A_36 = vector.broadcast %broadcast_in_dim3A : f32 to vector<16xf32>
        %broadcast_in_dim3A_37 = arith.constant -3.400000e+38 : f32
        %broadcast_in_dim3A_38 = vector.broadcast %broadcast_in_dim3A_37 : f32 to vector<16xf32>
        %broadcast_in_dim3A_39 = arith.constant 0.000000e+00 : f32
        %broadcast_in_dim3A_40 = vector.broadcast %broadcast_in_dim3A_39 : f32 to vector<16xf32>
        %slice3A = vector.extract_strided_slice %get3A_31 {offsets = [0], sizes = [1], strides = [1]} : vector<16xf32> to vector<1xf32>
        %squeeze3A = vector.extract %slice3A[0] : f32 from vector<1xf32>
        %broadcast_in_dim3A_41 = vector.broadcast %squeeze3A : f32 to vector<16xf32>
        %sub3A = arith.subf %get3A_27, %broadcast_in_dim3A_41 : vector<16xf32>
        %abs3A = math.absf %sub3A : vector<16xf32>
        %lt3A = arith.cmpf olt, %abs3A, %broadcast_in_dim3A_36 : vector<16xf32>
        %slice3A_42 = vector.extract_strided_slice %get3A_35 {offsets = [0], sizes = [1], strides = [1]} : vector<16xf32> to vector<1xf32>
        %squeeze3A_43 = vector.extract %slice3A_42[0] : f32 from vector<1xf32>
        %broadcast_in_dim3A_44 = vector.broadcast %squeeze3A_43 : f32 to vector<16xf32>
        %select_n3A = arith.select %lt3A, %broadcast_in_dim3A_44, %broadcast_in_dim3A_40 : vector<16xi1>, vector<16xf32>
        %min3A = arith.minimumf %broadcast_in_dim3A_36, %abs3A : vector<16xf32>
        %max3A = arith.maximumf %broadcast_in_dim3A_38, %abs3A : vector<16xf32>
        %slice3A_45 = vector.extract_strided_slice %get3A_31 {offsets = [1], sizes = [1], strides = [1]} : vector<16xf32> to vector<1xf32>
        %squeeze3A_46 = vector.extract %slice3A_45[0] : f32 from vector<1xf32>
        %broadcast_in_dim3A_47 = vector.broadcast %squeeze3A_46 : f32 to vector<16xf32>
        %sub3A_48 = arith.subf %get3A_27, %broadcast_in_dim3A_47 : vector<16xf32>
        %abs3A_49 = math.absf %sub3A_48 : vector<16xf32>
        %lt3A_50 = arith.cmpf olt, %abs3A_49, %min3A : vector<16xf32>
        %slice3A_51 = vector.extract_strided_slice %get3A_35 {offsets = [1], sizes = [1], strides = [1]} : vector<16xf32> to vector<1xf32>
        %squeeze3A_52 = vector.extract %slice3A_51[0] : f32 from vector<1xf32>
        %broadcast_in_dim3A_53 = vector.broadcast %squeeze3A_52 : f32 to vector<16xf32>
        %select_n3A_54 = arith.select %lt3A_50, %broadcast_in_dim3A_53, %select_n3A : vector<16xi1>, vector<16xf32>
        %min3A_55 = arith.minimumf %min3A, %abs3A_49 : vector<16xf32>
        %max3A_56 = arith.maximumf %max3A, %abs3A_49 : vector<16xf32>
        %slice3A_57 = vector.extract_strided_slice %get3A_31 {offsets = [2], sizes = [1], strides = [1]} : vector<16xf32> to vector<1xf32>
        %squeeze3A_58 = vector.extract %slice3A_57[0] : f32 from vector<1xf32>
        %broadcast_in_dim3A_59 = vector.broadcast %squeeze3A_58 : f32 to vector<16xf32>
        %sub3A_60 = arith.subf %get3A_27, %broadcast_in_dim3A_59 : vector<16xf32>
        %abs3A_61 = math.absf %sub3A_60 : vector<16xf32>
        %lt3A_62 = arith.cmpf olt, %abs3A_61, %min3A_55 : vector<16xf32>
        %slice3A_63 = vector.extract_strided_slice %get3A_35 {offsets = [2], sizes = [1], strides = [1]} : vector<16xf32> to vector<1xf32>
        %squeeze3A_64 = vector.extract %slice3A_63[0] : f32 from vector<1xf32>
        %broadcast_in_dim3A_65 = vector.broadcast %squeeze3A_64 : f32 to vector<16xf32>
        %select_n3A_66 = arith.select %lt3A_62, %broadcast_in_dim3A_65, %select_n3A_54 : vector<16xi1>, vector<16xf32>
        %min3A_67 = arith.minimumf %min3A_55, %abs3A_61 : vector<16xf32>
        %max3A_68 = arith.maximumf %max3A_56, %abs3A_61 : vector<16xf32>
        %slice3A_69 = vector.extract_strided_slice %get3A_31 {offsets = [3], sizes = [1], strides = [1]} : vector<16xf32> to vector<1xf32>
        %squeeze3A_70 = vector.extract %slice3A_69[0] : f32 from vector<1xf32>
        %broadcast_in_dim3A_71 = vector.broadcast %squeeze3A_70 : f32 to vector<16xf32>
        %sub3A_72 = arith.subf %get3A_27, %broadcast_in_dim3A_71 : vector<16xf32>
        %abs3A_73 = math.absf %sub3A_72 : vector<16xf32>
        %lt3A_74 = arith.cmpf olt, %abs3A_73, %min3A_67 : vector<16xf32>
        %slice3A_75 = vector.extract_strided_slice %get3A_35 {offsets = [3], sizes = [1], strides = [1]} : vector<16xf32> to vector<1xf32>
        %squeeze3A_76 = vector.extract %slice3A_75[0] : f32 from vector<1xf32>
        %broadcast_in_dim3A_77 = vector.broadcast %squeeze3A_76 : f32 to vector<16xf32>
        %select_n3A_78 = arith.select %lt3A_74, %broadcast_in_dim3A_77, %select_n3A_66 : vector<16xi1>, vector<16xf32>
        %min3A_79 = arith.minimumf %min3A_67, %abs3A_73 : vector<16xf32>
        %max3A_80 = arith.maximumf %max3A_68, %abs3A_73 : vector<16xf32>
        %slice3A_81 = vector.extract_strided_slice %get3A_31 {offsets = [4], sizes = [1], strides = [1]} : vector<16xf32> to vector<1xf32>
        %squeeze3A_82 = vector.extract %slice3A_81[0] : f32 from vector<1xf32>
        %broadcast_in_dim3A_83 = vector.broadcast %squeeze3A_82 : f32 to vector<16xf32>
        %sub3A_84 = arith.subf %get3A_27, %broadcast_in_dim3A_83 : vector<16xf32>
        %abs3A_85 = math.absf %sub3A_84 : vector<16xf32>
        %lt3A_86 = arith.cmpf olt, %abs3A_85, %min3A_79 : vector<16xf32>
        %slice3A_87 = vector.extract_strided_slice %get3A_35 {offsets = [4], sizes = [1], strides = [1]} : vector<16xf32> to vector<1xf32>
        %squeeze3A_88 = vector.extract %slice3A_87[0] : f32 from vector<1xf32>
        %broadcast_in_dim3A_89 = vector.broadcast %squeeze3A_88 : f32 to vector<16xf32>
        %select_n3A_90 = arith.select %lt3A_86, %broadcast_in_dim3A_89, %select_n3A_78 : vector<16xi1>, vector<16xf32>
        %min3A_91 = arith.minimumf %min3A_79, %abs3A_85 : vector<16xf32>
        %max3A_92 = arith.maximumf %max3A_80, %abs3A_85 : vector<16xf32>
        %slice3A_93 = vector.extract_strided_slice %get3A_31 {offsets = [5], sizes = [1], strides = [1]} : vector<16xf32> to vector<1xf32>
        %squeeze3A_94 = vector.extract %slice3A_93[0] : f32 from vector<1xf32>
        %broadcast_in_dim3A_95 = vector.broadcast %squeeze3A_94 : f32 to vector<16xf32>
        %sub3A_96 = arith.subf %get3A_27, %broadcast_in_dim3A_95 : vector<16xf32>
        %abs3A_97 = math.absf %sub3A_96 : vector<16xf32>
        %lt3A_98 = arith.cmpf olt, %abs3A_97, %min3A_91 : vector<16xf32>
        %slice3A_99 = vector.extract_strided_slice %get3A_35 {offsets = [5], sizes = [1], strides = [1]} : vector<16xf32> to vector<1xf32>
        %squeeze3A_100 = vector.extract %slice3A_99[0] : f32 from vector<1xf32>
        %broadcast_in_dim3A_101 = vector.broadcast %squeeze3A_100 : f32 to vector<16xf32>
        %select_n3A_102 = arith.select %lt3A_98, %broadcast_in_dim3A_101, %select_n3A_90 : vector<16xi1>, vector<16xf32>
        %min3A_103 = arith.minimumf %min3A_91, %abs3A_97 : vector<16xf32>
        %max3A_104 = arith.maximumf %max3A_92, %abs3A_97 : vector<16xf32>
        %slice3A_105 = vector.extract_strided_slice %get3A_31 {offsets = [6], sizes = [1], strides = [1]} : vector<16xf32> to vector<1xf32>
        %squeeze3A_106 = vector.extract %slice3A_105[0] : f32 from vector<1xf32>
        %broadcast_in_dim3A_107 = vector.broadcast %squeeze3A_106 : f32 to vector<16xf32>
        %sub3A_108 = arith.subf %get3A_27, %broadcast_in_dim3A_107 : vector<16xf32>
        %abs3A_109 = math.absf %sub3A_108 : vector<16xf32>
        %lt3A_110 = arith.cmpf olt, %abs3A_109, %min3A_103 : vector<16xf32>
        %slice3A_111 = vector.extract_strided_slice %get3A_35 {offsets = [6], sizes = [1], strides = [1]} : vector<16xf32> to vector<1xf32>
        %squeeze3A_112 = vector.extract %slice3A_111[0] : f32 from vector<1xf32>
        %broadcast_in_dim3A_113 = vector.broadcast %squeeze3A_112 : f32 to vector<16xf32>
        %select_n3A_114 = arith.select %lt3A_110, %broadcast_in_dim3A_113, %select_n3A_102 : vector<16xi1>, vector<16xf32>
        %min3A_115 = arith.minimumf %min3A_103, %abs3A_109 : vector<16xf32>
        %max3A_116 = arith.maximumf %max3A_104, %abs3A_109 : vector<16xf32>
        %slice3A_117 = vector.extract_strided_slice %get3A_31 {offsets = [7], sizes = [1], strides = [1]} : vector<16xf32> to vector<1xf32>
        %squeeze3A_118 = vector.extract %slice3A_117[0] : f32 from vector<1xf32>
        %broadcast_in_dim3A_119 = vector.broadcast %squeeze3A_118 : f32 to vector<16xf32>
        %sub3A_120 = arith.subf %get3A_27, %broadcast_in_dim3A_119 : vector<16xf32>
        %abs3A_121 = math.absf %sub3A_120 : vector<16xf32>
        %lt3A_122 = arith.cmpf olt, %abs3A_121, %min3A_115 : vector<16xf32>
        %slice3A_123 = vector.extract_strided_slice %get3A_35 {offsets = [7], sizes = [1], strides = [1]} : vector<16xf32> to vector<1xf32>
        %squeeze3A_124 = vector.extract %slice3A_123[0] : f32 from vector<1xf32>
        %broadcast_in_dim3A_125 = vector.broadcast %squeeze3A_124 : f32 to vector<16xf32>
        %select_n3A_126 = arith.select %lt3A_122, %broadcast_in_dim3A_125, %select_n3A_114 : vector<16xi1>, vector<16xf32>
        %min3A_127 = arith.minimumf %min3A_115, %abs3A_121 : vector<16xf32>
        %max3A_128 = arith.maximumf %max3A_116, %abs3A_121 : vector<16xf32>
        %slice3A_129 = vector.extract_strided_slice %get3A_31 {offsets = [8], sizes = [1], strides = [1]} : vector<16xf32> to vector<1xf32>
        %squeeze3A_130 = vector.extract %slice3A_129[0] : f32 from vector<1xf32>
        %broadcast_in_dim3A_131 = vector.broadcast %squeeze3A_130 : f32 to vector<16xf32>
        %sub3A_132 = arith.subf %get3A_27, %broadcast_in_dim3A_131 : vector<16xf32>
        %abs3A_133 = math.absf %sub3A_132 : vector<16xf32>
        %lt3A_134 = arith.cmpf olt, %abs3A_133, %min3A_127 : vector<16xf32>
        %slice3A_135 = vector.extract_strided_slice %get3A_35 {offsets = [8], sizes = [1], strides = [1]} : vector<16xf32> to vector<1xf32>
        %squeeze3A_136 = vector.extract %slice3A_135[0] : f32 from vector<1xf32>
        %broadcast_in_dim3A_137 = vector.broadcast %squeeze3A_136 : f32 to vector<16xf32>
        %select_n3A_138 = arith.select %lt3A_134, %broadcast_in_dim3A_137, %select_n3A_126 : vector<16xi1>, vector<16xf32>
        %min3A_139 = arith.minimumf %min3A_127, %abs3A_133 : vector<16xf32>
        %max3A_140 = arith.maximumf %max3A_128, %abs3A_133 : vector<16xf32>
        %slice3A_141 = vector.extract_strided_slice %get3A_31 {offsets = [9], sizes = [1], strides = [1]} : vector<16xf32> to vector<1xf32>
        %squeeze3A_142 = vector.extract %slice3A_141[0] : f32 from vector<1xf32>
        %broadcast_in_dim3A_143 = vector.broadcast %squeeze3A_142 : f32 to vector<16xf32>
        %sub3A_144 = arith.subf %get3A_27, %broadcast_in_dim3A_143 : vector<16xf32>
        %abs3A_145 = math.absf %sub3A_144 : vector<16xf32>
        %lt3A_146 = arith.cmpf olt, %abs3A_145, %min3A_139 : vector<16xf32>
        %slice3A_147 = vector.extract_strided_slice %get3A_35 {offsets = [9], sizes = [1], strides = [1]} : vector<16xf32> to vector<1xf32>
        %squeeze3A_148 = vector.extract %slice3A_147[0] : f32 from vector<1xf32>
        %broadcast_in_dim3A_149 = vector.broadcast %squeeze3A_148 : f32 to vector<16xf32>
        %select_n3A_150 = arith.select %lt3A_146, %broadcast_in_dim3A_149, %select_n3A_138 : vector<16xi1>, vector<16xf32>
        %min3A_151 = arith.minimumf %min3A_139, %abs3A_145 : vector<16xf32>
        %max3A_152 = arith.maximumf %max3A_140, %abs3A_145 : vector<16xf32>
        %slice3A_153 = vector.extract_strided_slice %get3A_31 {offsets = [10], sizes = [1], strides = [1]} : vector<16xf32> to vector<1xf32>
        %squeeze3A_154 = vector.extract %slice3A_153[0] : f32 from vector<1xf32>
        %broadcast_in_dim3A_155 = vector.broadcast %squeeze3A_154 : f32 to vector<16xf32>
        %sub3A_156 = arith.subf %get3A_27, %broadcast_in_dim3A_155 : vector<16xf32>
        %abs3A_157 = math.absf %sub3A_156 : vector<16xf32>
        %lt3A_158 = arith.cmpf olt, %abs3A_157, %min3A_151 : vector<16xf32>
        %slice3A_159 = vector.extract_strided_slice %get3A_35 {offsets = [10], sizes = [1], strides = [1]} : vector<16xf32> to vector<1xf32>
        %squeeze3A_160 = vector.extract %slice3A_159[0] : f32 from vector<1xf32>
        %broadcast_in_dim3A_161 = vector.broadcast %squeeze3A_160 : f32 to vector<16xf32>
        %select_n3A_162 = arith.select %lt3A_158, %broadcast_in_dim3A_161, %select_n3A_150 : vector<16xi1>, vector<16xf32>
        %min3A_163 = arith.minimumf %min3A_151, %abs3A_157 : vector<16xf32>
        %max3A_164 = arith.maximumf %max3A_152, %abs3A_157 : vector<16xf32>
        %slice3A_165 = vector.extract_strided_slice %get3A_31 {offsets = [11], sizes = [1], strides = [1]} : vector<16xf32> to vector<1xf32>
        %squeeze3A_166 = vector.extract %slice3A_165[0] : f32 from vector<1xf32>
        %broadcast_in_dim3A_167 = vector.broadcast %squeeze3A_166 : f32 to vector<16xf32>
        %sub3A_168 = arith.subf %get3A_27, %broadcast_in_dim3A_167 : vector<16xf32>
        %abs3A_169 = math.absf %sub3A_168 : vector<16xf32>
        %lt3A_170 = arith.cmpf olt, %abs3A_169, %min3A_163 : vector<16xf32>
        %slice3A_171 = vector.extract_strided_slice %get3A_35 {offsets = [11], sizes = [1], strides = [1]} : vector<16xf32> to vector<1xf32>
        %squeeze3A_172 = vector.extract %slice3A_171[0] : f32 from vector<1xf32>
        %broadcast_in_dim3A_173 = vector.broadcast %squeeze3A_172 : f32 to vector<16xf32>
        %select_n3A_174 = arith.select %lt3A_170, %broadcast_in_dim3A_173, %select_n3A_162 : vector<16xi1>, vector<16xf32>
        %min3A_175 = arith.minimumf %min3A_163, %abs3A_169 : vector<16xf32>
        %max3A_176 = arith.maximumf %max3A_164, %abs3A_169 : vector<16xf32>
        %slice3A_177 = vector.extract_strided_slice %get3A_31 {offsets = [12], sizes = [1], strides = [1]} : vector<16xf32> to vector<1xf32>
        %squeeze3A_178 = vector.extract %slice3A_177[0] : f32 from vector<1xf32>
        %broadcast_in_dim3A_179 = vector.broadcast %squeeze3A_178 : f32 to vector<16xf32>
        %sub3A_180 = arith.subf %get3A_27, %broadcast_in_dim3A_179 : vector<16xf32>
        %abs3A_181 = math.absf %sub3A_180 : vector<16xf32>
        %lt3A_182 = arith.cmpf olt, %abs3A_181, %min3A_175 : vector<16xf32>
        %slice3A_183 = vector.extract_strided_slice %get3A_35 {offsets = [12], sizes = [1], strides = [1]} : vector<16xf32> to vector<1xf32>
        %squeeze3A_184 = vector.extract %slice3A_183[0] : f32 from vector<1xf32>
        %broadcast_in_dim3A_185 = vector.broadcast %squeeze3A_184 : f32 to vector<16xf32>
        %select_n3A_186 = arith.select %lt3A_182, %broadcast_in_dim3A_185, %select_n3A_174 : vector<16xi1>, vector<16xf32>
        %min3A_187 = arith.minimumf %min3A_175, %abs3A_181 : vector<16xf32>
        %max3A_188 = arith.maximumf %max3A_176, %abs3A_181 : vector<16xf32>
        %slice3A_189 = vector.extract_strided_slice %get3A_31 {offsets = [13], sizes = [1], strides = [1]} : vector<16xf32> to vector<1xf32>
        %squeeze3A_190 = vector.extract %slice3A_189[0] : f32 from vector<1xf32>
        %broadcast_in_dim3A_191 = vector.broadcast %squeeze3A_190 : f32 to vector<16xf32>
        %sub3A_192 = arith.subf %get3A_27, %broadcast_in_dim3A_191 : vector<16xf32>
        %abs3A_193 = math.absf %sub3A_192 : vector<16xf32>
        %lt3A_194 = arith.cmpf olt, %abs3A_193, %min3A_187 : vector<16xf32>
        %slice3A_195 = vector.extract_strided_slice %get3A_35 {offsets = [13], sizes = [1], strides = [1]} : vector<16xf32> to vector<1xf32>
        %squeeze3A_196 = vector.extract %slice3A_195[0] : f32 from vector<1xf32>
        %broadcast_in_dim3A_197 = vector.broadcast %squeeze3A_196 : f32 to vector<16xf32>
        %select_n3A_198 = arith.select %lt3A_194, %broadcast_in_dim3A_197, %select_n3A_186 : vector<16xi1>, vector<16xf32>
        %min3A_199 = arith.minimumf %min3A_187, %abs3A_193 : vector<16xf32>
        %max3A_200 = arith.maximumf %max3A_188, %abs3A_193 : vector<16xf32>
        %slice3A_201 = vector.extract_strided_slice %get3A_31 {offsets = [14], sizes = [1], strides = [1]} : vector<16xf32> to vector<1xf32>
        %squeeze3A_202 = vector.extract %slice3A_201[0] : f32 from vector<1xf32>
        %broadcast_in_dim3A_203 = vector.broadcast %squeeze3A_202 : f32 to vector<16xf32>
        %sub3A_204 = arith.subf %get3A_27, %broadcast_in_dim3A_203 : vector<16xf32>
        %abs3A_205 = math.absf %sub3A_204 : vector<16xf32>
        %lt3A_206 = arith.cmpf olt, %abs3A_205, %min3A_199 : vector<16xf32>
        %slice3A_207 = vector.extract_strided_slice %get3A_35 {offsets = [14], sizes = [1], strides = [1]} : vector<16xf32> to vector<1xf32>
        %squeeze3A_208 = vector.extract %slice3A_207[0] : f32 from vector<1xf32>
        %broadcast_in_dim3A_209 = vector.broadcast %squeeze3A_208 : f32 to vector<16xf32>
        %select_n3A_210 = arith.select %lt3A_206, %broadcast_in_dim3A_209, %select_n3A_198 : vector<16xi1>, vector<16xf32>
        %min3A_211 = arith.minimumf %min3A_199, %abs3A_205 : vector<16xf32>
        %max3A_212 = arith.maximumf %max3A_200, %abs3A_205 : vector<16xf32>
        %slice3A_213 = vector.extract_strided_slice %get3A_31 {offsets = [15], sizes = [1], strides = [1]} : vector<16xf32> to vector<1xf32>
        %squeeze3A_214 = vector.extract %slice3A_213[0] : f32 from vector<1xf32>
        %broadcast_in_dim3A_215 = vector.broadcast %squeeze3A_214 : f32 to vector<16xf32>
        %sub3A_216 = arith.subf %get3A_27, %broadcast_in_dim3A_215 : vector<16xf32>
        %abs3A_217 = math.absf %sub3A_216 : vector<16xf32>
        %lt3A_218 = arith.cmpf olt, %abs3A_217, %min3A_211 : vector<16xf32>
        %slice3A_219 = vector.extract_strided_slice %get3A_35 {offsets = [15], sizes = [1], strides = [1]} : vector<16xf32> to vector<1xf32>
        %squeeze3A_220 = vector.extract %slice3A_219[0] : f32 from vector<1xf32>
        %broadcast_in_dim3A_221 = vector.broadcast %squeeze3A_220 : f32 to vector<16xf32>
        %select_n3A_222 = arith.select %lt3A_218, %broadcast_in_dim3A_221, %select_n3A_210 : vector<16xi1>, vector<16xf32>
        %min3A_223 = arith.minimumf %min3A_211, %abs3A_217 : vector<16xf32>
        %max3A_224 = arith.maximumf %max3A_212, %abs3A_217 : vector<16xf32>
        %neg3A = arith.constant 0.000000e+00 : f32
        %neg3A_225 = vector.broadcast %neg3A : f32 to vector<16xf32>
        %neg3A_226 = arith.subf %neg3A_225, %select_n3A_222 : vector<16xf32>
        %mul3A_227 = arith.mulf %min3A_223, %neg3A_226 : vector<16xf32>
        %mul3A_228 = arith.mulf %max3A_224, %neg3A_226 : vector<16xf32>
        %max3A_229 = arith.maximumf %mul3A_227, %mul3A_228 : vector<16xf32>
        %broadcast_in_dim3A_230 = arith.constant 0.000000e+00 : f32
        %broadcast_in_dim3A_231 = vector.broadcast %broadcast_in_dim3A_230 : f32 to vector<16xf32>
        %mul3A_232 = arith.mulf %abs3A, %neg3A_226 : vector<16xf32>
        %sub3A_233 = arith.subf %mul3A_232, %max3A_229 : vector<16xf32>
        %exp3A = math.exp %sub3A_233 : vector<16xf32>
        %add3A_234 = arith.addf %broadcast_in_dim3A_231, %exp3A : vector<16xf32>
        %mul3A_235 = arith.mulf %abs3A_49, %neg3A_226 : vector<16xf32>
        %sub3A_236 = arith.subf %mul3A_235, %max3A_229 : vector<16xf32>
        %exp3A_237 = math.exp %sub3A_236 : vector<16xf32>
        %add3A_238 = arith.addf %add3A_234, %exp3A_237 : vector<16xf32>
        %mul3A_239 = arith.mulf %abs3A_61, %neg3A_226 : vector<16xf32>
        %sub3A_240 = arith.subf %mul3A_239, %max3A_229 : vector<16xf32>
        %exp3A_241 = math.exp %sub3A_240 : vector<16xf32>
        %add3A_242 = arith.addf %add3A_238, %exp3A_241 : vector<16xf32>
        %mul3A_243 = arith.mulf %abs3A_73, %neg3A_226 : vector<16xf32>
        %sub3A_244 = arith.subf %mul3A_243, %max3A_229 : vector<16xf32>
        %exp3A_245 = math.exp %sub3A_244 : vector<16xf32>
        %add3A_246 = arith.addf %add3A_242, %exp3A_245 : vector<16xf32>
        %mul3A_247 = arith.mulf %abs3A_85, %neg3A_226 : vector<16xf32>
        %sub3A_248 = arith.subf %mul3A_247, %max3A_229 : vector<16xf32>
        %exp3A_249 = math.exp %sub3A_248 : vector<16xf32>
        %add3A_250 = arith.addf %add3A_246, %exp3A_249 : vector<16xf32>
        %mul3A_251 = arith.mulf %abs3A_97, %neg3A_226 : vector<16xf32>
        %sub3A_252 = arith.subf %mul3A_251, %max3A_229 : vector<16xf32>
        %exp3A_253 = math.exp %sub3A_252 : vector<16xf32>
        %add3A_254 = arith.addf %add3A_250, %exp3A_253 : vector<16xf32>
        %mul3A_255 = arith.mulf %abs3A_109, %neg3A_226 : vector<16xf32>
        %sub3A_256 = arith.subf %mul3A_255, %max3A_229 : vector<16xf32>
        %exp3A_257 = math.exp %sub3A_256 : vector<16xf32>
        %add3A_258 = arith.addf %add3A_254, %exp3A_257 : vector<16xf32>
        %mul3A_259 = arith.mulf %abs3A_121, %neg3A_226 : vector<16xf32>
        %sub3A_260 = arith.subf %mul3A_259, %max3A_229 : vector<16xf32>
        %exp3A_261 = math.exp %sub3A_260 : vector<16xf32>
        %add3A_262 = arith.addf %add3A_258, %exp3A_261 : vector<16xf32>
        %mul3A_263 = arith.mulf %abs3A_133, %neg3A_226 : vector<16xf32>
        %sub3A_264 = arith.subf %mul3A_263, %max3A_229 : vector<16xf32>
        %exp3A_265 = math.exp %sub3A_264 : vector<16xf32>
        %add3A_266 = arith.addf %add3A_262, %exp3A_265 : vector<16xf32>
        %mul3A_267 = arith.mulf %abs3A_145, %neg3A_226 : vector<16xf32>
        %sub3A_268 = arith.subf %mul3A_267, %max3A_229 : vector<16xf32>
        %exp3A_269 = math.exp %sub3A_268 : vector<16xf32>
        %add3A_270 = arith.addf %add3A_266, %exp3A_269 : vector<16xf32>
        %mul3A_271 = arith.mulf %abs3A_157, %neg3A_226 : vector<16xf32>
        %sub3A_272 = arith.subf %mul3A_271, %max3A_229 : vector<16xf32>
        %exp3A_273 = math.exp %sub3A_272 : vector<16xf32>
        %add3A_274 = arith.addf %add3A_270, %exp3A_273 : vector<16xf32>
        %mul3A_275 = arith.mulf %abs3A_169, %neg3A_226 : vector<16xf32>
        %sub3A_276 = arith.subf %mul3A_275, %max3A_229 : vector<16xf32>
        %exp3A_277 = math.exp %sub3A_276 : vector<16xf32>
        %add3A_278 = arith.addf %add3A_274, %exp3A_277 : vector<16xf32>
        %mul3A_279 = arith.mulf %abs3A_181, %neg3A_226 : vector<16xf32>
        %sub3A_280 = arith.subf %mul3A_279, %max3A_229 : vector<16xf32>
        %exp3A_281 = math.exp %sub3A_280 : vector<16xf32>
        %add3A_282 = arith.addf %add3A_278, %exp3A_281 : vector<16xf32>
        %mul3A_283 = arith.mulf %abs3A_193, %neg3A_226 : vector<16xf32>
        %sub3A_284 = arith.subf %mul3A_283, %max3A_229 : vector<16xf32>
        %exp3A_285 = math.exp %sub3A_284 : vector<16xf32>
        %add3A_286 = arith.addf %add3A_282, %exp3A_285 : vector<16xf32>
        %mul3A_287 = arith.mulf %abs3A_205, %neg3A_226 : vector<16xf32>
        %sub3A_288 = arith.subf %mul3A_287, %max3A_229 : vector<16xf32>
        %exp3A_289 = math.exp %sub3A_288 : vector<16xf32>
        %add3A_290 = arith.addf %add3A_286, %exp3A_289 : vector<16xf32>
        %mul3A_291 = arith.mulf %abs3A_217, %neg3A_226 : vector<16xf32>
        %sub3A_292 = arith.subf %mul3A_291, %max3A_229 : vector<16xf32>
        %exp3A_293 = math.exp %sub3A_292 : vector<16xf32>
        %add3A_294 = arith.addf %add3A_290, %exp3A_293 : vector<16xf32>
        %div3A = arith.constant 1.000000e+00 : f32
        %div3A_295 = vector.broadcast %div3A : f32 to vector<16xf32>
        %div3A_296 = arith.divf %div3A_295, %add3A_294 : vector<16xf32>
        %broadcast_in_dim3A_297 = arith.constant 0 : i32
        %broadcast_in_dim3A_298 = vector.broadcast %broadcast_in_dim3A_297 : i32 to vector<16xi32>
        %mul3A_299 = arith.mulf %exp3A, %div3A_296 : vector<16xf32>
        tpu.vector_store_idx %arg9[%add3A_22, %broadcast_in_dim3A_298], %mul3A_299 : memref<256x128xf32, #tpu.memory_space<vmem>>[vector<16xi32>, vector<16xi32>], vector<16xf32>,
        %broadcast_in_dim3A_300 = arith.constant 1 : i32
        %broadcast_in_dim3A_301 = vector.broadcast %broadcast_in_dim3A_300 : i32 to vector<16xi32>
        %mul3A_302 = arith.mulf %exp3A_237, %div3A_296 : vector<16xf32>
        tpu.vector_store_idx %arg9[%add3A_22, %broadcast_in_dim3A_301], %mul3A_302 : memref<256x128xf32, #tpu.memory_space<vmem>>[vector<16xi32>, vector<16xi32>], vector<16xf32>,
        %broadcast_in_dim3A_303 = arith.constant 2 : i32
        %broadcast_in_dim3A_304 = vector.broadcast %broadcast_in_dim3A_303 : i32 to vector<16xi32>
        %mul3A_305 = arith.mulf %exp3A_241, %div3A_296 : vector<16xf32>
        tpu.vector_store_idx %arg9[%add3A_22, %broadcast_in_dim3A_304], %mul3A_305 : memref<256x128xf32, #tpu.memory_space<vmem>>[vector<16xi32>, vector<16xi32>], vector<16xf32>,
        %broadcast_in_dim3A_306 = arith.constant 3 : i32
        %broadcast_in_dim3A_307 = vector.broadcast %broadcast_in_dim3A_306 : i32 to vector<16xi32>
        %mul3A_308 = arith.mulf %exp3A_245, %div3A_296 : vector<16xf32>
        tpu.vector_store_idx %arg9[%add3A_22, %broadcast_in_dim3A_307], %mul3A_308 : memref<256x128xf32, #tpu.memory_space<vmem>>[vector<16xi32>, vector<16xi32>], vector<16xf32>,
        %broadcast_in_dim3A_309 = arith.constant 4 : i32
        %broadcast_in_dim3A_310 = vector.broadcast %broadcast_in_dim3A_309 : i32 to vector<16xi32>
        %mul3A_311 = arith.mulf %exp3A_249, %div3A_296 : vector<16xf32>
        tpu.vector_store_idx %arg9[%add3A_22, %broadcast_in_dim3A_310], %mul3A_311 : memref<256x128xf32, #tpu.memory_space<vmem>>[vector<16xi32>, vector<16xi32>], vector<16xf32>,
        %broadcast_in_dim3A_312 = arith.constant 5 : i32
        %broadcast_in_dim3A_313 = vector.broadcast %broadcast_in_dim3A_312 : i32 to vector<16xi32>
        %mul3A_314 = arith.mulf %exp3A_253, %div3A_296 : vector<16xf32>
        tpu.vector_store_idx %arg9[%add3A_22, %broadcast_in_dim3A_313], %mul3A_314 : memref<256x128xf32, #tpu.memory_space<vmem>>[vector<16xi32>, vector<16xi32>], vector<16xf32>,
        %broadcast_in_dim3A_315 = arith.constant 6 : i32
        %broadcast_in_dim3A_316 = vector.broadcast %broadcast_in_dim3A_315 : i32 to vector<16xi32>
        %mul3A_317 = arith.mulf %exp3A_257, %div3A_296 : vector<16xf32>
        tpu.vector_store_idx %arg9[%add3A_22, %broadcast_in_dim3A_316], %mul3A_317 : memref<256x128xf32, #tpu.memory_space<vmem>>[vector<16xi32>, vector<16xi32>], vector<16xf32>,
        %broadcast_in_dim3A_318 = arith.constant 7 : i32
        %broadcast_in_dim3A_319 = vector.broadcast %broadcast_in_dim3A_318 : i32 to vector<16xi32>
        %mul3A_320 = arith.mulf %exp3A_261, %div3A_296 : vector<16xf32>
        tpu.vector_store_idx %arg9[%add3A_22, %broadcast_in_dim3A_319], %mul3A_320 : memref<256x128xf32, #tpu.memory_space<vmem>>[vector<16xi32>, vector<16xi32>], vector<16xf32>,
        %broadcast_in_dim3A_321 = arith.constant 8 : i32
        %broadcast_in_dim3A_322 = vector.broadcast %broadcast_in_dim3A_321 : i32 to vector<16xi32>
        %mul3A_323 = arith.mulf %exp3A_265, %div3A_296 : vector<16xf32>
        tpu.vector_store_idx %arg9[%add3A_22, %broadcast_in_dim3A_322], %mul3A_323 : memref<256x128xf32, #tpu.memory_space<vmem>>[vector<16xi32>, vector<16xi32>], vector<16xf32>,
        %broadcast_in_dim3A_324 = arith.constant 9 : i32
        %broadcast_in_dim3A_325 = vector.broadcast %broadcast_in_dim3A_324 : i32 to vector<16xi32>
        %mul3A_326 = arith.mulf %exp3A_269, %div3A_296 : vector<16xf32>
        tpu.vector_store_idx %arg9[%add3A_22, %broadcast_in_dim3A_325], %mul3A_326 : memref<256x128xf32, #tpu.memory_space<vmem>>[vector<16xi32>, vector<16xi32>], vector<16xf32>,
        %broadcast_in_dim3A_327 = arith.constant 10 : i32
        %broadcast_in_dim3A_328 = vector.broadcast %broadcast_in_dim3A_327 : i32 to vector<16xi32>
        %mul3A_329 = arith.mulf %exp3A_273, %div3A_296 : vector<16xf32>
        tpu.vector_store_idx %arg9[%add3A_22, %broadcast_in_dim3A_328], %mul3A_329 : memref<256x128xf32, #tpu.memory_space<vmem>>[vector<16xi32>, vector<16xi32>], vector<16xf32>,
        %broadcast_in_dim3A_330 = arith.constant 11 : i32
        %broadcast_in_dim3A_331 = vector.broadcast %broadcast_in_dim3A_330 : i32 to vector<16xi32>
        %mul3A_332 = arith.mulf %exp3A_277, %div3A_296 : vector<16xf32>
        tpu.vector_store_idx %arg9[%add3A_22, %broadcast_in_dim3A_331], %mul3A_332 : memref<256x128xf32, #tpu.memory_space<vmem>>[vector<16xi32>, vector<16xi32>], vector<16xf32>,
        %broadcast_in_dim3A_333 = arith.constant 12 : i32
        %broadcast_in_dim3A_334 = vector.broadcast %broadcast_in_dim3A_333 : i32 to vector<16xi32>
        %mul3A_335 = arith.mulf %exp3A_281, %div3A_296 : vector<16xf32>
        tpu.vector_store_idx %arg9[%add3A_22, %broadcast_in_dim3A_334], %mul3A_335 : memref<256x128xf32, #tpu.memory_space<vmem>>[vector<16xi32>, vector<16xi32>], vector<16xf32>,
        %broadcast_in_dim3A_336 = arith.constant 13 : i32
        %broadcast_in_dim3A_337 = vector.broadcast %broadcast_in_dim3A_336 : i32 to vector<16xi32>
        %mul3A_338 = arith.mulf %exp3A_285, %div3A_296 : vector<16xf32>
        tpu.vector_store_idx %arg9[%add3A_22, %broadcast_in_dim3A_337], %mul3A_338 : memref<256x128xf32, #tpu.memory_space<vmem>>[vector<16xi32>, vector<16xi32>], vector<16xf32>,
        %broadcast_in_dim3A_339 = arith.constant 14 : i32
        %broadcast_in_dim3A_340 = vector.broadcast %broadcast_in_dim3A_339 : i32 to vector<16xi32>
        %mul3A_341 = arith.mulf %exp3A_289, %div3A_296 : vector<16xf32>
        tpu.vector_store_idx %arg9[%add3A_22, %broadcast_in_dim3A_340], %mul3A_341 : memref<256x128xf32, #tpu.memory_space<vmem>>[vector<16xi32>, vector<16xi32>], vector<16xf32>,
        %broadcast_in_dim3A_342 = arith.constant 15 : i32
        %broadcast_in_dim3A_343 = vector.broadcast %broadcast_in_dim3A_342 : i32 to vector<16xi32>
        %mul3A_344 = arith.mulf %exp3A_293, %div3A_296 : vector<16xf32>
        tpu.vector_store_idx %arg9[%add3A_22, %broadcast_in_dim3A_343], %mul3A_344 : memref<256x128xf32, #tpu.memory_space<vmem>>[vector<16xi32>, vector<16xi32>], vector<16xf32>,
        %mul3A_345 = arith.constant 16 : i32
        %mul3A_346 = arith.muli %scan3A_18, %mul3A_345 : i32
        %get3A_347 = arith.constant 1 : i32
        %get3A_348 = arith.index_cast %get3A_347 : i32 to index
        %get3A_349 = arith.index_cast %mul3A_346 : i32 to index
        %get3A_350 = tpu.vector_load %arg8[%get3A_348, %get3A_349] {strides = array<i32>} : memref<8x256xf32, #tpu.memory_space<vmem>>, vector<16xf32>,
        %get3A_351 = arith.constant 1 : i32
        %get3A_352 = arith.index_cast %get3A_351 : i32 to index
        %get3A_353 = arith.constant 0 : index
        %get3A_354 = tpu.vector_load %arg6[%get3A_352, %get3A_353] {strides = array<i32>} : memref<8x16xf32, #tpu.memory_space<vmem>>, vector<16xf32>,
        %get3A_355 = arith.constant 1 : i32
        %get3A_356 = arith.index_cast %get3A_355 : i32 to index
        %get3A_357 = arith.constant 0 : index
        %get3A_358 = tpu.vector_load %arg7[%get3A_356, %get3A_357] {strides = array<i32>} : memref<8x16xf32, #tpu.memory_space<vmem>>, vector<16xf32>,
        %broadcast_in_dim3A_359 = arith.constant 3.400000e+38 : f32
        %broadcast_in_dim3A_360 = vector.broadcast %broadcast_in_dim3A_359 : f32 to vector<16xf32>
        %broadcast_in_dim3A_361 = arith.constant -3.400000e+38 : f32
        %broadcast_in_dim3A_362 = vector.broadcast %broadcast_in_dim3A_361 : f32 to vector<16xf32>
        %broadcast_in_dim3A_363 = arith.constant 0.000000e+00 : f32
        %broadcast_in_dim3A_364 = vector.broadcast %broadcast_in_dim3A_363 : f32 to vector<16xf32>
        %slice3A_365 = vector.extract_strided_slice %get3A_354 {offsets = [0], sizes = [1], strides = [1]} : vector<16xf32> to vector<1xf32>
        %squeeze3A_366 = vector.extract %slice3A_365[0] : f32 from vector<1xf32>
        %broadcast_in_dim3A_367 = vector.broadcast %squeeze3A_366 : f32 to vector<16xf32>
        %sub3A_368 = arith.subf %get3A_350, %broadcast_in_dim3A_367 : vector<16xf32>
        %abs3A_369 = math.absf %sub3A_368 : vector<16xf32>
        %lt3A_370 = arith.cmpf olt, %abs3A_369, %broadcast_in_dim3A_360 : vector<16xf32>
        %slice3A_371 = vector.extract_strided_slice %get3A_358 {offsets = [0], sizes = [1], strides = [1]} : vector<16xf32> to vector<1xf32>
        %squeeze3A_372 = vector.extract %slice3A_371[0] : f32 from vector<1xf32>
        %broadcast_in_dim3A_373 = vector.broadcast %squeeze3A_372 : f32 to vector<16xf32>
        %select_n3A_374 = arith.select %lt3A_370, %broadcast_in_dim3A_373, %broadcast_in_dim3A_364 : vector<16xi1>, vector<16xf32>
        %min3A_375 = arith.minimumf %broadcast_in_dim3A_360, %abs3A_369 : vector<16xf32>
        %max3A_376 = arith.maximumf %broadcast_in_dim3A_362, %abs3A_369 : vector<16xf32>
        %slice3A_377 = vector.extract_strided_slice %get3A_354 {offsets = [1], sizes = [1], strides = [1]} : vector<16xf32> to vector<1xf32>
        %squeeze3A_378 = vector.extract %slice3A_377[0] : f32 from vector<1xf32>
        %broadcast_in_dim3A_379 = vector.broadcast %squeeze3A_378 : f32 to vector<16xf32>
        %sub3A_380 = arith.subf %get3A_350, %broadcast_in_dim3A_379 : vector<16xf32>
        %abs3A_381 = math.absf %sub3A_380 : vector<16xf32>
        %lt3A_382 = arith.cmpf olt, %abs3A_381, %min3A_375 : vector<16xf32>
        %slice3A_383 = vector.extract_strided_slice %get3A_358 {offsets = [1], sizes = [1], strides = [1]} : vector<16xf32> to vector<1xf32>
        %squeeze3A_384 = vector.extract %slice3A_383[0] : f32 from vector<1xf32>
        %broadcast_in_dim3A_385 = vector.broadcast %squeeze3A_384 : f32 to vector<16xf32>
        %select_n3A_386 = arith.select %lt3A_382, %broadcast_in_dim3A_385, %select_n3A_374 : vector<16xi1>, vector<16xf32>
        %min3A_387 = arith.minimumf %min3A_375, %abs3A_381 : vector<16xf32>
        %max3A_388 = arith.maximumf %max3A_376, %abs3A_381 : vector<16xf32>
        %slice3A_389 = vector.extract_strided_slice %get3A_354 {offsets = [2], sizes = [1], strides = [1]} : vector<16xf32> to vector<1xf32>
        %squeeze3A_390 = vector.extract %slice3A_389[0] : f32 from vector<1xf32>
        %broadcast_in_dim3A_391 = vector.broadcast %squeeze3A_390 : f32 to vector<16xf32>
        %sub3A_392 = arith.subf %get3A_350, %broadcast_in_dim3A_391 : vector<16xf32>
        %abs3A_393 = math.absf %sub3A_392 : vector<16xf32>
        %lt3A_394 = arith.cmpf olt, %abs3A_393, %min3A_387 : vector<16xf32>
        %slice3A_395 = vector.extract_strided_slice %get3A_358 {offsets = [2], sizes = [1], strides = [1]} : vector<16xf32> to vector<1xf32>
        %squeeze3A_396 = vector.extract %slice3A_395[0] : f32 from vector<1xf32>
        %broadcast_in_dim3A_397 = vector.broadcast %squeeze3A_396 : f32 to vector<16xf32>
        %select_n3A_398 = arith.select %lt3A_394, %broadcast_in_dim3A_397, %select_n3A_386 : vector<16xi1>, vector<16xf32>
        %min3A_399 = arith.minimumf %min3A_387, %abs3A_393 : vector<16xf32>
        %max3A_400 = arith.maximumf %max3A_388, %abs3A_393 : vector<16xf32>
        %slice3A_401 = vector.extract_strided_slice %get3A_354 {offsets = [3], sizes = [1], strides = [1]} : vector<16xf32> to vector<1xf32>
        %squeeze3A_402 = vector.extract %slice3A_401[0] : f32 from vector<1xf32>
        %broadcast_in_dim3A_403 = vector.broadcast %squeeze3A_402 : f32 to vector<16xf32>
        %sub3A_404 = arith.subf %get3A_350, %broadcast_in_dim3A_403 : vector<16xf32>
        %abs3A_405 = math.absf %sub3A_404 : vector<16xf32>
        %lt3A_406 = arith.cmpf olt, %abs3A_405, %min3A_399 : vector<16xf32>
        %slice3A_407 = vector.extract_strided_slice %get3A_358 {offsets = [3], sizes = [1], strides = [1]} : vector<16xf32> to vector<1xf32>
        %squeeze3A_408 = vector.extract %slice3A_407[0] : f32 from vector<1xf32>
        %broadcast_in_dim3A_409 = vector.broadcast %squeeze3A_408 : f32 to vector<16xf32>
        %select_n3A_410 = arith.select %lt3A_406, %broadcast_in_dim3A_409, %select_n3A_398 : vector<16xi1>, vector<16xf32>
        %min3A_411 = arith.minimumf %min3A_399, %abs3A_405 : vector<16xf32>
        %max3A_412 = arith.maximumf %max3A_400, %abs3A_405 : vector<16xf32>
        %slice3A_413 = vector.extract_strided_slice %get3A_354 {offsets = [4], sizes = [1], strides = [1]} : vector<16xf32> to vector<1xf32>
        %squeeze3A_414 = vector.extract %slice3A_413[0] : f32 from vector<1xf32>
        %broadcast_in_dim3A_415 = vector.broadcast %squeeze3A_414 : f32 to vector<16xf32>
        %sub3A_416 = arith.subf %get3A_350, %broadcast_in_dim3A_415 : vector<16xf32>
        %abs3A_417 = math.absf %sub3A_416 : vector<16xf32>
        %lt3A_418 = arith.cmpf olt, %abs3A_417, %min3A_411 : vector<16xf32>
        %slice3A_419 = vector.extract_strided_slice %get3A_358 {offsets = [4], sizes = [1], strides = [1]} : vector<16xf32> to vector<1xf32>
        %squeeze3A_420 = vector.extract %slice3A_419[0] : f32 from vector<1xf32>
        %broadcast_in_dim3A_421 = vector.broadcast %squeeze3A_420 : f32 to vector<16xf32>
        %select_n3A_422 = arith.select %lt3A_418, %broadcast_in_dim3A_421, %select_n3A_410 : vector<16xi1>, vector<16xf32>
        %min3A_423 = arith.minimumf %min3A_411, %abs3A_417 : vector<16xf32>
        %max3A_424 = arith.maximumf %max3A_412, %abs3A_417 : vector<16xf32>
        %slice3A_425 = vector.extract_strided_slice %get3A_354 {offsets = [5], sizes = [1], strides = [1]} : vector<16xf32> to vector<1xf32>
        %squeeze3A_426 = vector.extract %slice3A_425[0] : f32 from vector<1xf32>
        %broadcast_in_dim3A_427 = vector.broadcast %squeeze3A_426 : f32 to vector<16xf32>
        %sub3A_428 = arith.subf %get3A_350, %broadcast_in_dim3A_427 : vector<16xf32>
        %abs3A_429 = math.absf %sub3A_428 : vector<16xf32>
        %lt3A_430 = arith.cmpf olt, %abs3A_429, %min3A_423 : vector<16xf32>
        %slice3A_431 = vector.extract_strided_slice %get3A_358 {offsets = [5], sizes = [1], strides = [1]} : vector<16xf32> to vector<1xf32>
        %squeeze3A_432 = vector.extract %slice3A_431[0] : f32 from vector<1xf32>
        %broadcast_in_dim3A_433 = vector.broadcast %squeeze3A_432 : f32 to vector<16xf32>
        %select_n3A_434 = arith.select %lt3A_430, %broadcast_in_dim3A_433, %select_n3A_422 : vector<16xi1>, vector<16xf32>
        %min3A_435 = arith.minimumf %min3A_423, %abs3A_429 : vector<16xf32>
        %max3A_436 = arith.maximumf %max3A_424, %abs3A_429 : vector<16xf32>
        %slice3A_437 = vector.extract_strided_slice %get3A_354 {offsets = [6], sizes = [1], strides = [1]} : vector<16xf32> to vector<1xf32>
        %squeeze3A_438 = vector.extract %slice3A_437[0] : f32 from vector<1xf32>
        %broadcast_in_dim3A_439 = vector.broadcast %squeeze3A_438 : f32 to vector<16xf32>
        %sub3A_440 = arith.subf %get3A_350, %broadcast_in_dim3A_439 : vector<16xf32>
        %abs3A_441 = math.absf %sub3A_440 : vector<16xf32>
        %lt3A_442 = arith.cmpf olt, %abs3A_441, %min3A_435 : vector<16xf32>
        %slice3A_443 = vector.extract_strided_slice %get3A_358 {offsets = [6], sizes = [1], strides = [1]} : vector<16xf32> to vector<1xf32>
        %squeeze3A_444 = vector.extract %slice3A_443[0] : f32 from vector<1xf32>
        %broadcast_in_dim3A_445 = vector.broadcast %squeeze3A_444 : f32 to vector<16xf32>
        %select_n3A_446 = arith.select %lt3A_442, %broadcast_in_dim3A_445, %select_n3A_434 : vector<16xi1>, vector<16xf32>
        %min3A_447 = arith.minimumf %min3A_435, %abs3A_441 : vector<16xf32>
        %max3A_448 = arith.maximumf %max3A_436, %abs3A_441 : vector<16xf32>
        %slice3A_449 = vector.extract_strided_slice %get3A_354 {offsets = [7], sizes = [1], strides = [1]} : vector<16xf32> to vector<1xf32>
        %squeeze3A_450 = vector.extract %slice3A_449[0] : f32 from vector<1xf32>
        %broadcast_in_dim3A_451 = vector.broadcast %squeeze3A_450 : f32 to vector<16xf32>
        %sub3A_452 = arith.subf %get3A_350, %broadcast_in_dim3A_451 : vector<16xf32>
        %abs3A_453 = math.absf %sub3A_452 : vector<16xf32>
        %lt3A_454 = arith.cmpf olt, %abs3A_453, %min3A_447 : vector<16xf32>
        %slice3A_455 = vector.extract_strided_slice %get3A_358 {offsets = [7], sizes = [1], strides = [1]} : vector<16xf32> to vector<1xf32>
        %squeeze3A_456 = vector.extract %slice3A_455[0] : f32 from vector<1xf32>
        %broadcast_in_dim3A_457 = vector.broadcast %squeeze3A_456 : f32 to vector<16xf32>
        %select_n3A_458 = arith.select %lt3A_454, %broadcast_in_dim3A_457, %select_n3A_446 : vector<16xi1>, vector<16xf32>
        %min3A_459 = arith.minimumf %min3A_447, %abs3A_453 : vector<16xf32>
        %max3A_460 = arith.maximumf %max3A_448, %abs3A_453 : vector<16xf32>
        %slice3A_461 = vector.extract_strided_slice %get3A_354 {offsets = [8], sizes = [1], strides = [1]} : vector<16xf32> to vector<1xf32>
        %squeeze3A_462 = vector.extract %slice3A_461[0] : f32 from vector<1xf32>
        %broadcast_in_dim3A_463 = vector.broadcast %squeeze3A_462 : f32 to vector<16xf32>
        %sub3A_464 = arith.subf %get3A_350, %broadcast_in_dim3A_463 : vector<16xf32>
        %abs3A_465 = math.absf %sub3A_464 : vector<16xf32>
        %lt3A_466 = arith.cmpf olt, %abs3A_465, %min3A_459 : vector<16xf32>
        %slice3A_467 = vector.extract_strided_slice %get3A_358 {offsets = [8], sizes = [1], strides = [1]} : vector<16xf32> to vector<1xf32>
        %squeeze3A_468 = vector.extract %slice3A_467[0] : f32 from vector<1xf32>
        %broadcast_in_dim3A_469 = vector.broadcast %squeeze3A_468 : f32 to vector<16xf32>
        %select_n3A_470 = arith.select %lt3A_466, %broadcast_in_dim3A_469, %select_n3A_458 : vector<16xi1>, vector<16xf32>
        %min3A_471 = arith.minimumf %min3A_459, %abs3A_465 : vector<16xf32>
        %max3A_472 = arith.maximumf %max3A_460, %abs3A_465 : vector<16xf32>
        %slice3A_473 = vector.extract_strided_slice %get3A_354 {offsets = [9], sizes = [1], strides = [1]} : vector<16xf32> to vector<1xf32>
        %squeeze3A_474 = vector.extract %slice3A_473[0] : f32 from vector<1xf32>
        %broadcast_in_dim3A_475 = vector.broadcast %squeeze3A_474 : f32 to vector<16xf32>
        %sub3A_476 = arith.subf %get3A_350, %broadcast_in_dim3A_475 : vector<16xf32>
        %abs3A_477 = math.absf %sub3A_476 : vector<16xf32>
        %lt3A_478 = arith.cmpf olt, %abs3A_477, %min3A_471 : vector<16xf32>
        %slice3A_479 = vector.extract_strided_slice %get3A_358 {offsets = [9], sizes = [1], strides = [1]} : vector<16xf32> to vector<1xf32>
        %squeeze3A_480 = vector.extract %slice3A_479[0] : f32 from vector<1xf32>
        %broadcast_in_dim3A_481 = vector.broadcast %squeeze3A_480 : f32 to vector<16xf32>
        %select_n3A_482 = arith.select %lt3A_478, %broadcast_in_dim3A_481, %select_n3A_470 : vector<16xi1>, vector<16xf32>
        %min3A_483 = arith.minimumf %min3A_471, %abs3A_477 : vector<16xf32>
        %max3A_484 = arith.maximumf %max3A_472, %abs3A_477 : vector<16xf32>
        %slice3A_485 = vector.extract_strided_slice %get3A_354 {offsets = [10], sizes = [1], strides = [1]} : vector<16xf32> to vector<1xf32>
        %squeeze3A_486 = vector.extract %slice3A_485[0] : f32 from vector<1xf32>
        %broadcast_in_dim3A_487 = vector.broadcast %squeeze3A_486 : f32 to vector<16xf32>
        %sub3A_488 = arith.subf %get3A_350, %broadcast_in_dim3A_487 : vector<16xf32>
        %abs3A_489 = math.absf %sub3A_488 : vector<16xf32>
        %lt3A_490 = arith.cmpf olt, %abs3A_489, %min3A_483 : vector<16xf32>
        %slice3A_491 = vector.extract_strided_slice %get3A_358 {offsets = [10], sizes = [1], strides = [1]} : vector<16xf32> to vector<1xf32>
        %squeeze3A_492 = vector.extract %slice3A_491[0] : f32 from vector<1xf32>
        %broadcast_in_dim3A_493 = vector.broadcast %squeeze3A_492 : f32 to vector<16xf32>
        %select_n3A_494 = arith.select %lt3A_490, %broadcast_in_dim3A_493, %select_n3A_482 : vector<16xi1>, vector<16xf32>
        %min3A_495 = arith.minimumf %min3A_483, %abs3A_489 : vector<16xf32>
        %max3A_496 = arith.maximumf %max3A_484, %abs3A_489 : vector<16xf32>
        %slice3A_497 = vector.extract_strided_slice %get3A_354 {offsets = [11], sizes = [1], strides = [1]} : vector<16xf32> to vector<1xf32>
        %squeeze3A_498 = vector.extract %slice3A_497[0] : f32 from vector<1xf32>
        %broadcast_in_dim3A_499 = vector.broadcast %squeeze3A_498 : f32 to vector<16xf32>
        %sub3A_500 = arith.subf %get3A_350, %broadcast_in_dim3A_499 : vector<16xf32>
        %abs3A_501 = math.absf %sub3A_500 : vector<16xf32>
        %lt3A_502 = arith.cmpf olt, %abs3A_501, %min3A_495 : vector<16xf32>
        %slice3A_503 = vector.extract_strided_slice %get3A_358 {offsets = [11], sizes = [1], strides = [1]} : vector<16xf32> to vector<1xf32>
        %squeeze3A_504 = vector.extract %slice3A_503[0] : f32 from vector<1xf32>
        %broadcast_in_dim3A_505 = vector.broadcast %squeeze3A_504 : f32 to vector<16xf32>
        %select_n3A_506 = arith.select %lt3A_502, %broadcast_in_dim3A_505, %select_n3A_494 : vector<16xi1>, vector<16xf32>
        %min3A_507 = arith.minimumf %min3A_495, %abs3A_501 : vector<16xf32>
        %max3A_508 = arith.maximumf %max3A_496, %abs3A_501 : vector<16xf32>
        %slice3A_509 = vector.extract_strided_slice %get3A_354 {offsets = [12], sizes = [1], strides = [1]} : vector<16xf32> to vector<1xf32>
        %squeeze3A_510 = vector.extract %slice3A_509[0] : f32 from vector<1xf32>
        %broadcast_in_dim3A_511 = vector.broadcast %squeeze3A_510 : f32 to vector<16xf32>
        %sub3A_512 = arith.subf %get3A_350, %broadcast_in_dim3A_511 : vector<16xf32>
        %abs3A_513 = math.absf %sub3A_512 : vector<16xf32>
        %lt3A_514 = arith.cmpf olt, %abs3A_513, %min3A_507 : vector<16xf32>
        %slice3A_515 = vector.extract_strided_slice %get3A_358 {offsets = [12], sizes = [1], strides = [1]} : vector<16xf32> to vector<1xf32>
        %squeeze3A_516 = vector.extract %slice3A_515[0] : f32 from vector<1xf32>
        %broadcast_in_dim3A_517 = vector.broadcast %squeeze3A_516 : f32 to vector<16xf32>
        %select_n3A_518 = arith.select %lt3A_514, %broadcast_in_dim3A_517, %select_n3A_506 : vector<16xi1>, vector<16xf32>
        %min3A_519 = arith.minimumf %min3A_507, %abs3A_513 : vector<16xf32>
        %max3A_520 = arith.maximumf %max3A_508, %abs3A_513 : vector<16xf32>
        %slice3A_521 = vector.extract_strided_slice %get3A_354 {offsets = [13], sizes = [1], strides = [1]} : vector<16xf32> to vector<1xf32>
        %squeeze3A_522 = vector.extract %slice3A_521[0] : f32 from vector<1xf32>
        %broadcast_in_dim3A_523 = vector.broadcast %squeeze3A_522 : f32 to vector<16xf32>
        %sub3A_524 = arith.subf %get3A_350, %broadcast_in_dim3A_523 : vector<16xf32>
        %abs3A_525 = math.absf %sub3A_524 : vector<16xf32>
        %lt3A_526 = arith.cmpf olt, %abs3A_525, %min3A_519 : vector<16xf32>
        %slice3A_527 = vector.extract_strided_slice %get3A_358 {offsets = [13], sizes = [1], strides = [1]} : vector<16xf32> to vector<1xf32>
        %squeeze3A_528 = vector.extract %slice3A_527[0] : f32 from vector<1xf32>
        %broadcast_in_dim3A_529 = vector.broadcast %squeeze3A_528 : f32 to vector<16xf32>
        %select_n3A_530 = arith.select %lt3A_526, %broadcast_in_dim3A_529, %select_n3A_518 : vector<16xi1>, vector<16xf32>
        %min3A_531 = arith.minimumf %min3A_519, %abs3A_525 : vector<16xf32>
        %max3A_532 = arith.maximumf %max3A_520, %abs3A_525 : vector<16xf32>
        %slice3A_533 = vector.extract_strided_slice %get3A_354 {offsets = [14], sizes = [1], strides = [1]} : vector<16xf32> to vector<1xf32>
        %squeeze3A_534 = vector.extract %slice3A_533[0] : f32 from vector<1xf32>
        %broadcast_in_dim3A_535 = vector.broadcast %squeeze3A_534 : f32 to vector<16xf32>
        %sub3A_536 = arith.subf %get3A_350, %broadcast_in_dim3A_535 : vector<16xf32>
        %abs3A_537 = math.absf %sub3A_536 : vector<16xf32>
        %lt3A_538 = arith.cmpf olt, %abs3A_537, %min3A_531 : vector<16xf32>
        %slice3A_539 = vector.extract_strided_slice %get3A_358 {offsets = [14], sizes = [1], strides = [1]} : vector<16xf32> to vector<1xf32>
        %squeeze3A_540 = vector.extract %slice3A_539[0] : f32 from vector<1xf32>
        %broadcast_in_dim3A_541 = vector.broadcast %squeeze3A_540 : f32 to vector<16xf32>
        %select_n3A_542 = arith.select %lt3A_538, %broadcast_in_dim3A_541, %select_n3A_530 : vector<16xi1>, vector<16xf32>
        %min3A_543 = arith.minimumf %min3A_531, %abs3A_537 : vector<16xf32>
        %max3A_544 = arith.maximumf %max3A_532, %abs3A_537 : vector<16xf32>
        %slice3A_545 = vector.extract_strided_slice %get3A_354 {offsets = [15], sizes = [1], strides = [1]} : vector<16xf32> to vector<1xf32>
        %squeeze3A_546 = vector.extract %slice3A_545[0] : f32 from vector<1xf32>
        %broadcast_in_dim3A_547 = vector.broadcast %squeeze3A_546 : f32 to vector<16xf32>
        %sub3A_548 = arith.subf %get3A_350, %broadcast_in_dim3A_547 : vector<16xf32>
        %abs3A_549 = math.absf %sub3A_548 : vector<16xf32>
        %lt3A_550 = arith.cmpf olt, %abs3A_549, %min3A_543 : vector<16xf32>
        %slice3A_551 = vector.extract_strided_slice %get3A_358 {offsets = [15], sizes = [1], strides = [1]} : vector<16xf32> to vector<1xf32>
        %squeeze3A_552 = vector.extract %slice3A_551[0] : f32 from vector<1xf32>
        %broadcast_in_dim3A_553 = vector.broadcast %squeeze3A_552 : f32 to vector<16xf32>
        %select_n3A_554 = arith.select %lt3A_550, %broadcast_in_dim3A_553, %select_n3A_542 : vector<16xi1>, vector<16xf32>
        %min3A_555 = arith.minimumf %min3A_543, %abs3A_549 : vector<16xf32>
        %max3A_556 = arith.maximumf %max3A_544, %abs3A_549 : vector<16xf32>
        %neg3A_557 = arith.constant 0.000000e+00 : f32
        %neg3A_558 = vector.broadcast %neg3A_557 : f32 to vector<16xf32>
        %neg3A_559 = arith.subf %neg3A_558, %select_n3A_554 : vector<16xf32>
        %mul3A_560 = arith.mulf %min3A_555, %neg3A_559 : vector<16xf32>
        %mul3A_561 = arith.mulf %max3A_556, %neg3A_559 : vector<16xf32>
        %max3A_562 = arith.maximumf %mul3A_560, %mul3A_561 : vector<16xf32>
        %broadcast_in_dim3A_563 = arith.constant 0.000000e+00 : f32
        %broadcast_in_dim3A_564 = vector.broadcast %broadcast_in_dim3A_563 : f32 to vector<16xf32>
        %mul3A_565 = arith.mulf %abs3A_369, %neg3A_559 : vector<16xf32>
        %sub3A_566 = arith.subf %mul3A_565, %max3A_562 : vector<16xf32>
        %exp3A_567 = math.exp %sub3A_566 : vector<16xf32>
        %add3A_568 = arith.addf %broadcast_in_dim3A_564, %exp3A_567 : vector<16xf32>
        %mul3A_569 = arith.mulf %abs3A_381, %neg3A_559 : vector<16xf32>
        %sub3A_570 = arith.subf %mul3A_569, %max3A_562 : vector<16xf32>
        %exp3A_571 = math.exp %sub3A_570 : vector<16xf32>
        %add3A_572 = arith.addf %add3A_568, %exp3A_571 : vector<16xf32>
        %mul3A_573 = arith.mulf %abs3A_393, %neg3A_559 : vector<16xf32>
        %sub3A_574 = arith.subf %mul3A_573, %max3A_562 : vector<16xf32>
        %exp3A_575 = math.exp %sub3A_574 : vector<16xf32>
        %add3A_576 = arith.addf %add3A_572, %exp3A_575 : vector<16xf32>
        %mul3A_577 = arith.mulf %abs3A_405, %neg3A_559 : vector<16xf32>
        %sub3A_578 = arith.subf %mul3A_577, %max3A_562 : vector<16xf32>
        %exp3A_579 = math.exp %sub3A_578 : vector<16xf32>
        %add3A_580 = arith.addf %add3A_576, %exp3A_579 : vector<16xf32>
        %mul3A_581 = arith.mulf %abs3A_417, %neg3A_559 : vector<16xf32>
        %sub3A_582 = arith.subf %mul3A_581, %max3A_562 : vector<16xf32>
        %exp3A_583 = math.exp %sub3A_582 : vector<16xf32>
        %add3A_584 = arith.addf %add3A_580, %exp3A_583 : vector<16xf32>
        %mul3A_585 = arith.mulf %abs3A_429, %neg3A_559 : vector<16xf32>
        %sub3A_586 = arith.subf %mul3A_585, %max3A_562 : vector<16xf32>
        %exp3A_587 = math.exp %sub3A_586 : vector<16xf32>
        %add3A_588 = arith.addf %add3A_584, %exp3A_587 : vector<16xf32>
        %mul3A_589 = arith.mulf %abs3A_441, %neg3A_559 : vector<16xf32>
        %sub3A_590 = arith.subf %mul3A_589, %max3A_562 : vector<16xf32>
        %exp3A_591 = math.exp %sub3A_590 : vector<16xf32>
        %add3A_592 = arith.addf %add3A_588, %exp3A_591 : vector<16xf32>
        %mul3A_593 = arith.mulf %abs3A_453, %neg3A_559 : vector<16xf32>
        %sub3A_594 = arith.subf %mul3A_593, %max3A_562 : vector<16xf32>
        %exp3A_595 = math.exp %sub3A_594 : vector<16xf32>
        %add3A_596 = arith.addf %add3A_592, %exp3A_595 : vector<16xf32>
        %mul3A_597 = arith.mulf %abs3A_465, %neg3A_559 : vector<16xf32>
        %sub3A_598 = arith.subf %mul3A_597, %max3A_562 : vector<16xf32>
        %exp3A_599 = math.exp %sub3A_598 : vector<16xf32>
        %add3A_600 = arith.addf %add3A_596, %exp3A_599 : vector<16xf32>
        %mul3A_601 = arith.mulf %abs3A_477, %neg3A_559 : vector<16xf32>
        %sub3A_602 = arith.subf %mul3A_601, %max3A_562 : vector<16xf32>
        %exp3A_603 = math.exp %sub3A_602 : vector<16xf32>
        %add3A_604 = arith.addf %add3A_600, %exp3A_603 : vector<16xf32>
        %mul3A_605 = arith.mulf %abs3A_489, %neg3A_559 : vector<16xf32>
        %sub3A_606 = arith.subf %mul3A_605, %max3A_562 : vector<16xf32>
        %exp3A_607 = math.exp %sub3A_606 : vector<16xf32>
        %add3A_608 = arith.addf %add3A_604, %exp3A_607 : vector<16xf32>
        %mul3A_609 = arith.mulf %abs3A_501, %neg3A_559 : vector<16xf32>
        %sub3A_610 = arith.subf %mul3A_609, %max3A_562 : vector<16xf32>
        %exp3A_611 = math.exp %sub3A_610 : vector<16xf32>
        %add3A_612 = arith.addf %add3A_608, %exp3A_611 : vector<16xf32>
        %mul3A_613 = arith.mulf %abs3A_513, %neg3A_559 : vector<16xf32>
        %sub3A_614 = arith.subf %mul3A_613, %max3A_562 : vector<16xf32>
        %exp3A_615 = math.exp %sub3A_614 : vector<16xf32>
        %add3A_616 = arith.addf %add3A_612, %exp3A_615 : vector<16xf32>
        %mul3A_617 = arith.mulf %abs3A_525, %neg3A_559 : vector<16xf32>
        %sub3A_618 = arith.subf %mul3A_617, %max3A_562 : vector<16xf32>
        %exp3A_619 = math.exp %sub3A_618 : vector<16xf32>
        %add3A_620 = arith.addf %add3A_616, %exp3A_619 : vector<16xf32>
        %mul3A_621 = arith.mulf %abs3A_537, %neg3A_559 : vector<16xf32>
        %sub3A_622 = arith.subf %mul3A_621, %max3A_562 : vector<16xf32>
        %exp3A_623 = math.exp %sub3A_622 : vector<16xf32>
        %add3A_624 = arith.addf %add3A_620, %exp3A_623 : vector<16xf32>
        %mul3A_625 = arith.mulf %abs3A_549, %neg3A_559 : vector<16xf32>
        %sub3A_626 = arith.subf %mul3A_625, %max3A_562 : vector<16xf32>
        %exp3A_627 = math.exp %sub3A_626 : vector<16xf32>
        %add3A_628 = arith.addf %add3A_624, %exp3A_627 : vector<16xf32>
        %div3A_629 = arith.constant 1.000000e+00 : f32
        %div3A_630 = vector.broadcast %div3A_629 : f32 to vector<16xf32>
        %div3A_631 = arith.divf %div3A_630, %add3A_628 : vector<16xf32>
        %broadcast_in_dim3A_632 = arith.constant 16 : i32
        %broadcast_in_dim3A_633 = vector.broadcast %broadcast_in_dim3A_632 : i32 to vector<16xi32>
        %mul3A_634 = arith.mulf %exp3A_567, %div3A_631 : vector<16xf32>
        tpu.vector_store_idx %arg9[%add3A_22, %broadcast_in_dim3A_633], %mul3A_634 : memref<256x128xf32, #tpu.memory_space<vmem>>[vector<16xi32>, vector<16xi32>], vector<16xf32>,
        %broadcast_in_dim3A_635 = arith.constant 17 : i32
        %broadcast_in_dim3A_636 = vector.broadcast %broadcast_in_dim3A_635 : i32 to vector<16xi32>
        %mul3A_637 = arith.mulf %exp3A_571, %div3A_631 : vector<16xf32>
        tpu.vector_store_idx %arg9[%add3A_22, %broadcast_in_dim3A_636], %mul3A_637 : memref<256x128xf32, #tpu.memory_space<vmem>>[vector<16xi32>, vector<16xi32>], vector<16xf32>,
        %broadcast_in_dim3A_638 = arith.constant 18 : i32
        %broadcast_in_dim3A_639 = vector.broadcast %broadcast_in_dim3A_638 : i32 to vector<16xi32>
        %mul3A_640 = arith.mulf %exp3A_575, %div3A_631 : vector<16xf32>
        tpu.vector_store_idx %arg9[%add3A_22, %broadcast_in_dim3A_639], %mul3A_640 : memref<256x128xf32, #tpu.memory_space<vmem>>[vector<16xi32>, vector<16xi32>], vector<16xf32>,
        %broadcast_in_dim3A_641 = arith.constant 19 : i32
        %broadcast_in_dim3A_642 = vector.broadcast %broadcast_in_dim3A_641 : i32 to vector<16xi32>
        %mul3A_643 = arith.mulf %exp3A_579, %div3A_631 : vector<16xf32>
        tpu.vector_store_idx %arg9[%add3A_22, %broadcast_in_dim3A_642], %mul3A_643 : memref<256x128xf32, #tpu.memory_space<vmem>>[vector<16xi32>, vector<16xi32>], vector<16xf32>,
        %broadcast_in_dim3A_644 = arith.constant 20 : i32
        %broadcast_in_dim3A_645 = vector.broadcast %broadcast_in_dim3A_644 : i32 to vector<16xi32>
        %mul3A_646 = arith.mulf %exp3A_583, %div3A_631 : vector<16xf32>
        tpu.vector_store_idx %arg9[%add3A_22, %broadcast_in_dim3A_645], %mul3A_646 : memref<256x128xf32, #tpu.memory_space<vmem>>[vector<16xi32>, vector<16xi32>], vector<16xf32>,
        %broadcast_in_dim3A_647 = arith.constant 21 : i32
        %broadcast_in_dim3A_648 = vector.broadcast %broadcast_in_dim3A_647 : i32 to vector<16xi32>
        %mul3A_649 = arith.mulf %exp3A_587, %div3A_631 : vector<16xf32>
        tpu.vector_store_idx %arg9[%add3A_22, %broadcast_in_dim3A_648], %mul3A_649 : memref<256x128xf32, #tpu.memory_space<vmem>>[vector<16xi32>, vector<16xi32>], vector<16xf32>,
        %broadcast_in_dim3A_650 = arith.constant 22 : i32
        %broadcast_in_dim3A_651 = vector.broadcast %broadcast_in_dim3A_650 : i32 to vector<16xi32>
        %mul3A_652 = arith.mulf %exp3A_591, %div3A_631 : vector<16xf32>
        tpu.vector_store_idx %arg9[%add3A_22, %broadcast_in_dim3A_651], %mul3A_652 : memref<256x128xf32, #tpu.memory_space<vmem>>[vector<16xi32>, vector<16xi32>], vector<16xf32>,
        %broadcast_in_dim3A_653 = arith.constant 23 : i32
        %broadcast_in_dim3A_654 = vector.broadcast %broadcast_in_dim3A_653 : i32 to vector<16xi32>
        %mul3A_655 = arith.mulf %exp3A_595, %div3A_631 : vector<16xf32>
        tpu.vector_store_idx %arg9[%add3A_22, %broadcast_in_dim3A_654], %mul3A_655 : memref<256x128xf32, #tpu.memory_space<vmem>>[vector<16xi32>, vector<16xi32>], vector<16xf32>,
        %broadcast_in_dim3A_656 = arith.constant 24 : i32
        %broadcast_in_dim3A_657 = vector.broadcast %broadcast_in_dim3A_656 : i32 to vector<16xi32>
        %mul3A_658 = arith.mulf %exp3A_599, %div3A_631 : vector<16xf32>
        tpu.vector_store_idx %arg9[%add3A_22, %broadcast_in_dim3A_657], %mul3A_658 : memref<256x128xf32, #tpu.memory_space<vmem>>[vector<16xi32>, vector<16xi32>], vector<16xf32>,
        %broadcast_in_dim3A_659 = arith.constant 25 : i32
        %broadcast_in_dim3A_660 = vector.broadcast %broadcast_in_dim3A_659 : i32 to vector<16xi32>
        %mul3A_661 = arith.mulf %exp3A_603, %div3A_631 : vector<16xf32>
        tpu.vector_store_idx %arg9[%add3A_22, %broadcast_in_dim3A_660], %mul3A_661 : memref<256x128xf32, #tpu.memory_space<vmem>>[vector<16xi32>, vector<16xi32>], vector<16xf32>,
        %broadcast_in_dim3A_662 = arith.constant 26 : i32
        %broadcast_in_dim3A_663 = vector.broadcast %broadcast_in_dim3A_662 : i32 to vector<16xi32>
        %mul3A_664 = arith.mulf %exp3A_607, %div3A_631 : vector<16xf32>
        tpu.vector_store_idx %arg9[%add3A_22, %broadcast_in_dim3A_663], %mul3A_664 : memref<256x128xf32, #tpu.memory_space<vmem>>[vector<16xi32>, vector<16xi32>], vector<16xf32>,
        %broadcast_in_dim3A_665 = arith.constant 27 : i32
        %broadcast_in_dim3A_666 = vector.broadcast %broadcast_in_dim3A_665 : i32 to vector<16xi32>
        %mul3A_667 = arith.mulf %exp3A_611, %div3A_631 : vector<16xf32>
        tpu.vector_store_idx %arg9[%add3A_22, %broadcast_in_dim3A_666], %mul3A_667 : memref<256x128xf32, #tpu.memory_space<vmem>>[vector<16xi32>, vector<16xi32>], vector<16xf32>,
        %broadcast_in_dim3A_668 = arith.constant 28 : i32
        %broadcast_in_dim3A_669 = vector.broadcast %broadcast_in_dim3A_668 : i32 to vector<16xi32>
        %mul3A_670 = arith.mulf %exp3A_615, %div3A_631 : vector<16xf32>
        tpu.vector_store_idx %arg9[%add3A_22, %broadcast_in_dim3A_669], %mul3A_670 : memref<256x128xf32, #tpu.memory_space<vmem>>[vector<16xi32>, vector<16xi32>], vector<16xf32>,
        %broadcast_in_dim3A_671 = arith.constant 29 : i32
        %broadcast_in_dim3A_672 = vector.broadcast %broadcast_in_dim3A_671 : i32 to vector<16xi32>
        %mul3A_673 = arith.mulf %exp3A_619, %div3A_631 : vector<16xf32>
        tpu.vector_store_idx %arg9[%add3A_22, %broadcast_in_dim3A_672], %mul3A_673 : memref<256x128xf32, #tpu.memory_space<vmem>>[vector<16xi32>, vector<16xi32>], vector<16xf32>,
        %broadcast_in_dim3A_674 = arith.constant 30 : i32
        %broadcast_in_dim3A_675 = vector.broadcast %broadcast_in_dim3A_674 : i32 to vector<16xi32>
        %mul3A_676 = arith.mulf %exp3A_623, %div3A_631 : vector<16xf32>
        tpu.vector_store_idx %arg9[%add3A_22, %broadcast_in_dim3A_675], %mul3A_676 : memref<256x128xf32, #tpu.memory_space<vmem>>[vector<16xi32>, vector<16xi32>], vector<16xf32>,
        %broadcast_in_dim3A_677 = arith.constant 31 : i32
        %broadcast_in_dim3A_678 = vector.broadcast %broadcast_in_dim3A_677 : i32 to vector<16xi32>
        %mul3A_679 = arith.mulf %exp3A_627, %div3A_631 : vector<16xf32>
        tpu.vector_store_idx %arg9[%add3A_22, %broadcast_in_dim3A_678], %mul3A_679 : memref<256x128xf32, #tpu.memory_space<vmem>>[vector<16xi32>, vector<16xi32>], vector<16xf32>,
        %mul3A_680 = arith.constant 16 : i32
        %mul3A_681 = arith.muli %scan3A_18, %mul3A_680 : i32
        %get3A_682 = arith.constant 2 : i32
        %get3A_683 = arith.index_cast %get3A_682 : i32 to index
        %get3A_684 = arith.index_cast %mul3A_681 : i32 to index
        %get3A_685 = tpu.vector_load %arg8[%get3A_683, %get3A_684] {strides = array<i32>} : memref<8x256xf32, #tpu.memory_space<vmem>>, vector<16xf32>,
        %get3A_686 = arith.constant 2 : i32
        %get3A_687 = arith.index_cast %get3A_686 : i32 to index
        %get3A_688 = arith.constant 0 : index
        %get3A_689 = tpu.vector_load %arg6[%get3A_687, %get3A_688] {strides = array<i32>} : memref<8x16xf32, #tpu.memory_space<vmem>>, vector<16xf32>,
        %get3A_690 = arith.constant 2 : i32
        %get3A_691 = arith.index_cast %get3A_690 : i32 to index
        %get3A_692 = arith.constant 0 : index
        %get3A_693 = tpu.vector_load %arg7[%get3A_691, %get3A_692] {strides = array<i32>} : memref<8x16xf32, #tpu.memory_space<vmem>>, vector<16xf32>,
        %broadcast_in_dim3A_694 = arith.constant 3.400000e+38 : f32
        %broadcast_in_dim3A_695 = vector.broadcast %broadcast_in_dim3A_694 : f32 to vector<16xf32>
        %broadcast_in_dim3A_696 = arith.constant -3.400000e+38 : f32
        %broadcast_in_dim3A_697 = vector.broadcast %broadcast_in_dim3A_696 : f32 to vector<16xf32>
        %broadcast_in_dim3A_698 = arith.constant 0.000000e+00 : f32
        %broadcast_in_dim3A_699 = vector.broadcast %broadcast_in_dim3A_698 : f32 to vector<16xf32>
        %slice3A_700 = vector.extract_strided_slice %get3A_689 {offsets = [0], sizes = [1], strides = [1]} : vector<16xf32> to vector<1xf32>
        %squeeze3A_701 = vector.extract %slice3A_700[0] : f32 from vector<1xf32>
        %broadcast_in_dim3A_702 = vector.broadcast %squeeze3A_701 : f32 to vector<16xf32>
        %sub3A_703 = arith.subf %get3A_685, %broadcast_in_dim3A_702 : vector<16xf32>
        %abs3A_704 = math.absf %sub3A_703 : vector<16xf32>
        %lt3A_705 = arith.cmpf olt, %abs3A_704, %broadcast_in_dim3A_695 : vector<16xf32>
        %slice3A_706 = vector.extract_strided_slice %get3A_693 {offsets = [0], sizes = [1], strides = [1]} : vector<16xf32> to vector<1xf32>
        %squeeze3A_707 = vector.extract %slice3A_706[0] : f32 from vector<1xf32>
        %broadcast_in_dim3A_708 = vector.broadcast %squeeze3A_707 : f32 to vector<16xf32>
        %select_n3A_709 = arith.select %lt3A_705, %broadcast_in_dim3A_708, %broadcast_in_dim3A_699 : vector<16xi1>, vector<16xf32>
        %min3A_710 = arith.minimumf %broadcast_in_dim3A_695, %abs3A_704 : vector<16xf32>
        %max3A_711 = arith.maximumf %broadcast_in_dim3A_697, %abs3A_704 : vector<16xf32>
        %slice3A_712 = vector.extract_strided_slice %get3A_689 {offsets = [1], sizes = [1], strides = [1]} : vector<16xf32> to vector<1xf32>
        %squeeze3A_713 = vector.extract %slice3A_712[0] : f32 from vector<1xf32>
        %broadcast_in_dim3A_714 = vector.broadcast %squeeze3A_713 : f32 to vector<16xf32>
        %sub3A_715 = arith.subf %get3A_685, %broadcast_in_dim3A_714 : vector<16xf32>
        %abs3A_716 = math.absf %sub3A_715 : vector<16xf32>
        %lt3A_717 = arith.cmpf olt, %abs3A_716, %min3A_710 : vector<16xf32>
        %slice3A_718 = vector.extract_strided_slice %get3A_693 {offsets = [1], sizes = [1], strides = [1]} : vector<16xf32> to vector<1xf32>
        %squeeze3A_719 = vector.extract %slice3A_718[0] : f32 from vector<1xf32>
        %broadcast_in_dim3A_720 = vector.broadcast %squeeze3A_719 : f32 to vector<16xf32>
        %select_n3A_721 = arith.select %lt3A_717, %broadcast_in_dim3A_720, %select_n3A_709 : vector<16xi1>, vector<16xf32>
        %min3A_722 = arith.minimumf %min3A_710, %abs3A_716 : vector<16xf32>
        %max3A_723 = arith.maximumf %max3A_711, %abs3A_716 : vector<16xf32>
        %slice3A_724 = vector.extract_strided_slice %get3A_689 {offsets = [2], sizes = [1], strides = [1]} : vector<16xf32> to vector<1xf32>
        %squeeze3A_725 = vector.extract %slice3A_724[0] : f32 from vector<1xf32>
        %broadcast_in_dim3A_726 = vector.broadcast %squeeze3A_725 : f32 to vector<16xf32>
        %sub3A_727 = arith.subf %get3A_685, %broadcast_in_dim3A_726 : vector<16xf32>
        %abs3A_728 = math.absf %sub3A_727 : vector<16xf32>
        %lt3A_729 = arith.cmpf olt, %abs3A_728, %min3A_722 : vector<16xf32>
        %slice3A_730 = vector.extract_strided_slice %get3A_693 {offsets = [2], sizes = [1], strides = [1]} : vector<16xf32> to vector<1xf32>
        %squeeze3A_731 = vector.extract %slice3A_730[0] : f32 from vector<1xf32>
        %broadcast_in_dim3A_732 = vector.broadcast %squeeze3A_731 : f32 to vector<16xf32>
        %select_n3A_733 = arith.select %lt3A_729, %broadcast_in_dim3A_732, %select_n3A_721 : vector<16xi1>, vector<16xf32>
        %min3A_734 = arith.minimumf %min3A_722, %abs3A_728 : vector<16xf32>
        %max3A_735 = arith.maximumf %max3A_723, %abs3A_728 : vector<16xf32>
        %slice3A_736 = vector.extract_strided_slice %get3A_689 {offsets = [3], sizes = [1], strides = [1]} : vector<16xf32> to vector<1xf32>
        %squeeze3A_737 = vector.extract %slice3A_736[0] : f32 from vector<1xf32>
        %broadcast_in_dim3A_738 = vector.broadcast %squeeze3A_737 : f32 to vector<16xf32>
        %sub3A_739 = arith.subf %get3A_685, %broadcast_in_dim3A_738 : vector<16xf32>
        %abs3A_740 = math.absf %sub3A_739 : vector<16xf32>
        %lt3A_741 = arith.cmpf olt, %abs3A_740, %min3A_734 : vector<16xf32>
        %slice3A_742 = vector.extract_strided_slice %get3A_693 {offsets = [3], sizes = [1], strides = [1]} : vector<16xf32> to vector<1xf32>
        %squeeze3A_743 = vector.extract %slice3A_742[0] : f32 from vector<1xf32>
        %broadcast_in_dim3A_744 = vector.broadcast %squeeze3A_743 : f32 to vector<16xf32>
        %select_n3A_745 = arith.select %lt3A_741, %broadcast_in_dim3A_744, %select_n3A_733 : vector<16xi1>, vector<16xf32>
        %min3A_746 = arith.minimumf %min3A_734, %abs3A_740 : vector<16xf32>
        %max3A_747 = arith.maximumf %max3A_735, %abs3A_740 : vector<16xf32>
        %slice3A_748 = vector.extract_strided_slice %get3A_689 {offsets = [4], sizes = [1], strides = [1]} : vector<16xf32> to vector<1xf32>
        %squeeze3A_749 = vector.extract %slice3A_748[0] : f32 from vector<1xf32>
        %broadcast_in_dim3A_750 = vector.broadcast %squeeze3A_749 : f32 to vector<16xf32>
        %sub3A_751 = arith.subf %get3A_685, %broadcast_in_dim3A_750 : vector<16xf32>
        %abs3A_752 = math.absf %sub3A_751 : vector<16xf32>
        %lt3A_753 = arith.cmpf olt, %abs3A_752, %min3A_746 : vector<16xf32>
        %slice3A_754 = vector.extract_strided_slice %get3A_693 {offsets = [4], sizes = [1], strides = [1]} : vector<16xf32> to vector<1xf32>
        %squeeze3A_755 = vector.extract %slice3A_754[0] : f32 from vector<1xf32>
        %broadcast_in_dim3A_756 = vector.broadcast %squeeze3A_755 : f32 to vector<16xf32>
        %select_n3A_757 = arith.select %lt3A_753, %broadcast_in_dim3A_756, %select_n3A_745 : vector<16xi1>, vector<16xf32>
        %min3A_758 = arith.minimumf %min3A_746, %abs3A_752 : vector<16xf32>
        %max3A_759 = arith.maximumf %max3A_747, %abs3A_752 : vector<16xf32>
        %slice3A_760 = vector.extract_strided_slice %get3A_689 {offsets = [5], sizes = [1], strides = [1]} : vector<16xf32> to vector<1xf32>
        %squeeze3A_761 = vector.extract %slice3A_760[0] : f32 from vector<1xf32>
        %broadcast_in_dim3A_762 = vector.broadcast %squeeze3A_761 : f32 to vector<16xf32>
        %sub3A_763 = arith.subf %get3A_685, %broadcast_in_dim3A_762 : vector<16xf32>
        %abs3A_764 = math.absf %sub3A_763 : vector<16xf32>
        %lt3A_765 = arith.cmpf olt, %abs3A_764, %min3A_758 : vector<16xf32>
        %slice3A_766 = vector.extract_strided_slice %get3A_693 {offsets = [5], sizes = [1], strides = [1]} : vector<16xf32> to vector<1xf32>
        %squeeze3A_767 = vector.extract %slice3A_766[0] : f32 from vector<1xf32>
        %broadcast_in_dim3A_768 = vector.broadcast %squeeze3A_767 : f32 to vector<16xf32>
        %select_n3A_769 = arith.select %lt3A_765, %broadcast_in_dim3A_768, %select_n3A_757 : vector<16xi1>, vector<16xf32>
        %min3A_770 = arith.minimumf %min3A_758, %abs3A_764 : vector<16xf32>
        %max3A_771 = arith.maximumf %max3A_759, %abs3A_764 : vector<16xf32>
        %slice3A_772 = vector.extract_strided_slice %get3A_689 {offsets = [6], sizes = [1], strides = [1]} : vector<16xf32> to vector<1xf32>
        %squeeze3A_773 = vector.extract %slice3A_772[0] : f32 from vector<1xf32>
        %broadcast_in_dim3A_774 = vector.broadcast %squeeze3A_773 : f32 to vector<16xf32>
        %sub3A_775 = arith.subf %get3A_685, %broadcast_in_dim3A_774 : vector<16xf32>
        %abs3A_776 = math.absf %sub3A_775 : vector<16xf32>
        %lt3A_777 = arith.cmpf olt, %abs3A_776, %min3A_770 : vector<16xf32>
        %slice3A_778 = vector.extract_strided_slice %get3A_693 {offsets = [6], sizes = [1], strides = [1]} : vector<16xf32> to vector<1xf32>
        %squeeze3A_779 = vector.extract %slice3A_778[0] : f32 from vector<1xf32>
        %broadcast_in_dim3A_780 = vector.broadcast %squeeze3A_779 : f32 to vector<16xf32>
        %select_n3A_781 = arith.select %lt3A_777, %broadcast_in_dim3A_780, %select_n3A_769 : vector<16xi1>, vector<16xf32>
        %min3A_782 = arith.minimumf %min3A_770, %abs3A_776 : vector<16xf32>
        %max3A_783 = arith.maximumf %max3A_771, %abs3A_776 : vector<16xf32>
        %slice3A_784 = vector.extract_strided_slice %get3A_689 {offsets = [7], sizes = [1], strides = [1]} : vector<16xf32> to vector<1xf32>
        %squeeze3A_785 = vector.extract %slice3A_784[0] : f32 from vector<1xf32>
        %broadcast_in_dim3A_786 = vector.broadcast %squeeze3A_785 : f32 to vector<16xf32>
        %sub3A_787 = arith.subf %get3A_685, %broadcast_in_dim3A_786 : vector<16xf32>
        %abs3A_788 = math.absf %sub3A_787 : vector<16xf32>
        %lt3A_789 = arith.cmpf olt, %abs3A_788, %min3A_782 : vector<16xf32>
        %slice3A_790 = vector.extract_strided_slice %get3A_693 {offsets = [7], sizes = [1], strides = [1]} : vector<16xf32> to vector<1xf32>
        %squeeze3A_791 = vector.extract %slice3A_790[0] : f32 from vector<1xf32>
        %broadcast_in_dim3A_792 = vector.broadcast %squeeze3A_791 : f32 to vector<16xf32>
        %select_n3A_793 = arith.select %lt3A_789, %broadcast_in_dim3A_792, %select_n3A_781 : vector<16xi1>, vector<16xf32>
        %min3A_794 = arith.minimumf %min3A_782, %abs3A_788 : vector<16xf32>
        %max3A_795 = arith.maximumf %max3A_783, %abs3A_788 : vector<16xf32>
        %slice3A_796 = vector.extract_strided_slice %get3A_689 {offsets = [8], sizes = [1], strides = [1]} : vector<16xf32> to vector<1xf32>
        %squeeze3A_797 = vector.extract %slice3A_796[0] : f32 from vector<1xf32>
        %broadcast_in_dim3A_798 = vector.broadcast %squeeze3A_797 : f32 to vector<16xf32>
        %sub3A_799 = arith.subf %get3A_685, %broadcast_in_dim3A_798 : vector<16xf32>
        %abs3A_800 = math.absf %sub3A_799 : vector<16xf32>
        %lt3A_801 = arith.cmpf olt, %abs3A_800, %min3A_794 : vector<16xf32>
        %slice3A_802 = vector.extract_strided_slice %get3A_693 {offsets = [8], sizes = [1], strides = [1]} : vector<16xf32> to vector<1xf32>
        %squeeze3A_803 = vector.extract %slice3A_802[0] : f32 from vector<1xf32>
        %broadcast_in_dim3A_804 = vector.broadcast %squeeze3A_803 : f32 to vector<16xf32>
        %select_n3A_805 = arith.select %lt3A_801, %broadcast_in_dim3A_804, %select_n3A_793 : vector<16xi1>, vector<16xf32>
        %min3A_806 = arith.minimumf %min3A_794, %abs3A_800 : vector<16xf32>
        %max3A_807 = arith.maximumf %max3A_795, %abs3A_800 : vector<16xf32>
        %slice3A_808 = vector.extract_strided_slice %get3A_689 {offsets = [9], sizes = [1], strides = [1]} : vector<16xf32> to vector<1xf32>
        %squeeze3A_809 = vector.extract %slice3A_808[0] : f32 from vector<1xf32>
        %broadcast_in_dim3A_810 = vector.broadcast %squeeze3A_809 : f32 to vector<16xf32>
        %sub3A_811 = arith.subf %get3A_685, %broadcast_in_dim3A_810 : vector<16xf32>
        %abs3A_812 = math.absf %sub3A_811 : vector<16xf32>
        %lt3A_813 = arith.cmpf olt, %abs3A_812, %min3A_806 : vector<16xf32>
        %slice3A_814 = vector.extract_strided_slice %get3A_693 {offsets = [9], sizes = [1], strides = [1]} : vector<16xf32> to vector<1xf32>
        %squeeze3A_815 = vector.extract %slice3A_814[0] : f32 from vector<1xf32>
        %broadcast_in_dim3A_816 = vector.broadcast %squeeze3A_815 : f32 to vector<16xf32>
        %select_n3A_817 = arith.select %lt3A_813, %broadcast_in_dim3A_816, %select_n3A_805 : vector<16xi1>, vector<16xf32>
        %min3A_818 = arith.minimumf %min3A_806, %abs3A_812 : vector<16xf32>
        %max3A_819 = arith.maximumf %max3A_807, %abs3A_812 : vector<16xf32>
        %slice3A_820 = vector.extract_strided_slice %get3A_689 {offsets = [10], sizes = [1], strides = [1]} : vector<16xf32> to vector<1xf32>
        %squeeze3A_821 = vector.extract %slice3A_820[0] : f32 from vector<1xf32>
        %broadcast_in_dim3A_822 = vector.broadcast %squeeze3A_821 : f32 to vector<16xf32>
        %sub3A_823 = arith.subf %get3A_685, %broadcast_in_dim3A_822 : vector<16xf32>
        %abs3A_824 = math.absf %sub3A_823 : vector<16xf32>
        %lt3A_825 = arith.cmpf olt, %abs3A_824, %min3A_818 : vector<16xf32>
        %slice3A_826 = vector.extract_strided_slice %get3A_693 {offsets = [10], sizes = [1], strides = [1]} : vector<16xf32> to vector<1xf32>
        %squeeze3A_827 = vector.extract %slice3A_826[0] : f32 from vector<1xf32>
        %broadcast_in_dim3A_828 = vector.broadcast %squeeze3A_827 : f32 to vector<16xf32>
        %select_n3A_829 = arith.select %lt3A_825, %broadcast_in_dim3A_828, %select_n3A_817 : vector<16xi1>, vector<16xf32>
        %min3A_830 = arith.minimumf %min3A_818, %abs3A_824 : vector<16xf32>
        %max3A_831 = arith.maximumf %max3A_819, %abs3A_824 : vector<16xf32>
        %slice3A_832 = vector.extract_strided_slice %get3A_689 {offsets = [11], sizes = [1], strides = [1]} : vector<16xf32> to vector<1xf32>
        %squeeze3A_833 = vector.extract %slice3A_832[0] : f32 from vector<1xf32>
        %broadcast_in_dim3A_834 = vector.broadcast %squeeze3A_833 : f32 to vector<16xf32>
        %sub3A_835 = arith.subf %get3A_685, %broadcast_in_dim3A_834 : vector<16xf32>
        %abs3A_836 = math.absf %sub3A_835 : vector<16xf32>
        %lt3A_837 = arith.cmpf olt, %abs3A_836, %min3A_830 : vector<16xf32>
        %slice3A_838 = vector.extract_strided_slice %get3A_693 {offsets = [11], sizes = [1], strides = [1]} : vector<16xf32> to vector<1xf32>
        %squeeze3A_839 = vector.extract %slice3A_838[0] : f32 from vector<1xf32>
        %broadcast_in_dim3A_840 = vector.broadcast %squeeze3A_839 : f32 to vector<16xf32>
        %select_n3A_841 = arith.select %lt3A_837, %broadcast_in_dim3A_840, %select_n3A_829 : vector<16xi1>, vector<16xf32>
        %min3A_842 = arith.minimumf %min3A_830, %abs3A_836 : vector<16xf32>
        %max3A_843 = arith.maximumf %max3A_831, %abs3A_836 : vector<16xf32>
        %slice3A_844 = vector.extract_strided_slice %get3A_689 {offsets = [12], sizes = [1], strides = [1]} : vector<16xf32> to vector<1xf32>
        %squeeze3A_845 = vector.extract %slice3A_844[0] : f32 from vector<1xf32>
        %broadcast_in_dim3A_846 = vector.broadcast %squeeze3A_845 : f32 to vector<16xf32>
        %sub3A_847 = arith.subf %get3A_685, %broadcast_in_dim3A_846 : vector<16xf32>
        %abs3A_848 = math.absf %sub3A_847 : vector<16xf32>
        %lt3A_849 = arith.cmpf olt, %abs3A_848, %min3A_842 : vector<16xf32>
        %slice3A_850 = vector.extract_strided_slice %get3A_693 {offsets = [12], sizes = [1], strides = [1]} : vector<16xf32> to vector<1xf32>
        %squeeze3A_851 = vector.extract %slice3A_850[0] : f32 from vector<1xf32>
        %broadcast_in_dim3A_852 = vector.broadcast %squeeze3A_851 : f32 to vector<16xf32>
        %select_n3A_853 = arith.select %lt3A_849, %broadcast_in_dim3A_852, %select_n3A_841 : vector<16xi1>, vector<16xf32>
        %min3A_854 = arith.minimumf %min3A_842, %abs3A_848 : vector<16xf32>
        %max3A_855 = arith.maximumf %max3A_843, %abs3A_848 : vector<16xf32>
        %slice3A_856 = vector.extract_strided_slice %get3A_689 {offsets = [13], sizes = [1], strides = [1]} : vector<16xf32> to vector<1xf32>
        %squeeze3A_857 = vector.extract %slice3A_856[0] : f32 from vector<1xf32>
        %broadcast_in_dim3A_858 = vector.broadcast %squeeze3A_857 : f32 to vector<16xf32>
        %sub3A_859 = arith.subf %get3A_685, %broadcast_in_dim3A_858 : vector<16xf32>
        %abs3A_860 = math.absf %sub3A_859 : vector<16xf32>
        %lt3A_861 = arith.cmpf olt, %abs3A_860, %min3A_854 : vector<16xf32>
        %slice3A_862 = vector.extract_strided_slice %get3A_693 {offsets = [13], sizes = [1], strides = [1]} : vector<16xf32> to vector<1xf32>
        %squeeze3A_863 = vector.extract %slice3A_862[0] : f32 from vector<1xf32>
        %broadcast_in_dim3A_864 = vector.broadcast %squeeze3A_863 : f32 to vector<16xf32>
        %select_n3A_865 = arith.select %lt3A_861, %broadcast_in_dim3A_864, %select_n3A_853 : vector<16xi1>, vector<16xf32>
        %min3A_866 = arith.minimumf %min3A_854, %abs3A_860 : vector<16xf32>
        %max3A_867 = arith.maximumf %max3A_855, %abs3A_860 : vector<16xf32>
        %slice3A_868 = vector.extract_strided_slice %get3A_689 {offsets = [14], sizes = [1], strides = [1]} : vector<16xf32> to vector<1xf32>
        %squeeze3A_869 = vector.extract %slice3A_868[0] : f32 from vector<1xf32>
        %broadcast_in_dim3A_870 = vector.broadcast %squeeze3A_869 : f32 to vector<16xf32>
        %sub3A_871 = arith.subf %get3A_685, %broadcast_in_dim3A_870 : vector<16xf32>
        %abs3A_872 = math.absf %sub3A_871 : vector<16xf32>
        %lt3A_873 = arith.cmpf olt, %abs3A_872, %min3A_866 : vector<16xf32>
        %slice3A_874 = vector.extract_strided_slice %get3A_693 {offsets = [14], sizes = [1], strides = [1]} : vector<16xf32> to vector<1xf32>
        %squeeze3A_875 = vector.extract %slice3A_874[0] : f32 from vector<1xf32>
        %broadcast_in_dim3A_876 = vector.broadcast %squeeze3A_875 : f32 to vector<16xf32>
        %select_n3A_877 = arith.select %lt3A_873, %broadcast_in_dim3A_876, %select_n3A_865 : vector<16xi1>, vector<16xf32>
        %min3A_878 = arith.minimumf %min3A_866, %abs3A_872 : vector<16xf32>
        %max3A_879 = arith.maximumf %max3A_867, %abs3A_872 : vector<16xf32>
        %slice3A_880 = vector.extract_strided_slice %get3A_689 {offsets = [15], sizes = [1], strides = [1]} : vector<16xf32> to vector<1xf32>
        %squeeze3A_881 = vector.extract %slice3A_880[0] : f32 from vector<1xf32>
        %broadcast_in_dim3A_882 = vector.broadcast %squeeze3A_881 : f32 to vector<16xf32>
        %sub3A_883 = arith.subf %get3A_685, %broadcast_in_dim3A_882 : vector<16xf32>
        %abs3A_884 = math.absf %sub3A_883 : vector<16xf32>
        %lt3A_885 = arith.cmpf olt, %abs3A_884, %min3A_878 : vector<16xf32>
        %slice3A_886 = vector.extract_strided_slice %get3A_693 {offsets = [15], sizes = [1], strides = [1]} : vector<16xf32> to vector<1xf32>
        %squeeze3A_887 = vector.extract %slice3A_886[0] : f32 from vector<1xf32>
        %broadcast_in_dim3A_888 = vector.broadcast %squeeze3A_887 : f32 to vector<16xf32>
        %select_n3A_889 = arith.select %lt3A_885, %broadcast_in_dim3A_888, %select_n3A_877 : vector<16xi1>, vector<16xf32>
        %min3A_890 = arith.minimumf %min3A_878, %abs3A_884 : vector<16xf32>
        %max3A_891 = arith.maximumf %max3A_879, %abs3A_884 : vector<16xf32>
        %neg3A_892 = arith.constant 0.000000e+00 : f32
        %neg3A_893 = vector.broadcast %neg3A_892 : f32 to vector<16xf32>
        %neg3A_894 = arith.subf %neg3A_893, %select_n3A_889 : vector<16xf32>
        %mul3A_895 = arith.mulf %min3A_890, %neg3A_894 : vector<16xf32>
        %mul3A_896 = arith.mulf %max3A_891, %neg3A_894 : vector<16xf32>
        %max3A_897 = arith.maximumf %mul3A_895, %mul3A_896 : vector<16xf32>
        %broadcast_in_dim3A_898 = arith.constant 0.000000e+00 : f32
        %broadcast_in_dim3A_899 = vector.broadcast %broadcast_in_dim3A_898 : f32 to vector<16xf32>
        %mul3A_900 = arith.mulf %abs3A_704, %neg3A_894 : vector<16xf32>
        %sub3A_901 = arith.subf %mul3A_900, %max3A_897 : vector<16xf32>
        %exp3A_902 = math.exp %sub3A_901 : vector<16xf32>
        %add3A_903 = arith.addf %broadcast_in_dim3A_899, %exp3A_902 : vector<16xf32>
        %mul3A_904 = arith.mulf %abs3A_716, %neg3A_894 : vector<16xf32>
        %sub3A_905 = arith.subf %mul3A_904, %max3A_897 : vector<16xf32>
        %exp3A_906 = math.exp %sub3A_905 : vector<16xf32>
        %add3A_907 = arith.addf %add3A_903, %exp3A_906 : vector<16xf32>
        %mul3A_908 = arith.mulf %abs3A_728, %neg3A_894 : vector<16xf32>
        %sub3A_909 = arith.subf %mul3A_908, %max3A_897 : vector<16xf32>
        %exp3A_910 = math.exp %sub3A_909 : vector<16xf32>
        %add3A_911 = arith.addf %add3A_907, %exp3A_910 : vector<16xf32>
        %mul3A_912 = arith.mulf %abs3A_740, %neg3A_894 : vector<16xf32>
        %sub3A_913 = arith.subf %mul3A_912, %max3A_897 : vector<16xf32>
        %exp3A_914 = math.exp %sub3A_913 : vector<16xf32>
        %add3A_915 = arith.addf %add3A_911, %exp3A_914 : vector<16xf32>
        %mul3A_916 = arith.mulf %abs3A_752, %neg3A_894 : vector<16xf32>
        %sub3A_917 = arith.subf %mul3A_916, %max3A_897 : vector<16xf32>
        %exp3A_918 = math.exp %sub3A_917 : vector<16xf32>
        %add3A_919 = arith.addf %add3A_915, %exp3A_918 : vector<16xf32>
        %mul3A_920 = arith.mulf %abs3A_764, %neg3A_894 : vector<16xf32>
        %sub3A_921 = arith.subf %mul3A_920, %max3A_897 : vector<16xf32>
        %exp3A_922 = math.exp %sub3A_921 : vector<16xf32>
        %add3A_923 = arith.addf %add3A_919, %exp3A_922 : vector<16xf32>
        %mul3A_924 = arith.mulf %abs3A_776, %neg3A_894 : vector<16xf32>
        %sub3A_925 = arith.subf %mul3A_924, %max3A_897 : vector<16xf32>
        %exp3A_926 = math.exp %sub3A_925 : vector<16xf32>
        %add3A_927 = arith.addf %add3A_923, %exp3A_926 : vector<16xf32>
        %mul3A_928 = arith.mulf %abs3A_788, %neg3A_894 : vector<16xf32>
        %sub3A_929 = arith.subf %mul3A_928, %max3A_897 : vector<16xf32>
        %exp3A_930 = math.exp %sub3A_929 : vector<16xf32>
        %add3A_931 = arith.addf %add3A_927, %exp3A_930 : vector<16xf32>
        %mul3A_932 = arith.mulf %abs3A_800, %neg3A_894 : vector<16xf32>
        %sub3A_933 = arith.subf %mul3A_932, %max3A_897 : vector<16xf32>
        %exp3A_934 = math.exp %sub3A_933 : vector<16xf32>
        %add3A_935 = arith.addf %add3A_931, %exp3A_934 : vector<16xf32>
        %mul3A_936 = arith.mulf %abs3A_812, %neg3A_894 : vector<16xf32>
        %sub3A_937 = arith.subf %mul3A_936, %max3A_897 : vector<16xf32>
        %exp3A_938 = math.exp %sub3A_937 : vector<16xf32>
        %add3A_939 = arith.addf %add3A_935, %exp3A_938 : vector<16xf32>
        %mul3A_940 = arith.mulf %abs3A_824, %neg3A_894 : vector<16xf32>
        %sub3A_941 = arith.subf %mul3A_940, %max3A_897 : vector<16xf32>
        %exp3A_942 = math.exp %sub3A_941 : vector<16xf32>
        %add3A_943 = arith.addf %add3A_939, %exp3A_942 : vector<16xf32>
        %mul3A_944 = arith.mulf %abs3A_836, %neg3A_894 : vector<16xf32>
        %sub3A_945 = arith.subf %mul3A_944, %max3A_897 : vector<16xf32>
        %exp3A_946 = math.exp %sub3A_945 : vector<16xf32>
        %add3A_947 = arith.addf %add3A_943, %exp3A_946 : vector<16xf32>
        %mul3A_948 = arith.mulf %abs3A_848, %neg3A_894 : vector<16xf32>
        %sub3A_949 = arith.subf %mul3A_948, %max3A_897 : vector<16xf32>
        %exp3A_950 = math.exp %sub3A_949 : vector<16xf32>
        %add3A_951 = arith.addf %add3A_947, %exp3A_950 : vector<16xf32>
        %mul3A_952 = arith.mulf %abs3A_860, %neg3A_894 : vector<16xf32>
        %sub3A_953 = arith.subf %mul3A_952, %max3A_897 : vector<16xf32>
        %exp3A_954 = math.exp %sub3A_953 : vector<16xf32>
        %add3A_955 = arith.addf %add3A_951, %exp3A_954 : vector<16xf32>
        %mul3A_956 = arith.mulf %abs3A_872, %neg3A_894 : vector<16xf32>
        %sub3A_957 = arith.subf %mul3A_956, %max3A_897 : vector<16xf32>
        %exp3A_958 = math.exp %sub3A_957 : vector<16xf32>
        %add3A_959 = arith.addf %add3A_955, %exp3A_958 : vector<16xf32>
        %mul3A_960 = arith.mulf %abs3A_884, %neg3A_894 : vector<16xf32>
        %sub3A_961 = arith.subf %mul3A_960, %max3A_897 : vector<16xf32>
        %exp3A_962 = math.exp %sub3A_961 : vector<16xf32>
        %add3A_963 = arith.addf %add3A_959, %exp3A_962 : vector<16xf32>
        %div3A_964 = arith.constant 1.000000e+00 : f32
        %div3A_965 = vector.broadcast %div3A_964 : f32 to vector<16xf32>
        %div3A_966 = arith.divf %div3A_965, %add3A_963 : vector<16xf32>
        %broadcast_in_dim3A_967 = arith.constant 32 : i32
        %broadcast_in_dim3A_968 = vector.broadcast %broadcast_in_dim3A_967 : i32 to vector<16xi32>
        %mul3A_969 = arith.mulf %exp3A_902, %div3A_966 : vector<16xf32>
        tpu.vector_store_idx %arg9[%add3A_22, %broadcast_in_dim3A_968], %mul3A_969 : memref<256x128xf32, #tpu.memory_space<vmem>>[vector<16xi32>, vector<16xi32>], vector<16xf32>,
        %broadcast_in_dim3A_970 = arith.constant 33 : i32
        %broadcast_in_dim3A_971 = vector.broadcast %broadcast_in_dim3A_970 : i32 to vector<16xi32>
        %mul3A_972 = arith.mulf %exp3A_906, %div3A_966 : vector<16xf32>
        tpu.vector_store_idx %arg9[%add3A_22, %broadcast_in_dim3A_971], %mul3A_972 : memref<256x128xf32, #tpu.memory_space<vmem>>[vector<16xi32>, vector<16xi32>], vector<16xf32>,
        %broadcast_in_dim3A_973 = arith.constant 34 : i32
        %broadcast_in_dim3A_974 = vector.broadcast %broadcast_in_dim3A_973 : i32 to vector<16xi32>
        %mul3A_975 = arith.mulf %exp3A_910, %div3A_966 : vector<16xf32>
        tpu.vector_store_idx %arg9[%add3A_22, %broadcast_in_dim3A_974], %mul3A_975 : memref<256x128xf32, #tpu.memory_space<vmem>>[vector<16xi32>, vector<16xi32>], vector<16xf32>,
        %broadcast_in_dim3A_976 = arith.constant 35 : i32
        %broadcast_in_dim3A_977 = vector.broadcast %broadcast_in_dim3A_976 : i32 to vector<16xi32>
        %mul3A_978 = arith.mulf %exp3A_914, %div3A_966 : vector<16xf32>
        tpu.vector_store_idx %arg9[%add3A_22, %broadcast_in_dim3A_977], %mul3A_978 : memref<256x128xf32, #tpu.memory_space<vmem>>[vector<16xi32>, vector<16xi32>], vector<16xf32>,
        %broadcast_in_dim3A_979 = arith.constant 36 : i32
        %broadcast_in_dim3A_980 = vector.broadcast %broadcast_in_dim3A_979 : i32 to vector<16xi32>
        %mul3A_981 = arith.mulf %exp3A_918, %div3A_966 : vector<16xf32>
        tpu.vector_store_idx %arg9[%add3A_22, %broadcast_in_dim3A_980], %mul3A_981 : memref<256x128xf32, #tpu.memory_space<vmem>>[vector<16xi32>, vector<16xi32>], vector<16xf32>,
        %broadcast_in_dim3A_982 = arith.constant 37 : i32
        %broadcast_in_dim3A_983 = vector.broadcast %broadcast_in_dim3A_982 : i32 to vector<16xi32>
        %mul3A_984 = arith.mulf %exp3A_922, %div3A_966 : vector<16xf32>
        tpu.vector_store_idx %arg9[%add3A_22, %broadcast_in_dim3A_983], %mul3A_984 : memref<256x128xf32, #tpu.memory_space<vmem>>[vector<16xi32>, vector<16xi32>], vector<16xf32>,
        %broadcast_in_dim3A_985 = arith.constant 38 : i32
        %broadcast_in_dim3A_986 = vector.broadcast %broadcast_in_dim3A_985 : i32 to vector<16xi32>
        %mul3A_987 = arith.mulf %exp3A_926, %div3A_966 : vector<16xf32>
        tpu.vector_store_idx %arg9[%add3A_22, %broadcast_in_dim3A_986], %mul3A_987 : memref<256x128xf32, #tpu.memory_space<vmem>>[vector<16xi32>, vector<16xi32>], vector<16xf32>,
        %broadcast_in_dim3A_988 = arith.constant 39 : i32
        %broadcast_in_dim3A_989 = vector.broadcast %broadcast_in_dim3A_988 : i32 to vector<16xi32>
        %mul3A_990 = arith.mulf %exp3A_930, %div3A_966 : vector<16xf32>
        tpu.vector_store_idx %arg9[%add3A_22, %broadcast_in_dim3A_989], %mul3A_990 : memref<256x128xf32, #tpu.memory_space<vmem>>[vector<16xi32>, vector<16xi32>], vector<16xf32>,
        %broadcast_in_dim3A_991 = arith.constant 40 : i32
        %broadcast_in_dim3A_992 = vector.broadcast %broadcast_in_dim3A_991 : i32 to vector<16xi32>
        %mul3A_993 = arith.mulf %exp3A_934, %div3A_966 : vector<16xf32>
        tpu.vector_store_idx %arg9[%add3A_22, %broadcast_in_dim3A_992], %mul3A_993 : memref<256x128xf32, #tpu.memory_space<vmem>>[vector<16xi32>, vector<16xi32>], vector<16xf32>,
        %broadcast_in_dim3A_994 = arith.constant 41 : i32
        %broadcast_in_dim3A_995 = vector.broadcast %broadcast_in_dim3A_994 : i32 to vector<16xi32>
        %mul3A_996 = arith.mulf %exp3A_938, %div3A_966 : vector<16xf32>
        tpu.vector_store_idx %arg9[%add3A_22, %broadcast_in_dim3A_995], %mul3A_996 : memref<256x128xf32, #tpu.memory_space<vmem>>[vector<16xi32>, vector<16xi32>], vector<16xf32>,
        %broadcast_in_dim3A_997 = arith.constant 42 : i32
        %broadcast_in_dim3A_998 = vector.broadcast %broadcast_in_dim3A_997 : i32 to vector<16xi32>
        %mul3A_999 = arith.mulf %exp3A_942, %div3A_966 : vector<16xf32>
        tpu.vector_store_idx %arg9[%add3A_22, %broadcast_in_dim3A_998], %mul3A_999 : memref<256x128xf32, #tpu.memory_space<vmem>>[vector<16xi32>, vector<16xi32>], vector<16xf32>,
        %broadcast_in_dim3A_1000 = arith.constant 43 : i32
        %broadcast_in_dim3A_1001 = vector.broadcast %broadcast_in_dim3A_1000 : i32 to vector<16xi32>
        %mul3A_1002 = arith.mulf %exp3A_946, %div3A_966 : vector<16xf32>
        tpu.vector_store_idx %arg9[%add3A_22, %broadcast_in_dim3A_1001], %mul3A_1002 : memref<256x128xf32, #tpu.memory_space<vmem>>[vector<16xi32>, vector<16xi32>], vector<16xf32>,
        %broadcast_in_dim3A_1003 = arith.constant 44 : i32
        %broadcast_in_dim3A_1004 = vector.broadcast %broadcast_in_dim3A_1003 : i32 to vector<16xi32>
        %mul3A_1005 = arith.mulf %exp3A_950, %div3A_966 : vector<16xf32>
        tpu.vector_store_idx %arg9[%add3A_22, %broadcast_in_dim3A_1004], %mul3A_1005 : memref<256x128xf32, #tpu.memory_space<vmem>>[vector<16xi32>, vector<16xi32>], vector<16xf32>,
        %broadcast_in_dim3A_1006 = arith.constant 45 : i32
        %broadcast_in_dim3A_1007 = vector.broadcast %broadcast_in_dim3A_1006 : i32 to vector<16xi32>
        %mul3A_1008 = arith.mulf %exp3A_954, %div3A_966 : vector<16xf32>
        tpu.vector_store_idx %arg9[%add3A_22, %broadcast_in_dim3A_1007], %mul3A_1008 : memref<256x128xf32, #tpu.memory_space<vmem>>[vector<16xi32>, vector<16xi32>], vector<16xf32>,
        %broadcast_in_dim3A_1009 = arith.constant 46 : i32
        %broadcast_in_dim3A_1010 = vector.broadcast %broadcast_in_dim3A_1009 : i32 to vector<16xi32>
        %mul3A_1011 = arith.mulf %exp3A_958, %div3A_966 : vector<16xf32>
        tpu.vector_store_idx %arg9[%add3A_22, %broadcast_in_dim3A_1010], %mul3A_1011 : memref<256x128xf32, #tpu.memory_space<vmem>>[vector<16xi32>, vector<16xi32>], vector<16xf32>,
        %broadcast_in_dim3A_1012 = arith.constant 47 : i32
        %broadcast_in_dim3A_1013 = vector.broadcast %broadcast_in_dim3A_1012 : i32 to vector<16xi32>
        %mul3A_1014 = arith.mulf %exp3A_962, %div3A_966 : vector<16xf32>
        tpu.vector_store_idx %arg9[%add3A_22, %broadcast_in_dim3A_1013], %mul3A_1014 : memref<256x128xf32, #tpu.memory_space<vmem>>[vector<16xi32>, vector<16xi32>], vector<16xf32>,
        %mul3A_1015 = arith.constant 16 : i32
        %mul3A_1016 = arith.muli %scan3A_18, %mul3A_1015 : i32
        %get3A_1017 = arith.constant 3 : i32
        %get3A_1018 = arith.index_cast %get3A_1017 : i32 to index
        %get3A_1019 = arith.index_cast %mul3A_1016 : i32 to index
        %get3A_1020 = tpu.vector_load %arg8[%get3A_1018, %get3A_1019] {strides = array<i32>} : memref<8x256xf32, #tpu.memory_space<vmem>>, vector<16xf32>,
        %get3A_1021 = arith.constant 3 : i32
        %get3A_1022 = arith.index_cast %get3A_1021 : i32 to index
        %get3A_1023 = arith.constant 0 : index
        %get3A_1024 = tpu.vector_load %arg6[%get3A_1022, %get3A_1023] {strides = array<i32>} : memref<8x16xf32, #tpu.memory_space<vmem>>, vector<16xf32>,
        %get3A_1025 = arith.constant 3 : i32
        %get3A_1026 = arith.index_cast %get3A_1025 : i32 to index
        %get3A_1027 = arith.constant 0 : index
        %get3A_1028 = tpu.vector_load %arg7[%get3A_1026, %get3A_1027] {strides = array<i32>} : memref<8x16xf32, #tpu.memory_space<vmem>>, vector<16xf32>,
        %broadcast_in_dim3A_1029 = arith.constant 3.400000e+38 : f32
        %broadcast_in_dim3A_1030 = vector.broadcast %broadcast_in_dim3A_1029 : f32 to vector<16xf32>
        %broadcast_in_dim3A_1031 = arith.constant -3.400000e+38 : f32
        %broadcast_in_dim3A_1032 = vector.broadcast %broadcast_in_dim3A_1031 : f32 to vector<16xf32>
        %broadcast_in_dim3A_1033 = arith.constant 0.000000e+00 : f32
        %broadcast_in_dim3A_1034 = vector.broadcast %broadcast_in_dim3A_1033 : f32 to vector<16xf32>
        %slice3A_1035 = vector.extract_strided_slice %get3A_1024 {offsets = [0], sizes = [1], strides = [1]} : vector<16xf32> to vector<1xf32>
        %squeeze3A_1036 = vector.extract %slice3A_1035[0] : f32 from vector<1xf32>
        %broadcast_in_dim3A_1037 = vector.broadcast %squeeze3A_1036 : f32 to vector<16xf32>
        %sub3A_1038 = arith.subf %get3A_1020, %broadcast_in_dim3A_1037 : vector<16xf32>
        %abs3A_1039 = math.absf %sub3A_1038 : vector<16xf32>
        %lt3A_1040 = arith.cmpf olt, %abs3A_1039, %broadcast_in_dim3A_1030 : vector<16xf32>
        %slice3A_1041 = vector.extract_strided_slice %get3A_1028 {offsets = [0], sizes = [1], strides = [1]} : vector<16xf32> to vector<1xf32>
        %squeeze3A_1042 = vector.extract %slice3A_1041[0] : f32 from vector<1xf32>
        %broadcast_in_dim3A_1043 = vector.broadcast %squeeze3A_1042 : f32 to vector<16xf32>
        %select_n3A_1044 = arith.select %lt3A_1040, %broadcast_in_dim3A_1043, %broadcast_in_dim3A_1034 : vector<16xi1>, vector<16xf32>
        %min3A_1045 = arith.minimumf %broadcast_in_dim3A_1030, %abs3A_1039 : vector<16xf32>
        %max3A_1046 = arith.maximumf %broadcast_in_dim3A_1032, %abs3A_1039 : vector<16xf32>
        %slice3A_1047 = vector.extract_strided_slice %get3A_1024 {offsets = [1], sizes = [1], strides = [1]} : vector<16xf32> to vector<1xf32>
        %squeeze3A_1048 = vector.extract %slice3A_1047[0] : f32 from vector<1xf32>
        %broadcast_in_dim3A_1049 = vector.broadcast %squeeze3A_1048 : f32 to vector<16xf32>
        %sub3A_1050 = arith.subf %get3A_1020, %broadcast_in_dim3A_1049 : vector<16xf32>
        %abs3A_1051 = math.absf %sub3A_1050 : vector<16xf32>
        %lt3A_1052 = arith.cmpf olt, %abs3A_1051, %min3A_1045 : vector<16xf32>
        %slice3A_1053 = vector.extract_strided_slice %get3A_1028 {offsets = [1], sizes = [1], strides = [1]} : vector<16xf32> to vector<1xf32>
        %squeeze3A_1054 = vector.extract %slice3A_1053[0] : f32 from vector<1xf32>
        %broadcast_in_dim3A_1055 = vector.broadcast %squeeze3A_1054 : f32 to vector<16xf32>
        %select_n3A_1056 = arith.select %lt3A_1052, %broadcast_in_dim3A_1055, %select_n3A_1044 : vector<16xi1>, vector<16xf32>
        %min3A_1057 = arith.minimumf %min3A_1045, %abs3A_1051 : vector<16xf32>
        %max3A_1058 = arith.maximumf %max3A_1046, %abs3A_1051 : vector<16xf32>
        %slice3A_1059 = vector.extract_strided_slice %get3A_1024 {offsets = [2], sizes = [1], strides = [1]} : vector<16xf32> to vector<1xf32>
        %squeeze3A_1060 = vector.extract %slice3A_1059[0] : f32 from vector<1xf32>
        %broadcast_in_dim3A_1061 = vector.broadcast %squeeze3A_1060 : f32 to vector<16xf32>
        %sub3A_1062 = arith.subf %get3A_1020, %broadcast_in_dim3A_1061 : vector<16xf32>
        %abs3A_1063 = math.absf %sub3A_1062 : vector<16xf32>
        %lt3A_1064 = arith.cmpf olt, %abs3A_1063, %min3A_1057 : vector<16xf32>
        %slice3A_1065 = vector.extract_strided_slice %get3A_1028 {offsets = [2], sizes = [1], strides = [1]} : vector<16xf32> to vector<1xf32>
        %squeeze3A_1066 = vector.extract %slice3A_1065[0] : f32 from vector<1xf32>
        %broadcast_in_dim3A_1067 = vector.broadcast %squeeze3A_1066 : f32 to vector<16xf32>
        %select_n3A_1068 = arith.select %lt3A_1064, %broadcast_in_dim3A_1067, %select_n3A_1056 : vector<16xi1>, vector<16xf32>
        %min3A_1069 = arith.minimumf %min3A_1057, %abs3A_1063 : vector<16xf32>
        %max3A_1070 = arith.maximumf %max3A_1058, %abs3A_1063 : vector<16xf32>
        %slice3A_1071 = vector.extract_strided_slice %get3A_1024 {offsets = [3], sizes = [1], strides = [1]} : vector<16xf32> to vector<1xf32>
        %squeeze3A_1072 = vector.extract %slice3A_1071[0] : f32 from vector<1xf32>
        %broadcast_in_dim3A_1073 = vector.broadcast %squeeze3A_1072 : f32 to vector<16xf32>
        %sub3A_1074 = arith.subf %get3A_1020, %broadcast_in_dim3A_1073 : vector<16xf32>
        %abs3A_1075 = math.absf %sub3A_1074 : vector<16xf32>
        %lt3A_1076 = arith.cmpf olt, %abs3A_1075, %min3A_1069 : vector<16xf32>
        %slice3A_1077 = vector.extract_strided_slice %get3A_1028 {offsets = [3], sizes = [1], strides = [1]} : vector<16xf32> to vector<1xf32>
        %squeeze3A_1078 = vector.extract %slice3A_1077[0] : f32 from vector<1xf32>
        %broadcast_in_dim3A_1079 = vector.broadcast %squeeze3A_1078 : f32 to vector<16xf32>
        %select_n3A_1080 = arith.select %lt3A_1076, %broadcast_in_dim3A_1079, %select_n3A_1068 : vector<16xi1>, vector<16xf32>
        %min3A_1081 = arith.minimumf %min3A_1069, %abs3A_1075 : vector<16xf32>
        %max3A_1082 = arith.maximumf %max3A_1070, %abs3A_1075 : vector<16xf32>
        %slice3A_1083 = vector.extract_strided_slice %get3A_1024 {offsets = [4], sizes = [1], strides = [1]} : vector<16xf32> to vector<1xf32>
        %squeeze3A_1084 = vector.extract %slice3A_1083[0] : f32 from vector<1xf32>
        %broadcast_in_dim3A_1085 = vector.broadcast %squeeze3A_1084 : f32 to vector<16xf32>
        %sub3A_1086 = arith.subf %get3A_1020, %broadcast_in_dim3A_1085 : vector<16xf32>
        %abs3A_1087 = math.absf %sub3A_1086 : vector<16xf32>
        %lt3A_1088 = arith.cmpf olt, %abs3A_1087, %min3A_1081 : vector<16xf32>
        %slice3A_1089 = vector.extract_strided_slice %get3A_1028 {offsets = [4], sizes = [1], strides = [1]} : vector<16xf32> to vector<1xf32>
        %squeeze3A_1090 = vector.extract %slice3A_1089[0] : f32 from vector<1xf32>
        %broadcast_in_dim3A_1091 = vector.broadcast %squeeze3A_1090 : f32 to vector<16xf32>
        %select_n3A_1092 = arith.select %lt3A_1088, %broadcast_in_dim3A_1091, %select_n3A_1080 : vector<16xi1>, vector<16xf32>
        %min3A_1093 = arith.minimumf %min3A_1081, %abs3A_1087 : vector<16xf32>
        %max3A_1094 = arith.maximumf %max3A_1082, %abs3A_1087 : vector<16xf32>
        %slice3A_1095 = vector.extract_strided_slice %get3A_1024 {offsets = [5], sizes = [1], strides = [1]} : vector<16xf32> to vector<1xf32>
        %squeeze3A_1096 = vector.extract %slice3A_1095[0] : f32 from vector<1xf32>
        %broadcast_in_dim3A_1097 = vector.broadcast %squeeze3A_1096 : f32 to vector<16xf32>
        %sub3A_1098 = arith.subf %get3A_1020, %broadcast_in_dim3A_1097 : vector<16xf32>
        %abs3A_1099 = math.absf %sub3A_1098 : vector<16xf32>
        %lt3A_1100 = arith.cmpf olt, %abs3A_1099, %min3A_1093 : vector<16xf32>
        %slice3A_1101 = vector.extract_strided_slice %get3A_1028 {offsets = [5], sizes = [1], strides = [1]} : vector<16xf32> to vector<1xf32>
        %squeeze3A_1102 = vector.extract %slice3A_1101[0] : f32 from vector<1xf32>
        %broadcast_in_dim3A_1103 = vector.broadcast %squeeze3A_1102 : f32 to vector<16xf32>
        %select_n3A_1104 = arith.select %lt3A_1100, %broadcast_in_dim3A_1103, %select_n3A_1092 : vector<16xi1>, vector<16xf32>
        %min3A_1105 = arith.minimumf %min3A_1093, %abs3A_1099 : vector<16xf32>
        %max3A_1106 = arith.maximumf %max3A_1094, %abs3A_1099 : vector<16xf32>
        %slice3A_1107 = vector.extract_strided_slice %get3A_1024 {offsets = [6], sizes = [1], strides = [1]} : vector<16xf32> to vector<1xf32>
        %squeeze3A_1108 = vector.extract %slice3A_1107[0] : f32 from vector<1xf32>
        %broadcast_in_dim3A_1109 = vector.broadcast %squeeze3A_1108 : f32 to vector<16xf32>
        %sub3A_1110 = arith.subf %get3A_1020, %broadcast_in_dim3A_1109 : vector<16xf32>
        %abs3A_1111 = math.absf %sub3A_1110 : vector<16xf32>
        %lt3A_1112 = arith.cmpf olt, %abs3A_1111, %min3A_1105 : vector<16xf32>
        %slice3A_1113 = vector.extract_strided_slice %get3A_1028 {offsets = [6], sizes = [1], strides = [1]} : vector<16xf32> to vector<1xf32>
        %squeeze3A_1114 = vector.extract %slice3A_1113[0] : f32 from vector<1xf32>
        %broadcast_in_dim3A_1115 = vector.broadcast %squeeze3A_1114 : f32 to vector<16xf32>
        %select_n3A_1116 = arith.select %lt3A_1112, %broadcast_in_dim3A_1115, %select_n3A_1104 : vector<16xi1>, vector<16xf32>
        %min3A_1117 = arith.minimumf %min3A_1105, %abs3A_1111 : vector<16xf32>
        %max3A_1118 = arith.maximumf %max3A_1106, %abs3A_1111 : vector<16xf32>
        %slice3A_1119 = vector.extract_strided_slice %get3A_1024 {offsets = [7], sizes = [1], strides = [1]} : vector<16xf32> to vector<1xf32>
        %squeeze3A_1120 = vector.extract %slice3A_1119[0] : f32 from vector<1xf32>
        %broadcast_in_dim3A_1121 = vector.broadcast %squeeze3A_1120 : f32 to vector<16xf32>
        %sub3A_1122 = arith.subf %get3A_1020, %broadcast_in_dim3A_1121 : vector<16xf32>
        %abs3A_1123 = math.absf %sub3A_1122 : vector<16xf32>
        %lt3A_1124 = arith.cmpf olt, %abs3A_1123, %min3A_1117 : vector<16xf32>
        %slice3A_1125 = vector.extract_strided_slice %get3A_1028 {offsets = [7], sizes = [1], strides = [1]} : vector<16xf32> to vector<1xf32>
        %squeeze3A_1126 = vector.extract %slice3A_1125[0] : f32 from vector<1xf32>
        %broadcast_in_dim3A_1127 = vector.broadcast %squeeze3A_1126 : f32 to vector<16xf32>
        %select_n3A_1128 = arith.select %lt3A_1124, %broadcast_in_dim3A_1127, %select_n3A_1116 : vector<16xi1>, vector<16xf32>
        %min3A_1129 = arith.minimumf %min3A_1117, %abs3A_1123 : vector<16xf32>
        %max3A_1130 = arith.maximumf %max3A_1118, %abs3A_1123 : vector<16xf32>
        %slice3A_1131 = vector.extract_strided_slice %get3A_1024 {offsets = [8], sizes = [1], strides = [1]} : vector<16xf32> to vector<1xf32>
        %squeeze3A_1132 = vector.extract %slice3A_1131[0] : f32 from vector<1xf32>
        %broadcast_in_dim3A_1133 = vector.broadcast %squeeze3A_1132 : f32 to vector<16xf32>
        %sub3A_1134 = arith.subf %get3A_1020, %broadcast_in_dim3A_1133 : vector<16xf32>
        %abs3A_1135 = math.absf %sub3A_1134 : vector<16xf32>
        %lt3A_1136 = arith.cmpf olt, %abs3A_1135, %min3A_1129 : vector<16xf32>
        %slice3A_1137 = vector.extract_strided_slice %get3A_1028 {offsets = [8], sizes = [1], strides = [1]} : vector<16xf32> to vector<1xf32>
        %squeeze3A_1138 = vector.extract %slice3A_1137[0] : f32 from vector<1xf32>
        %broadcast_in_dim3A_1139 = vector.broadcast %squeeze3A_1138 : f32 to vector<16xf32>
        %select_n3A_1140 = arith.select %lt3A_1136, %broadcast_in_dim3A_1139, %select_n3A_1128 : vector<16xi1>, vector<16xf32>
        %min3A_1141 = arith.minimumf %min3A_1129, %abs3A_1135 : vector<16xf32>
        %max3A_1142 = arith.maximumf %max3A_1130, %abs3A_1135 : vector<16xf32>
        %slice3A_1143 = vector.extract_strided_slice %get3A_1024 {offsets = [9], sizes = [1], strides = [1]} : vector<16xf32> to vector<1xf32>
        %squeeze3A_1144 = vector.extract %slice3A_1143[0] : f32 from vector<1xf32>
        %broadcast_in_dim3A_1145 = vector.broadcast %squeeze3A_1144 : f32 to vector<16xf32>
        %sub3A_1146 = arith.subf %get3A_1020, %broadcast_in_dim3A_1145 : vector<16xf32>
        %abs3A_1147 = math.absf %sub3A_1146 : vector<16xf32>
        %lt3A_1148 = arith.cmpf olt, %abs3A_1147, %min3A_1141 : vector<16xf32>
        %slice3A_1149 = vector.extract_strided_slice %get3A_1028 {offsets = [9], sizes = [1], strides = [1]} : vector<16xf32> to vector<1xf32>
        %squeeze3A_1150 = vector.extract %slice3A_1149[0] : f32 from vector<1xf32>
        %broadcast_in_dim3A_1151 = vector.broadcast %squeeze3A_1150 : f32 to vector<16xf32>
        %select_n3A_1152 = arith.select %lt3A_1148, %broadcast_in_dim3A_1151, %select_n3A_1140 : vector<16xi1>, vector<16xf32>
        %min3A_1153 = arith.minimumf %min3A_1141, %abs3A_1147 : vector<16xf32>
        %max3A_1154 = arith.maximumf %max3A_1142, %abs3A_1147 : vector<16xf32>
        %slice3A_1155 = vector.extract_strided_slice %get3A_1024 {offsets = [10], sizes = [1], strides = [1]} : vector<16xf32> to vector<1xf32>
        %squeeze3A_1156 = vector.extract %slice3A_1155[0] : f32 from vector<1xf32>
        %broadcast_in_dim3A_1157 = vector.broadcast %squeeze3A_1156 : f32 to vector<16xf32>
        %sub3A_1158 = arith.subf %get3A_1020, %broadcast_in_dim3A_1157 : vector<16xf32>
        %abs3A_1159 = math.absf %sub3A_1158 : vector<16xf32>
        %lt3A_1160 = arith.cmpf olt, %abs3A_1159, %min3A_1153 : vector<16xf32>
        %slice3A_1161 = vector.extract_strided_slice %get3A_1028 {offsets = [10], sizes = [1], strides = [1]} : vector<16xf32> to vector<1xf32>
        %squeeze3A_1162 = vector.extract %slice3A_1161[0] : f32 from vector<1xf32>
        %broadcast_in_dim3A_1163 = vector.broadcast %squeeze3A_1162 : f32 to vector<16xf32>
        %select_n3A_1164 = arith.select %lt3A_1160, %broadcast_in_dim3A_1163, %select_n3A_1152 : vector<16xi1>, vector<16xf32>
        %min3A_1165 = arith.minimumf %min3A_1153, %abs3A_1159 : vector<16xf32>
        %max3A_1166 = arith.maximumf %max3A_1154, %abs3A_1159 : vector<16xf32>
        %slice3A_1167 = vector.extract_strided_slice %get3A_1024 {offsets = [11], sizes = [1], strides = [1]} : vector<16xf32> to vector<1xf32>
        %squeeze3A_1168 = vector.extract %slice3A_1167[0] : f32 from vector<1xf32>
        %broadcast_in_dim3A_1169 = vector.broadcast %squeeze3A_1168 : f32 to vector<16xf32>
        %sub3A_1170 = arith.subf %get3A_1020, %broadcast_in_dim3A_1169 : vector<16xf32>
        %abs3A_1171 = math.absf %sub3A_1170 : vector<16xf32>
        %lt3A_1172 = arith.cmpf olt, %abs3A_1171, %min3A_1165 : vector<16xf32>
        %slice3A_1173 = vector.extract_strided_slice %get3A_1028 {offsets = [11], sizes = [1], strides = [1]} : vector<16xf32> to vector<1xf32>
        %squeeze3A_1174 = vector.extract %slice3A_1173[0] : f32 from vector<1xf32>
        %broadcast_in_dim3A_1175 = vector.broadcast %squeeze3A_1174 : f32 to vector<16xf32>
        %select_n3A_1176 = arith.select %lt3A_1172, %broadcast_in_dim3A_1175, %select_n3A_1164 : vector<16xi1>, vector<16xf32>
        %min3A_1177 = arith.minimumf %min3A_1165, %abs3A_1171 : vector<16xf32>
        %max3A_1178 = arith.maximumf %max3A_1166, %abs3A_1171 : vector<16xf32>
        %slice3A_1179 = vector.extract_strided_slice %get3A_1024 {offsets = [12], sizes = [1], strides = [1]} : vector<16xf32> to vector<1xf32>
        %squeeze3A_1180 = vector.extract %slice3A_1179[0] : f32 from vector<1xf32>
        %broadcast_in_dim3A_1181 = vector.broadcast %squeeze3A_1180 : f32 to vector<16xf32>
        %sub3A_1182 = arith.subf %get3A_1020, %broadcast_in_dim3A_1181 : vector<16xf32>
        %abs3A_1183 = math.absf %sub3A_1182 : vector<16xf32>
        %lt3A_1184 = arith.cmpf olt, %abs3A_1183, %min3A_1177 : vector<16xf32>
        %slice3A_1185 = vector.extract_strided_slice %get3A_1028 {offsets = [12], sizes = [1], strides = [1]} : vector<16xf32> to vector<1xf32>
        %squeeze3A_1186 = vector.extract %slice3A_1185[0] : f32 from vector<1xf32>
        %broadcast_in_dim3A_1187 = vector.broadcast %squeeze3A_1186 : f32 to vector<16xf32>
        %select_n3A_1188 = arith.select %lt3A_1184, %broadcast_in_dim3A_1187, %select_n3A_1176 : vector<16xi1>, vector<16xf32>
        %min3A_1189 = arith.minimumf %min3A_1177, %abs3A_1183 : vector<16xf32>
        %max3A_1190 = arith.maximumf %max3A_1178, %abs3A_1183 : vector<16xf32>
        %slice3A_1191 = vector.extract_strided_slice %get3A_1024 {offsets = [13], sizes = [1], strides = [1]} : vector<16xf32> to vector<1xf32>
        %squeeze3A_1192 = vector.extract %slice3A_1191[0] : f32 from vector<1xf32>
        %broadcast_in_dim3A_1193 = vector.broadcast %squeeze3A_1192 : f32 to vector<16xf32>
        %sub3A_1194 = arith.subf %get3A_1020, %broadcast_in_dim3A_1193 : vector<16xf32>
        %abs3A_1195 = math.absf %sub3A_1194 : vector<16xf32>
        %lt3A_1196 = arith.cmpf olt, %abs3A_1195, %min3A_1189 : vector<16xf32>
        %slice3A_1197 = vector.extract_strided_slice %get3A_1028 {offsets = [13], sizes = [1], strides = [1]} : vector<16xf32> to vector<1xf32>
        %squeeze3A_1198 = vector.extract %slice3A_1197[0] : f32 from vector<1xf32>
        %broadcast_in_dim3A_1199 = vector.broadcast %squeeze3A_1198 : f32 to vector<16xf32>
        %select_n3A_1200 = arith.select %lt3A_1196, %broadcast_in_dim3A_1199, %select_n3A_1188 : vector<16xi1>, vector<16xf32>
        %min3A_1201 = arith.minimumf %min3A_1189, %abs3A_1195 : vector<16xf32>
        %max3A_1202 = arith.maximumf %max3A_1190, %abs3A_1195 : vector<16xf32>
        %slice3A_1203 = vector.extract_strided_slice %get3A_1024 {offsets = [14], sizes = [1], strides = [1]} : vector<16xf32> to vector<1xf32>
        %squeeze3A_1204 = vector.extract %slice3A_1203[0] : f32 from vector<1xf32>
        %broadcast_in_dim3A_1205 = vector.broadcast %squeeze3A_1204 : f32 to vector<16xf32>
        %sub3A_1206 = arith.subf %get3A_1020, %broadcast_in_dim3A_1205 : vector<16xf32>
        %abs3A_1207 = math.absf %sub3A_1206 : vector<16xf32>
        %lt3A_1208 = arith.cmpf olt, %abs3A_1207, %min3A_1201 : vector<16xf32>
        %slice3A_1209 = vector.extract_strided_slice %get3A_1028 {offsets = [14], sizes = [1], strides = [1]} : vector<16xf32> to vector<1xf32>
        %squeeze3A_1210 = vector.extract %slice3A_1209[0] : f32 from vector<1xf32>
        %broadcast_in_dim3A_1211 = vector.broadcast %squeeze3A_1210 : f32 to vector<16xf32>
        %select_n3A_1212 = arith.select %lt3A_1208, %broadcast_in_dim3A_1211, %select_n3A_1200 : vector<16xi1>, vector<16xf32>
        %min3A_1213 = arith.minimumf %min3A_1201, %abs3A_1207 : vector<16xf32>
        %max3A_1214 = arith.maximumf %max3A_1202, %abs3A_1207 : vector<16xf32>
        %slice3A_1215 = vector.extract_strided_slice %get3A_1024 {offsets = [15], sizes = [1], strides = [1]} : vector<16xf32> to vector<1xf32>
        %squeeze3A_1216 = vector.extract %slice3A_1215[0] : f32 from vector<1xf32>
        %broadcast_in_dim3A_1217 = vector.broadcast %squeeze3A_1216 : f32 to vector<16xf32>
        %sub3A_1218 = arith.subf %get3A_1020, %broadcast_in_dim3A_1217 : vector<16xf32>
        %abs3A_1219 = math.absf %sub3A_1218 : vector<16xf32>
        %lt3A_1220 = arith.cmpf olt, %abs3A_1219, %min3A_1213 : vector<16xf32>
        %slice3A_1221 = vector.extract_strided_slice %get3A_1028 {offsets = [15], sizes = [1], strides = [1]} : vector<16xf32> to vector<1xf32>
        %squeeze3A_1222 = vector.extract %slice3A_1221[0] : f32 from vector<1xf32>
        %broadcast_in_dim3A_1223 = vector.broadcast %squeeze3A_1222 : f32 to vector<16xf32>
        %select_n3A_1224 = arith.select %lt3A_1220, %broadcast_in_dim3A_1223, %select_n3A_1212 : vector<16xi1>, vector<16xf32>
        %min3A_1225 = arith.minimumf %min3A_1213, %abs3A_1219 : vector<16xf32>
        %max3A_1226 = arith.maximumf %max3A_1214, %abs3A_1219 : vector<16xf32>
        %neg3A_1227 = arith.constant 0.000000e+00 : f32
        %neg3A_1228 = vector.broadcast %neg3A_1227 : f32 to vector<16xf32>
        %neg3A_1229 = arith.subf %neg3A_1228, %select_n3A_1224 : vector<16xf32>
        %mul3A_1230 = arith.mulf %min3A_1225, %neg3A_1229 : vector<16xf32>
        %mul3A_1231 = arith.mulf %max3A_1226, %neg3A_1229 : vector<16xf32>
        %max3A_1232 = arith.maximumf %mul3A_1230, %mul3A_1231 : vector<16xf32>
        %broadcast_in_dim3A_1233 = arith.constant 0.000000e+00 : f32
        %broadcast_in_dim3A_1234 = vector.broadcast %broadcast_in_dim3A_1233 : f32 to vector<16xf32>
        %mul3A_1235 = arith.mulf %abs3A_1039, %neg3A_1229 : vector<16xf32>
        %sub3A_1236 = arith.subf %mul3A_1235, %max3A_1232 : vector<16xf32>
        %exp3A_1237 = math.exp %sub3A_1236 : vector<16xf32>
        %add3A_1238 = arith.addf %broadcast_in_dim3A_1234, %exp3A_1237 : vector<16xf32>
        %mul3A_1239 = arith.mulf %abs3A_1051, %neg3A_1229 : vector<16xf32>
        %sub3A_1240 = arith.subf %mul3A_1239, %max3A_1232 : vector<16xf32>
        %exp3A_1241 = math.exp %sub3A_1240 : vector<16xf32>
        %add3A_1242 = arith.addf %add3A_1238, %exp3A_1241 : vector<16xf32>
        %mul3A_1243 = arith.mulf %abs3A_1063, %neg3A_1229 : vector<16xf32>
        %sub3A_1244 = arith.subf %mul3A_1243, %max3A_1232 : vector<16xf32>
        %exp3A_1245 = math.exp %sub3A_1244 : vector<16xf32>
        %add3A_1246 = arith.addf %add3A_1242, %exp3A_1245 : vector<16xf32>
        %mul3A_1247 = arith.mulf %abs3A_1075, %neg3A_1229 : vector<16xf32>
        %sub3A_1248 = arith.subf %mul3A_1247, %max3A_1232 : vector<16xf32>
        %exp3A_1249 = math.exp %sub3A_1248 : vector<16xf32>
        %add3A_1250 = arith.addf %add3A_1246, %exp3A_1249 : vector<16xf32>
        %mul3A_1251 = arith.mulf %abs3A_1087, %neg3A_1229 : vector<16xf32>
        %sub3A_1252 = arith.subf %mul3A_1251, %max3A_1232 : vector<16xf32>
        %exp3A_1253 = math.exp %sub3A_1252 : vector<16xf32>
        %add3A_1254 = arith.addf %add3A_1250, %exp3A_1253 : vector<16xf32>
        %mul3A_1255 = arith.mulf %abs3A_1099, %neg3A_1229 : vector<16xf32>
        %sub3A_1256 = arith.subf %mul3A_1255, %max3A_1232 : vector<16xf32>
        %exp3A_1257 = math.exp %sub3A_1256 : vector<16xf32>
        %add3A_1258 = arith.addf %add3A_1254, %exp3A_1257 : vector<16xf32>
        %mul3A_1259 = arith.mulf %abs3A_1111, %neg3A_1229 : vector<16xf32>
        %sub3A_1260 = arith.subf %mul3A_1259, %max3A_1232 : vector<16xf32>
        %exp3A_1261 = math.exp %sub3A_1260 : vector<16xf32>
        %add3A_1262 = arith.addf %add3A_1258, %exp3A_1261 : vector<16xf32>
        %mul3A_1263 = arith.mulf %abs3A_1123, %neg3A_1229 : vector<16xf32>
        %sub3A_1264 = arith.subf %mul3A_1263, %max3A_1232 : vector<16xf32>
        %exp3A_1265 = math.exp %sub3A_1264 : vector<16xf32>
        %add3A_1266 = arith.addf %add3A_1262, %exp3A_1265 : vector<16xf32>
        %mul3A_1267 = arith.mulf %abs3A_1135, %neg3A_1229 : vector<16xf32>
        %sub3A_1268 = arith.subf %mul3A_1267, %max3A_1232 : vector<16xf32>
        %exp3A_1269 = math.exp %sub3A_1268 : vector<16xf32>
        %add3A_1270 = arith.addf %add3A_1266, %exp3A_1269 : vector<16xf32>
        %mul3A_1271 = arith.mulf %abs3A_1147, %neg3A_1229 : vector<16xf32>
        %sub3A_1272 = arith.subf %mul3A_1271, %max3A_1232 : vector<16xf32>
        %exp3A_1273 = math.exp %sub3A_1272 : vector<16xf32>
        %add3A_1274 = arith.addf %add3A_1270, %exp3A_1273 : vector<16xf32>
        %mul3A_1275 = arith.mulf %abs3A_1159, %neg3A_1229 : vector<16xf32>
        %sub3A_1276 = arith.subf %mul3A_1275, %max3A_1232 : vector<16xf32>
        %exp3A_1277 = math.exp %sub3A_1276 : vector<16xf32>
        %add3A_1278 = arith.addf %add3A_1274, %exp3A_1277 : vector<16xf32>
        %mul3A_1279 = arith.mulf %abs3A_1171, %neg3A_1229 : vector<16xf32>
        %sub3A_1280 = arith.subf %mul3A_1279, %max3A_1232 : vector<16xf32>
        %exp3A_1281 = math.exp %sub3A_1280 : vector<16xf32>
        %add3A_1282 = arith.addf %add3A_1278, %exp3A_1281 : vector<16xf32>
        %mul3A_1283 = arith.mulf %abs3A_1183, %neg3A_1229 : vector<16xf32>
        %sub3A_1284 = arith.subf %mul3A_1283, %max3A_1232 : vector<16xf32>
        %exp3A_1285 = math.exp %sub3A_1284 : vector<16xf32>
        %add3A_1286 = arith.addf %add3A_1282, %exp3A_1285 : vector<16xf32>
        %mul3A_1287 = arith.mulf %abs3A_1195, %neg3A_1229 : vector<16xf32>
        %sub3A_1288 = arith.subf %mul3A_1287, %max3A_1232 : vector<16xf32>
        %exp3A_1289 = math.exp %sub3A_1288 : vector<16xf32>
        %add3A_1290 = arith.addf %add3A_1286, %exp3A_1289 : vector<16xf32>
        %mul3A_1291 = arith.mulf %abs3A_1207, %neg3A_1229 : vector<16xf32>
        %sub3A_1292 = arith.subf %mul3A_1291, %max3A_1232 : vector<16xf32>
        %exp3A_1293 = math.exp %sub3A_1292 : vector<16xf32>
        %add3A_1294 = arith.addf %add3A_1290, %exp3A_1293 : vector<16xf32>
        %mul3A_1295 = arith.mulf %abs3A_1219, %neg3A_1229 : vector<16xf32>
        %sub3A_1296 = arith.subf %mul3A_1295, %max3A_1232 : vector<16xf32>
        %exp3A_1297 = math.exp %sub3A_1296 : vector<16xf32>
        %add3A_1298 = arith.addf %add3A_1294, %exp3A_1297 : vector<16xf32>
        %div3A_1299 = arith.constant 1.000000e+00 : f32
        %div3A_1300 = vector.broadcast %div3A_1299 : f32 to vector<16xf32>
        %div3A_1301 = arith.divf %div3A_1300, %add3A_1298 : vector<16xf32>
        %broadcast_in_dim3A_1302 = arith.constant 48 : i32
        %broadcast_in_dim3A_1303 = vector.broadcast %broadcast_in_dim3A_1302 : i32 to vector<16xi32>
        %mul3A_1304 = arith.mulf %exp3A_1237, %div3A_1301 : vector<16xf32>
        tpu.vector_store_idx %arg9[%add3A_22, %broadcast_in_dim3A_1303], %mul3A_1304 : memref<256x128xf32, #tpu.memory_space<vmem>>[vector<16xi32>, vector<16xi32>], vector<16xf32>,
        %broadcast_in_dim3A_1305 = arith.constant 49 : i32
        %broadcast_in_dim3A_1306 = vector.broadcast %broadcast_in_dim3A_1305 : i32 to vector<16xi32>
        %mul3A_1307 = arith.mulf %exp3A_1241, %div3A_1301 : vector<16xf32>
        tpu.vector_store_idx %arg9[%add3A_22, %broadcast_in_dim3A_1306], %mul3A_1307 : memref<256x128xf32, #tpu.memory_space<vmem>>[vector<16xi32>, vector<16xi32>], vector<16xf32>,
        %broadcast_in_dim3A_1308 = arith.constant 50 : i32
        %broadcast_in_dim3A_1309 = vector.broadcast %broadcast_in_dim3A_1308 : i32 to vector<16xi32>
        %mul3A_1310 = arith.mulf %exp3A_1245, %div3A_1301 : vector<16xf32>
        tpu.vector_store_idx %arg9[%add3A_22, %broadcast_in_dim3A_1309], %mul3A_1310 : memref<256x128xf32, #tpu.memory_space<vmem>>[vector<16xi32>, vector<16xi32>], vector<16xf32>,
        %broadcast_in_dim3A_1311 = arith.constant 51 : i32
        %broadcast_in_dim3A_1312 = vector.broadcast %broadcast_in_dim3A_1311 : i32 to vector<16xi32>
        %mul3A_1313 = arith.mulf %exp3A_1249, %div3A_1301 : vector<16xf32>
        tpu.vector_store_idx %arg9[%add3A_22, %broadcast_in_dim3A_1312], %mul3A_1313 : memref<256x128xf32, #tpu.memory_space<vmem>>[vector<16xi32>, vector<16xi32>], vector<16xf32>,
        %broadcast_in_dim3A_1314 = arith.constant 52 : i32
        %broadcast_in_dim3A_1315 = vector.broadcast %broadcast_in_dim3A_1314 : i32 to vector<16xi32>
        %mul3A_1316 = arith.mulf %exp3A_1253, %div3A_1301 : vector<16xf32>
        tpu.vector_store_idx %arg9[%add3A_22, %broadcast_in_dim3A_1315], %mul3A_1316 : memref<256x128xf32, #tpu.memory_space<vmem>>[vector<16xi32>, vector<16xi32>], vector<16xf32>,
        %broadcast_in_dim3A_1317 = arith.constant 53 : i32
        %broadcast_in_dim3A_1318 = vector.broadcast %broadcast_in_dim3A_1317 : i32 to vector<16xi32>
        %mul3A_1319 = arith.mulf %exp3A_1257, %div3A_1301 : vector<16xf32>
        tpu.vector_store_idx %arg9[%add3A_22, %broadcast_in_dim3A_1318], %mul3A_1319 : memref<256x128xf32, #tpu.memory_space<vmem>>[vector<16xi32>, vector<16xi32>], vector<16xf32>,
        %broadcast_in_dim3A_1320 = arith.constant 54 : i32
        %broadcast_in_dim3A_1321 = vector.broadcast %broadcast_in_dim3A_1320 : i32 to vector<16xi32>
        %mul3A_1322 = arith.mulf %exp3A_1261, %div3A_1301 : vector<16xf32>
        tpu.vector_store_idx %arg9[%add3A_22, %broadcast_in_dim3A_1321], %mul3A_1322 : memref<256x128xf32, #tpu.memory_space<vmem>>[vector<16xi32>, vector<16xi32>], vector<16xf32>,
        %broadcast_in_dim3A_1323 = arith.constant 55 : i32
        %broadcast_in_dim3A_1324 = vector.broadcast %broadcast_in_dim3A_1323 : i32 to vector<16xi32>
        %mul3A_1325 = arith.mulf %exp3A_1265, %div3A_1301 : vector<16xf32>
        tpu.vector_store_idx %arg9[%add3A_22, %broadcast_in_dim3A_1324], %mul3A_1325 : memref<256x128xf32, #tpu.memory_space<vmem>>[vector<16xi32>, vector<16xi32>], vector<16xf32>,
        %broadcast_in_dim3A_1326 = arith.constant 56 : i32
        %broadcast_in_dim3A_1327 = vector.broadcast %broadcast_in_dim3A_1326 : i32 to vector<16xi32>
        %mul3A_1328 = arith.mulf %exp3A_1269, %div3A_1301 : vector<16xf32>
        tpu.vector_store_idx %arg9[%add3A_22, %broadcast_in_dim3A_1327], %mul3A_1328 : memref<256x128xf32, #tpu.memory_space<vmem>>[vector<16xi32>, vector<16xi32>], vector<16xf32>,
        %broadcast_in_dim3A_1329 = arith.constant 57 : i32
        %broadcast_in_dim3A_1330 = vector.broadcast %broadcast_in_dim3A_1329 : i32 to vector<16xi32>
        %mul3A_1331 = arith.mulf %exp3A_1273, %div3A_1301 : vector<16xf32>
        tpu.vector_store_idx %arg9[%add3A_22, %broadcast_in_dim3A_1330], %mul3A_1331 : memref<256x128xf32, #tpu.memory_space<vmem>>[vector<16xi32>, vector<16xi32>], vector<16xf32>,
        %broadcast_in_dim3A_1332 = arith.constant 58 : i32
        %broadcast_in_dim3A_1333 = vector.broadcast %broadcast_in_dim3A_1332 : i32 to vector<16xi32>
        %mul3A_1334 = arith.mulf %exp3A_1277, %div3A_1301 : vector<16xf32>
        tpu.vector_store_idx %arg9[%add3A_22, %broadcast_in_dim3A_1333], %mul3A_1334 : memref<256x128xf32, #tpu.memory_space<vmem>>[vector<16xi32>, vector<16xi32>], vector<16xf32>,
        %broadcast_in_dim3A_1335 = arith.constant 59 : i32
        %broadcast_in_dim3A_1336 = vector.broadcast %broadcast_in_dim3A_1335 : i32 to vector<16xi32>
        %mul3A_1337 = arith.mulf %exp3A_1281, %div3A_1301 : vector<16xf32>
        tpu.vector_store_idx %arg9[%add3A_22, %broadcast_in_dim3A_1336], %mul3A_1337 : memref<256x128xf32, #tpu.memory_space<vmem>>[vector<16xi32>, vector<16xi32>], vector<16xf32>,
        %broadcast_in_dim3A_1338 = arith.constant 60 : i32
        %broadcast_in_dim3A_1339 = vector.broadcast %broadcast_in_dim3A_1338 : i32 to vector<16xi32>
        %mul3A_1340 = arith.mulf %exp3A_1285, %div3A_1301 : vector<16xf32>
        tpu.vector_store_idx %arg9[%add3A_22, %broadcast_in_dim3A_1339], %mul3A_1340 : memref<256x128xf32, #tpu.memory_space<vmem>>[vector<16xi32>, vector<16xi32>], vector<16xf32>,
        %broadcast_in_dim3A_1341 = arith.constant 61 : i32
        %broadcast_in_dim3A_1342 = vector.broadcast %broadcast_in_dim3A_1341 : i32 to vector<16xi32>
        %mul3A_1343 = arith.mulf %exp3A_1289, %div3A_1301 : vector<16xf32>
        tpu.vector_store_idx %arg9[%add3A_22, %broadcast_in_dim3A_1342], %mul3A_1343 : memref<256x128xf32, #tpu.memory_space<vmem>>[vector<16xi32>, vector<16xi32>], vector<16xf32>,
        %broadcast_in_dim3A_1344 = arith.constant 62 : i32
        %broadcast_in_dim3A_1345 = vector.broadcast %broadcast_in_dim3A_1344 : i32 to vector<16xi32>
        %mul3A_1346 = arith.mulf %exp3A_1293, %div3A_1301 : vector<16xf32>
        tpu.vector_store_idx %arg9[%add3A_22, %broadcast_in_dim3A_1345], %mul3A_1346 : memref<256x128xf32, #tpu.memory_space<vmem>>[vector<16xi32>, vector<16xi32>], vector<16xf32>,
        %broadcast_in_dim3A_1347 = arith.constant 63 : i32
        %broadcast_in_dim3A_1348 = vector.broadcast %broadcast_in_dim3A_1347 : i32 to vector<16xi32>
        %mul3A_1349 = arith.mulf %exp3A_1297, %div3A_1301 : vector<16xf32>
        tpu.vector_store_idx %arg9[%add3A_22, %broadcast_in_dim3A_1348], %mul3A_1349 : memref<256x128xf32, #tpu.memory_space<vmem>>[vector<16xi32>, vector<16xi32>], vector<16xf32>,
        %mul3A_1350 = arith.constant 16 : i32
        %mul3A_1351 = arith.muli %scan3A_18, %mul3A_1350 : i32
        %get3A_1352 = arith.constant 4 : i32
        %get3A_1353 = arith.index_cast %get3A_1352 : i32 to index
        %get3A_1354 = arith.index_cast %mul3A_1351 : i32 to index
        %get3A_1355 = tpu.vector_load %arg8[%get3A_1353, %get3A_1354] {strides = array<i32>} : memref<8x256xf32, #tpu.memory_space<vmem>>, vector<16xf32>,
        %get3A_1356 = arith.constant 4 : i32
        %get3A_1357 = arith.index_cast %get3A_1356 : i32 to index
        %get3A_1358 = arith.constant 0 : index
        %get3A_1359 = tpu.vector_load %arg6[%get3A_1357, %get3A_1358] {strides = array<i32>} : memref<8x16xf32, #tpu.memory_space<vmem>>, vector<16xf32>,
        %get3A_1360 = arith.constant 4 : i32
        %get3A_1361 = arith.index_cast %get3A_1360 : i32 to index
        %get3A_1362 = arith.constant 0 : index
        %get3A_1363 = tpu.vector_load %arg7[%get3A_1361, %get3A_1362] {strides = array<i32>} : memref<8x16xf32, #tpu.memory_space<vmem>>, vector<16xf32>,
        %broadcast_in_dim3A_1364 = arith.constant 3.400000e+38 : f32
        %broadcast_in_dim3A_1365 = vector.broadcast %broadcast_in_dim3A_1364 : f32 to vector<16xf32>
        %broadcast_in_dim3A_1366 = arith.constant -3.400000e+38 : f32
        %broadcast_in_dim3A_1367 = vector.broadcast %broadcast_in_dim3A_1366 : f32 to vector<16xf32>
        %broadcast_in_dim3A_1368 = arith.constant 0.000000e+00 : f32
        %broadcast_in_dim3A_1369 = vector.broadcast %broadcast_in_dim3A_1368 : f32 to vector<16xf32>
        %slice3A_1370 = vector.extract_strided_slice %get3A_1359 {offsets = [0], sizes = [1], strides = [1]} : vector<16xf32> to vector<1xf32>
        %squeeze3A_1371 = vector.extract %slice3A_1370[0] : f32 from vector<1xf32>
        %broadcast_in_dim3A_1372 = vector.broadcast %squeeze3A_1371 : f32 to vector<16xf32>
        %sub3A_1373 = arith.subf %get3A_1355, %broadcast_in_dim3A_1372 : vector<16xf32>
        %abs3A_1374 = math.absf %sub3A_1373 : vector<16xf32>
        %lt3A_1375 = arith.cmpf olt, %abs3A_1374, %broadcast_in_dim3A_1365 : vector<16xf32>
        %slice3A_1376 = vector.extract_strided_slice %get3A_1363 {offsets = [0], sizes = [1], strides = [1]} : vector<16xf32> to vector<1xf32>
        %squeeze3A_1377 = vector.extract %slice3A_1376[0] : f32 from vector<1xf32>
        %broadcast_in_dim3A_1378 = vector.broadcast %squeeze3A_1377 : f32 to vector<16xf32>
        %select_n3A_1379 = arith.select %lt3A_1375, %broadcast_in_dim3A_1378, %broadcast_in_dim3A_1369 : vector<16xi1>, vector<16xf32>
        %min3A_1380 = arith.minimumf %broadcast_in_dim3A_1365, %abs3A_1374 : vector<16xf32>
        %max3A_1381 = arith.maximumf %broadcast_in_dim3A_1367, %abs3A_1374 : vector<16xf32>
        %slice3A_1382 = vector.extract_strided_slice %get3A_1359 {offsets = [1], sizes = [1], strides = [1]} : vector<16xf32> to vector<1xf32>
        %squeeze3A_1383 = vector.extract %slice3A_1382[0] : f32 from vector<1xf32>
        %broadcast_in_dim3A_1384 = vector.broadcast %squeeze3A_1383 : f32 to vector<16xf32>
        %sub3A_1385 = arith.subf %get3A_1355, %broadcast_in_dim3A_1384 : vector<16xf32>
        %abs3A_1386 = math.absf %sub3A_1385 : vector<16xf32>
        %lt3A_1387 = arith.cmpf olt, %abs3A_1386, %min3A_1380 : vector<16xf32>
        %slice3A_1388 = vector.extract_strided_slice %get3A_1363 {offsets = [1], sizes = [1], strides = [1]} : vector<16xf32> to vector<1xf32>
        %squeeze3A_1389 = vector.extract %slice3A_1388[0] : f32 from vector<1xf32>
        %broadcast_in_dim3A_1390 = vector.broadcast %squeeze3A_1389 : f32 to vector<16xf32>
        %select_n3A_1391 = arith.select %lt3A_1387, %broadcast_in_dim3A_1390, %select_n3A_1379 : vector<16xi1>, vector<16xf32>
        %min3A_1392 = arith.minimumf %min3A_1380, %abs3A_1386 : vector<16xf32>
        %max3A_1393 = arith.maximumf %max3A_1381, %abs3A_1386 : vector<16xf32>
        %slice3A_1394 = vector.extract_strided_slice %get3A_1359 {offsets = [2], sizes = [1], strides = [1]} : vector<16xf32> to vector<1xf32>
        %squeeze3A_1395 = vector.extract %slice3A_1394[0] : f32 from vector<1xf32>
        %broadcast_in_dim3A_1396 = vector.broadcast %squeeze3A_1395 : f32 to vector<16xf32>
        %sub3A_1397 = arith.subf %get3A_1355, %broadcast_in_dim3A_1396 : vector<16xf32>
        %abs3A_1398 = math.absf %sub3A_1397 : vector<16xf32>
        %lt3A_1399 = arith.cmpf olt, %abs3A_1398, %min3A_1392 : vector<16xf32>
        %slice3A_1400 = vector.extract_strided_slice %get3A_1363 {offsets = [2], sizes = [1], strides = [1]} : vector<16xf32> to vector<1xf32>
        %squeeze3A_1401 = vector.extract %slice3A_1400[0] : f32 from vector<1xf32>
        %broadcast_in_dim3A_1402 = vector.broadcast %squeeze3A_1401 : f32 to vector<16xf32>
        %select_n3A_1403 = arith.select %lt3A_1399, %broadcast_in_dim3A_1402, %select_n3A_1391 : vector<16xi1>, vector<16xf32>
        %min3A_1404 = arith.minimumf %min3A_1392, %abs3A_1398 : vector<16xf32>
        %max3A_1405 = arith.maximumf %max3A_1393, %abs3A_1398 : vector<16xf32>
        %slice3A_1406 = vector.extract_strided_slice %get3A_1359 {offsets = [3], sizes = [1], strides = [1]} : vector<16xf32> to vector<1xf32>
        %squeeze3A_1407 = vector.extract %slice3A_1406[0] : f32 from vector<1xf32>
        %broadcast_in_dim3A_1408 = vector.broadcast %squeeze3A_1407 : f32 to vector<16xf32>
        %sub3A_1409 = arith.subf %get3A_1355, %broadcast_in_dim3A_1408 : vector<16xf32>
        %abs3A_1410 = math.absf %sub3A_1409 : vector<16xf32>
        %lt3A_1411 = arith.cmpf olt, %abs3A_1410, %min3A_1404 : vector<16xf32>
        %slice3A_1412 = vector.extract_strided_slice %get3A_1363 {offsets = [3], sizes = [1], strides = [1]} : vector<16xf32> to vector<1xf32>
        %squeeze3A_1413 = vector.extract %slice3A_1412[0] : f32 from vector<1xf32>
        %broadcast_in_dim3A_1414 = vector.broadcast %squeeze3A_1413 : f32 to vector<16xf32>
        %select_n3A_1415 = arith.select %lt3A_1411, %broadcast_in_dim3A_1414, %select_n3A_1403 : vector<16xi1>, vector<16xf32>
        %min3A_1416 = arith.minimumf %min3A_1404, %abs3A_1410 : vector<16xf32>
        %max3A_1417 = arith.maximumf %max3A_1405, %abs3A_1410 : vector<16xf32>
        %slice3A_1418 = vector.extract_strided_slice %get3A_1359 {offsets = [4], sizes = [1], strides = [1]} : vector<16xf32> to vector<1xf32>
        %squeeze3A_1419 = vector.extract %slice3A_1418[0] : f32 from vector<1xf32>
        %broadcast_in_dim3A_1420 = vector.broadcast %squeeze3A_1419 : f32 to vector<16xf32>
        %sub3A_1421 = arith.subf %get3A_1355, %broadcast_in_dim3A_1420 : vector<16xf32>
        %abs3A_1422 = math.absf %sub3A_1421 : vector<16xf32>
        %lt3A_1423 = arith.cmpf olt, %abs3A_1422, %min3A_1416 : vector<16xf32>
        %slice3A_1424 = vector.extract_strided_slice %get3A_1363 {offsets = [4], sizes = [1], strides = [1]} : vector<16xf32> to vector<1xf32>
        %squeeze3A_1425 = vector.extract %slice3A_1424[0] : f32 from vector<1xf32>
        %broadcast_in_dim3A_1426 = vector.broadcast %squeeze3A_1425 : f32 to vector<16xf32>
        %select_n3A_1427 = arith.select %lt3A_1423, %broadcast_in_dim3A_1426, %select_n3A_1415 : vector<16xi1>, vector<16xf32>
        %min3A_1428 = arith.minimumf %min3A_1416, %abs3A_1422 : vector<16xf32>
        %max3A_1429 = arith.maximumf %max3A_1417, %abs3A_1422 : vector<16xf32>
        %slice3A_1430 = vector.extract_strided_slice %get3A_1359 {offsets = [5], sizes = [1], strides = [1]} : vector<16xf32> to vector<1xf32>
        %squeeze3A_1431 = vector.extract %slice3A_1430[0] : f32 from vector<1xf32>
        %broadcast_in_dim3A_1432 = vector.broadcast %squeeze3A_1431 : f32 to vector<16xf32>
        %sub3A_1433 = arith.subf %get3A_1355, %broadcast_in_dim3A_1432 : vector<16xf32>
        %abs3A_1434 = math.absf %sub3A_1433 : vector<16xf32>
        %lt3A_1435 = arith.cmpf olt, %abs3A_1434, %min3A_1428 : vector<16xf32>
        %slice3A_1436 = vector.extract_strided_slice %get3A_1363 {offsets = [5], sizes = [1], strides = [1]} : vector<16xf32> to vector<1xf32>
        %squeeze3A_1437 = vector.extract %slice3A_1436[0] : f32 from vector<1xf32>
        %broadcast_in_dim3A_1438 = vector.broadcast %squeeze3A_1437 : f32 to vector<16xf32>
        %select_n3A_1439 = arith.select %lt3A_1435, %broadcast_in_dim3A_1438, %select_n3A_1427 : vector<16xi1>, vector<16xf32>
        %min3A_1440 = arith.minimumf %min3A_1428, %abs3A_1434 : vector<16xf32>
        %max3A_1441 = arith.maximumf %max3A_1429, %abs3A_1434 : vector<16xf32>
        %slice3A_1442 = vector.extract_strided_slice %get3A_1359 {offsets = [6], sizes = [1], strides = [1]} : vector<16xf32> to vector<1xf32>
        %squeeze3A_1443 = vector.extract %slice3A_1442[0] : f32 from vector<1xf32>
        %broadcast_in_dim3A_1444 = vector.broadcast %squeeze3A_1443 : f32 to vector<16xf32>
        %sub3A_1445 = arith.subf %get3A_1355, %broadcast_in_dim3A_1444 : vector<16xf32>
        %abs3A_1446 = math.absf %sub3A_1445 : vector<16xf32>
        %lt3A_1447 = arith.cmpf olt, %abs3A_1446, %min3A_1440 : vector<16xf32>
        %slice3A_1448 = vector.extract_strided_slice %get3A_1363 {offsets = [6], sizes = [1], strides = [1]} : vector<16xf32> to vector<1xf32>
        %squeeze3A_1449 = vector.extract %slice3A_1448[0] : f32 from vector<1xf32>
        %broadcast_in_dim3A_1450 = vector.broadcast %squeeze3A_1449 : f32 to vector<16xf32>
        %select_n3A_1451 = arith.select %lt3A_1447, %broadcast_in_dim3A_1450, %select_n3A_1439 : vector<16xi1>, vector<16xf32>
        %min3A_1452 = arith.minimumf %min3A_1440, %abs3A_1446 : vector<16xf32>
        %max3A_1453 = arith.maximumf %max3A_1441, %abs3A_1446 : vector<16xf32>
        %slice3A_1454 = vector.extract_strided_slice %get3A_1359 {offsets = [7], sizes = [1], strides = [1]} : vector<16xf32> to vector<1xf32>
        %squeeze3A_1455 = vector.extract %slice3A_1454[0] : f32 from vector<1xf32>
        %broadcast_in_dim3A_1456 = vector.broadcast %squeeze3A_1455 : f32 to vector<16xf32>
        %sub3A_1457 = arith.subf %get3A_1355, %broadcast_in_dim3A_1456 : vector<16xf32>
        %abs3A_1458 = math.absf %sub3A_1457 : vector<16xf32>
        %lt3A_1459 = arith.cmpf olt, %abs3A_1458, %min3A_1452 : vector<16xf32>
        %slice3A_1460 = vector.extract_strided_slice %get3A_1363 {offsets = [7], sizes = [1], strides = [1]} : vector<16xf32> to vector<1xf32>
        %squeeze3A_1461 = vector.extract %slice3A_1460[0] : f32 from vector<1xf32>
        %broadcast_in_dim3A_1462 = vector.broadcast %squeeze3A_1461 : f32 to vector<16xf32>
        %select_n3A_1463 = arith.select %lt3A_1459, %broadcast_in_dim3A_1462, %select_n3A_1451 : vector<16xi1>, vector<16xf32>
        %min3A_1464 = arith.minimumf %min3A_1452, %abs3A_1458 : vector<16xf32>
        %max3A_1465 = arith.maximumf %max3A_1453, %abs3A_1458 : vector<16xf32>
        %slice3A_1466 = vector.extract_strided_slice %get3A_1359 {offsets = [8], sizes = [1], strides = [1]} : vector<16xf32> to vector<1xf32>
        %squeeze3A_1467 = vector.extract %slice3A_1466[0] : f32 from vector<1xf32>
        %broadcast_in_dim3A_1468 = vector.broadcast %squeeze3A_1467 : f32 to vector<16xf32>
        %sub3A_1469 = arith.subf %get3A_1355, %broadcast_in_dim3A_1468 : vector<16xf32>
        %abs3A_1470 = math.absf %sub3A_1469 : vector<16xf32>
        %lt3A_1471 = arith.cmpf olt, %abs3A_1470, %min3A_1464 : vector<16xf32>
        %slice3A_1472 = vector.extract_strided_slice %get3A_1363 {offsets = [8], sizes = [1], strides = [1]} : vector<16xf32> to vector<1xf32>
        %squeeze3A_1473 = vector.extract %slice3A_1472[0] : f32 from vector<1xf32>
        %broadcast_in_dim3A_1474 = vector.broadcast %squeeze3A_1473 : f32 to vector<16xf32>
        %select_n3A_1475 = arith.select %lt3A_1471, %broadcast_in_dim3A_1474, %select_n3A_1463 : vector<16xi1>, vector<16xf32>
        %min3A_1476 = arith.minimumf %min3A_1464, %abs3A_1470 : vector<16xf32>
        %max3A_1477 = arith.maximumf %max3A_1465, %abs3A_1470 : vector<16xf32>
        %slice3A_1478 = vector.extract_strided_slice %get3A_1359 {offsets = [9], sizes = [1], strides = [1]} : vector<16xf32> to vector<1xf32>
        %squeeze3A_1479 = vector.extract %slice3A_1478[0] : f32 from vector<1xf32>
        %broadcast_in_dim3A_1480 = vector.broadcast %squeeze3A_1479 : f32 to vector<16xf32>
        %sub3A_1481 = arith.subf %get3A_1355, %broadcast_in_dim3A_1480 : vector<16xf32>
        %abs3A_1482 = math.absf %sub3A_1481 : vector<16xf32>
        %lt3A_1483 = arith.cmpf olt, %abs3A_1482, %min3A_1476 : vector<16xf32>
        %slice3A_1484 = vector.extract_strided_slice %get3A_1363 {offsets = [9], sizes = [1], strides = [1]} : vector<16xf32> to vector<1xf32>
        %squeeze3A_1485 = vector.extract %slice3A_1484[0] : f32 from vector<1xf32>
        %broadcast_in_dim3A_1486 = vector.broadcast %squeeze3A_1485 : f32 to vector<16xf32>
        %select_n3A_1487 = arith.select %lt3A_1483, %broadcast_in_dim3A_1486, %select_n3A_1475 : vector<16xi1>, vector<16xf32>
        %min3A_1488 = arith.minimumf %min3A_1476, %abs3A_1482 : vector<16xf32>
        %max3A_1489 = arith.maximumf %max3A_1477, %abs3A_1482 : vector<16xf32>
        %slice3A_1490 = vector.extract_strided_slice %get3A_1359 {offsets = [10], sizes = [1], strides = [1]} : vector<16xf32> to vector<1xf32>
        %squeeze3A_1491 = vector.extract %slice3A_1490[0] : f32 from vector<1xf32>
        %broadcast_in_dim3A_1492 = vector.broadcast %squeeze3A_1491 : f32 to vector<16xf32>
        %sub3A_1493 = arith.subf %get3A_1355, %broadcast_in_dim3A_1492 : vector<16xf32>
        %abs3A_1494 = math.absf %sub3A_1493 : vector<16xf32>
        %lt3A_1495 = arith.cmpf olt, %abs3A_1494, %min3A_1488 : vector<16xf32>
        %slice3A_1496 = vector.extract_strided_slice %get3A_1363 {offsets = [10], sizes = [1], strides = [1]} : vector<16xf32> to vector<1xf32>
        %squeeze3A_1497 = vector.extract %slice3A_1496[0] : f32 from vector<1xf32>
        %broadcast_in_dim3A_1498 = vector.broadcast %squeeze3A_1497 : f32 to vector<16xf32>
        %select_n3A_1499 = arith.select %lt3A_1495, %broadcast_in_dim3A_1498, %select_n3A_1487 : vector<16xi1>, vector<16xf32>
        %min3A_1500 = arith.minimumf %min3A_1488, %abs3A_1494 : vector<16xf32>
        %max3A_1501 = arith.maximumf %max3A_1489, %abs3A_1494 : vector<16xf32>
        %slice3A_1502 = vector.extract_strided_slice %get3A_1359 {offsets = [11], sizes = [1], strides = [1]} : vector<16xf32> to vector<1xf32>
        %squeeze3A_1503 = vector.extract %slice3A_1502[0] : f32 from vector<1xf32>
        %broadcast_in_dim3A_1504 = vector.broadcast %squeeze3A_1503 : f32 to vector<16xf32>
        %sub3A_1505 = arith.subf %get3A_1355, %broadcast_in_dim3A_1504 : vector<16xf32>
        %abs3A_1506 = math.absf %sub3A_1505 : vector<16xf32>
        %lt3A_1507 = arith.cmpf olt, %abs3A_1506, %min3A_1500 : vector<16xf32>
        %slice3A_1508 = vector.extract_strided_slice %get3A_1363 {offsets = [11], sizes = [1], strides = [1]} : vector<16xf32> to vector<1xf32>
        %squeeze3A_1509 = vector.extract %slice3A_1508[0] : f32 from vector<1xf32>
        %broadcast_in_dim3A_1510 = vector.broadcast %squeeze3A_1509 : f32 to vector<16xf32>
        %select_n3A_1511 = arith.select %lt3A_1507, %broadcast_in_dim3A_1510, %select_n3A_1499 : vector<16xi1>, vector<16xf32>
        %min3A_1512 = arith.minimumf %min3A_1500, %abs3A_1506 : vector<16xf32>
        %max3A_1513 = arith.maximumf %max3A_1501, %abs3A_1506 : vector<16xf32>
        %slice3A_1514 = vector.extract_strided_slice %get3A_1359 {offsets = [12], sizes = [1], strides = [1]} : vector<16xf32> to vector<1xf32>
        %squeeze3A_1515 = vector.extract %slice3A_1514[0] : f32 from vector<1xf32>
        %broadcast_in_dim3A_1516 = vector.broadcast %squeeze3A_1515 : f32 to vector<16xf32>
        %sub3A_1517 = arith.subf %get3A_1355, %broadcast_in_dim3A_1516 : vector<16xf32>
        %abs3A_1518 = math.absf %sub3A_1517 : vector<16xf32>
        %lt3A_1519 = arith.cmpf olt, %abs3A_1518, %min3A_1512 : vector<16xf32>
        %slice3A_1520 = vector.extract_strided_slice %get3A_1363 {offsets = [12], sizes = [1], strides = [1]} : vector<16xf32> to vector<1xf32>
        %squeeze3A_1521 = vector.extract %slice3A_1520[0] : f32 from vector<1xf32>
        %broadcast_in_dim3A_1522 = vector.broadcast %squeeze3A_1521 : f32 to vector<16xf32>
        %select_n3A_1523 = arith.select %lt3A_1519, %broadcast_in_dim3A_1522, %select_n3A_1511 : vector<16xi1>, vector<16xf32>
        %min3A_1524 = arith.minimumf %min3A_1512, %abs3A_1518 : vector<16xf32>
        %max3A_1525 = arith.maximumf %max3A_1513, %abs3A_1518 : vector<16xf32>
        %slice3A_1526 = vector.extract_strided_slice %get3A_1359 {offsets = [13], sizes = [1], strides = [1]} : vector<16xf32> to vector<1xf32>
        %squeeze3A_1527 = vector.extract %slice3A_1526[0] : f32 from vector<1xf32>
        %broadcast_in_dim3A_1528 = vector.broadcast %squeeze3A_1527 : f32 to vector<16xf32>
        %sub3A_1529 = arith.subf %get3A_1355, %broadcast_in_dim3A_1528 : vector<16xf32>
        %abs3A_1530 = math.absf %sub3A_1529 : vector<16xf32>
        %lt3A_1531 = arith.cmpf olt, %abs3A_1530, %min3A_1524 : vector<16xf32>
        %slice3A_1532 = vector.extract_strided_slice %get3A_1363 {offsets = [13], sizes = [1], strides = [1]} : vector<16xf32> to vector<1xf32>
        %squeeze3A_1533 = vector.extract %slice3A_1532[0] : f32 from vector<1xf32>
        %broadcast_in_dim3A_1534 = vector.broadcast %squeeze3A_1533 : f32 to vector<16xf32>
        %select_n3A_1535 = arith.select %lt3A_1531, %broadcast_in_dim3A_1534, %select_n3A_1523 : vector<16xi1>, vector<16xf32>
        %min3A_1536 = arith.minimumf %min3A_1524, %abs3A_1530 : vector<16xf32>
        %max3A_1537 = arith.maximumf %max3A_1525, %abs3A_1530 : vector<16xf32>
        %slice3A_1538 = vector.extract_strided_slice %get3A_1359 {offsets = [14], sizes = [1], strides = [1]} : vector<16xf32> to vector<1xf32>
        %squeeze3A_1539 = vector.extract %slice3A_1538[0] : f32 from vector<1xf32>
        %broadcast_in_dim3A_1540 = vector.broadcast %squeeze3A_1539 : f32 to vector<16xf32>
        %sub3A_1541 = arith.subf %get3A_1355, %broadcast_in_dim3A_1540 : vector<16xf32>
        %abs3A_1542 = math.absf %sub3A_1541 : vector<16xf32>
        %lt3A_1543 = arith.cmpf olt, %abs3A_1542, %min3A_1536 : vector<16xf32>
        %slice3A_1544 = vector.extract_strided_slice %get3A_1363 {offsets = [14], sizes = [1], strides = [1]} : vector<16xf32> to vector<1xf32>
        %squeeze3A_1545 = vector.extract %slice3A_1544[0] : f32 from vector<1xf32>
        %broadcast_in_dim3A_1546 = vector.broadcast %squeeze3A_1545 : f32 to vector<16xf32>
        %select_n3A_1547 = arith.select %lt3A_1543, %broadcast_in_dim3A_1546, %select_n3A_1535 : vector<16xi1>, vector<16xf32>
        %min3A_1548 = arith.minimumf %min3A_1536, %abs3A_1542 : vector<16xf32>
        %max3A_1549 = arith.maximumf %max3A_1537, %abs3A_1542 : vector<16xf32>
        %slice3A_1550 = vector.extract_strided_slice %get3A_1359 {offsets = [15], sizes = [1], strides = [1]} : vector<16xf32> to vector<1xf32>
        %squeeze3A_1551 = vector.extract %slice3A_1550[0] : f32 from vector<1xf32>
        %broadcast_in_dim3A_1552 = vector.broadcast %squeeze3A_1551 : f32 to vector<16xf32>
        %sub3A_1553 = arith.subf %get3A_1355, %broadcast_in_dim3A_1552 : vector<16xf32>
        %abs3A_1554 = math.absf %sub3A_1553 : vector<16xf32>
        %lt3A_1555 = arith.cmpf olt, %abs3A_1554, %min3A_1548 : vector<16xf32>
        %slice3A_1556 = vector.extract_strided_slice %get3A_1363 {offsets = [15], sizes = [1], strides = [1]} : vector<16xf32> to vector<1xf32>
        %squeeze3A_1557 = vector.extract %slice3A_1556[0] : f32 from vector<1xf32>
        %broadcast_in_dim3A_1558 = vector.broadcast %squeeze3A_1557 : f32 to vector<16xf32>
        %select_n3A_1559 = arith.select %lt3A_1555, %broadcast_in_dim3A_1558, %select_n3A_1547 : vector<16xi1>, vector<16xf32>
        %min3A_1560 = arith.minimumf %min3A_1548, %abs3A_1554 : vector<16xf32>
        %max3A_1561 = arith.maximumf %max3A_1549, %abs3A_1554 : vector<16xf32>
        %neg3A_1562 = arith.constant 0.000000e+00 : f32
        %neg3A_1563 = vector.broadcast %neg3A_1562 : f32 to vector<16xf32>
        %neg3A_1564 = arith.subf %neg3A_1563, %select_n3A_1559 : vector<16xf32>
        %mul3A_1565 = arith.mulf %min3A_1560, %neg3A_1564 : vector<16xf32>
        %mul3A_1566 = arith.mulf %max3A_1561, %neg3A_1564 : vector<16xf32>
        %max3A_1567 = arith.maximumf %mul3A_1565, %mul3A_1566 : vector<16xf32>
        %broadcast_in_dim3A_1568 = arith.constant 0.000000e+00 : f32
        %broadcast_in_dim3A_1569 = vector.broadcast %broadcast_in_dim3A_1568 : f32 to vector<16xf32>
        %mul3A_1570 = arith.mulf %abs3A_1374, %neg3A_1564 : vector<16xf32>
        %sub3A_1571 = arith.subf %mul3A_1570, %max3A_1567 : vector<16xf32>
        %exp3A_1572 = math.exp %sub3A_1571 : vector<16xf32>
        %add3A_1573 = arith.addf %broadcast_in_dim3A_1569, %exp3A_1572 : vector<16xf32>
        %mul3A_1574 = arith.mulf %abs3A_1386, %neg3A_1564 : vector<16xf32>
        %sub3A_1575 = arith.subf %mul3A_1574, %max3A_1567 : vector<16xf32>
        %exp3A_1576 = math.exp %sub3A_1575 : vector<16xf32>
        %add3A_1577 = arith.addf %add3A_1573, %exp3A_1576 : vector<16xf32>
        %mul3A_1578 = arith.mulf %abs3A_1398, %neg3A_1564 : vector<16xf32>
        %sub3A_1579 = arith.subf %mul3A_1578, %max3A_1567 : vector<16xf32>
        %exp3A_1580 = math.exp %sub3A_1579 : vector<16xf32>
        %add3A_1581 = arith.addf %add3A_1577, %exp3A_1580 : vector<16xf32>
        %mul3A_1582 = arith.mulf %abs3A_1410, %neg3A_1564 : vector<16xf32>
        %sub3A_1583 = arith.subf %mul3A_1582, %max3A_1567 : vector<16xf32>
        %exp3A_1584 = math.exp %sub3A_1583 : vector<16xf32>
        %add3A_1585 = arith.addf %add3A_1581, %exp3A_1584 : vector<16xf32>
        %mul3A_1586 = arith.mulf %abs3A_1422, %neg3A_1564 : vector<16xf32>
        %sub3A_1587 = arith.subf %mul3A_1586, %max3A_1567 : vector<16xf32>
        %exp3A_1588 = math.exp %sub3A_1587 : vector<16xf32>
        %add3A_1589 = arith.addf %add3A_1585, %exp3A_1588 : vector<16xf32>
        %mul3A_1590 = arith.mulf %abs3A_1434, %neg3A_1564 : vector<16xf32>
        %sub3A_1591 = arith.subf %mul3A_1590, %max3A_1567 : vector<16xf32>
        %exp3A_1592 = math.exp %sub3A_1591 : vector<16xf32>
        %add3A_1593 = arith.addf %add3A_1589, %exp3A_1592 : vector<16xf32>
        %mul3A_1594 = arith.mulf %abs3A_1446, %neg3A_1564 : vector<16xf32>
        %sub3A_1595 = arith.subf %mul3A_1594, %max3A_1567 : vector<16xf32>
        %exp3A_1596 = math.exp %sub3A_1595 : vector<16xf32>
        %add3A_1597 = arith.addf %add3A_1593, %exp3A_1596 : vector<16xf32>
        %mul3A_1598 = arith.mulf %abs3A_1458, %neg3A_1564 : vector<16xf32>
        %sub3A_1599 = arith.subf %mul3A_1598, %max3A_1567 : vector<16xf32>
        %exp3A_1600 = math.exp %sub3A_1599 : vector<16xf32>
        %add3A_1601 = arith.addf %add3A_1597, %exp3A_1600 : vector<16xf32>
        %mul3A_1602 = arith.mulf %abs3A_1470, %neg3A_1564 : vector<16xf32>
        %sub3A_1603 = arith.subf %mul3A_1602, %max3A_1567 : vector<16xf32>
        %exp3A_1604 = math.exp %sub3A_1603 : vector<16xf32>
        %add3A_1605 = arith.addf %add3A_1601, %exp3A_1604 : vector<16xf32>
        %mul3A_1606 = arith.mulf %abs3A_1482, %neg3A_1564 : vector<16xf32>
        %sub3A_1607 = arith.subf %mul3A_1606, %max3A_1567 : vector<16xf32>
        %exp3A_1608 = math.exp %sub3A_1607 : vector<16xf32>
        %add3A_1609 = arith.addf %add3A_1605, %exp3A_1608 : vector<16xf32>
        %mul3A_1610 = arith.mulf %abs3A_1494, %neg3A_1564 : vector<16xf32>
        %sub3A_1611 = arith.subf %mul3A_1610, %max3A_1567 : vector<16xf32>
        %exp3A_1612 = math.exp %sub3A_1611 : vector<16xf32>
        %add3A_1613 = arith.addf %add3A_1609, %exp3A_1612 : vector<16xf32>
        %mul3A_1614 = arith.mulf %abs3A_1506, %neg3A_1564 : vector<16xf32>
        %sub3A_1615 = arith.subf %mul3A_1614, %max3A_1567 : vector<16xf32>
        %exp3A_1616 = math.exp %sub3A_1615 : vector<16xf32>
        %add3A_1617 = arith.addf %add3A_1613, %exp3A_1616 : vector<16xf32>
        %mul3A_1618 = arith.mulf %abs3A_1518, %neg3A_1564 : vector<16xf32>
        %sub3A_1619 = arith.subf %mul3A_1618, %max3A_1567 : vector<16xf32>
        %exp3A_1620 = math.exp %sub3A_1619 : vector<16xf32>
        %add3A_1621 = arith.addf %add3A_1617, %exp3A_1620 : vector<16xf32>
        %mul3A_1622 = arith.mulf %abs3A_1530, %neg3A_1564 : vector<16xf32>
        %sub3A_1623 = arith.subf %mul3A_1622, %max3A_1567 : vector<16xf32>
        %exp3A_1624 = math.exp %sub3A_1623 : vector<16xf32>
        %add3A_1625 = arith.addf %add3A_1621, %exp3A_1624 : vector<16xf32>
        %mul3A_1626 = arith.mulf %abs3A_1542, %neg3A_1564 : vector<16xf32>
        %sub3A_1627 = arith.subf %mul3A_1626, %max3A_1567 : vector<16xf32>
        %exp3A_1628 = math.exp %sub3A_1627 : vector<16xf32>
        %add3A_1629 = arith.addf %add3A_1625, %exp3A_1628 : vector<16xf32>
        %mul3A_1630 = arith.mulf %abs3A_1554, %neg3A_1564 : vector<16xf32>
        %sub3A_1631 = arith.subf %mul3A_1630, %max3A_1567 : vector<16xf32>
        %exp3A_1632 = math.exp %sub3A_1631 : vector<16xf32>
        %add3A_1633 = arith.addf %add3A_1629, %exp3A_1632 : vector<16xf32>
        %div3A_1634 = arith.constant 1.000000e+00 : f32
        %div3A_1635 = vector.broadcast %div3A_1634 : f32 to vector<16xf32>
        %div3A_1636 = arith.divf %div3A_1635, %add3A_1633 : vector<16xf32>
        %broadcast_in_dim3A_1637 = arith.constant 64 : i32
        %broadcast_in_dim3A_1638 = vector.broadcast %broadcast_in_dim3A_1637 : i32 to vector<16xi32>
        %mul3A_1639 = arith.mulf %exp3A_1572, %div3A_1636 : vector<16xf32>
        tpu.vector_store_idx %arg9[%add3A_22, %broadcast_in_dim3A_1638], %mul3A_1639 : memref<256x128xf32, #tpu.memory_space<vmem>>[vector<16xi32>, vector<16xi32>], vector<16xf32>,
        %broadcast_in_dim3A_1640 = arith.constant 65 : i32
        %broadcast_in_dim3A_1641 = vector.broadcast %broadcast_in_dim3A_1640 : i32 to vector<16xi32>
        %mul3A_1642 = arith.mulf %exp3A_1576, %div3A_1636 : vector<16xf32>
        tpu.vector_store_idx %arg9[%add3A_22, %broadcast_in_dim3A_1641], %mul3A_1642 : memref<256x128xf32, #tpu.memory_space<vmem>>[vector<16xi32>, vector<16xi32>], vector<16xf32>,
        %broadcast_in_dim3A_1643 = arith.constant 66 : i32
        %broadcast_in_dim3A_1644 = vector.broadcast %broadcast_in_dim3A_1643 : i32 to vector<16xi32>
        %mul3A_1645 = arith.mulf %exp3A_1580, %div3A_1636 : vector<16xf32>
        tpu.vector_store_idx %arg9[%add3A_22, %broadcast_in_dim3A_1644], %mul3A_1645 : memref<256x128xf32, #tpu.memory_space<vmem>>[vector<16xi32>, vector<16xi32>], vector<16xf32>,
        %broadcast_in_dim3A_1646 = arith.constant 67 : i32
        %broadcast_in_dim3A_1647 = vector.broadcast %broadcast_in_dim3A_1646 : i32 to vector<16xi32>
        %mul3A_1648 = arith.mulf %exp3A_1584, %div3A_1636 : vector<16xf32>
        tpu.vector_store_idx %arg9[%add3A_22, %broadcast_in_dim3A_1647], %mul3A_1648 : memref<256x128xf32, #tpu.memory_space<vmem>>[vector<16xi32>, vector<16xi32>], vector<16xf32>,
        %broadcast_in_dim3A_1649 = arith.constant 68 : i32
        %broadcast_in_dim3A_1650 = vector.broadcast %broadcast_in_dim3A_1649 : i32 to vector<16xi32>
        %mul3A_1651 = arith.mulf %exp3A_1588, %div3A_1636 : vector<16xf32>
        tpu.vector_store_idx %arg9[%add3A_22, %broadcast_in_dim3A_1650], %mul3A_1651 : memref<256x128xf32, #tpu.memory_space<vmem>>[vector<16xi32>, vector<16xi32>], vector<16xf32>,
        %broadcast_in_dim3A_1652 = arith.constant 69 : i32
        %broadcast_in_dim3A_1653 = vector.broadcast %broadcast_in_dim3A_1652 : i32 to vector<16xi32>
        %mul3A_1654 = arith.mulf %exp3A_1592, %div3A_1636 : vector<16xf32>
        tpu.vector_store_idx %arg9[%add3A_22, %broadcast_in_dim3A_1653], %mul3A_1654 : memref<256x128xf32, #tpu.memory_space<vmem>>[vector<16xi32>, vector<16xi32>], vector<16xf32>,
        %broadcast_in_dim3A_1655 = arith.constant 70 : i32
        %broadcast_in_dim3A_1656 = vector.broadcast %broadcast_in_dim3A_1655 : i32 to vector<16xi32>
        %mul3A_1657 = arith.mulf %exp3A_1596, %div3A_1636 : vector<16xf32>
        tpu.vector_store_idx %arg9[%add3A_22, %broadcast_in_dim3A_1656], %mul3A_1657 : memref<256x128xf32, #tpu.memory_space<vmem>>[vector<16xi32>, vector<16xi32>], vector<16xf32>,
        %broadcast_in_dim3A_1658 = arith.constant 71 : i32
        %broadcast_in_dim3A_1659 = vector.broadcast %broadcast_in_dim3A_1658 : i32 to vector<16xi32>
        %mul3A_1660 = arith.mulf %exp3A_1600, %div3A_1636 : vector<16xf32>
        tpu.vector_store_idx %arg9[%add3A_22, %broadcast_in_dim3A_1659], %mul3A_1660 : memref<256x128xf32, #tpu.memory_space<vmem>>[vector<16xi32>, vector<16xi32>], vector<16xf32>,
        %broadcast_in_dim3A_1661 = arith.constant 72 : i32
        %broadcast_in_dim3A_1662 = vector.broadcast %broadcast_in_dim3A_1661 : i32 to vector<16xi32>
        %mul3A_1663 = arith.mulf %exp3A_1604, %div3A_1636 : vector<16xf32>
        tpu.vector_store_idx %arg9[%add3A_22, %broadcast_in_dim3A_1662], %mul3A_1663 : memref<256x128xf32, #tpu.memory_space<vmem>>[vector<16xi32>, vector<16xi32>], vector<16xf32>,
        %broadcast_in_dim3A_1664 = arith.constant 73 : i32
        %broadcast_in_dim3A_1665 = vector.broadcast %broadcast_in_dim3A_1664 : i32 to vector<16xi32>
        %mul3A_1666 = arith.mulf %exp3A_1608, %div3A_1636 : vector<16xf32>
        tpu.vector_store_idx %arg9[%add3A_22, %broadcast_in_dim3A_1665], %mul3A_1666 : memref<256x128xf32, #tpu.memory_space<vmem>>[vector<16xi32>, vector<16xi32>], vector<16xf32>,
        %broadcast_in_dim3A_1667 = arith.constant 74 : i32
        %broadcast_in_dim3A_1668 = vector.broadcast %broadcast_in_dim3A_1667 : i32 to vector<16xi32>
        %mul3A_1669 = arith.mulf %exp3A_1612, %div3A_1636 : vector<16xf32>
        tpu.vector_store_idx %arg9[%add3A_22, %broadcast_in_dim3A_1668], %mul3A_1669 : memref<256x128xf32, #tpu.memory_space<vmem>>[vector<16xi32>, vector<16xi32>], vector<16xf32>,
        %broadcast_in_dim3A_1670 = arith.constant 75 : i32
        %broadcast_in_dim3A_1671 = vector.broadcast %broadcast_in_dim3A_1670 : i32 to vector<16xi32>
        %mul3A_1672 = arith.mulf %exp3A_1616, %div3A_1636 : vector<16xf32>
        tpu.vector_store_idx %arg9[%add3A_22, %broadcast_in_dim3A_1671], %mul3A_1672 : memref<256x128xf32, #tpu.memory_space<vmem>>[vector<16xi32>, vector<16xi32>], vector<16xf32>,
        %broadcast_in_dim3A_1673 = arith.constant 76 : i32
        %broadcast_in_dim3A_1674 = vector.broadcast %broadcast_in_dim3A_1673 : i32 to vector<16xi32>
        %mul3A_1675 = arith.mulf %exp3A_1620, %div3A_1636 : vector<16xf32>
        tpu.vector_store_idx %arg9[%add3A_22, %broadcast_in_dim3A_1674], %mul3A_1675 : memref<256x128xf32, #tpu.memory_space<vmem>>[vector<16xi32>, vector<16xi32>], vector<16xf32>,
        %broadcast_in_dim3A_1676 = arith.constant 77 : i32
        %broadcast_in_dim3A_1677 = vector.broadcast %broadcast_in_dim3A_1676 : i32 to vector<16xi32>
        %mul3A_1678 = arith.mulf %exp3A_1624, %div3A_1636 : vector<16xf32>
        tpu.vector_store_idx %arg9[%add3A_22, %broadcast_in_dim3A_1677], %mul3A_1678 : memref<256x128xf32, #tpu.memory_space<vmem>>[vector<16xi32>, vector<16xi32>], vector<16xf32>,
        %broadcast_in_dim3A_1679 = arith.constant 78 : i32
        %broadcast_in_dim3A_1680 = vector.broadcast %broadcast_in_dim3A_1679 : i32 to vector<16xi32>
        %mul3A_1681 = arith.mulf %exp3A_1628, %div3A_1636 : vector<16xf32>
        tpu.vector_store_idx %arg9[%add3A_22, %broadcast_in_dim3A_1680], %mul3A_1681 : memref<256x128xf32, #tpu.memory_space<vmem>>[vector<16xi32>, vector<16xi32>], vector<16xf32>,
        %broadcast_in_dim3A_1682 = arith.constant 79 : i32
        %broadcast_in_dim3A_1683 = vector.broadcast %broadcast_in_dim3A_1682 : i32 to vector<16xi32>
        %mul3A_1684 = arith.mulf %exp3A_1632, %div3A_1636 : vector<16xf32>
        tpu.vector_store_idx %arg9[%add3A_22, %broadcast_in_dim3A_1683], %mul3A_1684 : memref<256x128xf32, #tpu.memory_space<vmem>>[vector<16xi32>, vector<16xi32>], vector<16xf32>,
        %mul3A_1685 = arith.constant 16 : i32
        %mul3A_1686 = arith.muli %scan3A_18, %mul3A_1685 : i32
        %get3A_1687 = arith.constant 5 : i32
        %get3A_1688 = arith.index_cast %get3A_1687 : i32 to index
        %get3A_1689 = arith.index_cast %mul3A_1686 : i32 to index
        %get3A_1690 = tpu.vector_load %arg8[%get3A_1688, %get3A_1689] {strides = array<i32>} : memref<8x256xf32, #tpu.memory_space<vmem>>, vector<16xf32>,
        %get3A_1691 = arith.constant 5 : i32
        %get3A_1692 = arith.index_cast %get3A_1691 : i32 to index
        %get3A_1693 = arith.constant 0 : index
        %get3A_1694 = tpu.vector_load %arg6[%get3A_1692, %get3A_1693] {strides = array<i32>} : memref<8x16xf32, #tpu.memory_space<vmem>>, vector<16xf32>,
        %get3A_1695 = arith.constant 5 : i32
        %get3A_1696 = arith.index_cast %get3A_1695 : i32 to index
        %get3A_1697 = arith.constant 0 : index
        %get3A_1698 = tpu.vector_load %arg7[%get3A_1696, %get3A_1697] {strides = array<i32>} : memref<8x16xf32, #tpu.memory_space<vmem>>, vector<16xf32>,
        %broadcast_in_dim3A_1699 = arith.constant 3.400000e+38 : f32
        %broadcast_in_dim3A_1700 = vector.broadcast %broadcast_in_dim3A_1699 : f32 to vector<16xf32>
        %broadcast_in_dim3A_1701 = arith.constant -3.400000e+38 : f32
        %broadcast_in_dim3A_1702 = vector.broadcast %broadcast_in_dim3A_1701 : f32 to vector<16xf32>
        %broadcast_in_dim3A_1703 = arith.constant 0.000000e+00 : f32
        %broadcast_in_dim3A_1704 = vector.broadcast %broadcast_in_dim3A_1703 : f32 to vector<16xf32>
        %slice3A_1705 = vector.extract_strided_slice %get3A_1694 {offsets = [0], sizes = [1], strides = [1]} : vector<16xf32> to vector<1xf32>
        %squeeze3A_1706 = vector.extract %slice3A_1705[0] : f32 from vector<1xf32>
        %broadcast_in_dim3A_1707 = vector.broadcast %squeeze3A_1706 : f32 to vector<16xf32>
        %sub3A_1708 = arith.subf %get3A_1690, %broadcast_in_dim3A_1707 : vector<16xf32>
        %abs3A_1709 = math.absf %sub3A_1708 : vector<16xf32>
        %lt3A_1710 = arith.cmpf olt, %abs3A_1709, %broadcast_in_dim3A_1700 : vector<16xf32>
        %slice3A_1711 = vector.extract_strided_slice %get3A_1698 {offsets = [0], sizes = [1], strides = [1]} : vector<16xf32> to vector<1xf32>
        %squeeze3A_1712 = vector.extract %slice3A_1711[0] : f32 from vector<1xf32>
        %broadcast_in_dim3A_1713 = vector.broadcast %squeeze3A_1712 : f32 to vector<16xf32>
        %select_n3A_1714 = arith.select %lt3A_1710, %broadcast_in_dim3A_1713, %broadcast_in_dim3A_1704 : vector<16xi1>, vector<16xf32>
        %min3A_1715 = arith.minimumf %broadcast_in_dim3A_1700, %abs3A_1709 : vector<16xf32>
        %max3A_1716 = arith.maximumf %broadcast_in_dim3A_1702, %abs3A_1709 : vector<16xf32>
        %slice3A_1717 = vector.extract_strided_slice %get3A_1694 {offsets = [1], sizes = [1], strides = [1]} : vector<16xf32> to vector<1xf32>
        %squeeze3A_1718 = vector.extract %slice3A_1717[0] : f32 from vector<1xf32>
        %broadcast_in_dim3A_1719 = vector.broadcast %squeeze3A_1718 : f32 to vector<16xf32>
        %sub3A_1720 = arith.subf %get3A_1690, %broadcast_in_dim3A_1719 : vector<16xf32>
        %abs3A_1721 = math.absf %sub3A_1720 : vector<16xf32>
        %lt3A_1722 = arith.cmpf olt, %abs3A_1721, %min3A_1715 : vector<16xf32>
        %slice3A_1723 = vector.extract_strided_slice %get3A_1698 {offsets = [1], sizes = [1], strides = [1]} : vector<16xf32> to vector<1xf32>
        %squeeze3A_1724 = vector.extract %slice3A_1723[0] : f32 from vector<1xf32>
        %broadcast_in_dim3A_1725 = vector.broadcast %squeeze3A_1724 : f32 to vector<16xf32>
        %select_n3A_1726 = arith.select %lt3A_1722, %broadcast_in_dim3A_1725, %select_n3A_1714 : vector<16xi1>, vector<16xf32>
        %min3A_1727 = arith.minimumf %min3A_1715, %abs3A_1721 : vector<16xf32>
        %max3A_1728 = arith.maximumf %max3A_1716, %abs3A_1721 : vector<16xf32>
        %slice3A_1729 = vector.extract_strided_slice %get3A_1694 {offsets = [2], sizes = [1], strides = [1]} : vector<16xf32> to vector<1xf32>
        %squeeze3A_1730 = vector.extract %slice3A_1729[0] : f32 from vector<1xf32>
        %broadcast_in_dim3A_1731 = vector.broadcast %squeeze3A_1730 : f32 to vector<16xf32>
        %sub3A_1732 = arith.subf %get3A_1690, %broadcast_in_dim3A_1731 : vector<16xf32>
        %abs3A_1733 = math.absf %sub3A_1732 : vector<16xf32>
        %lt3A_1734 = arith.cmpf olt, %abs3A_1733, %min3A_1727 : vector<16xf32>
        %slice3A_1735 = vector.extract_strided_slice %get3A_1698 {offsets = [2], sizes = [1], strides = [1]} : vector<16xf32> to vector<1xf32>
        %squeeze3A_1736 = vector.extract %slice3A_1735[0] : f32 from vector<1xf32>
        %broadcast_in_dim3A_1737 = vector.broadcast %squeeze3A_1736 : f32 to vector<16xf32>
        %select_n3A_1738 = arith.select %lt3A_1734, %broadcast_in_dim3A_1737, %select_n3A_1726 : vector<16xi1>, vector<16xf32>
        %min3A_1739 = arith.minimumf %min3A_1727, %abs3A_1733 : vector<16xf32>
        %max3A_1740 = arith.maximumf %max3A_1728, %abs3A_1733 : vector<16xf32>
        %slice3A_1741 = vector.extract_strided_slice %get3A_1694 {offsets = [3], sizes = [1], strides = [1]} : vector<16xf32> to vector<1xf32>
        %squeeze3A_1742 = vector.extract %slice3A_1741[0] : f32 from vector<1xf32>
        %broadcast_in_dim3A_1743 = vector.broadcast %squeeze3A_1742 : f32 to vector<16xf32>
        %sub3A_1744 = arith.subf %get3A_1690, %broadcast_in_dim3A_1743 : vector<16xf32>
        %abs3A_1745 = math.absf %sub3A_1744 : vector<16xf32>
        %lt3A_1746 = arith.cmpf olt, %abs3A_1745, %min3A_1739 : vector<16xf32>
        %slice3A_1747 = vector.extract_strided_slice %get3A_1698 {offsets = [3], sizes = [1], strides = [1]} : vector<16xf32> to vector<1xf32>
        %squeeze3A_1748 = vector.extract %slice3A_1747[0] : f32 from vector<1xf32>
        %broadcast_in_dim3A_1749 = vector.broadcast %squeeze3A_1748 : f32 to vector<16xf32>
        %select_n3A_1750 = arith.select %lt3A_1746, %broadcast_in_dim3A_1749, %select_n3A_1738 : vector<16xi1>, vector<16xf32>
        %min3A_1751 = arith.minimumf %min3A_1739, %abs3A_1745 : vector<16xf32>
        %max3A_1752 = arith.maximumf %max3A_1740, %abs3A_1745 : vector<16xf32>
        %slice3A_1753 = vector.extract_strided_slice %get3A_1694 {offsets = [4], sizes = [1], strides = [1]} : vector<16xf32> to vector<1xf32>
        %squeeze3A_1754 = vector.extract %slice3A_1753[0] : f32 from vector<1xf32>
        %broadcast_in_dim3A_1755 = vector.broadcast %squeeze3A_1754 : f32 to vector<16xf32>
        %sub3A_1756 = arith.subf %get3A_1690, %broadcast_in_dim3A_1755 : vector<16xf32>
        %abs3A_1757 = math.absf %sub3A_1756 : vector<16xf32>
        %lt3A_1758 = arith.cmpf olt, %abs3A_1757, %min3A_1751 : vector<16xf32>
        %slice3A_1759 = vector.extract_strided_slice %get3A_1698 {offsets = [4], sizes = [1], strides = [1]} : vector<16xf32> to vector<1xf32>
        %squeeze3A_1760 = vector.extract %slice3A_1759[0] : f32 from vector<1xf32>
        %broadcast_in_dim3A_1761 = vector.broadcast %squeeze3A_1760 : f32 to vector<16xf32>
        %select_n3A_1762 = arith.select %lt3A_1758, %broadcast_in_dim3A_1761, %select_n3A_1750 : vector<16xi1>, vector<16xf32>
        %min3A_1763 = arith.minimumf %min3A_1751, %abs3A_1757 : vector<16xf32>
        %max3A_1764 = arith.maximumf %max3A_1752, %abs3A_1757 : vector<16xf32>
        %slice3A_1765 = vector.extract_strided_slice %get3A_1694 {offsets = [5], sizes = [1], strides = [1]} : vector<16xf32> to vector<1xf32>
        %squeeze3A_1766 = vector.extract %slice3A_1765[0] : f32 from vector<1xf32>
        %broadcast_in_dim3A_1767 = vector.broadcast %squeeze3A_1766 : f32 to vector<16xf32>
        %sub3A_1768 = arith.subf %get3A_1690, %broadcast_in_dim3A_1767 : vector<16xf32>
        %abs3A_1769 = math.absf %sub3A_1768 : vector<16xf32>
        %lt3A_1770 = arith.cmpf olt, %abs3A_1769, %min3A_1763 : vector<16xf32>
        %slice3A_1771 = vector.extract_strided_slice %get3A_1698 {offsets = [5], sizes = [1], strides = [1]} : vector<16xf32> to vector<1xf32>
        %squeeze3A_1772 = vector.extract %slice3A_1771[0] : f32 from vector<1xf32>
        %broadcast_in_dim3A_1773 = vector.broadcast %squeeze3A_1772 : f32 to vector<16xf32>
        %select_n3A_1774 = arith.select %lt3A_1770, %broadcast_in_dim3A_1773, %select_n3A_1762 : vector<16xi1>, vector<16xf32>
        %min3A_1775 = arith.minimumf %min3A_1763, %abs3A_1769 : vector<16xf32>
        %max3A_1776 = arith.maximumf %max3A_1764, %abs3A_1769 : vector<16xf32>
        %slice3A_1777 = vector.extract_strided_slice %get3A_1694 {offsets = [6], sizes = [1], strides = [1]} : vector<16xf32> to vector<1xf32>
        %squeeze3A_1778 = vector.extract %slice3A_1777[0] : f32 from vector<1xf32>
        %broadcast_in_dim3A_1779 = vector.broadcast %squeeze3A_1778 : f32 to vector<16xf32>
        %sub3A_1780 = arith.subf %get3A_1690, %broadcast_in_dim3A_1779 : vector<16xf32>
        %abs3A_1781 = math.absf %sub3A_1780 : vector<16xf32>
        %lt3A_1782 = arith.cmpf olt, %abs3A_1781, %min3A_1775 : vector<16xf32>
        %slice3A_1783 = vector.extract_strided_slice %get3A_1698 {offsets = [6], sizes = [1], strides = [1]} : vector<16xf32> to vector<1xf32>
        %squeeze3A_1784 = vector.extract %slice3A_1783[0] : f32 from vector<1xf32>
        %broadcast_in_dim3A_1785 = vector.broadcast %squeeze3A_1784 : f32 to vector<16xf32>
        %select_n3A_1786 = arith.select %lt3A_1782, %broadcast_in_dim3A_1785, %select_n3A_1774 : vector<16xi1>, vector<16xf32>
        %min3A_1787 = arith.minimumf %min3A_1775, %abs3A_1781 : vector<16xf32>
        %max3A_1788 = arith.maximumf %max3A_1776, %abs3A_1781 : vector<16xf32>
        %slice3A_1789 = vector.extract_strided_slice %get3A_1694 {offsets = [7], sizes = [1], strides = [1]} : vector<16xf32> to vector<1xf32>
        %squeeze3A_1790 = vector.extract %slice3A_1789[0] : f32 from vector<1xf32>
        %broadcast_in_dim3A_1791 = vector.broadcast %squeeze3A_1790 : f32 to vector<16xf32>
        %sub3A_1792 = arith.subf %get3A_1690, %broadcast_in_dim3A_1791 : vector<16xf32>
        %abs3A_1793 = math.absf %sub3A_1792 : vector<16xf32>
        %lt3A_1794 = arith.cmpf olt, %abs3A_1793, %min3A_1787 : vector<16xf32>
        %slice3A_1795 = vector.extract_strided_slice %get3A_1698 {offsets = [7], sizes = [1], strides = [1]} : vector<16xf32> to vector<1xf32>
        %squeeze3A_1796 = vector.extract %slice3A_1795[0] : f32 from vector<1xf32>
        %broadcast_in_dim3A_1797 = vector.broadcast %squeeze3A_1796 : f32 to vector<16xf32>
        %select_n3A_1798 = arith.select %lt3A_1794, %broadcast_in_dim3A_1797, %select_n3A_1786 : vector<16xi1>, vector<16xf32>
        %min3A_1799 = arith.minimumf %min3A_1787, %abs3A_1793 : vector<16xf32>
        %max3A_1800 = arith.maximumf %max3A_1788, %abs3A_1793 : vector<16xf32>
        %slice3A_1801 = vector.extract_strided_slice %get3A_1694 {offsets = [8], sizes = [1], strides = [1]} : vector<16xf32> to vector<1xf32>
        %squeeze3A_1802 = vector.extract %slice3A_1801[0] : f32 from vector<1xf32>
        %broadcast_in_dim3A_1803 = vector.broadcast %squeeze3A_1802 : f32 to vector<16xf32>
        %sub3A_1804 = arith.subf %get3A_1690, %broadcast_in_dim3A_1803 : vector<16xf32>
        %abs3A_1805 = math.absf %sub3A_1804 : vector<16xf32>
        %lt3A_1806 = arith.cmpf olt, %abs3A_1805, %min3A_1799 : vector<16xf32>
        %slice3A_1807 = vector.extract_strided_slice %get3A_1698 {offsets = [8], sizes = [1], strides = [1]} : vector<16xf32> to vector<1xf32>
        %squeeze3A_1808 = vector.extract %slice3A_1807[0] : f32 from vector<1xf32>
        %broadcast_in_dim3A_1809 = vector.broadcast %squeeze3A_1808 : f32 to vector<16xf32>
        %select_n3A_1810 = arith.select %lt3A_1806, %broadcast_in_dim3A_1809, %select_n3A_1798 : vector<16xi1>, vector<16xf32>
        %min3A_1811 = arith.minimumf %min3A_1799, %abs3A_1805 : vector<16xf32>
        %max3A_1812 = arith.maximumf %max3A_1800, %abs3A_1805 : vector<16xf32>
        %slice3A_1813 = vector.extract_strided_slice %get3A_1694 {offsets = [9], sizes = [1], strides = [1]} : vector<16xf32> to vector<1xf32>
        %squeeze3A_1814 = vector.extract %slice3A_1813[0] : f32 from vector<1xf32>
        %broadcast_in_dim3A_1815 = vector.broadcast %squeeze3A_1814 : f32 to vector<16xf32>
        %sub3A_1816 = arith.subf %get3A_1690, %broadcast_in_dim3A_1815 : vector<16xf32>
        %abs3A_1817 = math.absf %sub3A_1816 : vector<16xf32>
        %lt3A_1818 = arith.cmpf olt, %abs3A_1817, %min3A_1811 : vector<16xf32>
        %slice3A_1819 = vector.extract_strided_slice %get3A_1698 {offsets = [9], sizes = [1], strides = [1]} : vector<16xf32> to vector<1xf32>
        %squeeze3A_1820 = vector.extract %slice3A_1819[0] : f32 from vector<1xf32>
        %broadcast_in_dim3A_1821 = vector.broadcast %squeeze3A_1820 : f32 to vector<16xf32>
        %select_n3A_1822 = arith.select %lt3A_1818, %broadcast_in_dim3A_1821, %select_n3A_1810 : vector<16xi1>, vector<16xf32>
        %min3A_1823 = arith.minimumf %min3A_1811, %abs3A_1817 : vector<16xf32>
        %max3A_1824 = arith.maximumf %max3A_1812, %abs3A_1817 : vector<16xf32>
        %slice3A_1825 = vector.extract_strided_slice %get3A_1694 {offsets = [10], sizes = [1], strides = [1]} : vector<16xf32> to vector<1xf32>
        %squeeze3A_1826 = vector.extract %slice3A_1825[0] : f32 from vector<1xf32>
        %broadcast_in_dim3A_1827 = vector.broadcast %squeeze3A_1826 : f32 to vector<16xf32>
        %sub3A_1828 = arith.subf %get3A_1690, %broadcast_in_dim3A_1827 : vector<16xf32>
        %abs3A_1829 = math.absf %sub3A_1828 : vector<16xf32>
        %lt3A_1830 = arith.cmpf olt, %abs3A_1829, %min3A_1823 : vector<16xf32>
        %slice3A_1831 = vector.extract_strided_slice %get3A_1698 {offsets = [10], sizes = [1], strides = [1]} : vector<16xf32> to vector<1xf32>
        %squeeze3A_1832 = vector.extract %slice3A_1831[0] : f32 from vector<1xf32>
        %broadcast_in_dim3A_1833 = vector.broadcast %squeeze3A_1832 : f32 to vector<16xf32>
        %select_n3A_1834 = arith.select %lt3A_1830, %broadcast_in_dim3A_1833, %select_n3A_1822 : vector<16xi1>, vector<16xf32>
        %min3A_1835 = arith.minimumf %min3A_1823, %abs3A_1829 : vector<16xf32>
        %max3A_1836 = arith.maximumf %max3A_1824, %abs3A_1829 : vector<16xf32>
        %slice3A_1837 = vector.extract_strided_slice %get3A_1694 {offsets = [11], sizes = [1], strides = [1]} : vector<16xf32> to vector<1xf32>
        %squeeze3A_1838 = vector.extract %slice3A_1837[0] : f32 from vector<1xf32>
        %broadcast_in_dim3A_1839 = vector.broadcast %squeeze3A_1838 : f32 to vector<16xf32>
        %sub3A_1840 = arith.subf %get3A_1690, %broadcast_in_dim3A_1839 : vector<16xf32>
        %abs3A_1841 = math.absf %sub3A_1840 : vector<16xf32>
        %lt3A_1842 = arith.cmpf olt, %abs3A_1841, %min3A_1835 : vector<16xf32>
        %slice3A_1843 = vector.extract_strided_slice %get3A_1698 {offsets = [11], sizes = [1], strides = [1]} : vector<16xf32> to vector<1xf32>
        %squeeze3A_1844 = vector.extract %slice3A_1843[0] : f32 from vector<1xf32>
        %broadcast_in_dim3A_1845 = vector.broadcast %squeeze3A_1844 : f32 to vector<16xf32>
        %select_n3A_1846 = arith.select %lt3A_1842, %broadcast_in_dim3A_1845, %select_n3A_1834 : vector<16xi1>, vector<16xf32>
        %min3A_1847 = arith.minimumf %min3A_1835, %abs3A_1841 : vector<16xf32>
        %max3A_1848 = arith.maximumf %max3A_1836, %abs3A_1841 : vector<16xf32>
        %slice3A_1849 = vector.extract_strided_slice %get3A_1694 {offsets = [12], sizes = [1], strides = [1]} : vector<16xf32> to vector<1xf32>
        %squeeze3A_1850 = vector.extract %slice3A_1849[0] : f32 from vector<1xf32>
        %broadcast_in_dim3A_1851 = vector.broadcast %squeeze3A_1850 : f32 to vector<16xf32>
        %sub3A_1852 = arith.subf %get3A_1690, %broadcast_in_dim3A_1851 : vector<16xf32>
        %abs3A_1853 = math.absf %sub3A_1852 : vector<16xf32>
        %lt3A_1854 = arith.cmpf olt, %abs3A_1853, %min3A_1847 : vector<16xf32>
        %slice3A_1855 = vector.extract_strided_slice %get3A_1698 {offsets = [12], sizes = [1], strides = [1]} : vector<16xf32> to vector<1xf32>
        %squeeze3A_1856 = vector.extract %slice3A_1855[0] : f32 from vector<1xf32>
        %broadcast_in_dim3A_1857 = vector.broadcast %squeeze3A_1856 : f32 to vector<16xf32>
        %select_n3A_1858 = arith.select %lt3A_1854, %broadcast_in_dim3A_1857, %select_n3A_1846 : vector<16xi1>, vector<16xf32>
        %min3A_1859 = arith.minimumf %min3A_1847, %abs3A_1853 : vector<16xf32>
        %max3A_1860 = arith.maximumf %max3A_1848, %abs3A_1853 : vector<16xf32>
        %slice3A_1861 = vector.extract_strided_slice %get3A_1694 {offsets = [13], sizes = [1], strides = [1]} : vector<16xf32> to vector<1xf32>
        %squeeze3A_1862 = vector.extract %slice3A_1861[0] : f32 from vector<1xf32>
        %broadcast_in_dim3A_1863 = vector.broadcast %squeeze3A_1862 : f32 to vector<16xf32>
        %sub3A_1864 = arith.subf %get3A_1690, %broadcast_in_dim3A_1863 : vector<16xf32>
        %abs3A_1865 = math.absf %sub3A_1864 : vector<16xf32>
        %lt3A_1866 = arith.cmpf olt, %abs3A_1865, %min3A_1859 : vector<16xf32>
        %slice3A_1867 = vector.extract_strided_slice %get3A_1698 {offsets = [13], sizes = [1], strides = [1]} : vector<16xf32> to vector<1xf32>
        %squeeze3A_1868 = vector.extract %slice3A_1867[0] : f32 from vector<1xf32>
        %broadcast_in_dim3A_1869 = vector.broadcast %squeeze3A_1868 : f32 to vector<16xf32>
        %select_n3A_1870 = arith.select %lt3A_1866, %broadcast_in_dim3A_1869, %select_n3A_1858 : vector<16xi1>, vector<16xf32>
        %min3A_1871 = arith.minimumf %min3A_1859, %abs3A_1865 : vector<16xf32>
        %max3A_1872 = arith.maximumf %max3A_1860, %abs3A_1865 : vector<16xf32>
        %slice3A_1873 = vector.extract_strided_slice %get3A_1694 {offsets = [14], sizes = [1], strides = [1]} : vector<16xf32> to vector<1xf32>
        %squeeze3A_1874 = vector.extract %slice3A_1873[0] : f32 from vector<1xf32>
        %broadcast_in_dim3A_1875 = vector.broadcast %squeeze3A_1874 : f32 to vector<16xf32>
        %sub3A_1876 = arith.subf %get3A_1690, %broadcast_in_dim3A_1875 : vector<16xf32>
        %abs3A_1877 = math.absf %sub3A_1876 : vector<16xf32>
        %lt3A_1878 = arith.cmpf olt, %abs3A_1877, %min3A_1871 : vector<16xf32>
        %slice3A_1879 = vector.extract_strided_slice %get3A_1698 {offsets = [14], sizes = [1], strides = [1]} : vector<16xf32> to vector<1xf32>
        %squeeze3A_1880 = vector.extract %slice3A_1879[0] : f32 from vector<1xf32>
        %broadcast_in_dim3A_1881 = vector.broadcast %squeeze3A_1880 : f32 to vector<16xf32>
        %select_n3A_1882 = arith.select %lt3A_1878, %broadcast_in_dim3A_1881, %select_n3A_1870 : vector<16xi1>, vector<16xf32>
        %min3A_1883 = arith.minimumf %min3A_1871, %abs3A_1877 : vector<16xf32>
        %max3A_1884 = arith.maximumf %max3A_1872, %abs3A_1877 : vector<16xf32>
        %slice3A_1885 = vector.extract_strided_slice %get3A_1694 {offsets = [15], sizes = [1], strides = [1]} : vector<16xf32> to vector<1xf32>
        %squeeze3A_1886 = vector.extract %slice3A_1885[0] : f32 from vector<1xf32>
        %broadcast_in_dim3A_1887 = vector.broadcast %squeeze3A_1886 : f32 to vector<16xf32>
        %sub3A_1888 = arith.subf %get3A_1690, %broadcast_in_dim3A_1887 : vector<16xf32>
        %abs3A_1889 = math.absf %sub3A_1888 : vector<16xf32>
        %lt3A_1890 = arith.cmpf olt, %abs3A_1889, %min3A_1883 : vector<16xf32>
        %slice3A_1891 = vector.extract_strided_slice %get3A_1698 {offsets = [15], sizes = [1], strides = [1]} : vector<16xf32> to vector<1xf32>
        %squeeze3A_1892 = vector.extract %slice3A_1891[0] : f32 from vector<1xf32>
        %broadcast_in_dim3A_1893 = vector.broadcast %squeeze3A_1892 : f32 to vector<16xf32>
        %select_n3A_1894 = arith.select %lt3A_1890, %broadcast_in_dim3A_1893, %select_n3A_1882 : vector<16xi1>, vector<16xf32>
        %min3A_1895 = arith.minimumf %min3A_1883, %abs3A_1889 : vector<16xf32>
        %max3A_1896 = arith.maximumf %max3A_1884, %abs3A_1889 : vector<16xf32>
        %neg3A_1897 = arith.constant 0.000000e+00 : f32
        %neg3A_1898 = vector.broadcast %neg3A_1897 : f32 to vector<16xf32>
        %neg3A_1899 = arith.subf %neg3A_1898, %select_n3A_1894 : vector<16xf32>
        %mul3A_1900 = arith.mulf %min3A_1895, %neg3A_1899 : vector<16xf32>
        %mul3A_1901 = arith.mulf %max3A_1896, %neg3A_1899 : vector<16xf32>
        %max3A_1902 = arith.maximumf %mul3A_1900, %mul3A_1901 : vector<16xf32>
        %broadcast_in_dim3A_1903 = arith.constant 0.000000e+00 : f32
        %broadcast_in_dim3A_1904 = vector.broadcast %broadcast_in_dim3A_1903 : f32 to vector<16xf32>
        %mul3A_1905 = arith.mulf %abs3A_1709, %neg3A_1899 : vector<16xf32>
        %sub3A_1906 = arith.subf %mul3A_1905, %max3A_1902 : vector<16xf32>
        %exp3A_1907 = math.exp %sub3A_1906 : vector<16xf32>
        %add3A_1908 = arith.addf %broadcast_in_dim3A_1904, %exp3A_1907 : vector<16xf32>
        %mul3A_1909 = arith.mulf %abs3A_1721, %neg3A_1899 : vector<16xf32>
        %sub3A_1910 = arith.subf %mul3A_1909, %max3A_1902 : vector<16xf32>
        %exp3A_1911 = math.exp %sub3A_1910 : vector<16xf32>
        %add3A_1912 = arith.addf %add3A_1908, %exp3A_1911 : vector<16xf32>
        %mul3A_1913 = arith.mulf %abs3A_1733, %neg3A_1899 : vector<16xf32>
        %sub3A_1914 = arith.subf %mul3A_1913, %max3A_1902 : vector<16xf32>
        %exp3A_1915 = math.exp %sub3A_1914 : vector<16xf32>
        %add3A_1916 = arith.addf %add3A_1912, %exp3A_1915 : vector<16xf32>
        %mul3A_1917 = arith.mulf %abs3A_1745, %neg3A_1899 : vector<16xf32>
        %sub3A_1918 = arith.subf %mul3A_1917, %max3A_1902 : vector<16xf32>
        %exp3A_1919 = math.exp %sub3A_1918 : vector<16xf32>
        %add3A_1920 = arith.addf %add3A_1916, %exp3A_1919 : vector<16xf32>
        %mul3A_1921 = arith.mulf %abs3A_1757, %neg3A_1899 : vector<16xf32>
        %sub3A_1922 = arith.subf %mul3A_1921, %max3A_1902 : vector<16xf32>
        %exp3A_1923 = math.exp %sub3A_1922 : vector<16xf32>
        %add3A_1924 = arith.addf %add3A_1920, %exp3A_1923 : vector<16xf32>
        %mul3A_1925 = arith.mulf %abs3A_1769, %neg3A_1899 : vector<16xf32>
        %sub3A_1926 = arith.subf %mul3A_1925, %max3A_1902 : vector<16xf32>
        %exp3A_1927 = math.exp %sub3A_1926 : vector<16xf32>
        %add3A_1928 = arith.addf %add3A_1924, %exp3A_1927 : vector<16xf32>
        %mul3A_1929 = arith.mulf %abs3A_1781, %neg3A_1899 : vector<16xf32>
        %sub3A_1930 = arith.subf %mul3A_1929, %max3A_1902 : vector<16xf32>
        %exp3A_1931 = math.exp %sub3A_1930 : vector<16xf32>
        %add3A_1932 = arith.addf %add3A_1928, %exp3A_1931 : vector<16xf32>
        %mul3A_1933 = arith.mulf %abs3A_1793, %neg3A_1899 : vector<16xf32>
        %sub3A_1934 = arith.subf %mul3A_1933, %max3A_1902 : vector<16xf32>
        %exp3A_1935 = math.exp %sub3A_1934 : vector<16xf32>
        %add3A_1936 = arith.addf %add3A_1932, %exp3A_1935 : vector<16xf32>
        %mul3A_1937 = arith.mulf %abs3A_1805, %neg3A_1899 : vector<16xf32>
        %sub3A_1938 = arith.subf %mul3A_1937, %max3A_1902 : vector<16xf32>
        %exp3A_1939 = math.exp %sub3A_1938 : vector<16xf32>
        %add3A_1940 = arith.addf %add3A_1936, %exp3A_1939 : vector<16xf32>
        %mul3A_1941 = arith.mulf %abs3A_1817, %neg3A_1899 : vector<16xf32>
        %sub3A_1942 = arith.subf %mul3A_1941, %max3A_1902 : vector<16xf32>
        %exp3A_1943 = math.exp %sub3A_1942 : vector<16xf32>
        %add3A_1944 = arith.addf %add3A_1940, %exp3A_1943 : vector<16xf32>
        %mul3A_1945 = arith.mulf %abs3A_1829, %neg3A_1899 : vector<16xf32>
        %sub3A_1946 = arith.subf %mul3A_1945, %max3A_1902 : vector<16xf32>
        %exp3A_1947 = math.exp %sub3A_1946 : vector<16xf32>
        %add3A_1948 = arith.addf %add3A_1944, %exp3A_1947 : vector<16xf32>
        %mul3A_1949 = arith.mulf %abs3A_1841, %neg3A_1899 : vector<16xf32>
        %sub3A_1950 = arith.subf %mul3A_1949, %max3A_1902 : vector<16xf32>
        %exp3A_1951 = math.exp %sub3A_1950 : vector<16xf32>
        %add3A_1952 = arith.addf %add3A_1948, %exp3A_1951 : vector<16xf32>
        %mul3A_1953 = arith.mulf %abs3A_1853, %neg3A_1899 : vector<16xf32>
        %sub3A_1954 = arith.subf %mul3A_1953, %max3A_1902 : vector<16xf32>
        %exp3A_1955 = math.exp %sub3A_1954 : vector<16xf32>
        %add3A_1956 = arith.addf %add3A_1952, %exp3A_1955 : vector<16xf32>
        %mul3A_1957 = arith.mulf %abs3A_1865, %neg3A_1899 : vector<16xf32>
        %sub3A_1958 = arith.subf %mul3A_1957, %max3A_1902 : vector<16xf32>
        %exp3A_1959 = math.exp %sub3A_1958 : vector<16xf32>
        %add3A_1960 = arith.addf %add3A_1956, %exp3A_1959 : vector<16xf32>
        %mul3A_1961 = arith.mulf %abs3A_1877, %neg3A_1899 : vector<16xf32>
        %sub3A_1962 = arith.subf %mul3A_1961, %max3A_1902 : vector<16xf32>
        %exp3A_1963 = math.exp %sub3A_1962 : vector<16xf32>
        %add3A_1964 = arith.addf %add3A_1960, %exp3A_1963 : vector<16xf32>
        %mul3A_1965 = arith.mulf %abs3A_1889, %neg3A_1899 : vector<16xf32>
        %sub3A_1966 = arith.subf %mul3A_1965, %max3A_1902 : vector<16xf32>
        %exp3A_1967 = math.exp %sub3A_1966 : vector<16xf32>
        %add3A_1968 = arith.addf %add3A_1964, %exp3A_1967 : vector<16xf32>
        %div3A_1969 = arith.constant 1.000000e+00 : f32
        %div3A_1970 = vector.broadcast %div3A_1969 : f32 to vector<16xf32>
        %div3A_1971 = arith.divf %div3A_1970, %add3A_1968 : vector<16xf32>
        %broadcast_in_dim3A_1972 = arith.constant 80 : i32
        %broadcast_in_dim3A_1973 = vector.broadcast %broadcast_in_dim3A_1972 : i32 to vector<16xi32>
        %mul3A_1974 = arith.mulf %exp3A_1907, %div3A_1971 : vector<16xf32>
        tpu.vector_store_idx %arg9[%add3A_22, %broadcast_in_dim3A_1973], %mul3A_1974 : memref<256x128xf32, #tpu.memory_space<vmem>>[vector<16xi32>, vector<16xi32>], vector<16xf32>,
        %broadcast_in_dim3A_1975 = arith.constant 81 : i32
        %broadcast_in_dim3A_1976 = vector.broadcast %broadcast_in_dim3A_1975 : i32 to vector<16xi32>
        %mul3A_1977 = arith.mulf %exp3A_1911, %div3A_1971 : vector<16xf32>
        tpu.vector_store_idx %arg9[%add3A_22, %broadcast_in_dim3A_1976], %mul3A_1977 : memref<256x128xf32, #tpu.memory_space<vmem>>[vector<16xi32>, vector<16xi32>], vector<16xf32>,
        %broadcast_in_dim3A_1978 = arith.constant 82 : i32
        %broadcast_in_dim3A_1979 = vector.broadcast %broadcast_in_dim3A_1978 : i32 to vector<16xi32>
        %mul3A_1980 = arith.mulf %exp3A_1915, %div3A_1971 : vector<16xf32>
        tpu.vector_store_idx %arg9[%add3A_22, %broadcast_in_dim3A_1979], %mul3A_1980 : memref<256x128xf32, #tpu.memory_space<vmem>>[vector<16xi32>, vector<16xi32>], vector<16xf32>,
        %broadcast_in_dim3A_1981 = arith.constant 83 : i32
        %broadcast_in_dim3A_1982 = vector.broadcast %broadcast_in_dim3A_1981 : i32 to vector<16xi32>
        %mul3A_1983 = arith.mulf %exp3A_1919, %div3A_1971 : vector<16xf32>
        tpu.vector_store_idx %arg9[%add3A_22, %broadcast_in_dim3A_1982], %mul3A_1983 : memref<256x128xf32, #tpu.memory_space<vmem>>[vector<16xi32>, vector<16xi32>], vector<16xf32>,
        %broadcast_in_dim3A_1984 = arith.constant 84 : i32
        %broadcast_in_dim3A_1985 = vector.broadcast %broadcast_in_dim3A_1984 : i32 to vector<16xi32>
        %mul3A_1986 = arith.mulf %exp3A_1923, %div3A_1971 : vector<16xf32>
        tpu.vector_store_idx %arg9[%add3A_22, %broadcast_in_dim3A_1985], %mul3A_1986 : memref<256x128xf32, #tpu.memory_space<vmem>>[vector<16xi32>, vector<16xi32>], vector<16xf32>,
        %broadcast_in_dim3A_1987 = arith.constant 85 : i32
        %broadcast_in_dim3A_1988 = vector.broadcast %broadcast_in_dim3A_1987 : i32 to vector<16xi32>
        %mul3A_1989 = arith.mulf %exp3A_1927, %div3A_1971 : vector<16xf32>
        tpu.vector_store_idx %arg9[%add3A_22, %broadcast_in_dim3A_1988], %mul3A_1989 : memref<256x128xf32, #tpu.memory_space<vmem>>[vector<16xi32>, vector<16xi32>], vector<16xf32>,
        %broadcast_in_dim3A_1990 = arith.constant 86 : i32
        %broadcast_in_dim3A_1991 = vector.broadcast %broadcast_in_dim3A_1990 : i32 to vector<16xi32>
        %mul3A_1992 = arith.mulf %exp3A_1931, %div3A_1971 : vector<16xf32>
        tpu.vector_store_idx %arg9[%add3A_22, %broadcast_in_dim3A_1991], %mul3A_1992 : memref<256x128xf32, #tpu.memory_space<vmem>>[vector<16xi32>, vector<16xi32>], vector<16xf32>,
        %broadcast_in_dim3A_1993 = arith.constant 87 : i32
        %broadcast_in_dim3A_1994 = vector.broadcast %broadcast_in_dim3A_1993 : i32 to vector<16xi32>
        %mul3A_1995 = arith.mulf %exp3A_1935, %div3A_1971 : vector<16xf32>
        tpu.vector_store_idx %arg9[%add3A_22, %broadcast_in_dim3A_1994], %mul3A_1995 : memref<256x128xf32, #tpu.memory_space<vmem>>[vector<16xi32>, vector<16xi32>], vector<16xf32>,
        %broadcast_in_dim3A_1996 = arith.constant 88 : i32
        %broadcast_in_dim3A_1997 = vector.broadcast %broadcast_in_dim3A_1996 : i32 to vector<16xi32>
        %mul3A_1998 = arith.mulf %exp3A_1939, %div3A_1971 : vector<16xf32>
        tpu.vector_store_idx %arg9[%add3A_22, %broadcast_in_dim3A_1997], %mul3A_1998 : memref<256x128xf32, #tpu.memory_space<vmem>>[vector<16xi32>, vector<16xi32>], vector<16xf32>,
        %broadcast_in_dim3A_1999 = arith.constant 89 : i32
        %broadcast_in_dim3A_2000 = vector.broadcast %broadcast_in_dim3A_1999 : i32 to vector<16xi32>
        %mul3A_2001 = arith.mulf %exp3A_1943, %div3A_1971 : vector<16xf32>
        tpu.vector_store_idx %arg9[%add3A_22, %broadcast_in_dim3A_2000], %mul3A_2001 : memref<256x128xf32, #tpu.memory_space<vmem>>[vector<16xi32>, vector<16xi32>], vector<16xf32>,
        %broadcast_in_dim3A_2002 = arith.constant 90 : i32
        %broadcast_in_dim3A_2003 = vector.broadcast %broadcast_in_dim3A_2002 : i32 to vector<16xi32>
        %mul3A_2004 = arith.mulf %exp3A_1947, %div3A_1971 : vector<16xf32>
        tpu.vector_store_idx %arg9[%add3A_22, %broadcast_in_dim3A_2003], %mul3A_2004 : memref<256x128xf32, #tpu.memory_space<vmem>>[vector<16xi32>, vector<16xi32>], vector<16xf32>,
        %broadcast_in_dim3A_2005 = arith.constant 91 : i32
        %broadcast_in_dim3A_2006 = vector.broadcast %broadcast_in_dim3A_2005 : i32 to vector<16xi32>
        %mul3A_2007 = arith.mulf %exp3A_1951, %div3A_1971 : vector<16xf32>
        tpu.vector_store_idx %arg9[%add3A_22, %broadcast_in_dim3A_2006], %mul3A_2007 : memref<256x128xf32, #tpu.memory_space<vmem>>[vector<16xi32>, vector<16xi32>], vector<16xf32>,
        %broadcast_in_dim3A_2008 = arith.constant 92 : i32
        %broadcast_in_dim3A_2009 = vector.broadcast %broadcast_in_dim3A_2008 : i32 to vector<16xi32>
        %mul3A_2010 = arith.mulf %exp3A_1955, %div3A_1971 : vector<16xf32>
        tpu.vector_store_idx %arg9[%add3A_22, %broadcast_in_dim3A_2009], %mul3A_2010 : memref<256x128xf32, #tpu.memory_space<vmem>>[vector<16xi32>, vector<16xi32>], vector<16xf32>,
        %broadcast_in_dim3A_2011 = arith.constant 93 : i32
        %broadcast_in_dim3A_2012 = vector.broadcast %broadcast_in_dim3A_2011 : i32 to vector<16xi32>
        %mul3A_2013 = arith.mulf %exp3A_1959, %div3A_1971 : vector<16xf32>
        tpu.vector_store_idx %arg9[%add3A_22, %broadcast_in_dim3A_2012], %mul3A_2013 : memref<256x128xf32, #tpu.memory_space<vmem>>[vector<16xi32>, vector<16xi32>], vector<16xf32>,
        %broadcast_in_dim3A_2014 = arith.constant 94 : i32
        %broadcast_in_dim3A_2015 = vector.broadcast %broadcast_in_dim3A_2014 : i32 to vector<16xi32>
        %mul3A_2016 = arith.mulf %exp3A_1963, %div3A_1971 : vector<16xf32>
        tpu.vector_store_idx %arg9[%add3A_22, %broadcast_in_dim3A_2015], %mul3A_2016 : memref<256x128xf32, #tpu.memory_space<vmem>>[vector<16xi32>, vector<16xi32>], vector<16xf32>,
        %broadcast_in_dim3A_2017 = arith.constant 95 : i32
        %broadcast_in_dim3A_2018 = vector.broadcast %broadcast_in_dim3A_2017 : i32 to vector<16xi32>
        %mul3A_2019 = arith.mulf %exp3A_1967, %div3A_1971 : vector<16xf32>
        tpu.vector_store_idx %arg9[%add3A_22, %broadcast_in_dim3A_2018], %mul3A_2019 : memref<256x128xf32, #tpu.memory_space<vmem>>[vector<16xi32>, vector<16xi32>], vector<16xf32>,
        %mul3A_2020 = arith.constant 16 : i32
        %mul3A_2021 = arith.muli %scan3A_18, %mul3A_2020 : i32
        %get3A_2022 = arith.constant 6 : i32
        %get3A_2023 = arith.index_cast %get3A_2022 : i32 to index
        %get3A_2024 = arith.index_cast %mul3A_2021 : i32 to index
        %get3A_2025 = tpu.vector_load %arg8[%get3A_2023, %get3A_2024] {strides = array<i32>} : memref<8x256xf32, #tpu.memory_space<vmem>>, vector<16xf32>,
        %get3A_2026 = arith.constant 6 : i32
        %get3A_2027 = arith.index_cast %get3A_2026 : i32 to index
        %get3A_2028 = arith.constant 0 : index
        %get3A_2029 = tpu.vector_load %arg6[%get3A_2027, %get3A_2028] {strides = array<i32>} : memref<8x16xf32, #tpu.memory_space<vmem>>, vector<16xf32>,
        %get3A_2030 = arith.constant 6 : i32
        %get3A_2031 = arith.index_cast %get3A_2030 : i32 to index
        %get3A_2032 = arith.constant 0 : index
        %get3A_2033 = tpu.vector_load %arg7[%get3A_2031, %get3A_2032] {strides = array<i32>} : memref<8x16xf32, #tpu.memory_space<vmem>>, vector<16xf32>,
        %broadcast_in_dim3A_2034 = arith.constant 3.400000e+38 : f32
        %broadcast_in_dim3A_2035 = vector.broadcast %broadcast_in_dim3A_2034 : f32 to vector<16xf32>
        %broadcast_in_dim3A_2036 = arith.constant -3.400000e+38 : f32
        %broadcast_in_dim3A_2037 = vector.broadcast %broadcast_in_dim3A_2036 : f32 to vector<16xf32>
        %broadcast_in_dim3A_2038 = arith.constant 0.000000e+00 : f32
        %broadcast_in_dim3A_2039 = vector.broadcast %broadcast_in_dim3A_2038 : f32 to vector<16xf32>
        %slice3A_2040 = vector.extract_strided_slice %get3A_2029 {offsets = [0], sizes = [1], strides = [1]} : vector<16xf32> to vector<1xf32>
        %squeeze3A_2041 = vector.extract %slice3A_2040[0] : f32 from vector<1xf32>
        %broadcast_in_dim3A_2042 = vector.broadcast %squeeze3A_2041 : f32 to vector<16xf32>
        %sub3A_2043 = arith.subf %get3A_2025, %broadcast_in_dim3A_2042 : vector<16xf32>
        %abs3A_2044 = math.absf %sub3A_2043 : vector<16xf32>
        %lt3A_2045 = arith.cmpf olt, %abs3A_2044, %broadcast_in_dim3A_2035 : vector<16xf32>
        %slice3A_2046 = vector.extract_strided_slice %get3A_2033 {offsets = [0], sizes = [1], strides = [1]} : vector<16xf32> to vector<1xf32>
        %squeeze3A_2047 = vector.extract %slice3A_2046[0] : f32 from vector<1xf32>
        %broadcast_in_dim3A_2048 = vector.broadcast %squeeze3A_2047 : f32 to vector<16xf32>
        %select_n3A_2049 = arith.select %lt3A_2045, %broadcast_in_dim3A_2048, %broadcast_in_dim3A_2039 : vector<16xi1>, vector<16xf32>
        %min3A_2050 = arith.minimumf %broadcast_in_dim3A_2035, %abs3A_2044 : vector<16xf32>
        %max3A_2051 = arith.maximumf %broadcast_in_dim3A_2037, %abs3A_2044 : vector<16xf32>
        %slice3A_2052 = vector.extract_strided_slice %get3A_2029 {offsets = [1], sizes = [1], strides = [1]} : vector<16xf32> to vector<1xf32>
        %squeeze3A_2053 = vector.extract %slice3A_2052[0] : f32 from vector<1xf32>
        %broadcast_in_dim3A_2054 = vector.broadcast %squeeze3A_2053 : f32 to vector<16xf32>
        %sub3A_2055 = arith.subf %get3A_2025, %broadcast_in_dim3A_2054 : vector<16xf32>
        %abs3A_2056 = math.absf %sub3A_2055 : vector<16xf32>
        %lt3A_2057 = arith.cmpf olt, %abs3A_2056, %min3A_2050 : vector<16xf32>
        %slice3A_2058 = vector.extract_strided_slice %get3A_2033 {offsets = [1], sizes = [1], strides = [1]} : vector<16xf32> to vector<1xf32>
        %squeeze3A_2059 = vector.extract %slice3A_2058[0] : f32 from vector<1xf32>
        %broadcast_in_dim3A_2060 = vector.broadcast %squeeze3A_2059 : f32 to vector<16xf32>
        %select_n3A_2061 = arith.select %lt3A_2057, %broadcast_in_dim3A_2060, %select_n3A_2049 : vector<16xi1>, vector<16xf32>
        %min3A_2062 = arith.minimumf %min3A_2050, %abs3A_2056 : vector<16xf32>
        %max3A_2063 = arith.maximumf %max3A_2051, %abs3A_2056 : vector<16xf32>
        %slice3A_2064 = vector.extract_strided_slice %get3A_2029 {offsets = [2], sizes = [1], strides = [1]} : vector<16xf32> to vector<1xf32>
        %squeeze3A_2065 = vector.extract %slice3A_2064[0] : f32 from vector<1xf32>
        %broadcast_in_dim3A_2066 = vector.broadcast %squeeze3A_2065 : f32 to vector<16xf32>
        %sub3A_2067 = arith.subf %get3A_2025, %broadcast_in_dim3A_2066 : vector<16xf32>
        %abs3A_2068 = math.absf %sub3A_2067 : vector<16xf32>
        %lt3A_2069 = arith.cmpf olt, %abs3A_2068, %min3A_2062 : vector<16xf32>
        %slice3A_2070 = vector.extract_strided_slice %get3A_2033 {offsets = [2], sizes = [1], strides = [1]} : vector<16xf32> to vector<1xf32>
        %squeeze3A_2071 = vector.extract %slice3A_2070[0] : f32 from vector<1xf32>
        %broadcast_in_dim3A_2072 = vector.broadcast %squeeze3A_2071 : f32 to vector<16xf32>
        %select_n3A_2073 = arith.select %lt3A_2069, %broadcast_in_dim3A_2072, %select_n3A_2061 : vector<16xi1>, vector<16xf32>
        %min3A_2074 = arith.minimumf %min3A_2062, %abs3A_2068 : vector<16xf32>
        %max3A_2075 = arith.maximumf %max3A_2063, %abs3A_2068 : vector<16xf32>
        %slice3A_2076 = vector.extract_strided_slice %get3A_2029 {offsets = [3], sizes = [1], strides = [1]} : vector<16xf32> to vector<1xf32>
        %squeeze3A_2077 = vector.extract %slice3A_2076[0] : f32 from vector<1xf32>
        %broadcast_in_dim3A_2078 = vector.broadcast %squeeze3A_2077 : f32 to vector<16xf32>
        %sub3A_2079 = arith.subf %get3A_2025, %broadcast_in_dim3A_2078 : vector<16xf32>
        %abs3A_2080 = math.absf %sub3A_2079 : vector<16xf32>
        %lt3A_2081 = arith.cmpf olt, %abs3A_2080, %min3A_2074 : vector<16xf32>
        %slice3A_2082 = vector.extract_strided_slice %get3A_2033 {offsets = [3], sizes = [1], strides = [1]} : vector<16xf32> to vector<1xf32>
        %squeeze3A_2083 = vector.extract %slice3A_2082[0] : f32 from vector<1xf32>
        %broadcast_in_dim3A_2084 = vector.broadcast %squeeze3A_2083 : f32 to vector<16xf32>
        %select_n3A_2085 = arith.select %lt3A_2081, %broadcast_in_dim3A_2084, %select_n3A_2073 : vector<16xi1>, vector<16xf32>
        %min3A_2086 = arith.minimumf %min3A_2074, %abs3A_2080 : vector<16xf32>
        %max3A_2087 = arith.maximumf %max3A_2075, %abs3A_2080 : vector<16xf32>
        %slice3A_2088 = vector.extract_strided_slice %get3A_2029 {offsets = [4], sizes = [1], strides = [1]} : vector<16xf32> to vector<1xf32>
        %squeeze3A_2089 = vector.extract %slice3A_2088[0] : f32 from vector<1xf32>
        %broadcast_in_dim3A_2090 = vector.broadcast %squeeze3A_2089 : f32 to vector<16xf32>
        %sub3A_2091 = arith.subf %get3A_2025, %broadcast_in_dim3A_2090 : vector<16xf32>
        %abs3A_2092 = math.absf %sub3A_2091 : vector<16xf32>
        %lt3A_2093 = arith.cmpf olt, %abs3A_2092, %min3A_2086 : vector<16xf32>
        %slice3A_2094 = vector.extract_strided_slice %get3A_2033 {offsets = [4], sizes = [1], strides = [1]} : vector<16xf32> to vector<1xf32>
        %squeeze3A_2095 = vector.extract %slice3A_2094[0] : f32 from vector<1xf32>
        %broadcast_in_dim3A_2096 = vector.broadcast %squeeze3A_2095 : f32 to vector<16xf32>
        %select_n3A_2097 = arith.select %lt3A_2093, %broadcast_in_dim3A_2096, %select_n3A_2085 : vector<16xi1>, vector<16xf32>
        %min3A_2098 = arith.minimumf %min3A_2086, %abs3A_2092 : vector<16xf32>
        %max3A_2099 = arith.maximumf %max3A_2087, %abs3A_2092 : vector<16xf32>
        %slice3A_2100 = vector.extract_strided_slice %get3A_2029 {offsets = [5], sizes = [1], strides = [1]} : vector<16xf32> to vector<1xf32>
        %squeeze3A_2101 = vector.extract %slice3A_2100[0] : f32 from vector<1xf32>
        %broadcast_in_dim3A_2102 = vector.broadcast %squeeze3A_2101 : f32 to vector<16xf32>
        %sub3A_2103 = arith.subf %get3A_2025, %broadcast_in_dim3A_2102 : vector<16xf32>
        %abs3A_2104 = math.absf %sub3A_2103 : vector<16xf32>
        %lt3A_2105 = arith.cmpf olt, %abs3A_2104, %min3A_2098 : vector<16xf32>
        %slice3A_2106 = vector.extract_strided_slice %get3A_2033 {offsets = [5], sizes = [1], strides = [1]} : vector<16xf32> to vector<1xf32>
        %squeeze3A_2107 = vector.extract %slice3A_2106[0] : f32 from vector<1xf32>
        %broadcast_in_dim3A_2108 = vector.broadcast %squeeze3A_2107 : f32 to vector<16xf32>
        %select_n3A_2109 = arith.select %lt3A_2105, %broadcast_in_dim3A_2108, %select_n3A_2097 : vector<16xi1>, vector<16xf32>
        %min3A_2110 = arith.minimumf %min3A_2098, %abs3A_2104 : vector<16xf32>
        %max3A_2111 = arith.maximumf %max3A_2099, %abs3A_2104 : vector<16xf32>
        %slice3A_2112 = vector.extract_strided_slice %get3A_2029 {offsets = [6], sizes = [1], strides = [1]} : vector<16xf32> to vector<1xf32>
        %squeeze3A_2113 = vector.extract %slice3A_2112[0] : f32 from vector<1xf32>
        %broadcast_in_dim3A_2114 = vector.broadcast %squeeze3A_2113 : f32 to vector<16xf32>
        %sub3A_2115 = arith.subf %get3A_2025, %broadcast_in_dim3A_2114 : vector<16xf32>
        %abs3A_2116 = math.absf %sub3A_2115 : vector<16xf32>
        %lt3A_2117 = arith.cmpf olt, %abs3A_2116, %min3A_2110 : vector<16xf32>
        %slice3A_2118 = vector.extract_strided_slice %get3A_2033 {offsets = [6], sizes = [1], strides = [1]} : vector<16xf32> to vector<1xf32>
        %squeeze3A_2119 = vector.extract %slice3A_2118[0] : f32 from vector<1xf32>
        %broadcast_in_dim3A_2120 = vector.broadcast %squeeze3A_2119 : f32 to vector<16xf32>
        %select_n3A_2121 = arith.select %lt3A_2117, %broadcast_in_dim3A_2120, %select_n3A_2109 : vector<16xi1>, vector<16xf32>
        %min3A_2122 = arith.minimumf %min3A_2110, %abs3A_2116 : vector<16xf32>
        %max3A_2123 = arith.maximumf %max3A_2111, %abs3A_2116 : vector<16xf32>
        %slice3A_2124 = vector.extract_strided_slice %get3A_2029 {offsets = [7], sizes = [1], strides = [1]} : vector<16xf32> to vector<1xf32>
        %squeeze3A_2125 = vector.extract %slice3A_2124[0] : f32 from vector<1xf32>
        %broadcast_in_dim3A_2126 = vector.broadcast %squeeze3A_2125 : f32 to vector<16xf32>
        %sub3A_2127 = arith.subf %get3A_2025, %broadcast_in_dim3A_2126 : vector<16xf32>
        %abs3A_2128 = math.absf %sub3A_2127 : vector<16xf32>
        %lt3A_2129 = arith.cmpf olt, %abs3A_2128, %min3A_2122 : vector<16xf32>
        %slice3A_2130 = vector.extract_strided_slice %get3A_2033 {offsets = [7], sizes = [1], strides = [1]} : vector<16xf32> to vector<1xf32>
        %squeeze3A_2131 = vector.extract %slice3A_2130[0] : f32 from vector<1xf32>
        %broadcast_in_dim3A_2132 = vector.broadcast %squeeze3A_2131 : f32 to vector<16xf32>
        %select_n3A_2133 = arith.select %lt3A_2129, %broadcast_in_dim3A_2132, %select_n3A_2121 : vector<16xi1>, vector<16xf32>
        %min3A_2134 = arith.minimumf %min3A_2122, %abs3A_2128 : vector<16xf32>
        %max3A_2135 = arith.maximumf %max3A_2123, %abs3A_2128 : vector<16xf32>
        %slice3A_2136 = vector.extract_strided_slice %get3A_2029 {offsets = [8], sizes = [1], strides = [1]} : vector<16xf32> to vector<1xf32>
        %squeeze3A_2137 = vector.extract %slice3A_2136[0] : f32 from vector<1xf32>
        %broadcast_in_dim3A_2138 = vector.broadcast %squeeze3A_2137 : f32 to vector<16xf32>
        %sub3A_2139 = arith.subf %get3A_2025, %broadcast_in_dim3A_2138 : vector<16xf32>
        %abs3A_2140 = math.absf %sub3A_2139 : vector<16xf32>
        %lt3A_2141 = arith.cmpf olt, %abs3A_2140, %min3A_2134 : vector<16xf32>
        %slice3A_2142 = vector.extract_strided_slice %get3A_2033 {offsets = [8], sizes = [1], strides = [1]} : vector<16xf32> to vector<1xf32>
        %squeeze3A_2143 = vector.extract %slice3A_2142[0] : f32 from vector<1xf32>
        %broadcast_in_dim3A_2144 = vector.broadcast %squeeze3A_2143 : f32 to vector<16xf32>
        %select_n3A_2145 = arith.select %lt3A_2141, %broadcast_in_dim3A_2144, %select_n3A_2133 : vector<16xi1>, vector<16xf32>
        %min3A_2146 = arith.minimumf %min3A_2134, %abs3A_2140 : vector<16xf32>
        %max3A_2147 = arith.maximumf %max3A_2135, %abs3A_2140 : vector<16xf32>
        %slice3A_2148 = vector.extract_strided_slice %get3A_2029 {offsets = [9], sizes = [1], strides = [1]} : vector<16xf32> to vector<1xf32>
        %squeeze3A_2149 = vector.extract %slice3A_2148[0] : f32 from vector<1xf32>
        %broadcast_in_dim3A_2150 = vector.broadcast %squeeze3A_2149 : f32 to vector<16xf32>
        %sub3A_2151 = arith.subf %get3A_2025, %broadcast_in_dim3A_2150 : vector<16xf32>
        %abs3A_2152 = math.absf %sub3A_2151 : vector<16xf32>
        %lt3A_2153 = arith.cmpf olt, %abs3A_2152, %min3A_2146 : vector<16xf32>
        %slice3A_2154 = vector.extract_strided_slice %get3A_2033 {offsets = [9], sizes = [1], strides = [1]} : vector<16xf32> to vector<1xf32>
        %squeeze3A_2155 = vector.extract %slice3A_2154[0] : f32 from vector<1xf32>
        %broadcast_in_dim3A_2156 = vector.broadcast %squeeze3A_2155 : f32 to vector<16xf32>
        %select_n3A_2157 = arith.select %lt3A_2153, %broadcast_in_dim3A_2156, %select_n3A_2145 : vector<16xi1>, vector<16xf32>
        %min3A_2158 = arith.minimumf %min3A_2146, %abs3A_2152 : vector<16xf32>
        %max3A_2159 = arith.maximumf %max3A_2147, %abs3A_2152 : vector<16xf32>
        %slice3A_2160 = vector.extract_strided_slice %get3A_2029 {offsets = [10], sizes = [1], strides = [1]} : vector<16xf32> to vector<1xf32>
        %squeeze3A_2161 = vector.extract %slice3A_2160[0] : f32 from vector<1xf32>
        %broadcast_in_dim3A_2162 = vector.broadcast %squeeze3A_2161 : f32 to vector<16xf32>
        %sub3A_2163 = arith.subf %get3A_2025, %broadcast_in_dim3A_2162 : vector<16xf32>
        %abs3A_2164 = math.absf %sub3A_2163 : vector<16xf32>
        %lt3A_2165 = arith.cmpf olt, %abs3A_2164, %min3A_2158 : vector<16xf32>
        %slice3A_2166 = vector.extract_strided_slice %get3A_2033 {offsets = [10], sizes = [1], strides = [1]} : vector<16xf32> to vector<1xf32>
        %squeeze3A_2167 = vector.extract %slice3A_2166[0] : f32 from vector<1xf32>
        %broadcast_in_dim3A_2168 = vector.broadcast %squeeze3A_2167 : f32 to vector<16xf32>
        %select_n3A_2169 = arith.select %lt3A_2165, %broadcast_in_dim3A_2168, %select_n3A_2157 : vector<16xi1>, vector<16xf32>
        %min3A_2170 = arith.minimumf %min3A_2158, %abs3A_2164 : vector<16xf32>
        %max3A_2171 = arith.maximumf %max3A_2159, %abs3A_2164 : vector<16xf32>
        %slice3A_2172 = vector.extract_strided_slice %get3A_2029 {offsets = [11], sizes = [1], strides = [1]} : vector<16xf32> to vector<1xf32>
        %squeeze3A_2173 = vector.extract %slice3A_2172[0] : f32 from vector<1xf32>
        %broadcast_in_dim3A_2174 = vector.broadcast %squeeze3A_2173 : f32 to vector<16xf32>
        %sub3A_2175 = arith.subf %get3A_2025, %broadcast_in_dim3A_2174 : vector<16xf32>
        %abs3A_2176 = math.absf %sub3A_2175 : vector<16xf32>
        %lt3A_2177 = arith.cmpf olt, %abs3A_2176, %min3A_2170 : vector<16xf32>
        %slice3A_2178 = vector.extract_strided_slice %get3A_2033 {offsets = [11], sizes = [1], strides = [1]} : vector<16xf32> to vector<1xf32>
        %squeeze3A_2179 = vector.extract %slice3A_2178[0] : f32 from vector<1xf32>
        %broadcast_in_dim3A_2180 = vector.broadcast %squeeze3A_2179 : f32 to vector<16xf32>
        %select_n3A_2181 = arith.select %lt3A_2177, %broadcast_in_dim3A_2180, %select_n3A_2169 : vector<16xi1>, vector<16xf32>
        %min3A_2182 = arith.minimumf %min3A_2170, %abs3A_2176 : vector<16xf32>
        %max3A_2183 = arith.maximumf %max3A_2171, %abs3A_2176 : vector<16xf32>
        %slice3A_2184 = vector.extract_strided_slice %get3A_2029 {offsets = [12], sizes = [1], strides = [1]} : vector<16xf32> to vector<1xf32>
        %squeeze3A_2185 = vector.extract %slice3A_2184[0] : f32 from vector<1xf32>
        %broadcast_in_dim3A_2186 = vector.broadcast %squeeze3A_2185 : f32 to vector<16xf32>
        %sub3A_2187 = arith.subf %get3A_2025, %broadcast_in_dim3A_2186 : vector<16xf32>
        %abs3A_2188 = math.absf %sub3A_2187 : vector<16xf32>
        %lt3A_2189 = arith.cmpf olt, %abs3A_2188, %min3A_2182 : vector<16xf32>
        %slice3A_2190 = vector.extract_strided_slice %get3A_2033 {offsets = [12], sizes = [1], strides = [1]} : vector<16xf32> to vector<1xf32>
        %squeeze3A_2191 = vector.extract %slice3A_2190[0] : f32 from vector<1xf32>
        %broadcast_in_dim3A_2192 = vector.broadcast %squeeze3A_2191 : f32 to vector<16xf32>
        %select_n3A_2193 = arith.select %lt3A_2189, %broadcast_in_dim3A_2192, %select_n3A_2181 : vector<16xi1>, vector<16xf32>
        %min3A_2194 = arith.minimumf %min3A_2182, %abs3A_2188 : vector<16xf32>
        %max3A_2195 = arith.maximumf %max3A_2183, %abs3A_2188 : vector<16xf32>
        %slice3A_2196 = vector.extract_strided_slice %get3A_2029 {offsets = [13], sizes = [1], strides = [1]} : vector<16xf32> to vector<1xf32>
        %squeeze3A_2197 = vector.extract %slice3A_2196[0] : f32 from vector<1xf32>
        %broadcast_in_dim3A_2198 = vector.broadcast %squeeze3A_2197 : f32 to vector<16xf32>
        %sub3A_2199 = arith.subf %get3A_2025, %broadcast_in_dim3A_2198 : vector<16xf32>
        %abs3A_2200 = math.absf %sub3A_2199 : vector<16xf32>
        %lt3A_2201 = arith.cmpf olt, %abs3A_2200, %min3A_2194 : vector<16xf32>
        %slice3A_2202 = vector.extract_strided_slice %get3A_2033 {offsets = [13], sizes = [1], strides = [1]} : vector<16xf32> to vector<1xf32>
        %squeeze3A_2203 = vector.extract %slice3A_2202[0] : f32 from vector<1xf32>
        %broadcast_in_dim3A_2204 = vector.broadcast %squeeze3A_2203 : f32 to vector<16xf32>
        %select_n3A_2205 = arith.select %lt3A_2201, %broadcast_in_dim3A_2204, %select_n3A_2193 : vector<16xi1>, vector<16xf32>
        %min3A_2206 = arith.minimumf %min3A_2194, %abs3A_2200 : vector<16xf32>
        %max3A_2207 = arith.maximumf %max3A_2195, %abs3A_2200 : vector<16xf32>
        %slice3A_2208 = vector.extract_strided_slice %get3A_2029 {offsets = [14], sizes = [1], strides = [1]} : vector<16xf32> to vector<1xf32>
        %squeeze3A_2209 = vector.extract %slice3A_2208[0] : f32 from vector<1xf32>
        %broadcast_in_dim3A_2210 = vector.broadcast %squeeze3A_2209 : f32 to vector<16xf32>
        %sub3A_2211 = arith.subf %get3A_2025, %broadcast_in_dim3A_2210 : vector<16xf32>
        %abs3A_2212 = math.absf %sub3A_2211 : vector<16xf32>
        %lt3A_2213 = arith.cmpf olt, %abs3A_2212, %min3A_2206 : vector<16xf32>
        %slice3A_2214 = vector.extract_strided_slice %get3A_2033 {offsets = [14], sizes = [1], strides = [1]} : vector<16xf32> to vector<1xf32>
        %squeeze3A_2215 = vector.extract %slice3A_2214[0] : f32 from vector<1xf32>
        %broadcast_in_dim3A_2216 = vector.broadcast %squeeze3A_2215 : f32 to vector<16xf32>
        %select_n3A_2217 = arith.select %lt3A_2213, %broadcast_in_dim3A_2216, %select_n3A_2205 : vector<16xi1>, vector<16xf32>
        %min3A_2218 = arith.minimumf %min3A_2206, %abs3A_2212 : vector<16xf32>
        %max3A_2219 = arith.maximumf %max3A_2207, %abs3A_2212 : vector<16xf32>
        %slice3A_2220 = vector.extract_strided_slice %get3A_2029 {offsets = [15], sizes = [1], strides = [1]} : vector<16xf32> to vector<1xf32>
        %squeeze3A_2221 = vector.extract %slice3A_2220[0] : f32 from vector<1xf32>
        %broadcast_in_dim3A_2222 = vector.broadcast %squeeze3A_2221 : f32 to vector<16xf32>
        %sub3A_2223 = arith.subf %get3A_2025, %broadcast_in_dim3A_2222 : vector<16xf32>
        %abs3A_2224 = math.absf %sub3A_2223 : vector<16xf32>
        %lt3A_2225 = arith.cmpf olt, %abs3A_2224, %min3A_2218 : vector<16xf32>
        %slice3A_2226 = vector.extract_strided_slice %get3A_2033 {offsets = [15], sizes = [1], strides = [1]} : vector<16xf32> to vector<1xf32>
        %squeeze3A_2227 = vector.extract %slice3A_2226[0] : f32 from vector<1xf32>
        %broadcast_in_dim3A_2228 = vector.broadcast %squeeze3A_2227 : f32 to vector<16xf32>
        %select_n3A_2229 = arith.select %lt3A_2225, %broadcast_in_dim3A_2228, %select_n3A_2217 : vector<16xi1>, vector<16xf32>
        %min3A_2230 = arith.minimumf %min3A_2218, %abs3A_2224 : vector<16xf32>
        %max3A_2231 = arith.maximumf %max3A_2219, %abs3A_2224 : vector<16xf32>
        %neg3A_2232 = arith.constant 0.000000e+00 : f32
        %neg3A_2233 = vector.broadcast %neg3A_2232 : f32 to vector<16xf32>
        %neg3A_2234 = arith.subf %neg3A_2233, %select_n3A_2229 : vector<16xf32>
        %mul3A_2235 = arith.mulf %min3A_2230, %neg3A_2234 : vector<16xf32>
        %mul3A_2236 = arith.mulf %max3A_2231, %neg3A_2234 : vector<16xf32>
        %max3A_2237 = arith.maximumf %mul3A_2235, %mul3A_2236 : vector<16xf32>
        %broadcast_in_dim3A_2238 = arith.constant 0.000000e+00 : f32
        %broadcast_in_dim3A_2239 = vector.broadcast %broadcast_in_dim3A_2238 : f32 to vector<16xf32>
        %mul3A_2240 = arith.mulf %abs3A_2044, %neg3A_2234 : vector<16xf32>
        %sub3A_2241 = arith.subf %mul3A_2240, %max3A_2237 : vector<16xf32>
        %exp3A_2242 = math.exp %sub3A_2241 : vector<16xf32>
        %add3A_2243 = arith.addf %broadcast_in_dim3A_2239, %exp3A_2242 : vector<16xf32>
        %mul3A_2244 = arith.mulf %abs3A_2056, %neg3A_2234 : vector<16xf32>
        %sub3A_2245 = arith.subf %mul3A_2244, %max3A_2237 : vector<16xf32>
        %exp3A_2246 = math.exp %sub3A_2245 : vector<16xf32>
        %add3A_2247 = arith.addf %add3A_2243, %exp3A_2246 : vector<16xf32>
        %mul3A_2248 = arith.mulf %abs3A_2068, %neg3A_2234 : vector<16xf32>
        %sub3A_2249 = arith.subf %mul3A_2248, %max3A_2237 : vector<16xf32>
        %exp3A_2250 = math.exp %sub3A_2249 : vector<16xf32>
        %add3A_2251 = arith.addf %add3A_2247, %exp3A_2250 : vector<16xf32>
        %mul3A_2252 = arith.mulf %abs3A_2080, %neg3A_2234 : vector<16xf32>
        %sub3A_2253 = arith.subf %mul3A_2252, %max3A_2237 : vector<16xf32>
        %exp3A_2254 = math.exp %sub3A_2253 : vector<16xf32>
        %add3A_2255 = arith.addf %add3A_2251, %exp3A_2254 : vector<16xf32>
        %mul3A_2256 = arith.mulf %abs3A_2092, %neg3A_2234 : vector<16xf32>
        %sub3A_2257 = arith.subf %mul3A_2256, %max3A_2237 : vector<16xf32>
        %exp3A_2258 = math.exp %sub3A_2257 : vector<16xf32>
        %add3A_2259 = arith.addf %add3A_2255, %exp3A_2258 : vector<16xf32>
        %mul3A_2260 = arith.mulf %abs3A_2104, %neg3A_2234 : vector<16xf32>
        %sub3A_2261 = arith.subf %mul3A_2260, %max3A_2237 : vector<16xf32>
        %exp3A_2262 = math.exp %sub3A_2261 : vector<16xf32>
        %add3A_2263 = arith.addf %add3A_2259, %exp3A_2262 : vector<16xf32>
        %mul3A_2264 = arith.mulf %abs3A_2116, %neg3A_2234 : vector<16xf32>
        %sub3A_2265 = arith.subf %mul3A_2264, %max3A_2237 : vector<16xf32>
        %exp3A_2266 = math.exp %sub3A_2265 : vector<16xf32>
        %add3A_2267 = arith.addf %add3A_2263, %exp3A_2266 : vector<16xf32>
        %mul3A_2268 = arith.mulf %abs3A_2128, %neg3A_2234 : vector<16xf32>
        %sub3A_2269 = arith.subf %mul3A_2268, %max3A_2237 : vector<16xf32>
        %exp3A_2270 = math.exp %sub3A_2269 : vector<16xf32>
        %add3A_2271 = arith.addf %add3A_2267, %exp3A_2270 : vector<16xf32>
        %mul3A_2272 = arith.mulf %abs3A_2140, %neg3A_2234 : vector<16xf32>
        %sub3A_2273 = arith.subf %mul3A_2272, %max3A_2237 : vector<16xf32>
        %exp3A_2274 = math.exp %sub3A_2273 : vector<16xf32>
        %add3A_2275 = arith.addf %add3A_2271, %exp3A_2274 : vector<16xf32>
        %mul3A_2276 = arith.mulf %abs3A_2152, %neg3A_2234 : vector<16xf32>
        %sub3A_2277 = arith.subf %mul3A_2276, %max3A_2237 : vector<16xf32>
        %exp3A_2278 = math.exp %sub3A_2277 : vector<16xf32>
        %add3A_2279 = arith.addf %add3A_2275, %exp3A_2278 : vector<16xf32>
        %mul3A_2280 = arith.mulf %abs3A_2164, %neg3A_2234 : vector<16xf32>
        %sub3A_2281 = arith.subf %mul3A_2280, %max3A_2237 : vector<16xf32>
        %exp3A_2282 = math.exp %sub3A_2281 : vector<16xf32>
        %add3A_2283 = arith.addf %add3A_2279, %exp3A_2282 : vector<16xf32>
        %mul3A_2284 = arith.mulf %abs3A_2176, %neg3A_2234 : vector<16xf32>
        %sub3A_2285 = arith.subf %mul3A_2284, %max3A_2237 : vector<16xf32>
        %exp3A_2286 = math.exp %sub3A_2285 : vector<16xf32>
        %add3A_2287 = arith.addf %add3A_2283, %exp3A_2286 : vector<16xf32>
        %mul3A_2288 = arith.mulf %abs3A_2188, %neg3A_2234 : vector<16xf32>
        %sub3A_2289 = arith.subf %mul3A_2288, %max3A_2237 : vector<16xf32>
        %exp3A_2290 = math.exp %sub3A_2289 : vector<16xf32>
        %add3A_2291 = arith.addf %add3A_2287, %exp3A_2290 : vector<16xf32>
        %mul3A_2292 = arith.mulf %abs3A_2200, %neg3A_2234 : vector<16xf32>
        %sub3A_2293 = arith.subf %mul3A_2292, %max3A_2237 : vector<16xf32>
        %exp3A_2294 = math.exp %sub3A_2293 : vector<16xf32>
        %add3A_2295 = arith.addf %add3A_2291, %exp3A_2294 : vector<16xf32>
        %mul3A_2296 = arith.mulf %abs3A_2212, %neg3A_2234 : vector<16xf32>
        %sub3A_2297 = arith.subf %mul3A_2296, %max3A_2237 : vector<16xf32>
        %exp3A_2298 = math.exp %sub3A_2297 : vector<16xf32>
        %add3A_2299 = arith.addf %add3A_2295, %exp3A_2298 : vector<16xf32>
        %mul3A_2300 = arith.mulf %abs3A_2224, %neg3A_2234 : vector<16xf32>
        %sub3A_2301 = arith.subf %mul3A_2300, %max3A_2237 : vector<16xf32>
        %exp3A_2302 = math.exp %sub3A_2301 : vector<16xf32>
        %add3A_2303 = arith.addf %add3A_2299, %exp3A_2302 : vector<16xf32>
        %div3A_2304 = arith.constant 1.000000e+00 : f32
        %div3A_2305 = vector.broadcast %div3A_2304 : f32 to vector<16xf32>
        %div3A_2306 = arith.divf %div3A_2305, %add3A_2303 : vector<16xf32>
        %broadcast_in_dim3A_2307 = arith.constant 96 : i32
        %broadcast_in_dim3A_2308 = vector.broadcast %broadcast_in_dim3A_2307 : i32 to vector<16xi32>
        %mul3A_2309 = arith.mulf %exp3A_2242, %div3A_2306 : vector<16xf32>
        tpu.vector_store_idx %arg9[%add3A_22, %broadcast_in_dim3A_2308], %mul3A_2309 : memref<256x128xf32, #tpu.memory_space<vmem>>[vector<16xi32>, vector<16xi32>], vector<16xf32>,
        %broadcast_in_dim3A_2310 = arith.constant 97 : i32
        %broadcast_in_dim3A_2311 = vector.broadcast %broadcast_in_dim3A_2310 : i32 to vector<16xi32>
        %mul3A_2312 = arith.mulf %exp3A_2246, %div3A_2306 : vector<16xf32>
        tpu.vector_store_idx %arg9[%add3A_22, %broadcast_in_dim3A_2311], %mul3A_2312 : memref<256x128xf32, #tpu.memory_space<vmem>>[vector<16xi32>, vector<16xi32>], vector<16xf32>,
        %broadcast_in_dim3A_2313 = arith.constant 98 : i32
        %broadcast_in_dim3A_2314 = vector.broadcast %broadcast_in_dim3A_2313 : i32 to vector<16xi32>
        %mul3A_2315 = arith.mulf %exp3A_2250, %div3A_2306 : vector<16xf32>
        tpu.vector_store_idx %arg9[%add3A_22, %broadcast_in_dim3A_2314], %mul3A_2315 : memref<256x128xf32, #tpu.memory_space<vmem>>[vector<16xi32>, vector<16xi32>], vector<16xf32>,
        %broadcast_in_dim3A_2316 = arith.constant 99 : i32
        %broadcast_in_dim3A_2317 = vector.broadcast %broadcast_in_dim3A_2316 : i32 to vector<16xi32>
        %mul3A_2318 = arith.mulf %exp3A_2254, %div3A_2306 : vector<16xf32>
        tpu.vector_store_idx %arg9[%add3A_22, %broadcast_in_dim3A_2317], %mul3A_2318 : memref<256x128xf32, #tpu.memory_space<vmem>>[vector<16xi32>, vector<16xi32>], vector<16xf32>,
        %broadcast_in_dim3A_2319 = arith.constant 100 : i32
        %broadcast_in_dim3A_2320 = vector.broadcast %broadcast_in_dim3A_2319 : i32 to vector<16xi32>
        %mul3A_2321 = arith.mulf %exp3A_2258, %div3A_2306 : vector<16xf32>
        tpu.vector_store_idx %arg9[%add3A_22, %broadcast_in_dim3A_2320], %mul3A_2321 : memref<256x128xf32, #tpu.memory_space<vmem>>[vector<16xi32>, vector<16xi32>], vector<16xf32>,
        %broadcast_in_dim3A_2322 = arith.constant 101 : i32
        %broadcast_in_dim3A_2323 = vector.broadcast %broadcast_in_dim3A_2322 : i32 to vector<16xi32>
        %mul3A_2324 = arith.mulf %exp3A_2262, %div3A_2306 : vector<16xf32>
        tpu.vector_store_idx %arg9[%add3A_22, %broadcast_in_dim3A_2323], %mul3A_2324 : memref<256x128xf32, #tpu.memory_space<vmem>>[vector<16xi32>, vector<16xi32>], vector<16xf32>,
        %broadcast_in_dim3A_2325 = arith.constant 102 : i32
        %broadcast_in_dim3A_2326 = vector.broadcast %broadcast_in_dim3A_2325 : i32 to vector<16xi32>
        %mul3A_2327 = arith.mulf %exp3A_2266, %div3A_2306 : vector<16xf32>
        tpu.vector_store_idx %arg9[%add3A_22, %broadcast_in_dim3A_2326], %mul3A_2327 : memref<256x128xf32, #tpu.memory_space<vmem>>[vector<16xi32>, vector<16xi32>], vector<16xf32>,
        %broadcast_in_dim3A_2328 = arith.constant 103 : i32
        %broadcast_in_dim3A_2329 = vector.broadcast %broadcast_in_dim3A_2328 : i32 to vector<16xi32>
        %mul3A_2330 = arith.mulf %exp3A_2270, %div3A_2306 : vector<16xf32>
        tpu.vector_store_idx %arg9[%add3A_22, %broadcast_in_dim3A_2329], %mul3A_2330 : memref<256x128xf32, #tpu.memory_space<vmem>>[vector<16xi32>, vector<16xi32>], vector<16xf32>,
        %broadcast_in_dim3A_2331 = arith.constant 104 : i32
        %broadcast_in_dim3A_2332 = vector.broadcast %broadcast_in_dim3A_2331 : i32 to vector<16xi32>
        %mul3A_2333 = arith.mulf %exp3A_2274, %div3A_2306 : vector<16xf32>
        tpu.vector_store_idx %arg9[%add3A_22, %broadcast_in_dim3A_2332], %mul3A_2333 : memref<256x128xf32, #tpu.memory_space<vmem>>[vector<16xi32>, vector<16xi32>], vector<16xf32>,
        %broadcast_in_dim3A_2334 = arith.constant 105 : i32
        %broadcast_in_dim3A_2335 = vector.broadcast %broadcast_in_dim3A_2334 : i32 to vector<16xi32>
        %mul3A_2336 = arith.mulf %exp3A_2278, %div3A_2306 : vector<16xf32>
        tpu.vector_store_idx %arg9[%add3A_22, %broadcast_in_dim3A_2335], %mul3A_2336 : memref<256x128xf32, #tpu.memory_space<vmem>>[vector<16xi32>, vector<16xi32>], vector<16xf32>,
        %broadcast_in_dim3A_2337 = arith.constant 106 : i32
        %broadcast_in_dim3A_2338 = vector.broadcast %broadcast_in_dim3A_2337 : i32 to vector<16xi32>
        %mul3A_2339 = arith.mulf %exp3A_2282, %div3A_2306 : vector<16xf32>
        tpu.vector_store_idx %arg9[%add3A_22, %broadcast_in_dim3A_2338], %mul3A_2339 : memref<256x128xf32, #tpu.memory_space<vmem>>[vector<16xi32>, vector<16xi32>], vector<16xf32>,
        %broadcast_in_dim3A_2340 = arith.constant 107 : i32
        %broadcast_in_dim3A_2341 = vector.broadcast %broadcast_in_dim3A_2340 : i32 to vector<16xi32>
        %mul3A_2342 = arith.mulf %exp3A_2286, %div3A_2306 : vector<16xf32>
        tpu.vector_store_idx %arg9[%add3A_22, %broadcast_in_dim3A_2341], %mul3A_2342 : memref<256x128xf32, #tpu.memory_space<vmem>>[vector<16xi32>, vector<16xi32>], vector<16xf32>,
        %broadcast_in_dim3A_2343 = arith.constant 108 : i32
        %broadcast_in_dim3A_2344 = vector.broadcast %broadcast_in_dim3A_2343 : i32 to vector<16xi32>
        %mul3A_2345 = arith.mulf %exp3A_2290, %div3A_2306 : vector<16xf32>
        tpu.vector_store_idx %arg9[%add3A_22, %broadcast_in_dim3A_2344], %mul3A_2345 : memref<256x128xf32, #tpu.memory_space<vmem>>[vector<16xi32>, vector<16xi32>], vector<16xf32>,
        %broadcast_in_dim3A_2346 = arith.constant 109 : i32
        %broadcast_in_dim3A_2347 = vector.broadcast %broadcast_in_dim3A_2346 : i32 to vector<16xi32>
        %mul3A_2348 = arith.mulf %exp3A_2294, %div3A_2306 : vector<16xf32>
        tpu.vector_store_idx %arg9[%add3A_22, %broadcast_in_dim3A_2347], %mul3A_2348 : memref<256x128xf32, #tpu.memory_space<vmem>>[vector<16xi32>, vector<16xi32>], vector<16xf32>,
        %broadcast_in_dim3A_2349 = arith.constant 110 : i32
        %broadcast_in_dim3A_2350 = vector.broadcast %broadcast_in_dim3A_2349 : i32 to vector<16xi32>
        %mul3A_2351 = arith.mulf %exp3A_2298, %div3A_2306 : vector<16xf32>
        tpu.vector_store_idx %arg9[%add3A_22, %broadcast_in_dim3A_2350], %mul3A_2351 : memref<256x128xf32, #tpu.memory_space<vmem>>[vector<16xi32>, vector<16xi32>], vector<16xf32>,
        %broadcast_in_dim3A_2352 = arith.constant 111 : i32
        %broadcast_in_dim3A_2353 = vector.broadcast %broadcast_in_dim3A_2352 : i32 to vector<16xi32>
        %mul3A_2354 = arith.mulf %exp3A_2302, %div3A_2306 : vector<16xf32>
        tpu.vector_store_idx %arg9[%add3A_22, %broadcast_in_dim3A_2353], %mul3A_2354 : memref<256x128xf32, #tpu.memory_space<vmem>>[vector<16xi32>, vector<16xi32>], vector<16xf32>,
        %mul3A_2355 = arith.constant 16 : i32
        %mul3A_2356 = arith.muli %scan3A_18, %mul3A_2355 : i32
        %get3A_2357 = arith.constant 7 : i32
        %get3A_2358 = arith.index_cast %get3A_2357 : i32 to index
        %get3A_2359 = arith.index_cast %mul3A_2356 : i32 to index
        %get3A_2360 = tpu.vector_load %arg8[%get3A_2358, %get3A_2359] {strides = array<i32>} : memref<8x256xf32, #tpu.memory_space<vmem>>, vector<16xf32>,
        %get3A_2361 = arith.constant 7 : i32
        %get3A_2362 = arith.index_cast %get3A_2361 : i32 to index
        %get3A_2363 = arith.constant 0 : index
        %get3A_2364 = tpu.vector_load %arg6[%get3A_2362, %get3A_2363] {strides = array<i32>} : memref<8x16xf32, #tpu.memory_space<vmem>>, vector<16xf32>,
        %get3A_2365 = arith.constant 7 : i32
        %get3A_2366 = arith.index_cast %get3A_2365 : i32 to index
        %get3A_2367 = arith.constant 0 : index
        %get3A_2368 = tpu.vector_load %arg7[%get3A_2366, %get3A_2367] {strides = array<i32>} : memref<8x16xf32, #tpu.memory_space<vmem>>, vector<16xf32>,
        %broadcast_in_dim3A_2369 = arith.constant 3.400000e+38 : f32
        %broadcast_in_dim3A_2370 = vector.broadcast %broadcast_in_dim3A_2369 : f32 to vector<16xf32>
        %broadcast_in_dim3A_2371 = arith.constant -3.400000e+38 : f32
        %broadcast_in_dim3A_2372 = vector.broadcast %broadcast_in_dim3A_2371 : f32 to vector<16xf32>
        %broadcast_in_dim3A_2373 = arith.constant 0.000000e+00 : f32
        %broadcast_in_dim3A_2374 = vector.broadcast %broadcast_in_dim3A_2373 : f32 to vector<16xf32>
        %slice3A_2375 = vector.extract_strided_slice %get3A_2364 {offsets = [0], sizes = [1], strides = [1]} : vector<16xf32> to vector<1xf32>
        %squeeze3A_2376 = vector.extract %slice3A_2375[0] : f32 from vector<1xf32>
        %broadcast_in_dim3A_2377 = vector.broadcast %squeeze3A_2376 : f32 to vector<16xf32>
        %sub3A_2378 = arith.subf %get3A_2360, %broadcast_in_dim3A_2377 : vector<16xf32>
        %abs3A_2379 = math.absf %sub3A_2378 : vector<16xf32>
        %lt3A_2380 = arith.cmpf olt, %abs3A_2379, %broadcast_in_dim3A_2370 : vector<16xf32>
        %slice3A_2381 = vector.extract_strided_slice %get3A_2368 {offsets = [0], sizes = [1], strides = [1]} : vector<16xf32> to vector<1xf32>
        %squeeze3A_2382 = vector.extract %slice3A_2381[0] : f32 from vector<1xf32>
        %broadcast_in_dim3A_2383 = vector.broadcast %squeeze3A_2382 : f32 to vector<16xf32>
        %select_n3A_2384 = arith.select %lt3A_2380, %broadcast_in_dim3A_2383, %broadcast_in_dim3A_2374 : vector<16xi1>, vector<16xf32>
        %min3A_2385 = arith.minimumf %broadcast_in_dim3A_2370, %abs3A_2379 : vector<16xf32>
        %max3A_2386 = arith.maximumf %broadcast_in_dim3A_2372, %abs3A_2379 : vector<16xf32>
        %slice3A_2387 = vector.extract_strided_slice %get3A_2364 {offsets = [1], sizes = [1], strides = [1]} : vector<16xf32> to vector<1xf32>
        %squeeze3A_2388 = vector.extract %slice3A_2387[0] : f32 from vector<1xf32>
        %broadcast_in_dim3A_2389 = vector.broadcast %squeeze3A_2388 : f32 to vector<16xf32>
        %sub3A_2390 = arith.subf %get3A_2360, %broadcast_in_dim3A_2389 : vector<16xf32>
        %abs3A_2391 = math.absf %sub3A_2390 : vector<16xf32>
        %lt3A_2392 = arith.cmpf olt, %abs3A_2391, %min3A_2385 : vector<16xf32>
        %slice3A_2393 = vector.extract_strided_slice %get3A_2368 {offsets = [1], sizes = [1], strides = [1]} : vector<16xf32> to vector<1xf32>
        %squeeze3A_2394 = vector.extract %slice3A_2393[0] : f32 from vector<1xf32>
        %broadcast_in_dim3A_2395 = vector.broadcast %squeeze3A_2394 : f32 to vector<16xf32>
        %select_n3A_2396 = arith.select %lt3A_2392, %broadcast_in_dim3A_2395, %select_n3A_2384 : vector<16xi1>, vector<16xf32>
        %min3A_2397 = arith.minimumf %min3A_2385, %abs3A_2391 : vector<16xf32>
        %max3A_2398 = arith.maximumf %max3A_2386, %abs3A_2391 : vector<16xf32>
        %slice3A_2399 = vector.extract_strided_slice %get3A_2364 {offsets = [2], sizes = [1], strides = [1]} : vector<16xf32> to vector<1xf32>
        %squeeze3A_2400 = vector.extract %slice3A_2399[0] : f32 from vector<1xf32>
        %broadcast_in_dim3A_2401 = vector.broadcast %squeeze3A_2400 : f32 to vector<16xf32>
        %sub3A_2402 = arith.subf %get3A_2360, %broadcast_in_dim3A_2401 : vector<16xf32>
        %abs3A_2403 = math.absf %sub3A_2402 : vector<16xf32>
        %lt3A_2404 = arith.cmpf olt, %abs3A_2403, %min3A_2397 : vector<16xf32>
        %slice3A_2405 = vector.extract_strided_slice %get3A_2368 {offsets = [2], sizes = [1], strides = [1]} : vector<16xf32> to vector<1xf32>
        %squeeze3A_2406 = vector.extract %slice3A_2405[0] : f32 from vector<1xf32>
        %broadcast_in_dim3A_2407 = vector.broadcast %squeeze3A_2406 : f32 to vector<16xf32>
        %select_n3A_2408 = arith.select %lt3A_2404, %broadcast_in_dim3A_2407, %select_n3A_2396 : vector<16xi1>, vector<16xf32>
        %min3A_2409 = arith.minimumf %min3A_2397, %abs3A_2403 : vector<16xf32>
        %max3A_2410 = arith.maximumf %max3A_2398, %abs3A_2403 : vector<16xf32>
        %slice3A_2411 = vector.extract_strided_slice %get3A_2364 {offsets = [3], sizes = [1], strides = [1]} : vector<16xf32> to vector<1xf32>
        %squeeze3A_2412 = vector.extract %slice3A_2411[0] : f32 from vector<1xf32>
        %broadcast_in_dim3A_2413 = vector.broadcast %squeeze3A_2412 : f32 to vector<16xf32>
        %sub3A_2414 = arith.subf %get3A_2360, %broadcast_in_dim3A_2413 : vector<16xf32>
        %abs3A_2415 = math.absf %sub3A_2414 : vector<16xf32>
        %lt3A_2416 = arith.cmpf olt, %abs3A_2415, %min3A_2409 : vector<16xf32>
        %slice3A_2417 = vector.extract_strided_slice %get3A_2368 {offsets = [3], sizes = [1], strides = [1]} : vector<16xf32> to vector<1xf32>
        %squeeze3A_2418 = vector.extract %slice3A_2417[0] : f32 from vector<1xf32>
        %broadcast_in_dim3A_2419 = vector.broadcast %squeeze3A_2418 : f32 to vector<16xf32>
        %select_n3A_2420 = arith.select %lt3A_2416, %broadcast_in_dim3A_2419, %select_n3A_2408 : vector<16xi1>, vector<16xf32>
        %min3A_2421 = arith.minimumf %min3A_2409, %abs3A_2415 : vector<16xf32>
        %max3A_2422 = arith.maximumf %max3A_2410, %abs3A_2415 : vector<16xf32>
        %slice3A_2423 = vector.extract_strided_slice %get3A_2364 {offsets = [4], sizes = [1], strides = [1]} : vector<16xf32> to vector<1xf32>
        %squeeze3A_2424 = vector.extract %slice3A_2423[0] : f32 from vector<1xf32>
        %broadcast_in_dim3A_2425 = vector.broadcast %squeeze3A_2424 : f32 to vector<16xf32>
        %sub3A_2426 = arith.subf %get3A_2360, %broadcast_in_dim3A_2425 : vector<16xf32>
        %abs3A_2427 = math.absf %sub3A_2426 : vector<16xf32>
        %lt3A_2428 = arith.cmpf olt, %abs3A_2427, %min3A_2421 : vector<16xf32>
        %slice3A_2429 = vector.extract_strided_slice %get3A_2368 {offsets = [4], sizes = [1], strides = [1]} : vector<16xf32> to vector<1xf32>
        %squeeze3A_2430 = vector.extract %slice3A_2429[0] : f32 from vector<1xf32>
        %broadcast_in_dim3A_2431 = vector.broadcast %squeeze3A_2430 : f32 to vector<16xf32>
        %select_n3A_2432 = arith.select %lt3A_2428, %broadcast_in_dim3A_2431, %select_n3A_2420 : vector<16xi1>, vector<16xf32>
        %min3A_2433 = arith.minimumf %min3A_2421, %abs3A_2427 : vector<16xf32>
        %max3A_2434 = arith.maximumf %max3A_2422, %abs3A_2427 : vector<16xf32>
        %slice3A_2435 = vector.extract_strided_slice %get3A_2364 {offsets = [5], sizes = [1], strides = [1]} : vector<16xf32> to vector<1xf32>
        %squeeze3A_2436 = vector.extract %slice3A_2435[0] : f32 from vector<1xf32>
        %broadcast_in_dim3A_2437 = vector.broadcast %squeeze3A_2436 : f32 to vector<16xf32>
        %sub3A_2438 = arith.subf %get3A_2360, %broadcast_in_dim3A_2437 : vector<16xf32>
        %abs3A_2439 = math.absf %sub3A_2438 : vector<16xf32>
        %lt3A_2440 = arith.cmpf olt, %abs3A_2439, %min3A_2433 : vector<16xf32>
        %slice3A_2441 = vector.extract_strided_slice %get3A_2368 {offsets = [5], sizes = [1], strides = [1]} : vector<16xf32> to vector<1xf32>
        %squeeze3A_2442 = vector.extract %slice3A_2441[0] : f32 from vector<1xf32>
        %broadcast_in_dim3A_2443 = vector.broadcast %squeeze3A_2442 : f32 to vector<16xf32>
        %select_n3A_2444 = arith.select %lt3A_2440, %broadcast_in_dim3A_2443, %select_n3A_2432 : vector<16xi1>, vector<16xf32>
        %min3A_2445 = arith.minimumf %min3A_2433, %abs3A_2439 : vector<16xf32>
        %max3A_2446 = arith.maximumf %max3A_2434, %abs3A_2439 : vector<16xf32>
        %slice3A_2447 = vector.extract_strided_slice %get3A_2364 {offsets = [6], sizes = [1], strides = [1]} : vector<16xf32> to vector<1xf32>
        %squeeze3A_2448 = vector.extract %slice3A_2447[0] : f32 from vector<1xf32>
        %broadcast_in_dim3A_2449 = vector.broadcast %squeeze3A_2448 : f32 to vector<16xf32>
        %sub3A_2450 = arith.subf %get3A_2360, %broadcast_in_dim3A_2449 : vector<16xf32>
        %abs3A_2451 = math.absf %sub3A_2450 : vector<16xf32>
        %lt3A_2452 = arith.cmpf olt, %abs3A_2451, %min3A_2445 : vector<16xf32>
        %slice3A_2453 = vector.extract_strided_slice %get3A_2368 {offsets = [6], sizes = [1], strides = [1]} : vector<16xf32> to vector<1xf32>
        %squeeze3A_2454 = vector.extract %slice3A_2453[0] : f32 from vector<1xf32>
        %broadcast_in_dim3A_2455 = vector.broadcast %squeeze3A_2454 : f32 to vector<16xf32>
        %select_n3A_2456 = arith.select %lt3A_2452, %broadcast_in_dim3A_2455, %select_n3A_2444 : vector<16xi1>, vector<16xf32>
        %min3A_2457 = arith.minimumf %min3A_2445, %abs3A_2451 : vector<16xf32>
        %max3A_2458 = arith.maximumf %max3A_2446, %abs3A_2451 : vector<16xf32>
        %slice3A_2459 = vector.extract_strided_slice %get3A_2364 {offsets = [7], sizes = [1], strides = [1]} : vector<16xf32> to vector<1xf32>
        %squeeze3A_2460 = vector.extract %slice3A_2459[0] : f32 from vector<1xf32>
        %broadcast_in_dim3A_2461 = vector.broadcast %squeeze3A_2460 : f32 to vector<16xf32>
        %sub3A_2462 = arith.subf %get3A_2360, %broadcast_in_dim3A_2461 : vector<16xf32>
        %abs3A_2463 = math.absf %sub3A_2462 : vector<16xf32>
        %lt3A_2464 = arith.cmpf olt, %abs3A_2463, %min3A_2457 : vector<16xf32>
        %slice3A_2465 = vector.extract_strided_slice %get3A_2368 {offsets = [7], sizes = [1], strides = [1]} : vector<16xf32> to vector<1xf32>
        %squeeze3A_2466 = vector.extract %slice3A_2465[0] : f32 from vector<1xf32>
        %broadcast_in_dim3A_2467 = vector.broadcast %squeeze3A_2466 : f32 to vector<16xf32>
        %select_n3A_2468 = arith.select %lt3A_2464, %broadcast_in_dim3A_2467, %select_n3A_2456 : vector<16xi1>, vector<16xf32>
        %min3A_2469 = arith.minimumf %min3A_2457, %abs3A_2463 : vector<16xf32>
        %max3A_2470 = arith.maximumf %max3A_2458, %abs3A_2463 : vector<16xf32>
        %slice3A_2471 = vector.extract_strided_slice %get3A_2364 {offsets = [8], sizes = [1], strides = [1]} : vector<16xf32> to vector<1xf32>
        %squeeze3A_2472 = vector.extract %slice3A_2471[0] : f32 from vector<1xf32>
        %broadcast_in_dim3A_2473 = vector.broadcast %squeeze3A_2472 : f32 to vector<16xf32>
        %sub3A_2474 = arith.subf %get3A_2360, %broadcast_in_dim3A_2473 : vector<16xf32>
        %abs3A_2475 = math.absf %sub3A_2474 : vector<16xf32>
        %lt3A_2476 = arith.cmpf olt, %abs3A_2475, %min3A_2469 : vector<16xf32>
        %slice3A_2477 = vector.extract_strided_slice %get3A_2368 {offsets = [8], sizes = [1], strides = [1]} : vector<16xf32> to vector<1xf32>
        %squeeze3A_2478 = vector.extract %slice3A_2477[0] : f32 from vector<1xf32>
        %broadcast_in_dim3A_2479 = vector.broadcast %squeeze3A_2478 : f32 to vector<16xf32>
        %select_n3A_2480 = arith.select %lt3A_2476, %broadcast_in_dim3A_2479, %select_n3A_2468 : vector<16xi1>, vector<16xf32>
        %min3A_2481 = arith.minimumf %min3A_2469, %abs3A_2475 : vector<16xf32>
        %max3A_2482 = arith.maximumf %max3A_2470, %abs3A_2475 : vector<16xf32>
        %slice3A_2483 = vector.extract_strided_slice %get3A_2364 {offsets = [9], sizes = [1], strides = [1]} : vector<16xf32> to vector<1xf32>
        %squeeze3A_2484 = vector.extract %slice3A_2483[0] : f32 from vector<1xf32>
        %broadcast_in_dim3A_2485 = vector.broadcast %squeeze3A_2484 : f32 to vector<16xf32>
        %sub3A_2486 = arith.subf %get3A_2360, %broadcast_in_dim3A_2485 : vector<16xf32>
        %abs3A_2487 = math.absf %sub3A_2486 : vector<16xf32>
        %lt3A_2488 = arith.cmpf olt, %abs3A_2487, %min3A_2481 : vector<16xf32>
        %slice3A_2489 = vector.extract_strided_slice %get3A_2368 {offsets = [9], sizes = [1], strides = [1]} : vector<16xf32> to vector<1xf32>
        %squeeze3A_2490 = vector.extract %slice3A_2489[0] : f32 from vector<1xf32>
        %broadcast_in_dim3A_2491 = vector.broadcast %squeeze3A_2490 : f32 to vector<16xf32>
        %select_n3A_2492 = arith.select %lt3A_2488, %broadcast_in_dim3A_2491, %select_n3A_2480 : vector<16xi1>, vector<16xf32>
        %min3A_2493 = arith.minimumf %min3A_2481, %abs3A_2487 : vector<16xf32>
        %max3A_2494 = arith.maximumf %max3A_2482, %abs3A_2487 : vector<16xf32>
        %slice3A_2495 = vector.extract_strided_slice %get3A_2364 {offsets = [10], sizes = [1], strides = [1]} : vector<16xf32> to vector<1xf32>
        %squeeze3A_2496 = vector.extract %slice3A_2495[0] : f32 from vector<1xf32>
        %broadcast_in_dim3A_2497 = vector.broadcast %squeeze3A_2496 : f32 to vector<16xf32>
        %sub3A_2498 = arith.subf %get3A_2360, %broadcast_in_dim3A_2497 : vector<16xf32>
        %abs3A_2499 = math.absf %sub3A_2498 : vector<16xf32>
        %lt3A_2500 = arith.cmpf olt, %abs3A_2499, %min3A_2493 : vector<16xf32>
        %slice3A_2501 = vector.extract_strided_slice %get3A_2368 {offsets = [10], sizes = [1], strides = [1]} : vector<16xf32> to vector<1xf32>
        %squeeze3A_2502 = vector.extract %slice3A_2501[0] : f32 from vector<1xf32>
        %broadcast_in_dim3A_2503 = vector.broadcast %squeeze3A_2502 : f32 to vector<16xf32>
        %select_n3A_2504 = arith.select %lt3A_2500, %broadcast_in_dim3A_2503, %select_n3A_2492 : vector<16xi1>, vector<16xf32>
        %min3A_2505 = arith.minimumf %min3A_2493, %abs3A_2499 : vector<16xf32>
        %max3A_2506 = arith.maximumf %max3A_2494, %abs3A_2499 : vector<16xf32>
        %slice3A_2507 = vector.extract_strided_slice %get3A_2364 {offsets = [11], sizes = [1], strides = [1]} : vector<16xf32> to vector<1xf32>
        %squeeze3A_2508 = vector.extract %slice3A_2507[0] : f32 from vector<1xf32>
        %broadcast_in_dim3A_2509 = vector.broadcast %squeeze3A_2508 : f32 to vector<16xf32>
        %sub3A_2510 = arith.subf %get3A_2360, %broadcast_in_dim3A_2509 : vector<16xf32>
        %abs3A_2511 = math.absf %sub3A_2510 : vector<16xf32>
        %lt3A_2512 = arith.cmpf olt, %abs3A_2511, %min3A_2505 : vector<16xf32>
        %slice3A_2513 = vector.extract_strided_slice %get3A_2368 {offsets = [11], sizes = [1], strides = [1]} : vector<16xf32> to vector<1xf32>
        %squeeze3A_2514 = vector.extract %slice3A_2513[0] : f32 from vector<1xf32>
        %broadcast_in_dim3A_2515 = vector.broadcast %squeeze3A_2514 : f32 to vector<16xf32>
        %select_n3A_2516 = arith.select %lt3A_2512, %broadcast_in_dim3A_2515, %select_n3A_2504 : vector<16xi1>, vector<16xf32>
        %min3A_2517 = arith.minimumf %min3A_2505, %abs3A_2511 : vector<16xf32>
        %max3A_2518 = arith.maximumf %max3A_2506, %abs3A_2511 : vector<16xf32>
        %slice3A_2519 = vector.extract_strided_slice %get3A_2364 {offsets = [12], sizes = [1], strides = [1]} : vector<16xf32> to vector<1xf32>
        %squeeze3A_2520 = vector.extract %slice3A_2519[0] : f32 from vector<1xf32>
        %broadcast_in_dim3A_2521 = vector.broadcast %squeeze3A_2520 : f32 to vector<16xf32>
        %sub3A_2522 = arith.subf %get3A_2360, %broadcast_in_dim3A_2521 : vector<16xf32>
        %abs3A_2523 = math.absf %sub3A_2522 : vector<16xf32>
        %lt3A_2524 = arith.cmpf olt, %abs3A_2523, %min3A_2517 : vector<16xf32>
        %slice3A_2525 = vector.extract_strided_slice %get3A_2368 {offsets = [12], sizes = [1], strides = [1]} : vector<16xf32> to vector<1xf32>
        %squeeze3A_2526 = vector.extract %slice3A_2525[0] : f32 from vector<1xf32>
        %broadcast_in_dim3A_2527 = vector.broadcast %squeeze3A_2526 : f32 to vector<16xf32>
        %select_n3A_2528 = arith.select %lt3A_2524, %broadcast_in_dim3A_2527, %select_n3A_2516 : vector<16xi1>, vector<16xf32>
        %min3A_2529 = arith.minimumf %min3A_2517, %abs3A_2523 : vector<16xf32>
        %max3A_2530 = arith.maximumf %max3A_2518, %abs3A_2523 : vector<16xf32>
        %slice3A_2531 = vector.extract_strided_slice %get3A_2364 {offsets = [13], sizes = [1], strides = [1]} : vector<16xf32> to vector<1xf32>
        %squeeze3A_2532 = vector.extract %slice3A_2531[0] : f32 from vector<1xf32>
        %broadcast_in_dim3A_2533 = vector.broadcast %squeeze3A_2532 : f32 to vector<16xf32>
        %sub3A_2534 = arith.subf %get3A_2360, %broadcast_in_dim3A_2533 : vector<16xf32>
        %abs3A_2535 = math.absf %sub3A_2534 : vector<16xf32>
        %lt3A_2536 = arith.cmpf olt, %abs3A_2535, %min3A_2529 : vector<16xf32>
        %slice3A_2537 = vector.extract_strided_slice %get3A_2368 {offsets = [13], sizes = [1], strides = [1]} : vector<16xf32> to vector<1xf32>
        %squeeze3A_2538 = vector.extract %slice3A_2537[0] : f32 from vector<1xf32>
        %broadcast_in_dim3A_2539 = vector.broadcast %squeeze3A_2538 : f32 to vector<16xf32>
        %select_n3A_2540 = arith.select %lt3A_2536, %broadcast_in_dim3A_2539, %select_n3A_2528 : vector<16xi1>, vector<16xf32>
        %min3A_2541 = arith.minimumf %min3A_2529, %abs3A_2535 : vector<16xf32>
        %max3A_2542 = arith.maximumf %max3A_2530, %abs3A_2535 : vector<16xf32>
        %slice3A_2543 = vector.extract_strided_slice %get3A_2364 {offsets = [14], sizes = [1], strides = [1]} : vector<16xf32> to vector<1xf32>
        %squeeze3A_2544 = vector.extract %slice3A_2543[0] : f32 from vector<1xf32>
        %broadcast_in_dim3A_2545 = vector.broadcast %squeeze3A_2544 : f32 to vector<16xf32>
        %sub3A_2546 = arith.subf %get3A_2360, %broadcast_in_dim3A_2545 : vector<16xf32>
        %abs3A_2547 = math.absf %sub3A_2546 : vector<16xf32>
        %lt3A_2548 = arith.cmpf olt, %abs3A_2547, %min3A_2541 : vector<16xf32>
        %slice3A_2549 = vector.extract_strided_slice %get3A_2368 {offsets = [14], sizes = [1], strides = [1]} : vector<16xf32> to vector<1xf32>
        %squeeze3A_2550 = vector.extract %slice3A_2549[0] : f32 from vector<1xf32>
        %broadcast_in_dim3A_2551 = vector.broadcast %squeeze3A_2550 : f32 to vector<16xf32>
        %select_n3A_2552 = arith.select %lt3A_2548, %broadcast_in_dim3A_2551, %select_n3A_2540 : vector<16xi1>, vector<16xf32>
        %min3A_2553 = arith.minimumf %min3A_2541, %abs3A_2547 : vector<16xf32>
        %max3A_2554 = arith.maximumf %max3A_2542, %abs3A_2547 : vector<16xf32>
        %slice3A_2555 = vector.extract_strided_slice %get3A_2364 {offsets = [15], sizes = [1], strides = [1]} : vector<16xf32> to vector<1xf32>
        %squeeze3A_2556 = vector.extract %slice3A_2555[0] : f32 from vector<1xf32>
        %broadcast_in_dim3A_2557 = vector.broadcast %squeeze3A_2556 : f32 to vector<16xf32>
        %sub3A_2558 = arith.subf %get3A_2360, %broadcast_in_dim3A_2557 : vector<16xf32>
        %abs3A_2559 = math.absf %sub3A_2558 : vector<16xf32>
        %lt3A_2560 = arith.cmpf olt, %abs3A_2559, %min3A_2553 : vector<16xf32>
        %slice3A_2561 = vector.extract_strided_slice %get3A_2368 {offsets = [15], sizes = [1], strides = [1]} : vector<16xf32> to vector<1xf32>
        %squeeze3A_2562 = vector.extract %slice3A_2561[0] : f32 from vector<1xf32>
        %broadcast_in_dim3A_2563 = vector.broadcast %squeeze3A_2562 : f32 to vector<16xf32>
        %select_n3A_2564 = arith.select %lt3A_2560, %broadcast_in_dim3A_2563, %select_n3A_2552 : vector<16xi1>, vector<16xf32>
        %min3A_2565 = arith.minimumf %min3A_2553, %abs3A_2559 : vector<16xf32>
        %max3A_2566 = arith.maximumf %max3A_2554, %abs3A_2559 : vector<16xf32>
        %neg3A_2567 = arith.constant 0.000000e+00 : f32
        %neg3A_2568 = vector.broadcast %neg3A_2567 : f32 to vector<16xf32>
        %neg3A_2569 = arith.subf %neg3A_2568, %select_n3A_2564 : vector<16xf32>
        %mul3A_2570 = arith.mulf %min3A_2565, %neg3A_2569 : vector<16xf32>
        %mul3A_2571 = arith.mulf %max3A_2566, %neg3A_2569 : vector<16xf32>
        %max3A_2572 = arith.maximumf %mul3A_2570, %mul3A_2571 : vector<16xf32>
        %broadcast_in_dim3A_2573 = arith.constant 0.000000e+00 : f32
        %broadcast_in_dim3A_2574 = vector.broadcast %broadcast_in_dim3A_2573 : f32 to vector<16xf32>
        %mul3A_2575 = arith.mulf %abs3A_2379, %neg3A_2569 : vector<16xf32>
        %sub3A_2576 = arith.subf %mul3A_2575, %max3A_2572 : vector<16xf32>
        %exp3A_2577 = math.exp %sub3A_2576 : vector<16xf32>
        %add3A_2578 = arith.addf %broadcast_in_dim3A_2574, %exp3A_2577 : vector<16xf32>
        %mul3A_2579 = arith.mulf %abs3A_2391, %neg3A_2569 : vector<16xf32>
        %sub3A_2580 = arith.subf %mul3A_2579, %max3A_2572 : vector<16xf32>
        %exp3A_2581 = math.exp %sub3A_2580 : vector<16xf32>
        %add3A_2582 = arith.addf %add3A_2578, %exp3A_2581 : vector<16xf32>
        %mul3A_2583 = arith.mulf %abs3A_2403, %neg3A_2569 : vector<16xf32>
        %sub3A_2584 = arith.subf %mul3A_2583, %max3A_2572 : vector<16xf32>
        %exp3A_2585 = math.exp %sub3A_2584 : vector<16xf32>
        %add3A_2586 = arith.addf %add3A_2582, %exp3A_2585 : vector<16xf32>
        %mul3A_2587 = arith.mulf %abs3A_2415, %neg3A_2569 : vector<16xf32>
        %sub3A_2588 = arith.subf %mul3A_2587, %max3A_2572 : vector<16xf32>
        %exp3A_2589 = math.exp %sub3A_2588 : vector<16xf32>
        %add3A_2590 = arith.addf %add3A_2586, %exp3A_2589 : vector<16xf32>
        %mul3A_2591 = arith.mulf %abs3A_2427, %neg3A_2569 : vector<16xf32>
        %sub3A_2592 = arith.subf %mul3A_2591, %max3A_2572 : vector<16xf32>
        %exp3A_2593 = math.exp %sub3A_2592 : vector<16xf32>
        %add3A_2594 = arith.addf %add3A_2590, %exp3A_2593 : vector<16xf32>
        %mul3A_2595 = arith.mulf %abs3A_2439, %neg3A_2569 : vector<16xf32>
        %sub3A_2596 = arith.subf %mul3A_2595, %max3A_2572 : vector<16xf32>
        %exp3A_2597 = math.exp %sub3A_2596 : vector<16xf32>
        %add3A_2598 = arith.addf %add3A_2594, %exp3A_2597 : vector<16xf32>
        %mul3A_2599 = arith.mulf %abs3A_2451, %neg3A_2569 : vector<16xf32>
        %sub3A_2600 = arith.subf %mul3A_2599, %max3A_2572 : vector<16xf32>
        %exp3A_2601 = math.exp %sub3A_2600 : vector<16xf32>
        %add3A_2602 = arith.addf %add3A_2598, %exp3A_2601 : vector<16xf32>
        %mul3A_2603 = arith.mulf %abs3A_2463, %neg3A_2569 : vector<16xf32>
        %sub3A_2604 = arith.subf %mul3A_2603, %max3A_2572 : vector<16xf32>
        %exp3A_2605 = math.exp %sub3A_2604 : vector<16xf32>
        %add3A_2606 = arith.addf %add3A_2602, %exp3A_2605 : vector<16xf32>
        %mul3A_2607 = arith.mulf %abs3A_2475, %neg3A_2569 : vector<16xf32>
        %sub3A_2608 = arith.subf %mul3A_2607, %max3A_2572 : vector<16xf32>
        %exp3A_2609 = math.exp %sub3A_2608 : vector<16xf32>
        %add3A_2610 = arith.addf %add3A_2606, %exp3A_2609 : vector<16xf32>
        %mul3A_2611 = arith.mulf %abs3A_2487, %neg3A_2569 : vector<16xf32>
        %sub3A_2612 = arith.subf %mul3A_2611, %max3A_2572 : vector<16xf32>
        %exp3A_2613 = math.exp %sub3A_2612 : vector<16xf32>
        %add3A_2614 = arith.addf %add3A_2610, %exp3A_2613 : vector<16xf32>
        %mul3A_2615 = arith.mulf %abs3A_2499, %neg3A_2569 : vector<16xf32>
        %sub3A_2616 = arith.subf %mul3A_2615, %max3A_2572 : vector<16xf32>
        %exp3A_2617 = math.exp %sub3A_2616 : vector<16xf32>
        %add3A_2618 = arith.addf %add3A_2614, %exp3A_2617 : vector<16xf32>
        %mul3A_2619 = arith.mulf %abs3A_2511, %neg3A_2569 : vector<16xf32>
        %sub3A_2620 = arith.subf %mul3A_2619, %max3A_2572 : vector<16xf32>
        %exp3A_2621 = math.exp %sub3A_2620 : vector<16xf32>
        %add3A_2622 = arith.addf %add3A_2618, %exp3A_2621 : vector<16xf32>
        %mul3A_2623 = arith.mulf %abs3A_2523, %neg3A_2569 : vector<16xf32>
        %sub3A_2624 = arith.subf %mul3A_2623, %max3A_2572 : vector<16xf32>
        %exp3A_2625 = math.exp %sub3A_2624 : vector<16xf32>
        %add3A_2626 = arith.addf %add3A_2622, %exp3A_2625 : vector<16xf32>
        %mul3A_2627 = arith.mulf %abs3A_2535, %neg3A_2569 : vector<16xf32>
        %sub3A_2628 = arith.subf %mul3A_2627, %max3A_2572 : vector<16xf32>
        %exp3A_2629 = math.exp %sub3A_2628 : vector<16xf32>
        %add3A_2630 = arith.addf %add3A_2626, %exp3A_2629 : vector<16xf32>
        %mul3A_2631 = arith.mulf %abs3A_2547, %neg3A_2569 : vector<16xf32>
        %sub3A_2632 = arith.subf %mul3A_2631, %max3A_2572 : vector<16xf32>
        %exp3A_2633 = math.exp %sub3A_2632 : vector<16xf32>
        %add3A_2634 = arith.addf %add3A_2630, %exp3A_2633 : vector<16xf32>
        %mul3A_2635 = arith.mulf %abs3A_2559, %neg3A_2569 : vector<16xf32>
        %sub3A_2636 = arith.subf %mul3A_2635, %max3A_2572 : vector<16xf32>
        %exp3A_2637 = math.exp %sub3A_2636 : vector<16xf32>
        %add3A_2638 = arith.addf %add3A_2634, %exp3A_2637 : vector<16xf32>
        %div3A_2639 = arith.constant 1.000000e+00 : f32
        %div3A_2640 = vector.broadcast %div3A_2639 : f32 to vector<16xf32>
        %div3A_2641 = arith.divf %div3A_2640, %add3A_2638 : vector<16xf32>
        %broadcast_in_dim3A_2642 = arith.constant 112 : i32
        %broadcast_in_dim3A_2643 = vector.broadcast %broadcast_in_dim3A_2642 : i32 to vector<16xi32>
        %mul3A_2644 = arith.mulf %exp3A_2577, %div3A_2641 : vector<16xf32>
        tpu.vector_store_idx %arg9[%add3A_22, %broadcast_in_dim3A_2643], %mul3A_2644 : memref<256x128xf32, #tpu.memory_space<vmem>>[vector<16xi32>, vector<16xi32>], vector<16xf32>,
        %broadcast_in_dim3A_2645 = arith.constant 113 : i32
        %broadcast_in_dim3A_2646 = vector.broadcast %broadcast_in_dim3A_2645 : i32 to vector<16xi32>
        %mul3A_2647 = arith.mulf %exp3A_2581, %div3A_2641 : vector<16xf32>
        tpu.vector_store_idx %arg9[%add3A_22, %broadcast_in_dim3A_2646], %mul3A_2647 : memref<256x128xf32, #tpu.memory_space<vmem>>[vector<16xi32>, vector<16xi32>], vector<16xf32>,
        %broadcast_in_dim3A_2648 = arith.constant 114 : i32
        %broadcast_in_dim3A_2649 = vector.broadcast %broadcast_in_dim3A_2648 : i32 to vector<16xi32>
        %mul3A_2650 = arith.mulf %exp3A_2585, %div3A_2641 : vector<16xf32>
        tpu.vector_store_idx %arg9[%add3A_22, %broadcast_in_dim3A_2649], %mul3A_2650 : memref<256x128xf32, #tpu.memory_space<vmem>>[vector<16xi32>, vector<16xi32>], vector<16xf32>,
        %broadcast_in_dim3A_2651 = arith.constant 115 : i32
        %broadcast_in_dim3A_2652 = vector.broadcast %broadcast_in_dim3A_2651 : i32 to vector<16xi32>
        %mul3A_2653 = arith.mulf %exp3A_2589, %div3A_2641 : vector<16xf32>
        tpu.vector_store_idx %arg9[%add3A_22, %broadcast_in_dim3A_2652], %mul3A_2653 : memref<256x128xf32, #tpu.memory_space<vmem>>[vector<16xi32>, vector<16xi32>], vector<16xf32>,
        %broadcast_in_dim3A_2654 = arith.constant 116 : i32
        %broadcast_in_dim3A_2655 = vector.broadcast %broadcast_in_dim3A_2654 : i32 to vector<16xi32>
        %mul3A_2656 = arith.mulf %exp3A_2593, %div3A_2641 : vector<16xf32>
        tpu.vector_store_idx %arg9[%add3A_22, %broadcast_in_dim3A_2655], %mul3A_2656 : memref<256x128xf32, #tpu.memory_space<vmem>>[vector<16xi32>, vector<16xi32>], vector<16xf32>,
        %broadcast_in_dim3A_2657 = arith.constant 117 : i32
        %broadcast_in_dim3A_2658 = vector.broadcast %broadcast_in_dim3A_2657 : i32 to vector<16xi32>
        %mul3A_2659 = arith.mulf %exp3A_2597, %div3A_2641 : vector<16xf32>
        tpu.vector_store_idx %arg9[%add3A_22, %broadcast_in_dim3A_2658], %mul3A_2659 : memref<256x128xf32, #tpu.memory_space<vmem>>[vector<16xi32>, vector<16xi32>], vector<16xf32>,
        %broadcast_in_dim3A_2660 = arith.constant 118 : i32
        %broadcast_in_dim3A_2661 = vector.broadcast %broadcast_in_dim3A_2660 : i32 to vector<16xi32>
        %mul3A_2662 = arith.mulf %exp3A_2601, %div3A_2641 : vector<16xf32>
        tpu.vector_store_idx %arg9[%add3A_22, %broadcast_in_dim3A_2661], %mul3A_2662 : memref<256x128xf32, #tpu.memory_space<vmem>>[vector<16xi32>, vector<16xi32>], vector<16xf32>,
        %broadcast_in_dim3A_2663 = arith.constant 119 : i32
        %broadcast_in_dim3A_2664 = vector.broadcast %broadcast_in_dim3A_2663 : i32 to vector<16xi32>
        %mul3A_2665 = arith.mulf %exp3A_2605, %div3A_2641 : vector<16xf32>
        tpu.vector_store_idx %arg9[%add3A_22, %broadcast_in_dim3A_2664], %mul3A_2665 : memref<256x128xf32, #tpu.memory_space<vmem>>[vector<16xi32>, vector<16xi32>], vector<16xf32>,
        %broadcast_in_dim3A_2666 = arith.constant 120 : i32
        %broadcast_in_dim3A_2667 = vector.broadcast %broadcast_in_dim3A_2666 : i32 to vector<16xi32>
        %mul3A_2668 = arith.mulf %exp3A_2609, %div3A_2641 : vector<16xf32>
        tpu.vector_store_idx %arg9[%add3A_22, %broadcast_in_dim3A_2667], %mul3A_2668 : memref<256x128xf32, #tpu.memory_space<vmem>>[vector<16xi32>, vector<16xi32>], vector<16xf32>,
        %broadcast_in_dim3A_2669 = arith.constant 121 : i32
        %broadcast_in_dim3A_2670 = vector.broadcast %broadcast_in_dim3A_2669 : i32 to vector<16xi32>
        %mul3A_2671 = arith.mulf %exp3A_2613, %div3A_2641 : vector<16xf32>
        tpu.vector_store_idx %arg9[%add3A_22, %broadcast_in_dim3A_2670], %mul3A_2671 : memref<256x128xf32, #tpu.memory_space<vmem>>[vector<16xi32>, vector<16xi32>], vector<16xf32>,
        %broadcast_in_dim3A_2672 = arith.constant 122 : i32
        %broadcast_in_dim3A_2673 = vector.broadcast %broadcast_in_dim3A_2672 : i32 to vector<16xi32>
        %mul3A_2674 = arith.mulf %exp3A_2617, %div3A_2641 : vector<16xf32>
        tpu.vector_store_idx %arg9[%add3A_22, %broadcast_in_dim3A_2673], %mul3A_2674 : memref<256x128xf32, #tpu.memory_space<vmem>>[vector<16xi32>, vector<16xi32>], vector<16xf32>,
        %broadcast_in_dim3A_2675 = arith.constant 123 : i32
        %broadcast_in_dim3A_2676 = vector.broadcast %broadcast_in_dim3A_2675 : i32 to vector<16xi32>
        %mul3A_2677 = arith.mulf %exp3A_2621, %div3A_2641 : vector<16xf32>
        tpu.vector_store_idx %arg9[%add3A_22, %broadcast_in_dim3A_2676], %mul3A_2677 : memref<256x128xf32, #tpu.memory_space<vmem>>[vector<16xi32>, vector<16xi32>], vector<16xf32>,
        %broadcast_in_dim3A_2678 = arith.constant 124 : i32
        %broadcast_in_dim3A_2679 = vector.broadcast %broadcast_in_dim3A_2678 : i32 to vector<16xi32>
        %mul3A_2680 = arith.mulf %exp3A_2625, %div3A_2641 : vector<16xf32>
        tpu.vector_store_idx %arg9[%add3A_22, %broadcast_in_dim3A_2679], %mul3A_2680 : memref<256x128xf32, #tpu.memory_space<vmem>>[vector<16xi32>, vector<16xi32>], vector<16xf32>,
        %broadcast_in_dim3A_2681 = arith.constant 125 : i32
        %broadcast_in_dim3A_2682 = vector.broadcast %broadcast_in_dim3A_2681 : i32 to vector<16xi32>
        %mul3A_2683 = arith.mulf %exp3A_2629, %div3A_2641 : vector<16xf32>
        tpu.vector_store_idx %arg9[%add3A_22, %broadcast_in_dim3A_2682], %mul3A_2683 : memref<256x128xf32, #tpu.memory_space<vmem>>[vector<16xi32>, vector<16xi32>], vector<16xf32>,
        %broadcast_in_dim3A_2684 = arith.constant 126 : i32
        %broadcast_in_dim3A_2685 = vector.broadcast %broadcast_in_dim3A_2684 : i32 to vector<16xi32>
        %mul3A_2686 = arith.mulf %exp3A_2633, %div3A_2641 : vector<16xf32>
        tpu.vector_store_idx %arg9[%add3A_22, %broadcast_in_dim3A_2685], %mul3A_2686 : memref<256x128xf32, #tpu.memory_space<vmem>>[vector<16xi32>, vector<16xi32>], vector<16xf32>,
        %broadcast_in_dim3A_2687 = arith.constant 127 : i32
        %broadcast_in_dim3A_2688 = vector.broadcast %broadcast_in_dim3A_2687 : i32 to vector<16xi32>
        %mul3A_2689 = arith.mulf %exp3A_2637, %div3A_2641 : vector<16xf32>
        tpu.vector_store_idx %arg9[%add3A_22, %broadcast_in_dim3A_2688], %mul3A_2689 : memref<256x128xf32, #tpu.memory_space<vmem>>[vector<16xi32>, vector<16xi32>], vector<16xf32>,
      }
      %scan3A_17 = arith.constant 16 : i32
      "tpu.region"() ({
        %run_scoped3A = tpu.sem_alloc : memref<!tpu.dma_semaphore, #tpu.memory_space<semaphore_mem>>
        %dma_start3A = arith.constant 0 : i32
        %dma_start3A_18 = tpu.memref_slice %arg5[%add3A_11, %dma_start3A] : memref<204800x128xf32, #tpu.memory_space<hbm>> -> memref<256x128xf32, #tpu.memory_space<hbm>>
        %dma_start3A_19 = arith.constant 0 : i32
        %dma_start3A_20 = tpu.memref_slice %arg5[%add3A_11, %dma_start3A_19] : memref<204800x128xf32, #tpu.memory_space<hbm>> -> memref<256x128xf32, #tpu.memory_space<hbm>>
        tpu.enqueue_dma source(%arg9 : memref<256x128xf32, #tpu.memory_space<vmem>>) target(%dma_start3A_20 : memref<256x128xf32, #tpu.memory_space<hbm>>) target_semaphore(%run_scoped3A : memref<!tpu.dma_semaphore, #tpu.memory_space<semaphore_mem>>)
        %dma_wait3A = arith.constant 0 : i32
        %dma_wait3A_21 = tpu.memref_slice %arg5[%add3A_11, %dma_wait3A] : memref<204800x128xf32, #tpu.memory_space<hbm>> -> memref<256x128xf32, #tpu.memory_space<hbm>>
        %dma_wait3A_22 = arith.constant 0 : i32
        %dma_wait3A_23 = tpu.memref_slice %arg5[%add3A_11, %dma_wait3A_22] : memref<204800x128xf32, #tpu.memory_space<hbm>> -> memref<256x128xf32, #tpu.memory_space<hbm>>
        tpu.wait_dma2 semaphore(%run_scoped3A : memref<!tpu.dma_semaphore, #tpu.memory_space<semaphore_mem>>) src(%arg9 : memref<256x128xf32, #tpu.memory_space<vmem>>) dst(%dma_wait3A_23 : memref<256x128xf32, #tpu.memory_space<hbm>>)
        tpu.yield
      }) : () -> ()
    }
    %scan3A_7 = arith.constant 25 : i32
    return
  }
}

</mosaic_0001>

<sc_bundles>
// kernel: kernel.3.cloned.1.call-start
scs
__scs_entry_jumppad:
0x0: {  	(pc) =	sbr.rel $0x88, $3  }
0x1: {  	(tag) =	ssettag $0x0;
	lr =	simm.s32 $0x1  }
0x2: {  	[smem:$0x3F9E] =	sst lr;
	_ =	strace $0xD0000000  }
0x3: {  	_ = 	snop  }
0x4: {  	_ = 	snop  }
0x5: {  	_ = 	snop  }
0x6: {  	_ = 	snop  }
0x7: {  	_ = 	snop  }
__scs_overlays_trampoline_lowered:
0x8: {  	[smem:$0x3FAD] =	sst s0  }
0x9: {  	[smem:$0x3FAE] =	sst s1  }
0xa: {  	[smem:$0x3FAF] =	sst s2  }
0xb: {  	[smem:$0x3FB0] =	sst s3  }
0xc: {  	[smem:$0x3FB1] =	sst s4  }
0xd: {  	[smem:$0x3FB2] =	sst s5  }
0xe: {  	[smem:$0x3FB3] =	sst s6  }
0xf: {  	[smem:$0x3FB4] =	sst s7  }
0x10: {  	[smem:$0x3FB5] =	sst s8  }
0x11: {  	[smem:$0x3FB6] =	sst s9;
	s0 =	simm.s32 @!p0 $0x0  }
0x12: {  	s1 =	sld [smem:$0x3F9C];
	s0 =	simm.s32 @p0 $0x1  }
0x13: {  	[smem:$0x3FB7] =	sst s0;
	s0 =	simm.s32 @!p1 $0x0  }
0x14: {  	s2 =	sld [smem:$0x3F9B];
	s0 =	simm.s32 @p1 $0x1  }
0x15: {  	[smem:$0x3FB8] =	sst s0;
	s0 =	simm.s32 @!p2 $0x0  }
0x16: {  	s3 =	sld [smem:$0x3FDB];
	s0 =	simm.s32 @p2 $0x1  }
0x17: {  	s4 =	simm.s32 $0x1BF5;
	[smem:$0x3FBA] =	sst s0  }
0x18: {  	s0 =	sld [smem:$0x3F9D];
	_ =	swait.ge [sflag:s4], $0x0  }
0x19: {  	s7 =	sld [smem:$0x3F9E]  }
0x1a: {  	s8 =	sadd.s32 $0xFFFFE003, lr  }
0x1b: {  	s9 =	sadd.s32 $0xFFFFFEF7, lr;
	s5 =	simm.s32 $0xFFFFFFFF;
	p2 =	slt.u32 s8, $0xFFFFF086  }
0x1c: {  	p1 =	slt.u32 s9, $0xF7A;
	s5 =	simm.s32 @!p2 $0x0  }
0x1d: {  	s5 =	simm.s32 @p1 $0x1;
	p0 =	seq.s32 s7, s2  }
0x1e: {  	s7 =	smul.u32 @!p0 $0xF7A, s2;
	p2 =	seq.s32 @!p0 s5, $0x0  }
0x1f: {  	s9 =	smul.u32 $0xF7A, s1;
	s8 =	simm.s32 @!p0 $0x1BF5;
	p2 =	por !p2, p0  }
0x20: {  	[sflag:s8] =	ssyncset.s32 @!p0 $0xFFFFF086;
	s6 =	sadd.s32 @!p0 s3, s7;
	s7 =	simm.s32 @!p0 $0x108  }
0x21: {  	s3 =	sadd.s32 s3, s9;
	s6 =	sadd.s32 @!p0 $0x88, s6;
	s7 =	simm.s32 @p2 $0x1082  }
0x22: {  	[simem:s7], [sflag:s8] =	dma.local @!p0 [hbm:s6], $0xF7A  }
0x23: {  	s9 =	sor.u32 $0xD0000000, s2;
	s6 =	simm.s32 $0x108;
	_ =	swait.ge @!p0 [sflag:s8], $0x0  }
0x24: {  	s3 =	sadd.s32 $0x88, s3;
	s6 =	simm.s32 @!p1 $0x1082;
	[sflag:s4] =	ssyncset.s32 $0xFFFFF086  }
0x25: {  	[simem:s6], [sflag:s4] =	dma.local [hbm:s3], $0xF7A  }
0x26: {  	[smem:$0x3F9E] =	sst s1;
	(tag) =	ssettag s2;
	_ =	strace s9  }
0x27: {  	s1 =	sld [smem:$0x3FAE]  }
0x28: {  	s2 =	sld [smem:$0x3FAF]  }
0x29: {  	s4 =	sld [smem:$0x3FB1]  }
0x2a: {  	p0 =	seq.s32 s5, $0x0;
	s5 =	sld [smem:$0x3FB2]  }
0x2b: {  	s6 =	sld [smem:$0x3FB3]  }
0x2c: {  	s7 =	sld [smem:$0x3FB4]  }
0x2d: {  	s3 =	simm.s32 $0x108;
	s8 =	sld [smem:$0x3FB5]  }
0x2e: {  	s3 =	simm.s32 @!p0 $0x1082;
	s9 =	sld [smem:$0x3FB6]  }
0x2f: {  	lr =	sadd.s32 s0, s3;
	s0 =	sld [smem:$0x3FAD]  }
0x30: {  	s3 =	sld [smem:$0x3FB0]  }
0x31: {  	[smem:$0x3FB9] =	sst s10  }
0x32: {  	s10 =	sld [smem:$0x3FB7];
	_ =	sdelay $0x3  }
0x33: {  	p0 =	seq.s32 s10, $0x1;
	s10 =	sld [smem:$0x3FB9];
	_ =	sdelay $0x3  }
0x34: {  	[smem:$0x3FB9] =	sst s10  }
0x35: {  	s10 =	sld [smem:$0x3FB8];
	_ =	sdelay $0x3  }
0x36: {  	p1 =	seq.s32 s10, $0x1;
	s10 =	sld [smem:$0x3FB9];
	_ =	sdelay $0x3  }
0x37: {  	[smem:$0x3FB9] =	sst s10  }
0x38: {  	s10 =	sld [smem:$0x3FBA]  }
0x39: {  	_ = 	snop;
	(pc) =	sbr.ind lr, $3  }
0x3a: {  	_ = 	snop  }
0x3b: {  	_ = 	snop  }
0x3c: {  	p2 =	seq.s32 s10, $0x1;
	s10 =	sld [smem:$0x3FB9]  }
0x3d: {  	_ =	shalt  }
0x3e: {  	_ =	shalt  }
0x3f: {  	_ =	shalt  }
0x40: {  	_ =	shalt  }
0x41: {  	_ =	shalt  }
0x42: {  	_ =	shalt  }
0x43: {  	_ =	shalt  }
0x44: {  	_ =	shalt  }
0x45: {  	_ =	shalt  }
0x46: {  	_ =	shalt  }
0x47: {  	_ =	shalt  }
0x48: {  	_ =	shalt  }
0x49: {  	_ =	shalt  }
0x4a: {  	_ =	shalt  }
0x4b: {  	_ =	shalt  }
0x4c: {  	_ =	shalt  }
0x4d: {  	_ =	shalt  }
0x4e: {  	_ =	shalt  }
0x4f: {  	_ =	shalt  }
0x50: {  	_ =	shalt  }
0x51: {  	_ =	shalt  }
0x52: {  	_ =	shalt  }
0x53: {  	_ =	shalt  }
0x54: {  	_ =	shalt  }
0x55: {  	_ =	shalt  }
0x56: {  	_ =	shalt  }
0x57: {  	_ =	shalt  }
0x58: {  	_ =	shalt  }
0x59: {  	_ =	shalt  }
0x5a: {  	_ =	shalt  }
0x5b: {  	_ =	shalt  }
0x5c: {  	_ =	shalt  }
0x5d: {  	_ =	shalt  }
0x5e: {  	_ =	shalt  }
0x5f: {  	_ =	shalt  }
0x60: {  	_ =	shalt  }
0x61: {  	_ =	shalt  }
0x62: {  	_ =	shalt  }
0x63: {  	_ =	shalt  }
0x64: {  	_ =	shalt  }
0x65: {  	_ =	shalt  }
0x66: {  	_ =	shalt  }
0x67: {  	_ =	shalt  }
0x68: {  	_ =	shalt  }
0x69: {  	_ =	shalt  }
0x6a: {  	_ =	shalt  }
0x6b: {  	_ =	shalt  }
0x6c: {  	_ =	shalt  }
0x6d: {  	_ =	shalt  }
0x6e: {  	_ =	shalt  }
0x6f: {  	_ =	shalt  }
0x70: {  	_ =	shalt  }
0x71: {  	_ =	shalt  }
0x72: {  	_ =	shalt  }
0x73: {  	_ =	shalt  }
0x74: {  	_ =	shalt  }
0x75: {  	_ =	shalt  }
0x76: {  	_ =	shalt  }
0x77: {  	_ =	shalt  }
0x78: {  	_ =	shalt  }
0x79: {  	_ =	shalt  }
0x7a: {  	_ =	shalt  }
0x7b: {  	_ =	shalt  }
0x7c: {  	_ =	shalt  }
0x7d: {  	_ =	shalt  }
0x7e: {  	_ =	shalt  }
0x7f: {  	_ =	shalt  }
0x80: {  	_ =	shalt  }
0x81: {  	_ =	shalt  }
0x82: {  	_ =	shalt  }
0x83: {  	_ =	shalt  }
0x84: {  	_ =	shalt  }
0x85: {  	_ =	shalt  }
0x86: {  	_ =	shalt  }
0x87: {  	_ =	shalt  }
.Lfunc_end0:
.L_simem_size_0:
called_computation.1_lowered:
.L_overlay_start_0:
0x88: {  	s2 =	sld [smem:$0x3FD9]  }
0x89: {  	s3 =	sld [smem:$0x3FFE];
	_ =	sdelay $0x1  }
0x8a: {  	s1 =	srdreg.scid  }
0x8b: {  	s0 =	sand.u32 $0x1, s1  }
0x8c: {  	s17 =	sshll.u32 s0, $0xA;
	s2 =	sadd.s32 s3, s2  }
0x8d: {  	s2 =	sadd.s32 s2, s17  }
0x8e: {  	[smem:$0x3FC5] =	sst s2  }
0x8f: {  	_ = 	snop  }
0x90: {  	s2 =	sld [smem:$0x3FC8]  }
0x91: {  	s18 =	sld [smem:$0x3FC7]  }
0x92: {  	s4 =	sld [smem:$0x3FD0];
	(tm) =	ssettm $0x1  }
0x93: {  	s5 =	sld [smem:$0x3FFB];
	_ =	sdelay $0x3  }
0x94: {  	_ =	strace s5  }
0x95: {  	s5 =	sld [smem:$0x3FFC];
	_ =	sdelay $0x3  }
0x96: {  	_ =	strace s5  }
0x97: {  	s5 =	sld [smem:$0x3FFD];
	_ =	sdelay $0x3  }
0x98: {  	_ =	strace s5  }
0x99: {  	_ =	strace $0x8FFFFFFF  }
0x9a: {  	s19 =	sld [smem:$0x3FDB];
	_ =	sdelay $0x1  }
0x9b: {  	s6 =	simm.s32 $_scs_section_size  }
0x9c: {  	s7 =	simm.s32 $_size__tile_overlayer_lowered;
	s8 =	simm.s32 $_tile_overlayer_lowered  }
0x9d: {  	s22 =	simm.s32 $0x1BFF;
	s21 =	sshll.u32 s8, $0x1;
	s5 =	sadd.s32 s6, s19  }
0x9e: {  	s9 =	simm.s32 $0x0;
	s20 =	sshll.u32 s7, $0x1;
	s7 =	sadd.s32 s21, s5  }
0x9f: {  	[timem:s9], [sflag:s22] =	dma.local [hbm:s7], s20  }
0xa0: {  	_ =	swait.ge [sflag:s22], s20  }
0xa1: {  	s6 =	ssub.s32 $0x0, s20;
	[sflag:s22] =	ssyncset.done $0x0  }
0xa2: {  	[sflag:s22] =	ssyncadd.s32 s6;
	_ =	sdelay $0x1  }
0xa3: {  	s23 =	simm.s32 $0x1B8B  }
0xa4: {  	_ =	swait.ge [sflag:s23], $0x1  }
0xa5: {  	[sflag:s23] =	ssyncset.done $0x0  }
0xa6: {  	s25 =	simm.s32 $0x1B8E;
	s24 =	sld [smem:$0x3FFE];
	[sflag:s23] =	ssyncadd.s32 $0xFFFFFFFF  }
0xa7: {  	s26 =	simm.s32 $execute0_lowered;
	[smem:$0x3FD2] =	sst s25  }
0xa8: {  	s7 =	sshll.u32 s26, $0x1;
	_ =	strace $0x80000046;
	[dreg:$0x1] =	wrdreg $0xFFFFFFFF  }
0xa9: {  	s28 =	simm.s32 $_size_execute0_lowered;
	s5 =	sadd.s32 s5, s7;
	[dreg:$0x0] =	wrdreg $0x0  }
0xaa: {  	s7 =	sshll.u32 s28, $0x1;
	[dreg:$0x2] =	wrdreg s5  }
0xab: {  	[dreg:$0x3] =	wrdreg s7  }
0xac: {  	[dreg:$0x4] =	wrdreg $0xC0  }
0xad: {  	_ =	task [dreg:s9], $0x5FFFF  }
0xae: {  	[dreg:$0x1] =	wrdreg $0xFFFFFFFF  }
0xaf: {  	[dreg:$0x0] =	wrdreg $0x60  }
0xb0: {  	[dreg:$0x2] =	wrdreg s24  }
0xb1: {  	[dreg:$0x3] =	wrdreg s2  }
0xb2: {  	[dreg:$0x4] =	wrdreg s18  }
0xb3: {  	[dreg:$0x5] =	wrdreg s4  }
0xb4: {  	[dreg:$0x6] =	wrdreg $0x9  }
0xb5: {  	_ =	task.clear_ibuf [dreg:s9], $0x7FFFF;
	_ =	strace $0x90000046  }
0xb6: {  	s29 =	simm.s32 $0x9;
	_ =	strace $0x80000048  }
0xb7: {  	_ =	swait.ge [sflag:s29], $0x1  }
0xb8: {  	[sflag:s29] =	ssyncadd.s32 $0xFFFFFFFF  }
0xb9: {  	_ =	strace $0x90000048  }
0xba: {  	_ =	sfence  }
0xbb: {  	s30 =	sld [smem:$0x0];
	_ =	sdelay $0x2  }
0xbc: {  	s31 =	sshll.u32 s1, $0xD;
	s1 =	sshrl.u32 s1, $0x2  }
0xbd: {  	s3 =	sand.u32 $0x4000, s31;
	s1 =	sadd.s32 s1, s30  }
0xbe: {  	s0 =	sor.u32 s3, s0;
	s1 =	sshll.u32 s1, $0x11  }
0xbf: {  	s0 =	sor.u32 s1, s0  }
0xc0: {  	s0 =	sadd.s32 $0x8F2B, s0  }
0xc1: {  	[sflag:s0] =	ssyncadd.remote.s32 $0x1  }
0xc2: {  	_ =	sfence.sel $0xFFFF  }
0xc3: {  	[dreg:$0x0] =	wrdreg $0xFFFFFFFF;
	(pc) =	sbr.abs _section_cstart, $3  }
0xc4: {  	[dreg:$0x1] =	wrdreg $0xFFFFFFFF  }
0xc5: {  	_ =	task.clear_ibuf [dreg:s9], $0x2FFFF;
	_ =	strace $0x9FFFFFFF  }
0xc6: {  	(tm) =	ssettm $0x7FFFFFFF  }
0xc7: {  	_ =	shalt  }
tec
execute0_lowered:
.L_overlay_start_1:
0x0: {  	(tag) =	ssettag $0x1  }
0x1: {  	s6 =	rddreg [dreg:$0x0]  }
0x2: {  	s1 =	rddreg [dreg:$0x1]  }
0x3: {  	s2 =	rddreg [dreg:$0x2]  }
0x4: {  	s4 =	rddreg [dreg:$0x3]  }
0x5: {  	s0 =	rddreg [dreg:$0x4];
	s7 =	srdreg.scid  }
0x6: {  	s5 =	simm.s32 $0x0;
	s3 =	stileid.u32;
	s11 =	simm.s32 $0x800  }
0x7: {  	s12 =	simm.s32 $0x1000;
	s13 =	simm.s32 $0x0;
	s7 =	sand.u32 $0x1, s7  }
0x8: {  	[smem:$0x7FF] =	sst s5;
	s9 =	sshll.u32 s3, $0x1;
	s8 =	ssub.s32 $0x2, s7  }
0x9: {  	s6 =	sadd.s32 $0x800, s6;
	_ =	strace $0x80000047;
	s10 =	sshrl.u32 s8, $0x1  }
0xa: {  	v0 =	vlaneseq.u32;
	s7 =	sor.u32 s7, s9;
	s9 =	simm.s32 $0x1;
	s8 =	ssub.s32 s8, s10  }
0xb: {  	v0 =	vmul.u32 $0x80, v0;
	s7 =	smul.u32 $0x1900, s7;
	s10 =	simm.s32 $0x400;
	s8 =	smax.u32 s8, $0x1  }
.LBB2_1:
0xc: {  	[tilespmem:s5], [sflag:$0x1] =	stream.linear.gather [hbm4b:s1+s5], $0x400, $0x38;
	[tilespmem:$0x9000] =	vst v63  }
0xd: {  	_ =	swait.ge [sflag:s9], $0x400  }
0xe: {  	[sflag:s9] =	ssyncset.done $0x0  }
0xf: {  	[sflag:s9] =	ssyncadd.s32 $0xFFFFFC00  }
0x10: {  	[tilespmem:s10], [sflag:$0x1] =	stream.linear.gather [hbm4b:s2+s5], $0x400, $0x38;
	[tilespmem:$0x9000] =	vst v63  }
0x11: {  	_ =	swait.ge [sflag:s9], $0x400  }
0x12: {  	[sflag:s9] =	ssyncset.done $0x0  }
0x13: {  	s14 =	simm.s32 $0x0;
	[sflag:s9] =	ssyncadd.s32 $0xFFFFFC00  }
.LBB2_2:
0x14: {  	s15 =	sshll.u32 s14, $0x8  }
0x15: {  	s15 =	sadd.s32 s7, s15  }
0x16: {  	s16 =	simm.s32 $0x0;
	s17 =	sadd.s32 s6, s15  }
0x17: {  	[tilespmem:s11], [sflag:$0x1] =	stream.linear.gather [hbm4b:s17+s16], $0x800, $0x38;
	[tilespmem:$0x9000] =	vst v63  }
0x18: {  	_ =	swait.ge [sflag:s9], $0x800  }
0x19: {  	[sflag:s9] =	ssyncset.done $0x0  }
0x1a: {  	s17 =	simm.s32 $0x0;
	[sflag:s9] =	ssyncadd.s32 $0xFFFFF800  }
.LBB2_3:
0x1b: {  	v1 =	vld [tilespmem:$0x0]  }
0x1c: {  	v3 =	vld [tilespmem:$0x400];
	_ =	sdelay $0x3  }
0x1d: {  	v4 =	vbroadcast v1, $0x0  }
0x1e: {  	v5 =	vbroadcast v1, $0x1;
	v6 =	vbroadcast v3, $0x0  }
0x1f: {  	v7 =	vbroadcast v1, $0x2;
	v9 =	vbroadcast v3, $0x1  }
0x20: {  	v10 =	vbroadcast v1, $0x3;
	v56 =	vbroadcast v3, $0x2  }
0x21: {  	s18 =	sand.u32 $0x70, s17;
	s19 =	sand.u32 $0x400, s16;
	v12 =	vbroadcast v1, $0x4;
	v13 =	vbroadcast v3, $0x3  }
0x22: {  	s18 =	sor.u32 s18, s19;
	v58 =	vbroadcast v1, $0x5;
	v59 =	vbroadcast v3, $0x4  }
0x23: {  	v2 =	vld [tilespmem:s18+$0x800];
	v14 =	vbroadcast v1, $0x6;
	v61 =	vbroadcast v3, $0x5  }
0x24: {  	v15 =	vbroadcast v1, $0x7;
	v16 =	vbroadcast v3, $0x6  }
0x25: {  	v63 =	vbroadcast v1, $0x8;
	v20 =	vbroadcast v3, $0x7  }
0x26: {  	v17 =	vbroadcast v1, $0x9;
	v22 =	vbroadcast v3, $0x8  }
0x27: {  	v18 =	vbroadcast v1, $0xA;
	v19 =	vbroadcast v3, $0x9  }
0x28: {  	v24 =	vbroadcast v1, $0xB;
	v4 =	vsub.f32 v2, v4;
	v5 =	vsub.f32 v2, v5  }
0x29: {  	v25 =	vbroadcast v3, $0xA;
	v7 =	vsub.f32 v2, v7;
	v10 =	vsub.f32 v2, v10  }
0x2a: {  	v26 =	vbroadcast v1, $0xC;
	v57 =	vsub.f32 v2, v12;
	v12 =	vsub.f32 v2, v58  }
0x2b: {  	v28 =	vbroadcast v1, $0xE;
	v60 =	vsub.f32 v2, v14;
	v62 =	vsub.f32 v2, v15  }
0x2c: {  	v29 =	vbroadcast v3, $0xD;
	v15 =	vsub.f32 v2, v63;
	v21 =	vsub.f32 v2, v17  }
0x2d: {  	v30 =	vbroadcast v3, $0xE;
	v23 =	vsub.f32 v2, v18;
	v18 =	vsub.f32 v2, v24  }
0x2e: {  	v4 =	vand.u32 $0x7FFFFFFF, v4;
	v5 =	vand.u32 $0x7FFFFFFF, v5;
	v7 =	vand.u32 $0x7FFFFFFF, v7  }
0x2f: {  	v10 =	vand.u32 $0x7FFFFFFF, v10;
	v12 =	vand.u32 $0x7FFFFFFF, v12;
	v14 =	vand.u32 $0x7FFFFFFF, v62  }
0x30: {  	v15 =	vand.u32 $0x7FFFFFFF, v15;
	v17 =	vand.u32 $0x7FFFFFFF, v23;
	v18 =	vand.u32 $0x7FFFFFFF, v18  }
0x31: {  	vm0 =	vlt.f32 v4, $3.399999950e+38;
	v8 =	vmin.f32 v4, $3.399999950e+38;
	v11 =	vmax.f32 v4, $-3.399999950e+38  }
0x32: {  	v6 =	vnsel vm0, $0x0, v6;
	vm9 =	vlt.f32 v5, v8;
	v8 =	vmin.f32 v8, v5  }
0x33: {  	v55 =	vmax.f32 v11, v5;
	v11 =	vand.u32 $0x7FFFFFFF, v57;
	v6 =	vsel vm9, v9, v6  }
0x34: {  	vm10 =	vlt.f32 v7, v8;
	v8 =	vmin.f32 v8, v7;
	v9 =	vmax.f32 v55, v7  }
0x35: {  	v6 =	vsel vm10, v56, v6;
	vm11 =	vlt.f32 v10, v8;
	v8 =	vmin.f32 v8, v10  }
0x36: {  	v9 =	vmax.f32 v9, v10;
	v6 =	vsel vm11, v13, v6;
	vm12 =	vlt.f32 v11, v8  }
0x37: {  	v8 =	vmin.f32 v8, v11;
	v9 =	vmax.f32 v9, v11;
	v13 =	vand.u32 $0x7FFFFFFF, v60  }
0x38: {  	v6 =	vsel vm12, v59, v6;
	vm13 =	vlt.f32 v12, v8;
	v8 =	vmin.f32 v8, v12  }
0x39: {  	v9 =	vmax.f32 v9, v12;
	v6 =	vsel vm13, v61, v6;
	vm14 =	vlt.f32 v13, v8  }
0x3a: {  	v8 =	vmin.f32 v8, v13;
	v9 =	vmax.f32 v9, v13;
	v6 =	vsel vm14, v16, v6  }
0x3b: {  	vm15 =	vlt.f32 v14, v8;
	v8 =	vmin.f32 v8, v14;
	v9 =	vmax.f32 v9, v14  }
0x3c: {  	v16 =	vand.u32 $0x7FFFFFFF, v21;
	v21 =	vbroadcast v1, $0xD;
	v1 =	vbroadcast v1, $0xF  }
0x3d: {  	v6 =	vsel vm15, v20, v6;
	vm4 =	vlt.f32 v15, v8;
	v8 =	vmin.f32 v8, v15  }
0x3e: {  	v9 =	vmax.f32 v9, v15;
	v20 =	vbroadcast v3, $0xB;
	v6 =	vsel vm4, v22, v6  }
0x3f: {  	vm5 =	vlt.f32 v16, v8;
	v8 =	vmin.f32 v8, v16;
	v9 =	vmax.f32 v9, v16  }
0x40: {  	v27 =	vsub.f32 v2, v21;
	v22 =	vbroadcast v3, $0xC;
	v21 =	vsub.f32 v2, v28  }
0x41: {  	v1 =	vsub.f32 v2, v1;
	v3 =	vbroadcast v3, $0xF;
	v6 =	vsel vm5, v19, v6  }
0x42: {  	vm6 =	vlt.f32 v17, v8;
	v8 =	vmin.f32 v8, v17;
	v9 =	vmax.f32 v9, v17  }
0x43: {  	v19 =	vsub.f32 v2, v26;
	v6 =	vsel vm6, v25, v6;
	vm7 =	vlt.f32 v18, v8  }
0x44: {  	v8 =	vmin.f32 v8, v18;
	v9 =	vmax.f32 v9, v18;
	v21 =	vand.u32 $0x7FFFFFFF, v21  }
0x45: {  	v1 =	vand.u32 $0x7FFFFFFF, v1;
	v6 =	vsel vm7, v20, v6;
	v19 =	vand.u32 $0x7FFFFFFF, v19  }
0x46: {  	v20 =	vand.u32 $0x7FFFFFFF, v27;
	vm8 =	vlt.f32 v19, v8;
	v8 =	vmin.f32 v8, v19  }
0x47: {  	v6 =	vsel vm8, v22, v6;
	vm9 =	vlt.f32 v20, v8;
	v8 =	vmin.f32 v8, v20  }
0x48: {  	v2 =	vsel vm9, v29, v6;
	vm10 =	vlt.f32 v21, v8;
	v8 =	vmin.f32 v8, v21  }
0x49: {  	v9 =	vmax.f32 v9, v19;
	v2 =	vsel vm10, v30, v2;
	vm11 =	vlt.f32 v1, v8  }
0x4a: {  	v31 =	vmax.f32 v9, v20;
	v2 =	vsel vm11, v3, v2  }
0x4b: {  	v3 =	vmax.f32 v31, v21;
	v2 =	vsub.f32 $0.0e+00, v2  }
0x4c: {  	v32 =	vmin.f32 v8, v1;
	v3 =	vmax.f32 v3, v1  }
0x4d: {  	v6 =	vmul.f32 v2, v32;
	v3 =	vmul.f32 v2, v3  }
0x4e: {  	v4 =	vmul.f32 v2, v4  }
0x4f: {  	v3 =	vmax.f32 v6, v3  }
0x50: {  	v5 =	vmul.f32 v2, v5;
	v4 =	vsub.f32 v4, v3;
	_ =	sdelay $0x1  }
0x51: {  	v33 =	vmul.f32 v2, v7;
	v5 =	vsub.f32 v5, v3;
	v4 =	vmul.f32 $1.442695020e+00, v4  }
0x52: {  	v34 =	vmul.f32 v2, v10  }
0x53: {  	v35 =	vsub.f32 v33, v3;
	v5 =	vmul.f32 $1.442695020e+00, v5;
	(erf) = vpow2.f32 v4  }
0x54: {  	v37 =	vmul.f32 v2, v11  }
0x55: {  	v36 =	vsub.f32 v34, v3;
	v4 =	vmul.f32 $1.442695020e+00, v35;
	(erf) = vpow2.f32 v5  }
0x56: {  	v38 =	vmul.f32 v2, v12  }
0x57: {  	v39 =	vsub.f32 v37, v3;
	v5 =	vmul.f32 $1.442695020e+00, v36;
	(erf) = vpow2.f32 v4  }
0x58: {  	v41 =	vmul.f32 v2, v13;
	v40 =	vsub.f32 v38, v3  }
0x59: {  	v4 =	vmul.f32 $1.442695020e+00, v39;
	(erf) = vpow2.f32 v5  }
0x5a: {  	v5 =	vmul.f32 $1.442695020e+00, v40  }
0x5b: {  	v42 =	vmul.f32 v2, v14;
	v43 =	vsub.f32 v41, v3;
	(erf) = vpow2.f32 v4  }
0x5c: {  	v47 =	vmul.f32 v2, v15;
	v44 =	vpop (erf);
	(erf) = vpow2.f32 v5  }
0x5d: {  	v45 =	vsub.f32 v42, v3;
	v4 =	vmul.f32 $1.442695020e+00, v43;
	v46 =	vadd.f32 $0.0e+00, v44  }
0x5e: {  	v51 =	vmul.f32 v2, v16;
	v49 =	vsub.f32 v47, v3;
	v48 =	vpop (erf)  }
0x5f: {  	v5 =	vmul.f32 $1.442695020e+00, v45;
	(erf) = vpow2.f32 v4;
	v7 =	vadd.f32 v46, v48  }
0x60: {  	v52 =	vmul.f32 v2, v17;
	v4 =	vmul.f32 $1.442695020e+00, v49;
	v50 =	vpop (erf)  }
0x61: {  	(erf) = vpow2.f32 v5;
	v5 =	vsub.f32 v51, v3;
	v7 =	vadd.f32 v7, v50  }
0x62: {  	v54 =	vsub.f32 v52, v3;
	v53 =	vpop (erf)  }
0x63: {  	(erf) = vpow2.f32 v4;
	v5 =	vmul.f32 $1.442695020e+00, v5;
	v7 =	vadd.f32 v7, v53  }
0x64: {  	v56 =	vmul.f32 v2, v18;
	v55 =	vpop (erf)  }
0x65: {  	v4 =	vmul.f32 $1.442695020e+00, v54;
	v7 =	vadd.f32 v7, v55;
	v58 =	vpop (erf);
	(erf) = vpow2.f32 v5  }
0x66: {  	v57 =	vmul.f32 v2, v19;
	v59 =	vsub.f32 v56, v3  }
0x67: {  	(erf) = vpow2.f32 v4;
	v7 =	vadd.f32 v7, v58  }
0x68: {  	v62 =	vmul.f32 v2, v20;
	v60 =	vsub.f32 v57, v3;
	v5 =	vmul.f32 $1.442695020e+00, v59;
	v61 =	vpop (erf)  }
0x69: {  	v24 =	vmul.f32 v2, v21;
	v7 =	vadd.f32 v7, v61  }
0x6a: {  	v23 =	vsub.f32 v62, v3;
	v4 =	vmul.f32 $1.442695020e+00, v60;
	v63 =	vpop (erf);
	(erf) = vpow2.f32 v5  }
0x6b: {  	v1 =	vmul.f32 v2, v1;
	v7 =	vadd.f32 v7, v63  }
0x6c: {  	v13 =	vsub.f32 v24, v3;
	v5 =	vmul.f32 $1.442695020e+00, v23;
	(erf) = vpow2.f32 v4;
	v25 =	vpop (erf)  }
0x6d: {  	v2 =	vadd.f32 v7, v25  }
0x6e: {  	v1 =	vsub.f32 v1, v3;
	v26 =	vmul.f32 $1.442695020e+00, v13;
	(erf) = vpow2.f32 v5;
	v3 =	vpop (erf)  }
0x6f: {  	v2 =	vadd.f32 v2, v3  }
0x70: {  	v1 =	vmul.f32 $1.442695020e+00, v1;
	(erf) = vpow2.f32 v26;
	v27 =	vpop (erf)  }
0x71: {  	v2 =	vadd.f32 v2, v27  }
0x72: {  	(erf) = vpow2.f32 v1  }
0x73: {  	v28 =	vpop (erf)  }
0x74: {  	v1 =	vadd.f32 v2, v28  }
0x75: {  	v2 =	vpop (erf)  }
0x76: {  	v1 =	vadd.f32 v1, v2  }
0x77: {  	v29 =	vpop (erf)  }
0x78: {  	v1 =	vadd.f32 v1, v29  }
0x79: {  	v30 =	vpop (erf)  }
0x7a: {  	v1 =	vadd.f32 v1, v30  }
0x7b: {  	v31 =	vpop (erf)  }
0x7c: {  	v1 =	vadd.f32 v1, v31;
	_ =	sdelay $0x1  }
0x7d: {  	(erf) = vrcp.f32 v1;
	_ =	sdelay $0x4  }
0x7e: {  	v1 =	vmov s17  }
0x7f: {  	v1 =	vshll.u32 v1, $0x7  }
0x80: {  	v1 =	vor.u32 v0, v1  }
0x81: {  	v32 =	vor.u32 $0x1, v1  }
0x82: {  	v34 =	vor.u32 $0x2, v1;
	v33 =	vpop (erf)  }
0x83: {  	v35 =	vor.u32 $0x3, v1;
	v6 =	vmul.f32 v33, v44  }
0x84: {  	v36 =	vor.u32 $0x4, v1;
	v9 =	vmul.f32 v33, v48  }
0x85: {  	v38 =	vor.u32 $0x5, v1;
	v37 =	vmul.f32 v33, v50;
	[tilespmem:v1+s12+$0x0] =	vst.idx.msk $0xffff, v6  }
0x86: {  	v40 =	vor.u32 $0x6, v1;
	v39 =	vmul.f32 v33, v53;
	[tilespmem:v32+s12+$0x0] =	vst.idx.msk $0xffff, v9  }
0x87: {  	v42 =	vor.u32 $0x7, v1;
	v41 =	vmul.f32 v33, v55;
	[tilespmem:v34+s12+$0x0] =	vst.idx.msk $0xffff, v37  }
0x88: {  	v43 =	vmul.f32 v33, v58;
	v44 =	vor.u32 $0x8, v1;
	[tilespmem:v35+s12+$0x0] =	vst.idx.msk $0xffff, v39  }
0x89: {  	v46 =	vor.u32 $0x9, v1;
	v45 =	vmul.f32 v33, v61;
	[tilespmem:v36+s12+$0x0] =	vst.idx.msk $0xffff, v41  }
0x8a: {  	v47 =	vmul.f32 v33, v63;
	v48 =	vor.u32 $0xA, v1;
	[tilespmem:v38+s12+$0x0] =	vst.idx.msk $0xffff, v43  }
0x8b: {  	v49 =	vor.u32 $0xB, v1;
	v4 =	vmul.f32 v33, v25;
	[tilespmem:v40+s12+$0x0] =	vst.idx.msk $0xffff, v45  }
0x8c: {  	v3 =	vmul.f32 v33, v3;
	v50 =	vor.u32 $0xC, v1;
	[tilespmem:v42+s12+$0x0] =	vst.idx.msk $0xffff, v47  }
0x8d: {  	v52 =	vor.u32 $0xD, v1;
	v51 =	vmul.f32 v33, v27;
	[tilespmem:v44+s12+$0x0] =	vst.idx.msk $0xffff, v4  }
0x8e: {  	v53 =	vor.u32 $0xE, v1;
	[tilespmem:v46+s12+$0x0] =	vst.idx.msk $0xffff, v3;
	v3 =	vmul.f32 v33, v28  }
0x8f: {  	v54 =	vor.u32 $0xF, v1;
	v2 =	vmul.f32 v33, v2;
	[tilespmem:v48+s12+$0x0] =	vst.idx.msk $0xffff, v51  }
0x90: {  	[tilespmem:v49+s12+$0x0] =	vst.idx.msk $0xffff, v3;
	v3 =	vmul.f32 v33, v29  }
0x91: {  	[tilespmem:v50+s12+$0x0] =	vst.idx.msk $0xffff, v2;
	v2 =	vmul.f32 v33, v30  }
0x92: {  	[tilespmem:v52+s12+$0x0] =	vst.idx.msk $0xffff, v3;
	v3 =	vmul.f32 v33, v31  }
0x93: {  	[tilespmem:v53+s12+$0x0] =	vst.idx.msk $0xffff, v2  }
0x94: {  	[tilespmem:v54+s12+$0x0] =	vst.idx.msk $0xffff, v3  }
0x95: {  	v2 =	vld [tilespmem:$0x80]  }
0x96: {  	v4 =	vld [tilespmem:$0x480];
	_ =	sdelay $0x3  }
0x97: {  	v55 =	vbroadcast v2, $0x0;
	v56 =	vbroadcast v2, $0x1  }
0x98: {  	v57 =	vbroadcast v4, $0x0;
	v58 =	vbroadcast v2, $0x2  }
0x99: {  	v60 =	vbroadcast v4, $0x1;
	v61 =	vbroadcast v2, $0x3  }
0x9a: {  	v16 =	vbroadcast v4, $0x2;
	v17 =	vbroadcast v2, $0x4  }
0x9b: {  	v18 =	vbroadcast v4, $0x3;
	v20 =	vbroadcast v2, $0x5  }
0x9c: {  	v21 =	vbroadcast v4, $0x4;
	v22 =	vbroadcast v2, $0x6  }
0x9d: {  	v24 =	vbroadcast v4, $0x5;
	v25 =	vbroadcast v2, $0x7  }
0x9e: {  	v3 =	vld [tilespmem:s18+$0x880];
	v26 =	vbroadcast v4, $0x6;
	v28 =	vbroadcast v2, $0x8  }
0x9f: {  	v29 =	vbroadcast v4, $0x7;
	v30 =	vbroadcast v2, $0x9  }
0xa0: {  	v32 =	vbroadcast v4, $0x8;
	v33 =	vbroadcast v2, $0xA  }
0xa1: {  	v34 =	vbroadcast v4, $0x9;
	v36 =	vbroadcast v2, $0xB  }
0xa2: {  	v37 =	vbroadcast v4, $0xA;
	v38 =	vbroadcast v2, $0xC  }
0xa3: {  	v39 =	vbroadcast v4, $0xB;
	v5 =	vsub.f32 v3, v55;
	v6 =	vsub.f32 v3, v56  }
0xa4: {  	v40 =	vbroadcast v2, $0xD;
	v8 =	vsub.f32 v3, v58;
	v11 =	vsub.f32 v3, v61  }
0xa5: {  	v42 =	vbroadcast v2, $0xE;
	v19 =	vsub.f32 v3, v17;
	v13 =	vsub.f32 v3, v20  }
0xa6: {  	v2 =	vbroadcast v2, $0xF;
	v23 =	vsub.f32 v3, v22;
	v27 =	vsub.f32 v3, v25  }
0xa7: {  	v43 =	vbroadcast v4, $0xD;
	v31 =	vsub.f32 v3, v30;
	v35 =	vsub.f32 v3, v33  }
0xa8: {  	v44 =	vbroadcast v4, $0xE;
	v20 =	vsub.f32 v3, v38;
	v41 =	vsub.f32 v3, v40  }
0xa9: {  	v22 =	vsub.f32 v3, v42;
	v2 =	vsub.f32 v3, v2;
	v5 =	vand.u32 $0x7FFFFFFF, v5  }
0xaa: {  	v6 =	vand.u32 $0x7FFFFFFF, v6;
	v8 =	vand.u32 $0x7FFFFFFF, v8;
	v11 =	vand.u32 $0x7FFFFFFF, v11  }
0xab: {  	v12 =	vand.u32 $0x7FFFFFFF, v19;
	v13 =	vand.u32 $0x7FFFFFFF, v13;
	v14 =	vand.u32 $0x7FFFFFFF, v23  }
0xac: {  	v15 =	vand.u32 $0x7FFFFFFF, v27;
	v17 =	vand.u32 $0x7FFFFFFF, v31;
	v19 =	vsub.f32 v3, v36  }
0xad: {  	v20 =	vand.u32 $0x7FFFFFFF, v20;
	v23 =	vbroadcast v4, $0xC;
	v22 =	vand.u32 $0x7FFFFFFF, v22  }
0xae: {  	v2 =	vand.u32 $0x7FFFFFFF, v2;
	v4 =	vbroadcast v4, $0xF;
	vm12 =	vlt.f32 v5, $3.399999950e+38  }
0xaf: {  	v59 =	vmin.f32 v5, $3.399999950e+38;
	v62 =	vmax.f32 v5, $-3.399999950e+38;
	v7 =	vnsel vm12, $0x0, v57  }
0xb0: {  	vm13 =	vlt.f32 v6, v59;
	v9 =	vmin.f32 v59, v6;
	v63 =	vmax.f32 v62, v6  }
0xb1: {  	v19 =	vand.u32 $0x7FFFFFFF, v19;
	v7 =	vsel vm13, v60, v7;
	vm14 =	vlt.f32 v8, v9  }
0xb2: {  	v9 =	vmin.f32 v9, v8;
	v10 =	vmax.f32 v63, v8;
	v7 =	vsel vm14, v16, v7  }
0xb3: {  	vm15 =	vlt.f32 v11, v9;
	v9 =	vmin.f32 v9, v11;
	v10 =	vmax.f32 v10, v11  }
0xb4: {  	v16 =	vsub.f32 v3, v28;
	v7 =	vsel vm15, v18, v7;
	vm4 =	vlt.f32 v12, v9  }
0xb5: {  	v9 =	vmin.f32 v9, v12;
	v10 =	vmax.f32 v10, v12;
	v18 =	vand.u32 $0x7FFFFFFF, v35  }
0xb6: {  	v7 =	vsel vm4, v21, v7;
	vm5 =	vlt.f32 v13, v9;
	v9 =	vmin.f32 v9, v13  }
0xb7: {  	v10 =	vmax.f32 v10, v13;
	v16 =	vand.u32 $0x7FFFFFFF, v16;
	v21 =	vand.u32 $0x7FFFFFFF, v41  }
0xb8: {  	v7 =	vsel vm5, v24, v7;
	vm6 =	vlt.f32 v14, v9;
	v9 =	vmin.f32 v9, v14  }
0xb9: {  	v10 =	vmax.f32 v10, v14;
	v7 =	vsel vm6, v26, v7;
	vm7 =	vlt.f32 v15, v9  }
0xba: {  	v9 =	vmin.f32 v9, v15;
	v10 =	vmax.f32 v10, v15;
	v7 =	vsel vm7, v29, v7  }
0xbb: {  	vm8 =	vlt.f32 v16, v9;
	v9 =	vmin.f32 v9, v16;
	v10 =	vmax.f32 v10, v16  }
0xbc: {  	v7 =	vsel vm8, v32, v7;
	vm9 =	vlt.f32 v17, v9;
	v9 =	vmin.f32 v9, v17  }
0xbd: {  	v10 =	vmax.f32 v10, v17;
	v7 =	vsel vm9, v34, v7;
	vm10 =	vlt.f32 v18, v9  }
0xbe: {  	v9 =	vmin.f32 v9, v18;
	v10 =	vmax.f32 v10, v18;
	v7 =	vsel vm10, v37, v7  }
0xbf: {  	vm11 =	vlt.f32 v19, v9;
	v9 =	vmin.f32 v9, v19;
	v10 =	vmax.f32 v10, v19  }
0xc0: {  	v7 =	vsel vm11, v39, v7;
	vm12 =	vlt.f32 v20, v9;
	v9 =	vmin.f32 v9, v20  }
0xc1: {  	v7 =	vsel vm12, v23, v7;
	vm13 =	vlt.f32 v21, v9;
	v9 =	vmin.f32 v9, v21  }
0xc2: {  	v3 =	vsel vm13, v43, v7;
	vm14 =	vlt.f32 v22, v9;
	v9 =	vmin.f32 v9, v22  }
0xc3: {  	v10 =	vmax.f32 v10, v20;
	v3 =	vsel vm14, v44, v3;
	vm15 =	vlt.f32 v2, v9  }
0xc4: {  	v45 =	vmax.f32 v10, v21;
	v3 =	vsel vm15, v4, v3  }
0xc5: {  	v46 =	vmax.f32 v45, v22;
	v3 =	vsub.f32 $0.0e+00, v3  }
0xc6: {  	v47 =	vmin.f32 v9, v2;
	v4 =	vmax.f32 v46, v2  }
0xc7: {  	v7 =	vmul.f32 v3, v47;
	v4 =	vmul.f32 v3, v4  }
0xc8: {  	v5 =	vmul.f32 v3, v5  }
0xc9: {  	v4 =	vmax.f32 v7, v4  }
0xca: {  	v6 =	vmul.f32 v3, v6;
	v5 =	vsub.f32 v5, v4;
	_ =	sdelay $0x1  }
0xcb: {  	v48 =	vmul.f32 v3, v8;
	v6 =	vsub.f32 v6, v4;
	v5 =	vmul.f32 $1.442695020e+00, v5  }
0xcc: {  	v49 =	vmul.f32 v3, v11  }
0xcd: {  	v50 =	vsub.f32 v48, v4;
	v6 =	vmul.f32 $1.442695020e+00, v6;
	(erf) = vpow2.f32 v5  }
0xce: {  	v52 =	vmul.f32 v3, v12  }
0xcf: {  	v51 =	vsub.f32 v49, v4;
	v5 =	vmul.f32 $1.442695020e+00, v50;
	(erf) = vpow2.f32 v6  }
0xd0: {  	v53 =	vmul.f32 v3, v13  }
0xd1: {  	v54 =	vsub.f32 v52, v4;
	v6 =	vmul.f32 $1.442695020e+00, v51;
	(erf) = vpow2.f32 v5  }
0xd2: {  	v56 =	vmul.f32 v3, v14;
	v55 =	vsub.f32 v53, v4  }
0xd3: {  	v5 =	vmul.f32 $1.442695020e+00, v54;
	(erf) = vpow2.f32 v6  }
0xd4: {  	v6 =	vmul.f32 $1.442695020e+00, v55  }
0xd5: {  	v57 =	vmul.f32 v3, v15;
	v58 =	vsub.f32 v56, v4;
	(erf) = vpow2.f32 v5  }
0xd6: {  	v62 =	vmul.f32 v3, v16;
	v59 =	vpop (erf);
	(erf) = vpow2.f32 v6  }
0xd7: {  	v60 =	vsub.f32 v57, v4;
	v5 =	vmul.f32 $1.442695020e+00, v58;
	v61 =	vadd.f32 $0.0e+00, v59  }
0xd8: {  	v25 =	vmul.f32 v3, v17;
	v23 =	vsub.f32 v62, v4;
	v63 =	vpop (erf)  }
0xd9: {  	v6 =	vmul.f32 $1.442695020e+00, v60;
	(erf) = vpow2.f32 v5;
	v8 =	vadd.f32 v61, v63  }
0xda: {  	v26 =	vmul.f32 v3, v18;
	v5 =	vmul.f32 $1.442695020e+00, v23;
	v24 =	vpop (erf)  }
0xdb: {  	(erf) = vpow2.f32 v6;
	v6 =	vsub.f32 v25, v4;
	v8 =	vadd.f32 v8, v24  }
0xdc: {  	v30 =	vmul.f32 v3, v19;
	v28 =	vsub.f32 v26, v4;
	v27 =	vpop (erf)  }
0xdd: {  	(erf) = vpow2.f32 v5;
	v6 =	vmul.f32 $1.442695020e+00, v6;
	v8 =	vadd.f32 v8, v27  }
0xde: {  	v31 =	vmul.f32 v3, v20;
	v33 =	vsub.f32 v30, v4;
	v29 =	vpop (erf)  }
0xdf: {  	v5 =	vmul.f32 $1.442695020e+00, v28;
	v8 =	vadd.f32 v8, v29;
	v32 =	vpop (erf);
	(erf) = vpow2.f32 v6  }
0xe0: {  	v36 =	vmul.f32 v3, v21;
	v34 =	vsub.f32 v31, v4  }
0xe1: {  	v6 =	vmul.f32 $1.442695020e+00, v33;
	(erf) = vpow2.f32 v5;
	v8 =	vadd.f32 v8, v32  }
0xe2: {  	v39 =	vmul.f32 v3, v22;
	v38 =	vsub.f32 v36, v4;
	v35 =	vpop (erf)  }
0xe3: {  	v5 =	vmul.f32 $1.442695020e+00, v34;
	(erf) = vpow2.f32 v6;
	v8 =	vadd.f32 v8, v35  }
0xe4: {  	v2 =	vmul.f32 v3, v2;
	v14 =	vsub.f32 v39, v4;
	v37 =	vpop (erf)  }
0xe5: {  	v6 =	vmul.f32 $1.442695020e+00, v38;
	(erf) = vpow2.f32 v5;
	v8 =	vadd.f32 v8, v37  }
0xe6: {  	v2 =	vsub.f32 v2, v4;
	v40 =	vpop (erf)  }
0xe7: {  	v41 =	vmul.f32 $1.442695020e+00, v14;
	(erf) = vpow2.f32 v6;
	v3 =	vadd.f32 v8, v40  }
0xe8: {  	v2 =	vmul.f32 $1.442695020e+00, v2;
	v42 =	vpop (erf)  }
0xe9: {  	(erf) = vpow2.f32 v41;
	v3 =	vadd.f32 v3, v42  }
0xea: {  	v43 =	vpop (erf)  }
0xeb: {  	(erf) = vpow2.f32 v2;
	v3 =	vadd.f32 v3, v43  }
0xec: {  	v2 =	vpop (erf)  }
0xed: {  	v3 =	vadd.f32 v3, v2  }
0xee: {  	v44 =	vpop (erf)  }
0xef: {  	v3 =	vadd.f32 v3, v44  }
0xf0: {  	v45 =	vpop (erf)  }
0xf1: {  	v3 =	vadd.f32 v3, v45  }
0xf2: {  	v46 =	vpop (erf)  }
0xf3: {  	v3 =	vadd.f32 v3, v46  }
0xf4: {  	v47 =	vpop (erf)  }
0xf5: {  	v3 =	vadd.f32 v3, v47;
	_ =	sdelay $0x1  }
0xf6: {  	(erf) = vrcp.f32 v3;
	_ =	sdelay $0x6  }
0xf7: {  	v3 =	vor.u32 $0x10, v1  }
0xf8: {  	v48 =	vor.u32 $0x11, v1  }
0xf9: {  	v50 =	vor.u32 $0x12, v1;
	v49 =	vpop (erf)  }
0xfa: {  	v51 =	vor.u32 $0x13, v1;
	v7 =	vmul.f32 v49, v59  }
0xfb: {  	v52 =	vor.u32 $0x14, v1;
	v10 =	vmul.f32 v49, v63  }
0xfc: {  	v53 =	vor.u32 $0x15, v1;
	[tilespmem:v3+s12+$0x0] =	vst.idx.msk $0xffff, v7;
	v3 =	vmul.f32 v49, v24  }
0xfd: {  	v55 =	vor.u32 $0x16, v1;
	v54 =	vmul.f32 v49, v27;
	[tilespmem:v48+s12+$0x0] =	vst.idx.msk $0xffff, v10  }
0xfe: {  	v56 =	vor.u32 $0x17, v1;
	[tilespmem:v50+s12+$0x0] =	vst.idx.msk $0xffff, v3;
	v3 =	vmul.f32 v49, v29  }
0xff: {  	v58 =	vor.u32 $0x18, v1;
	v57 =	vmul.f32 v49, v32;
	[tilespmem:v51+s12+$0x0] =	vst.idx.msk $0xffff, v54  }
0x100: {  	v59 =	vor.u32 $0x19, v1;
	[tilespmem:v52+s12+$0x0] =	vst.idx.msk $0xffff, v3;
	v3 =	vmul.f32 v49, v35  }
0x101: {  	v61 =	vor.u32 $0x1A, v1;
	v60 =	vmul.f32 v49, v37;
	[tilespmem:v53+s12+$0x0] =	vst.idx.msk $0xffff, v57  }
0x102: {  	v62 =	vor.u32 $0x1B, v1;
	[tilespmem:v55+s12+$0x0] =	vst.idx.msk $0xffff, v3;
	v3 =	vmul.f32 v49, v40  }
0x103: {  	v4 =	vmul.f32 v49, v42;
	v63 =	vor.u32 $0x1C, v1;
	[tilespmem:v56+s12+$0x0] =	vst.idx.msk $0xffff, v60  }
0x104: {  	v15 =	vor.u32 $0x1D, v1;
	[tilespmem:v58+s12+$0x0] =	vst.idx.msk $0xffff, v3;
	v3 =	vmul.f32 v49, v43  }
0x105: {  	v16 =	vor.u32 $0x1E, v1;
	v2 =	vmul.f32 v49, v2;
	[tilespmem:v59+s12+$0x0] =	vst.idx.msk $0xffff, v4  }
0x106: {  	v19 =	vor.u32 $0x1F, v1;
	[tilespmem:v61+s12+$0x0] =	vst.idx.msk $0xffff, v3;
	v3 =	vmul.f32 v49, v44  }
0x107: {  	[tilespmem:v62+s12+$0x0] =	vst.idx.msk $0xffff, v2;
	v2 =	vmul.f32 v49, v45  }
0x108: {  	[tilespmem:v63+s12+$0x0] =	vst.idx.msk $0xffff, v3;
	v3 =	vmul.f32 v49, v46  }
0x109: {  	[tilespmem:v15+s12+$0x0] =	vst.idx.msk $0xffff, v2;
	v2 =	vmul.f32 v49, v47  }
0x10a: {  	[tilespmem:v16+s12+$0x0] =	vst.idx.msk $0xffff, v3  }
0x10b: {  	[tilespmem:v19+s12+$0x0] =	vst.idx.msk $0xffff, v2  }
0x10c: {  	v2 =	vld [tilespmem:$0x100]  }
0x10d: {  	v4 =	vld [tilespmem:$0x500];
	_ =	sdelay $0x3  }
0x10e: {  	v20 =	vbroadcast v2, $0x0;
	v21 =	vbroadcast v2, $0x1  }
0x10f: {  	v22 =	vbroadcast v4, $0x0;
	v23 =	vbroadcast v2, $0x2  }
0x110: {  	v25 =	vbroadcast v4, $0x1;
	v26 =	vbroadcast v2, $0x3  }
0x111: {  	v29 =	vbroadcast v4, $0x2;
	v30 =	vbroadcast v2, $0x4  }
0x112: {  	v31 =	vbroadcast v4, $0x3;
	v33 =	vbroadcast v2, $0x5  }
0x113: {  	v34 =	vbroadcast v4, $0x4;
	v35 =	vbroadcast v2, $0x6  }
0x114: {  	v37 =	vbroadcast v4, $0x5;
	v38 =	vbroadcast v2, $0x7  }
0x115: {  	v3 =	vld [tilespmem:s18+$0x900];
	v39 =	vbroadcast v4, $0x6;
	v41 =	vbroadcast v2, $0x8  }
0x116: {  	v42 =	vbroadcast v4, $0x7;
	v43 =	vbroadcast v2, $0x9  }
0x117: {  	v45 =	vbroadcast v4, $0x8;
	v46 =	vbroadcast v2, $0xA  }
0x118: {  	v47 =	vbroadcast v4, $0x9;
	v49 =	vbroadcast v2, $0xB  }
0x119: {  	v50 =	vbroadcast v4, $0xA;
	v51 =	vbroadcast v2, $0xC  }
0x11a: {  	v52 =	vbroadcast v4, $0xB;
	v53 =	vbroadcast v2, $0xD;
	v5 =	vsub.f32 v3, v20  }
0x11b: {  	v55 =	vbroadcast v2, $0xE;
	v6 =	vsub.f32 v3, v21;
	v8 =	vsub.f32 v3, v23  }
0x11c: {  	v56 =	vbroadcast v4, $0xC;
	v11 =	vsub.f32 v3, v26;
	v32 =	vsub.f32 v3, v30  }
0x11d: {  	v2 =	vbroadcast v2, $0xF;
	v13 =	vsub.f32 v3, v33;
	v36 =	vsub.f32 v3, v35  }
0x11e: {  	v57 =	vbroadcast v4, $0xD;
	v40 =	vsub.f32 v3, v38;
	v16 =	vsub.f32 v3, v41  }
0x11f: {  	v58 =	vbroadcast v4, $0xE;
	v44 =	vsub.f32 v3, v43;
	v48 =	vsub.f32 v3, v46  }
0x120: {  	v4 =	vbroadcast v4, $0xF;
	v19 =	vsub.f32 v3, v49;
	v20 =	vsub.f32 v3, v51  }
0x121: {  	v54 =	vsub.f32 v3, v53;
	v2 =	vsub.f32 v3, v2;
	v5 =	vand.u32 $0x7FFFFFFF, v5  }
0x122: {  	v6 =	vand.u32 $0x7FFFFFFF, v6;
	v8 =	vand.u32 $0x7FFFFFFF, v8;
	v11 =	vand.u32 $0x7FFFFFFF, v11  }
0x123: {  	v12 =	vand.u32 $0x7FFFFFFF, v32;
	v13 =	vand.u32 $0x7FFFFFFF, v13;
	v14 =	vand.u32 $0x7FFFFFFF, v36  }
0x124: {  	v15 =	vand.u32 $0x7FFFFFFF, v40;
	v16 =	vand.u32 $0x7FFFFFFF, v16;
	v17 =	vand.u32 $0x7FFFFFFF, v44  }
0x125: {  	v18 =	vand.u32 $0x7FFFFFFF, v48;
	v19 =	vand.u32 $0x7FFFFFFF, v19;
	v20 =	vand.u32 $0x7FFFFFFF, v20  }
0x126: {  	v21 =	vand.u32 $0x7FFFFFFF, v54;
	v2 =	vand.u32 $0x7FFFFFFF, v2;
	vm4 =	vlt.f32 v5, $3.399999950e+38  }
0x127: {  	v24 =	vmin.f32 v5, $3.399999950e+38;
	v27 =	vmax.f32 v5, $-3.399999950e+38;
	v7 =	vnsel vm4, $0x0, v22  }
0x128: {  	vm5 =	vlt.f32 v6, v24;
	v9 =	vmin.f32 v24, v6;
	v28 =	vmax.f32 v27, v6  }
0x129: {  	v22 =	vsub.f32 v3, v55;
	v7 =	vsel vm5, v25, v7;
	vm6 =	vlt.f32 v8, v9  }
0x12a: {  	v9 =	vmin.f32 v9, v8;
	v10 =	vmax.f32 v28, v8;
	v7 =	vsel vm6, v29, v7  }
0x12b: {  	vm7 =	vlt.f32 v11, v9;
	v9 =	vmin.f32 v9, v11;
	v10 =	vmax.f32 v10, v11  }
0x12c: {  	v22 =	vand.u32 $0x7FFFFFFF, v22;
	v7 =	vsel vm7, v31, v7;
	vm8 =	vlt.f32 v12, v9  }
0x12d: {  	v9 =	vmin.f32 v9, v12;
	v10 =	vmax.f32 v10, v12;
	v7 =	vsel vm8, v34, v7  }
0x12e: {  	vm9 =	vlt.f32 v13, v9;
	v9 =	vmin.f32 v9, v13;
	v10 =	vmax.f32 v10, v13  }
0x12f: {  	v7 =	vsel vm9, v37, v7;
	vm10 =	vlt.f32 v14, v9;
	v9 =	vmin.f32 v9, v14  }
0x130: {  	v10 =	vmax.f32 v10, v14;
	v7 =	vsel vm10, v39, v7;
	vm11 =	vlt.f32 v15, v9  }
0x131: {  	v9 =	vmin.f32 v9, v15;
	v10 =	vmax.f32 v10, v15;
	v7 =	vsel vm11, v42, v7  }
0x132: {  	vm12 =	vlt.f32 v16, v9;
	v9 =	vmin.f32 v9, v16;
	v10 =	vmax.f32 v10, v16  }
0x133: {  	v7 =	vsel vm12, v45, v7;
	vm13 =	vlt.f32 v17, v9;
	v9 =	vmin.f32 v9, v17  }
0x134: {  	v10 =	vmax.f32 v10, v17;
	v7 =	vsel vm13, v47, v7;
	vm14 =	vlt.f32 v18, v9  }
0x135: {  	v9 =	vmin.f32 v9, v18;
	v10 =	vmax.f32 v10, v18;
	v7 =	vsel vm14, v50, v7  }
0x136: {  	vm15 =	vlt.f32 v19, v9;
	v9 =	vmin.f32 v9, v19;
	v10 =	vmax.f32 v10, v19  }
0x137: {  	v7 =	vsel vm15, v52, v7;
	vm4 =	vlt.f32 v20, v9;
	v9 =	vmin.f32 v9, v20  }
0x138: {  	v7 =	vsel vm4, v56, v7;
	vm5 =	vlt.f32 v21, v9;
	v9 =	vmin.f32 v9, v21  }
0x139: {  	v3 =	vsel vm5, v57, v7;
	vm6 =	vlt.f32 v22, v9;
	v9 =	vmin.f32 v9, v22  }
0x13a: {  	v10 =	vmax.f32 v10, v20;
	v3 =	vsel vm6, v58, v3;
	vm7 =	vlt.f32 v2, v9  }
0x13b: {  	v59 =	vmax.f32 v10, v21;
	v3 =	vsel vm7, v4, v3  }
0x13c: {  	v60 =	vmax.f32 v59, v22;
	v3 =	vsub.f32 $0.0e+00, v3  }
0x13d: {  	v61 =	vmin.f32 v9, v2;
	v4 =	vmax.f32 v60, v2  }
0x13e: {  	v7 =	vmul.f32 v3, v61;
	v4 =	vmul.f32 v3, v4  }
0x13f: {  	v5 =	vmul.f32 v3, v5  }
0x140: {  	v4 =	vmax.f32 v7, v4  }
0x141: {  	v6 =	vmul.f32 v3, v6;
	v5 =	vsub.f32 v5, v4;
	_ =	sdelay $0x1  }
0x142: {  	v62 =	vmul.f32 v3, v8;
	v6 =	vsub.f32 v6, v4;
	v5 =	vmul.f32 $1.442695020e+00, v5  }
0x143: {  	v63 =	vmul.f32 v3, v11  }
0x144: {  	v10 =	vsub.f32 v62, v4;
	v6 =	vmul.f32 $1.442695020e+00, v6;
	(erf) = vpow2.f32 v5  }
0x145: {  	v12 =	vmul.f32 v3, v12  }
0x146: {  	v11 =	vsub.f32 v63, v4;
	v5 =	vmul.f32 $1.442695020e+00, v10;
	(erf) = vpow2.f32 v6  }
0x147: {  	v13 =	vmul.f32 v3, v13  }
0x148: {  	v23 =	vsub.f32 v12, v4;
	v6 =	vmul.f32 $1.442695020e+00, v11;
	(erf) = vpow2.f32 v5  }
0x149: {  	v25 =	vmul.f32 v3, v14;
	v24 =	vsub.f32 v13, v4  }
0x14a: {  	v5 =	vmul.f32 $1.442695020e+00, v23;
	(erf) = vpow2.f32 v6  }
0x14b: {  	v6 =	vmul.f32 $1.442695020e+00, v24  }
0x14c: {  	v26 =	vmul.f32 v3, v15;
	v27 =	vsub.f32 v25, v4;
	(erf) = vpow2.f32 v5  }
0x14d: {  	v31 =	vmul.f32 v3, v16;
	v28 =	vpop (erf);
	(erf) = vpow2.f32 v6  }
0x14e: {  	v29 =	vsub.f32 v26, v4;
	v5 =	vmul.f32 $1.442695020e+00, v27;
	v30 =	vadd.f32 $0.0e+00, v28  }
0x14f: {  	v35 =	vmul.f32 v3, v17;
	v33 =	vsub.f32 v31, v4;
	v32 =	vpop (erf)  }
0x150: {  	v6 =	vmul.f32 $1.442695020e+00, v29;
	(erf) = vpow2.f32 v5;
	v8 =	vadd.f32 v30, v32  }
0x151: {  	v36 =	vmul.f32 v3, v18;
	v5 =	vmul.f32 $1.442695020e+00, v33;
	v34 =	vpop (erf)  }
0x152: {  	(erf) = vpow2.f32 v6;
	v6 =	vsub.f32 v35, v4;
	v8 =	vadd.f32 v8, v34  }
0x153: {  	v40 =	vmul.f32 v3, v19;
	v38 =	vsub.f32 v36, v4;
	v37 =	vpop (erf)  }
0x154: {  	(erf) = vpow2.f32 v5;
	v6 =	vmul.f32 $1.442695020e+00, v6;
	v8 =	vadd.f32 v8, v37  }
0x155: {  	v41 =	vmul.f32 v3, v20;
	v43 =	vsub.f32 v40, v4;
	v39 =	vpop (erf)  }
0x156: {  	v5 =	vmul.f32 $1.442695020e+00, v38;
	v8 =	vadd.f32 v8, v39;
	v42 =	vpop (erf);
	(erf) = vpow2.f32 v6  }
0x157: {  	v46 =	vmul.f32 v3, v21;
	v44 =	vsub.f32 v41, v4  }
0x158: {  	v6 =	vmul.f32 $1.442695020e+00, v43;
	(erf) = vpow2.f32 v5;
	v8 =	vadd.f32 v8, v42  }
0x159: {  	v49 =	vmul.f32 v3, v22;
	v48 =	vsub.f32 v46, v4;
	v45 =	vpop (erf)  }
0x15a: {  	v5 =	vmul.f32 $1.442695020e+00, v44;
	(erf) = vpow2.f32 v6;
	v8 =	vadd.f32 v8, v45  }
0x15b: {  	v2 =	vmul.f32 v3, v2;
	v14 =	vsub.f32 v49, v4;
	v47 =	vpop (erf)  }
0x15c: {  	v6 =	vmul.f32 $1.442695020e+00, v48;
	(erf) = vpow2.f32 v5;
	v8 =	vadd.f32 v8, v47  }
0x15d: {  	v2 =	vsub.f32 v2, v4;
	v50 =	vpop (erf)  }
0x15e: {  	v51 =	vmul.f32 $1.442695020e+00, v14;
	(erf) = vpow2.f32 v6;
	v3 =	vadd.f32 v8, v50  }
0x15f: {  	v2 =	vmul.f32 $1.442695020e+00, v2;
	v52 =	vpop (erf)  }
0x160: {  	(erf) = vpow2.f32 v51;
	v3 =	vadd.f32 v3, v52  }
0x161: {  	v53 =	vpop (erf)  }
0x162: {  	(erf) = vpow2.f32 v2;
	v3 =	vadd.f32 v3, v53  }
0x163: {  	v2 =	vpop (erf)  }
0x164: {  	v3 =	vadd.f32 v3, v2  }
0x165: {  	v54 =	vpop (erf)  }
0x166: {  	v3 =	vadd.f32 v3, v54  }
0x167: {  	v55 =	vpop (erf)  }
0x168: {  	v3 =	vadd.f32 v3, v55  }
0x169: {  	v56 =	vpop (erf)  }
0x16a: {  	v3 =	vadd.f32 v3, v56  }
0x16b: {  	v57 =	vpop (erf)  }
0x16c: {  	v3 =	vadd.f32 v3, v57;
	_ =	sdelay $0x1  }
0x16d: {  	(erf) = vrcp.f32 v3;
	_ =	sdelay $0x6  }
0x16e: {  	v3 =	vor.u32 $0x20, v1  }
0x16f: {  	v58 =	vor.u32 $0x21, v1  }
0x170: {  	v60 =	vor.u32 $0x22, v1;
	v59 =	vpop (erf)  }
0x171: {  	v61 =	vor.u32 $0x23, v1;
	v7 =	vmul.f32 v59, v28  }
0x172: {  	v62 =	vor.u32 $0x24, v1;
	v10 =	vmul.f32 v59, v32  }
0x173: {  	v63 =	vor.u32 $0x25, v1;
	[tilespmem:v3+s12+$0x0] =	vst.idx.msk $0xffff, v7;
	v3 =	vmul.f32 v59, v34  }
0x174: {  	v19 =	vor.u32 $0x26, v1;
	v12 =	vmul.f32 v59, v37;
	[tilespmem:v58+s12+$0x0] =	vst.idx.msk $0xffff, v10  }
0x175: {  	v21 =	vor.u32 $0x27, v1;
	[tilespmem:v60+s12+$0x0] =	vst.idx.msk $0xffff, v3;
	v3 =	vmul.f32 v59, v39  }
0x176: {  	v24 =	vor.u32 $0x28, v1;
	v22 =	vmul.f32 v59, v42;
	[tilespmem:v61+s12+$0x0] =	vst.idx.msk $0xffff, v12  }
0x177: {  	v25 =	vor.u32 $0x29, v1;
	[tilespmem:v62+s12+$0x0] =	vst.idx.msk $0xffff, v3;
	v3 =	vmul.f32 v59, v45  }
0x178: {  	v27 =	vor.u32 $0x2A, v1;
	v26 =	vmul.f32 v59, v47;
	[tilespmem:v63+s12+$0x0] =	vst.idx.msk $0xffff, v22  }
0x179: {  	v28 =	vor.u32 $0x2B, v1;
	[tilespmem:v19+s12+$0x0] =	vst.idx.msk $0xffff, v3;
	v3 =	vmul.f32 v59, v50  }
0x17a: {  	v29 =	vor.u32 $0x2C, v1;
	v4 =	vmul.f32 v59, v52;
	[tilespmem:v21+s12+$0x0] =	vst.idx.msk $0xffff, v26  }
0x17b: {  	v30 =	vor.u32 $0x2D, v1;
	[tilespmem:v24+s12+$0x0] =	vst.idx.msk $0xffff, v3;
	v3 =	vmul.f32 v59, v53  }
0x17c: {  	v31 =	vor.u32 $0x2E, v1;
	v2 =	vmul.f32 v59, v2;
	[tilespmem:v25+s12+$0x0] =	vst.idx.msk $0xffff, v4  }
0x17d: {  	v32 =	vor.u32 $0x2F, v1;
	[tilespmem:v27+s12+$0x0] =	vst.idx.msk $0xffff, v3;
	v3 =	vmul.f32 v59, v54  }
0x17e: {  	[tilespmem:v28+s12+$0x0] =	vst.idx.msk $0xffff, v2;
	v2 =	vmul.f32 v59, v55  }
0x17f: {  	[tilespmem:v29+s12+$0x0] =	vst.idx.msk $0xffff, v3;
	v3 =	vmul.f32 v59, v56  }
0x180: {  	[tilespmem:v30+s12+$0x0] =	vst.idx.msk $0xffff, v2;
	v2 =	vmul.f32 v59, v57  }
0x181: {  	[tilespmem:v31+s12+$0x0] =	vst.idx.msk $0xffff, v3  }
0x182: {  	[tilespmem:v32+s12+$0x0] =	vst.idx.msk $0xffff, v2  }
0x183: {  	v2 =	vld [tilespmem:$0x180]  }
0x184: {  	v4 =	vld [tilespmem:$0x580];
	_ =	sdelay $0x3  }
0x185: {  	v33 =	vbroadcast v2, $0x0;
	v34 =	vbroadcast v2, $0x1  }
0x186: {  	v35 =	vbroadcast v4, $0x0;
	v36 =	vbroadcast v2, $0x2  }
0x187: {  	v38 =	vbroadcast v4, $0x1;
	v39 =	vbroadcast v2, $0x3  }
0x188: {  	v42 =	vbroadcast v4, $0x2;
	v43 =	vbroadcast v2, $0x4  }
0x189: {  	v44 =	vbroadcast v4, $0x3;
	v46 =	vbroadcast v2, $0x5  }
0x18a: {  	v47 =	vbroadcast v4, $0x4;
	v48 =	vbroadcast v2, $0x6  }
0x18b: {  	v50 =	vbroadcast v4, $0x5;
	v51 =	vbroadcast v2, $0x7  }
0x18c: {  	v3 =	vld [tilespmem:s18+$0x980];
	v52 =	vbroadcast v4, $0x6;
	v54 =	vbroadcast v2, $0x8  }
0x18d: {  	v55 =	vbroadcast v4, $0x7;
	v56 =	vbroadcast v2, $0x9  }
0x18e: {  	v58 =	vbroadcast v4, $0x8;
	v59 =	vbroadcast v2, $0xA  }
0x18f: {  	v60 =	vbroadcast v4, $0x9;
	v62 =	vbroadcast v2, $0xB  }
0x190: {  	v63 =	vbroadcast v4, $0xA;
	v24 =	vbroadcast v2, $0xC  }
0x191: {  	v25 =	vbroadcast v4, $0xB;
	v5 =	vsub.f32 v3, v33;
	v6 =	vsub.f32 v3, v34  }
0x192: {  	v26 =	vbroadcast v2, $0xD;
	v8 =	vsub.f32 v3, v36;
	v11 =	vsub.f32 v3, v39  }
0x193: {  	v28 =	vbroadcast v2, $0xE;
	v45 =	vsub.f32 v3, v43;
	v13 =	vsub.f32 v3, v46  }
0x194: {  	v29 =	vbroadcast v4, $0xC;
	v49 =	vsub.f32 v3, v48;
	v53 =	vsub.f32 v3, v51  }
0x195: {  	v2 =	vbroadcast v2, $0xF;
	v16 =	vsub.f32 v3, v54;
	v57 =	vsub.f32 v3, v56  }
0x196: {  	v30 =	vbroadcast v4, $0xD;
	v61 =	vsub.f32 v3, v59;
	v19 =	vsub.f32 v3, v62  }
0x197: {  	v31 =	vbroadcast v4, $0xE;
	v20 =	vsub.f32 v3, v24;
	v27 =	vsub.f32 v3, v26  }
0x198: {  	v4 =	vbroadcast v4, $0xF;
	v22 =	vsub.f32 v3, v28;
	v2 =	vsub.f32 v3, v2  }
0x199: {  	v5 =	vand.u32 $0x7FFFFFFF, v5;
	v6 =	vand.u32 $0x7FFFFFFF, v6;
	v8 =	vand.u32 $0x7FFFFFFF, v8  }
0x19a: {  	v11 =	vand.u32 $0x7FFFFFFF, v11;
	v12 =	vand.u32 $0x7FFFFFFF, v45;
	v13 =	vand.u32 $0x7FFFFFFF, v13  }
0x19b: {  	v14 =	vand.u32 $0x7FFFFFFF, v49;
	v15 =	vand.u32 $0x7FFFFFFF, v53;
	v16 =	vand.u32 $0x7FFFFFFF, v16  }
0x19c: {  	v17 =	vand.u32 $0x7FFFFFFF, v57;
	v18 =	vand.u32 $0x7FFFFFFF, v61;
	v19 =	vand.u32 $0x7FFFFFFF, v19  }
0x19d: {  	v20 =	vand.u32 $0x7FFFFFFF, v20;
	v21 =	vand.u32 $0x7FFFFFFF, v27;
	v22 =	vand.u32 $0x7FFFFFFF, v22  }
0x19e: {  	v2 =	vand.u32 $0x7FFFFFFF, v2;
	vm8 =	vlt.f32 v5, $3.399999950e+38;
	v37 =	vmin.f32 v5, $3.399999950e+38  }
0x19f: {  	v40 =	vmax.f32 v5, $-3.399999950e+38;
	v7 =	vnsel vm8, $0x0, v35;
	vm9 =	vlt.f32 v6, v37  }
0x1a0: {  	v9 =	vmin.f32 v37, v6;
	v41 =	vmax.f32 v40, v6;
	v7 =	vsel vm9, v38, v7  }
0x1a1: {  	vm10 =	vlt.f32 v8, v9;
	v9 =	vmin.f32 v9, v8;
	v10 =	vmax.f32 v41, v8  }
0x1a2: {  	v7 =	vsel vm10, v42, v7;
	vm11 =	vlt.f32 v11, v9;
	v9 =	vmin.f32 v9, v11  }
0x1a3: {  	v10 =	vmax.f32 v10, v11;
	v7 =	vsel vm11, v44, v7;
	vm12 =	vlt.f32 v12, v9  }
0x1a4: {  	v9 =	vmin.f32 v9, v12;
	v10 =	vmax.f32 v10, v12;
	v7 =	vsel vm12, v47, v7  }
0x1a5: {  	vm13 =	vlt.f32 v13, v9;
	v9 =	vmin.f32 v9, v13;
	v10 =	vmax.f32 v10, v13  }
0x1a6: {  	v7 =	vsel vm13, v50, v7;
	vm14 =	vlt.f32 v14, v9;
	v9 =	vmin.f32 v9, v14  }
0x1a7: {  	v10 =	vmax.f32 v10, v14;
	v7 =	vsel vm14, v52, v7;
	vm15 =	vlt.f32 v15, v9  }
0x1a8: {  	v9 =	vmin.f32 v9, v15;
	v10 =	vmax.f32 v10, v15;
	v7 =	vsel vm15, v55, v7  }
0x1a9: {  	vm4 =	vlt.f32 v16, v9;
	v9 =	vmin.f32 v9, v16;
	v10 =	vmax.f32 v10, v16  }
0x1aa: {  	v7 =	vsel vm4, v58, v7;
	vm5 =	vlt.f32 v17, v9;
	v9 =	vmin.f32 v9, v17  }
0x1ab: {  	v10 =	vmax.f32 v10, v17;
	v7 =	vsel vm5, v60, v7;
	vm6 =	vlt.f32 v18, v9  }
0x1ac: {  	v9 =	vmin.f32 v9, v18;
	v10 =	vmax.f32 v10, v18;
	v7 =	vsel vm6, v63, v7  }
0x1ad: {  	vm7 =	vlt.f32 v19, v9;
	v9 =	vmin.f32 v9, v19;
	v10 =	vmax.f32 v10, v19  }
0x1ae: {  	v7 =	vsel vm7, v25, v7;
	vm8 =	vlt.f32 v20, v9;
	v9 =	vmin.f32 v9, v20  }
0x1af: {  	v7 =	vsel vm8, v29, v7;
	vm9 =	vlt.f32 v21, v9;
	v9 =	vmin.f32 v9, v21  }
0x1b0: {  	v3 =	vsel vm9, v30, v7;
	vm10 =	vlt.f32 v22, v9;
	v9 =	vmin.f32 v9, v22  }
0x1b1: {  	v10 =	vmax.f32 v10, v20;
	v3 =	vsel vm10, v31, v3;
	vm11 =	vlt.f32 v2, v9  }
0x1b2: {  	v32 =	vmax.f32 v10, v21;
	v3 =	vsel vm11, v4, v3  }
0x1b3: {  	v33 =	vmax.f32 v32, v22;
	v3 =	vsub.f32 $0.0e+00, v3  }
0x1b4: {  	v34 =	vmin.f32 v9, v2;
	v4 =	vmax.f32 v33, v2  }
0x1b5: {  	v7 =	vmul.f32 v3, v34;
	v4 =	vmul.f32 v3, v4  }
0x1b6: {  	v5 =	vmul.f32 v3, v5  }
0x1b7: {  	v4 =	vmax.f32 v7, v4  }
0x1b8: {  	v6 =	vmul.f32 v3, v6;
	v5 =	vsub.f32 v5, v4;
	_ =	sdelay $0x1  }
0x1b9: {  	v35 =	vmul.f32 v3, v8;
	v6 =	vsub.f32 v6, v4;
	v5 =	vmul.f32 $1.442695020e+00, v5  }
0x1ba: {  	v36 =	vmul.f32 v3, v11  }
0x1bb: {  	v37 =	vsub.f32 v35, v4;
	v6 =	vmul.f32 $1.442695020e+00, v6;
	(erf) = vpow2.f32 v5  }
0x1bc: {  	v39 =	vmul.f32 v3, v12  }
0x1bd: {  	v38 =	vsub.f32 v36, v4;
	v5 =	vmul.f32 $1.442695020e+00, v37;
	(erf) = vpow2.f32 v6  }
0x1be: {  	v40 =	vmul.f32 v3, v13  }
0x1bf: {  	v41 =	vsub.f32 v39, v4;
	v6 =	vmul.f32 $1.442695020e+00, v38;
	(erf) = vpow2.f32 v5  }
0x1c0: {  	v43 =	vmul.f32 v3, v14;
	v42 =	vsub.f32 v40, v4  }
0x1c1: {  	v5 =	vmul.f32 $1.442695020e+00, v41;
	(erf) = vpow2.f32 v6  }
0x1c2: {  	v6 =	vmul.f32 $1.442695020e+00, v42  }
0x1c3: {  	v44 =	vmul.f32 v3, v15;
	v45 =	vsub.f32 v43, v4;
	(erf) = vpow2.f32 v5  }
0x1c4: {  	v49 =	vmul.f32 v3, v16;
	v46 =	vpop (erf);
	(erf) = vpow2.f32 v6  }
0x1c5: {  	v47 =	vsub.f32 v44, v4;
	v5 =	vmul.f32 $1.442695020e+00, v45;
	v48 =	vadd.f32 $0.0e+00, v46  }
0x1c6: {  	v53 =	vmul.f32 v3, v17;
	v51 =	vsub.f32 v49, v4;
	v50 =	vpop (erf)  }
0x1c7: {  	v6 =	vmul.f32 $1.442695020e+00, v47;
	(erf) = vpow2.f32 v5;
	v8 =	vadd.f32 v48, v50  }
0x1c8: {  	v54 =	vmul.f32 v3, v18;
	v5 =	vmul.f32 $1.442695020e+00, v51;
	v52 =	vpop (erf)  }
0x1c9: {  	(erf) = vpow2.f32 v6;
	v6 =	vsub.f32 v53, v4;
	v8 =	vadd.f32 v8, v52  }
0x1ca: {  	v58 =	vmul.f32 v3, v19;
	v56 =	vsub.f32 v54, v4;
	v55 =	vpop (erf)  }
0x1cb: {  	(erf) = vpow2.f32 v5;
	v6 =	vmul.f32 $1.442695020e+00, v6;
	v8 =	vadd.f32 v8, v55  }
0x1cc: {  	v59 =	vmul.f32 v3, v20;
	v61 =	vsub.f32 v58, v4;
	v57 =	vpop (erf)  }
0x1cd: {  	v5 =	vmul.f32 $1.442695020e+00, v56;
	v8 =	vadd.f32 v8, v57;
	v60 =	vpop (erf);
	(erf) = vpow2.f32 v6  }
0x1ce: {  	v23 =	vmul.f32 v3, v21;
	v62 =	vsub.f32 v59, v4  }
0x1cf: {  	v6 =	vmul.f32 $1.442695020e+00, v61;
	(erf) = vpow2.f32 v5;
	v8 =	vadd.f32 v8, v60  }
0x1d0: {  	v26 =	vmul.f32 v3, v22;
	v25 =	vsub.f32 v23, v4;
	v63 =	vpop (erf)  }
0x1d1: {  	v5 =	vmul.f32 $1.442695020e+00, v62;
	(erf) = vpow2.f32 v6;
	v8 =	vadd.f32 v8, v63  }
0x1d2: {  	v2 =	vmul.f32 v3, v2;
	v14 =	vsub.f32 v26, v4;
	v24 =	vpop (erf)  }
0x1d3: {  	v6 =	vmul.f32 $1.442695020e+00, v25;
	(erf) = vpow2.f32 v5;
	v8 =	vadd.f32 v8, v24  }
0x1d4: {  	v2 =	vsub.f32 v2, v4;
	v27 =	vpop (erf)  }
0x1d5: {  	v28 =	vmul.f32 $1.442695020e+00, v14;
	(erf) = vpow2.f32 v6;
	v3 =	vadd.f32 v8, v27  }
0x1d6: {  	v2 =	vmul.f32 $1.442695020e+00, v2;
	v29 =	vpop (erf)  }
0x1d7: {  	(erf) = vpow2.f32 v28;
	v3 =	vadd.f32 v3, v29  }
0x1d8: {  	v30 =	vpop (erf)  }
0x1d9: {  	(erf) = vpow2.f32 v2;
	v3 =	vadd.f32 v3, v30  }
0x1da: {  	v2 =	vpop (erf)  }
0x1db: {  	v3 =	vadd.f32 v3, v2  }
0x1dc: {  	v31 =	vpop (erf)  }
0x1dd: {  	v3 =	vadd.f32 v3, v31  }
0x1de: {  	v32 =	vpop (erf)  }
0x1df: {  	v3 =	vadd.f32 v3, v32  }
0x1e0: {  	v33 =	vpop (erf)  }
0x1e1: {  	v3 =	vadd.f32 v3, v33  }
0x1e2: {  	v34 =	vpop (erf)  }
0x1e3: {  	v3 =	vadd.f32 v3, v34;
	_ =	sdelay $0x1  }
0x1e4: {  	(erf) = vrcp.f32 v3;
	_ =	sdelay $0x6  }
0x1e5: {  	v3 =	vor.u32 $0x30, v1  }
0x1e6: {  	v35 =	vor.u32 $0x31, v1  }
0x1e7: {  	v37 =	vor.u32 $0x32, v1;
	v36 =	vpop (erf)  }
0x1e8: {  	v38 =	vor.u32 $0x33, v1;
	v7 =	vmul.f32 v36, v46  }
0x1e9: {  	v39 =	vor.u32 $0x34, v1;
	v10 =	vmul.f32 v36, v50  }
0x1ea: {  	v40 =	vor.u32 $0x35, v1;
	[tilespmem:v3+s12+$0x0] =	vst.idx.msk $0xffff, v7;
	v3 =	vmul.f32 v36, v52  }
0x1eb: {  	v42 =	vor.u32 $0x36, v1;
	v41 =	vmul.f32 v36, v55;
	[tilespmem:v35+s12+$0x0] =	vst.idx.msk $0xffff, v10  }
0x1ec: {  	v43 =	vor.u32 $0x37, v1;
	[tilespmem:v37+s12+$0x0] =	vst.idx.msk $0xffff, v3;
	v3 =	vmul.f32 v36, v57  }
0x1ed: {  	v45 =	vor.u32 $0x38, v1;
	v44 =	vmul.f32 v36, v60;
	[tilespmem:v38+s12+$0x0] =	vst.idx.msk $0xffff, v41  }
0x1ee: {  	v46 =	vor.u32 $0x39, v1;
	[tilespmem:v39+s12+$0x0] =	vst.idx.msk $0xffff, v3;
	v3 =	vmul.f32 v36, v63  }
0x1ef: {  	v48 =	vor.u32 $0x3A, v1;
	v47 =	vmul.f32 v36, v24;
	[tilespmem:v40+s12+$0x0] =	vst.idx.msk $0xffff, v44  }
0x1f0: {  	v49 =	vor.u32 $0x3B, v1;
	[tilespmem:v42+s12+$0x0] =	vst.idx.msk $0xffff, v3;
	v3 =	vmul.f32 v36, v27  }
0x1f1: {  	v4 =	vmul.f32 v36, v29;
	v50 =	vor.u32 $0x3C, v1;
	[tilespmem:v43+s12+$0x0] =	vst.idx.msk $0xffff, v47  }
0x1f2: {  	v51 =	vor.u32 $0x3D, v1;
	[tilespmem:v45+s12+$0x0] =	vst.idx.msk $0xffff, v3;
	v3 =	vmul.f32 v36, v30  }
0x1f3: {  	v2 =	vmul.f32 v36, v2;
	v52 =	vor.u32 $0x3E, v1;
	[tilespmem:v46+s12+$0x0] =	vst.idx.msk $0xffff, v4  }
0x1f4: {  	v53 =	vor.u32 $0x3F, v1;
	[tilespmem:v48+s12+$0x0] =	vst.idx.msk $0xffff, v3;
	v3 =	vmul.f32 v36, v31  }
0x1f5: {  	[tilespmem:v49+s12+$0x0] =	vst.idx.msk $0xffff, v2;
	v2 =	vmul.f32 v36, v32  }
0x1f6: {  	[tilespmem:v50+s12+$0x0] =	vst.idx.msk $0xffff, v3;
	v3 =	vmul.f32 v36, v33  }
0x1f7: {  	[tilespmem:v51+s12+$0x0] =	vst.idx.msk $0xffff, v2;
	v2 =	vmul.f32 v36, v34  }
0x1f8: {  	[tilespmem:v52+s12+$0x0] =	vst.idx.msk $0xffff, v3  }
0x1f9: {  	[tilespmem:v53+s12+$0x0] =	vst.idx.msk $0xffff, v2  }
0x1fa: {  	v2 =	vld [tilespmem:$0x200]  }
0x1fb: {  	v4 =	vld [tilespmem:$0x600];
	_ =	sdelay $0x3  }
0x1fc: {  	v54 =	vbroadcast v2, $0x0;
	v55 =	vbroadcast v2, $0x1  }
0x1fd: {  	v56 =	vbroadcast v4, $0x0;
	v57 =	vbroadcast v2, $0x2  }
0x1fe: {  	v59 =	vbroadcast v4, $0x1;
	v60 =	vbroadcast v2, $0x3  }
0x1ff: {  	v63 =	vbroadcast v4, $0x2;
	v16 =	vbroadcast v2, $0x4  }
0x200: {  	v17 =	vbroadcast v4, $0x3;
	v19 =	vbroadcast v2, $0x5  }
0x201: {  	v20 =	vbroadcast v4, $0x4;
	v21 =	vbroadcast v2, $0x6  }
0x202: {  	v23 =	vbroadcast v4, $0x5;
	v24 =	vbroadcast v2, $0x7  }
0x203: {  	v3 =	vld [tilespmem:s18+$0xA00];
	v25 =	vbroadcast v4, $0x6;
	v27 =	vbroadcast v2, $0x8  }
0x204: {  	v28 =	vbroadcast v4, $0x7;
	v29 =	vbroadcast v2, $0x9  }
0x205: {  	v31 =	vbroadcast v4, $0x8;
	v32 =	vbroadcast v2, $0xA  }
0x206: {  	v33 =	vbroadcast v4, $0x9;
	v35 =	vbroadcast v2, $0xB  }
0x207: {  	v36 =	vbroadcast v4, $0xA;
	v37 =	vbroadcast v2, $0xC  }
0x208: {  	v38 =	vbroadcast v4, $0xB;
	v39 =	vbroadcast v2, $0xD;
	v5 =	vsub.f32 v3, v54  }
0x209: {  	v41 =	vbroadcast v2, $0xE;
	v6 =	vsub.f32 v3, v55;
	v8 =	vsub.f32 v3, v57  }
0x20a: {  	v42 =	vbroadcast v4, $0xC;
	v11 =	vsub.f32 v3, v60;
	v18 =	vsub.f32 v3, v16  }
0x20b: {  	v2 =	vbroadcast v2, $0xF;
	v13 =	vsub.f32 v3, v19;
	v22 =	vsub.f32 v3, v21  }
0x20c: {  	v43 =	vbroadcast v4, $0xD;
	v26 =	vsub.f32 v3, v24;
	v16 =	vsub.f32 v3, v27  }
0x20d: {  	v44 =	vbroadcast v4, $0xE;
	v30 =	vsub.f32 v3, v29;
	v34 =	vsub.f32 v3, v32  }
0x20e: {  	v4 =	vbroadcast v4, $0xF;
	v19 =	vsub.f32 v3, v35;
	v40 =	vsub.f32 v3, v39  }
0x20f: {  	v2 =	vsub.f32 v3, v2;
	v5 =	vand.u32 $0x7FFFFFFF, v5;
	v6 =	vand.u32 $0x7FFFFFFF, v6  }
0x210: {  	v8 =	vand.u32 $0x7FFFFFFF, v8;
	v11 =	vand.u32 $0x7FFFFFFF, v11;
	v12 =	vand.u32 $0x7FFFFFFF, v18  }
0x211: {  	v13 =	vand.u32 $0x7FFFFFFF, v13;
	v14 =	vand.u32 $0x7FFFFFFF, v22;
	v15 =	vand.u32 $0x7FFFFFFF, v26  }
0x212: {  	v16 =	vand.u32 $0x7FFFFFFF, v16;
	v18 =	vand.u32 $0x7FFFFFFF, v34;
	v19 =	vand.u32 $0x7FFFFFFF, v19  }
0x213: {  	v21 =	vand.u32 $0x7FFFFFFF, v40;
	v22 =	vsub.f32 v3, v41;
	v2 =	vand.u32 $0x7FFFFFFF, v2  }
0x214: {  	vm12 =	vlt.f32 v5, $3.399999950e+38;
	v58 =	vmin.f32 v5, $3.399999950e+38;
	v61 =	vmax.f32 v5, $-3.399999950e+38  }
0x215: {  	v7 =	vnsel vm12, $0x0, v56;
	vm13 =	vlt.f32 v6, v58;
	v9 =	vmin.f32 v58, v6  }
0x216: {  	v62 =	vmax.f32 v61, v6;
	v22 =	vand.u32 $0x7FFFFFFF, v22;
	v7 =	vsel vm13, v59, v7  }
0x217: {  	vm14 =	vlt.f32 v8, v9;
	v9 =	vmin.f32 v9, v8;
	v10 =	vmax.f32 v62, v8  }
0x218: {  	v7 =	vsel vm14, v63, v7;
	vm15 =	vlt.f32 v11, v9;
	v9 =	vmin.f32 v9, v11  }
0x219: {  	v10 =	vmax.f32 v10, v11;
	v7 =	vsel vm15, v17, v7;
	vm4 =	vlt.f32 v12, v9  }
0x21a: {  	v9 =	vmin.f32 v9, v12;
	v10 =	vmax.f32 v10, v12;
	v17 =	vand.u32 $0x7FFFFFFF, v30  }
0x21b: {  	v7 =	vsel vm4, v20, v7;
	vm5 =	vlt.f32 v13, v9;
	v9 =	vmin.f32 v9, v13  }
0x21c: {  	v10 =	vmax.f32 v10, v13;
	v20 =	vsub.f32 v3, v37;
	v7 =	vsel vm5, v23, v7  }
0x21d: {  	vm6 =	vlt.f32 v14, v9;
	v9 =	vmin.f32 v9, v14;
	v10 =	vmax.f32 v10, v14  }
0x21e: {  	v7 =	vsel vm6, v25, v7;
	vm7 =	vlt.f32 v15, v9;
	v9 =	vmin.f32 v9, v15  }
0x21f: {  	v10 =	vmax.f32 v10, v15;
	v20 =	vand.u32 $0x7FFFFFFF, v20;
	v7 =	vsel vm7, v28, v7  }
0x220: {  	vm8 =	vlt.f32 v16, v9;
	v9 =	vmin.f32 v9, v16;
	v10 =	vmax.f32 v10, v16  }
0x221: {  	v7 =	vsel vm8, v31, v7;
	vm9 =	vlt.f32 v17, v9;
	v9 =	vmin.f32 v9, v17  }
0x222: {  	v10 =	vmax.f32 v10, v17;
	v7 =	vsel vm9, v33, v7;
	vm10 =	vlt.f32 v18, v9  }
0x223: {  	v9 =	vmin.f32 v9, v18;
	v10 =	vmax.f32 v10, v18;
	v7 =	vsel vm10, v36, v7  }
0x224: {  	vm11 =	vlt.f32 v19, v9;
	v9 =	vmin.f32 v9, v19;
	v10 =	vmax.f32 v10, v19  }
0x225: {  	v7 =	vsel vm11, v38, v7;
	vm12 =	vlt.f32 v20, v9;
	v9 =	vmin.f32 v9, v20  }
0x226: {  	v7 =	vsel vm12, v42, v7;
	vm13 =	vlt.f32 v21, v9;
	v9 =	vmin.f32 v9, v21  }
0x227: {  	v3 =	vsel vm13, v43, v7;
	vm14 =	vlt.f32 v22, v9;
	v9 =	vmin.f32 v9, v22  }
0x228: {  	v10 =	vmax.f32 v10, v20;
	v3 =	vsel vm14, v44, v3;
	vm15 =	vlt.f32 v2, v9  }
0x229: {  	v45 =	vmax.f32 v10, v21;
	v3 =	vsel vm15, v4, v3  }
0x22a: {  	v46 =	vmax.f32 v45, v22;
	v3 =	vsub.f32 $0.0e+00, v3  }
0x22b: {  	v47 =	vmin.f32 v9, v2;
	v4 =	vmax.f32 v46, v2  }
0x22c: {  	v7 =	vmul.f32 v3, v47;
	v4 =	vmul.f32 v3, v4  }
0x22d: {  	v5 =	vmul.f32 v3, v5  }
0x22e: {  	v4 =	vmax.f32 v7, v4  }
0x22f: {  	v6 =	vmul.f32 v3, v6;
	v5 =	vsub.f32 v5, v4;
	_ =	sdelay $0x1  }
0x230: {  	v48 =	vmul.f32 v3, v8;
	v6 =	vsub.f32 v6, v4;
	v5 =	vmul.f32 $1.442695020e+00, v5  }
0x231: {  	v49 =	vmul.f32 v3, v11  }
0x232: {  	v50 =	vsub.f32 v48, v4;
	v6 =	vmul.f32 $1.442695020e+00, v6;
	(erf) = vpow2.f32 v5  }
0x233: {  	v52 =	vmul.f32 v3, v12  }
0x234: {  	v51 =	vsub.f32 v49, v4;
	v5 =	vmul.f32 $1.442695020e+00, v50;
	(erf) = vpow2.f32 v6  }
0x235: {  	v53 =	vmul.f32 v3, v13  }
0x236: {  	v54 =	vsub.f32 v52, v4;
	v6 =	vmul.f32 $1.442695020e+00, v51;
	(erf) = vpow2.f32 v5  }
0x237: {  	v56 =	vmul.f32 v3, v14;
	v55 =	vsub.f32 v53, v4  }
0x238: {  	v5 =	vmul.f32 $1.442695020e+00, v54;
	(erf) = vpow2.f32 v6  }
0x239: {  	v6 =	vmul.f32 $1.442695020e+00, v55  }
0x23a: {  	v57 =	vmul.f32 v3, v15;
	v58 =	vsub.f32 v56, v4;
	(erf) = vpow2.f32 v5  }
0x23b: {  	v62 =	vmul.f32 v3, v16;
	v59 =	vpop (erf);
	(erf) = vpow2.f32 v6  }
0x23c: {  	v60 =	vsub.f32 v57, v4;
	v5 =	vmul.f32 $1.442695020e+00, v58;
	v61 =	vadd.f32 $0.0e+00, v59  }
0x23d: {  	v25 =	vmul.f32 v3, v17;
	v23 =	vsub.f32 v62, v4;
	v63 =	vpop (erf)  }
0x23e: {  	v6 =	vmul.f32 $1.442695020e+00, v60;
	(erf) = vpow2.f32 v5;
	v8 =	vadd.f32 v61, v63  }
0x23f: {  	v26 =	vmul.f32 v3, v18;
	v5 =	vmul.f32 $1.442695020e+00, v23;
	v24 =	vpop (erf)  }
0x240: {  	(erf) = vpow2.f32 v6;
	v6 =	vsub.f32 v25, v4;
	v8 =	vadd.f32 v8, v24  }
0x241: {  	v30 =	vmul.f32 v3, v19;
	v28 =	vsub.f32 v26, v4;
	v27 =	vpop (erf)  }
0x242: {  	(erf) = vpow2.f32 v5;
	v6 =	vmul.f32 $1.442695020e+00, v6;
	v8 =	vadd.f32 v8, v27  }
0x243: {  	v31 =	vmul.f32 v3, v20;
	v33 =	vsub.f32 v30, v4;
	v29 =	vpop (erf)  }
0x244: {  	v5 =	vmul.f32 $1.442695020e+00, v28;
	v8 =	vadd.f32 v8, v29;
	v32 =	vpop (erf);
	(erf) = vpow2.f32 v6  }
0x245: {  	v36 =	vmul.f32 v3, v21;
	v34 =	vsub.f32 v31, v4  }
0x246: {  	v6 =	vmul.f32 $1.442695020e+00, v33;
	(erf) = vpow2.f32 v5;
	v8 =	vadd.f32 v8, v32  }
0x247: {  	v39 =	vmul.f32 v3, v22;
	v38 =	vsub.f32 v36, v4;
	v35 =	vpop (erf)  }
0x248: {  	v5 =	vmul.f32 $1.442695020e+00, v34;
	(erf) = vpow2.f32 v6;
	v8 =	vadd.f32 v8, v35  }
0x249: {  	v2 =	vmul.f32 v3, v2;
	v14 =	vsub.f32 v39, v4;
	v37 =	vpop (erf)  }
0x24a: {  	v6 =	vmul.f32 $1.442695020e+00, v38;
	(erf) = vpow2.f32 v5;
	v8 =	vadd.f32 v8, v37  }
0x24b: {  	v2 =	vsub.f32 v2, v4;
	v40 =	vpop (erf)  }
0x24c: {  	v41 =	vmul.f32 $1.442695020e+00, v14;
	(erf) = vpow2.f32 v6;
	v3 =	vadd.f32 v8, v40  }
0x24d: {  	v2 =	vmul.f32 $1.442695020e+00, v2;
	v42 =	vpop (erf)  }
0x24e: {  	(erf) = vpow2.f32 v41;
	v3 =	vadd.f32 v3, v42  }
0x24f: {  	v43 =	vpop (erf)  }
0x250: {  	(erf) = vpow2.f32 v2;
	v3 =	vadd.f32 v3, v43  }
0x251: {  	v2 =	vpop (erf)  }
0x252: {  	v3 =	vadd.f32 v3, v2  }
0x253: {  	v44 =	vpop (erf)  }
0x254: {  	v3 =	vadd.f32 v3, v44  }
0x255: {  	v45 =	vpop (erf)  }
0x256: {  	v3 =	vadd.f32 v3, v45  }
0x257: {  	v46 =	vpop (erf)  }
0x258: {  	v3 =	vadd.f32 v3, v46  }
0x259: {  	v47 =	vpop (erf)  }
0x25a: {  	v3 =	vadd.f32 v3, v47;
	_ =	sdelay $0x1  }
0x25b: {  	(erf) = vrcp.f32 v3;
	_ =	sdelay $0x6  }
0x25c: {  	v3 =	vor.u32 $0x40, v1  }
0x25d: {  	v48 =	vor.u32 $0x41, v1  }
0x25e: {  	v50 =	vor.u32 $0x42, v1;
	v49 =	vpop (erf)  }
0x25f: {  	v51 =	vor.u32 $0x43, v1;
	v7 =	vmul.f32 v49, v59  }
0x260: {  	v52 =	vor.u32 $0x44, v1;
	v10 =	vmul.f32 v49, v63  }
0x261: {  	v53 =	vor.u32 $0x45, v1;
	[tilespmem:v3+s12+$0x0] =	vst.idx.msk $0xffff, v7;
	v3 =	vmul.f32 v49, v24  }
0x262: {  	v55 =	vor.u32 $0x46, v1;
	v54 =	vmul.f32 v49, v27;
	[tilespmem:v48+s12+$0x0] =	vst.idx.msk $0xffff, v10  }
0x263: {  	v56 =	vor.u32 $0x47, v1;
	[tilespmem:v50+s12+$0x0] =	vst.idx.msk $0xffff, v3;
	v3 =	vmul.f32 v49, v29  }
0x264: {  	v58 =	vor.u32 $0x48, v1;
	v57 =	vmul.f32 v49, v32;
	[tilespmem:v51+s12+$0x0] =	vst.idx.msk $0xffff, v54  }
0x265: {  	v59 =	vor.u32 $0x49, v1;
	[tilespmem:v52+s12+$0x0] =	vst.idx.msk $0xffff, v3;
	v3 =	vmul.f32 v49, v35  }
0x266: {  	v61 =	vor.u32 $0x4A, v1;
	v60 =	vmul.f32 v49, v37;
	[tilespmem:v53+s12+$0x0] =	vst.idx.msk $0xffff, v57  }
0x267: {  	v62 =	vor.u32 $0x4B, v1;
	[tilespmem:v55+s12+$0x0] =	vst.idx.msk $0xffff, v3;
	v3 =	vmul.f32 v49, v40  }
0x268: {  	v4 =	vmul.f32 v49, v42;
	v63 =	vor.u32 $0x4C, v1;
	[tilespmem:v56+s12+$0x0] =	vst.idx.msk $0xffff, v60  }
0x269: {  	v12 =	vor.u32 $0x4D, v1;
	[tilespmem:v58+s12+$0x0] =	vst.idx.msk $0xffff, v3;
	v3 =	vmul.f32 v49, v43  }
0x26a: {  	v13 =	vor.u32 $0x4E, v1;
	v2 =	vmul.f32 v49, v2;
	[tilespmem:v59+s12+$0x0] =	vst.idx.msk $0xffff, v4  }
0x26b: {  	v15 =	vor.u32 $0x4F, v1;
	[tilespmem:v61+s12+$0x0] =	vst.idx.msk $0xffff, v3;
	v3 =	vmul.f32 v49, v44  }
0x26c: {  	[tilespmem:v62+s12+$0x0] =	vst.idx.msk $0xffff, v2;
	v2 =	vmul.f32 v49, v45  }
0x26d: {  	[tilespmem:v63+s12+$0x0] =	vst.idx.msk $0xffff, v3;
	v3 =	vmul.f32 v49, v46  }
0x26e: {  	[tilespmem:v12+s12+$0x0] =	vst.idx.msk $0xffff, v2;
	v2 =	vmul.f32 v49, v47  }
0x26f: {  	[tilespmem:v13+s12+$0x0] =	vst.idx.msk $0xffff, v3  }
0x270: {  	[tilespmem:v15+s12+$0x0] =	vst.idx.msk $0xffff, v2  }
0x271: {  	v2 =	vld [tilespmem:$0x280]  }
0x272: {  	v4 =	vld [tilespmem:$0x680];
	_ =	sdelay $0x3  }
0x273: {  	v16 =	vbroadcast v2, $0x0;
	v17 =	vbroadcast v2, $0x1  }
0x274: {  	v18 =	vbroadcast v4, $0x0;
	v19 =	vbroadcast v2, $0x2  }
0x275: {  	v21 =	vbroadcast v4, $0x1;
	v22 =	vbroadcast v2, $0x3  }
0x276: {  	v25 =	vbroadcast v4, $0x2;
	v26 =	vbroadcast v2, $0x4  }
0x277: {  	v27 =	vbroadcast v4, $0x3;
	v29 =	vbroadcast v2, $0x5  }
0x278: {  	v30 =	vbroadcast v4, $0x4;
	v31 =	vbroadcast v2, $0x6  }
0x279: {  	v33 =	vbroadcast v4, $0x5;
	v34 =	vbroadcast v2, $0x7  }
0x27a: {  	v3 =	vld [tilespmem:s18+$0xA80];
	v35 =	vbroadcast v4, $0x6;
	v37 =	vbroadcast v2, $0x8  }
0x27b: {  	v38 =	vbroadcast v4, $0x7;
	v39 =	vbroadcast v2, $0x9  }
0x27c: {  	v41 =	vbroadcast v4, $0x8;
	v42 =	vbroadcast v2, $0xA  }
0x27d: {  	v43 =	vbroadcast v4, $0x9;
	v45 =	vbroadcast v2, $0xB  }
0x27e: {  	v46 =	vbroadcast v4, $0xA;
	v47 =	vbroadcast v2, $0xC  }
0x27f: {  	v48 =	vbroadcast v4, $0xB;
	v49 =	vbroadcast v2, $0xD;
	v5 =	vsub.f32 v3, v16  }
0x280: {  	v51 =	vbroadcast v2, $0xE;
	v6 =	vsub.f32 v3, v17;
	v8 =	vsub.f32 v3, v19  }
0x281: {  	v52 =	vbroadcast v4, $0xC;
	v11 =	vsub.f32 v3, v22;
	v28 =	vsub.f32 v3, v26  }
0x282: {  	v2 =	vbroadcast v2, $0xF;
	v13 =	vsub.f32 v3, v29;
	v32 =	vsub.f32 v3, v31  }
0x283: {  	v53 =	vbroadcast v4, $0xD;
	v36 =	vsub.f32 v3, v34;
	v16 =	vsub.f32 v3, v37  }
0x284: {  	v54 =	vbroadcast v4, $0xE;
	v40 =	vsub.f32 v3, v39;
	v44 =	vsub.f32 v3, v42  }
0x285: {  	v4 =	vbroadcast v4, $0xF;
	v19 =	vsub.f32 v3, v45;
	v50 =	vsub.f32 v3, v49  }
0x286: {  	v22 =	vsub.f32 v3, v51;
	v2 =	vsub.f32 v3, v2;
	v5 =	vand.u32 $0x7FFFFFFF, v5  }
0x287: {  	v6 =	vand.u32 $0x7FFFFFFF, v6;
	v8 =	vand.u32 $0x7FFFFFFF, v8;
	v11 =	vand.u32 $0x7FFFFFFF, v11  }
0x288: {  	v12 =	vand.u32 $0x7FFFFFFF, v28;
	v13 =	vand.u32 $0x7FFFFFFF, v13;
	v14 =	vand.u32 $0x7FFFFFFF, v32  }
0x289: {  	v15 =	vand.u32 $0x7FFFFFFF, v36;
	v16 =	vand.u32 $0x7FFFFFFF, v16;
	v17 =	vand.u32 $0x7FFFFFFF, v40  }
0x28a: {  	v19 =	vand.u32 $0x7FFFFFFF, v19;
	v22 =	vand.u32 $0x7FFFFFFF, v22;
	v2 =	vand.u32 $0x7FFFFFFF, v2  }
0x28b: {  	vm4 =	vlt.f32 v5, $3.399999950e+38;
	v20 =	vmin.f32 v5, $3.399999950e+38;
	v23 =	vmax.f32 v5, $-3.399999950e+38  }
0x28c: {  	v7 =	vnsel vm4, $0x0, v18;
	vm5 =	vlt.f32 v6, v20;
	v9 =	vmin.f32 v20, v6  }
0x28d: {  	v24 =	vmax.f32 v23, v6;
	v18 =	vand.u32 $0x7FFFFFFF, v44;
	v20 =	vsub.f32 v3, v47  }
0x28e: {  	v7 =	vsel vm5, v21, v7;
	vm6 =	vlt.f32 v8, v9;
	v9 =	vmin.f32 v9, v8  }
0x28f: {  	v10 =	vmax.f32 v24, v8;
	v21 =	vand.u32 $0x7FFFFFFF, v50;
	v7 =	vsel vm6, v25, v7  }
0x290: {  	vm7 =	vlt.f32 v11, v9;
	v9 =	vmin.f32 v9, v11;
	v10 =	vmax.f32 v10, v11  }
0x291: {  	v20 =	vand.u32 $0x7FFFFFFF, v20;
	v7 =	vsel vm7, v27, v7;
	vm8 =	vlt.f32 v12, v9  }
0x292: {  	v9 =	vmin.f32 v9, v12;
	v10 =	vmax.f32 v10, v12;
	v7 =	vsel vm8, v30, v7  }
0x293: {  	vm9 =	vlt.f32 v13, v9;
	v9 =	vmin.f32 v9, v13;
	v10 =	vmax.f32 v10, v13  }
0x294: {  	v7 =	vsel vm9, v33, v7;
	vm10 =	vlt.f32 v14, v9;
	v9 =	vmin.f32 v9, v14  }
0x295: {  	v10 =	vmax.f32 v10, v14;
	v7 =	vsel vm10, v35, v7;
	vm11 =	vlt.f32 v15, v9  }
0x296: {  	v9 =	vmin.f32 v9, v15;
	v10 =	vmax.f32 v10, v15;
	v7 =	vsel vm11, v38, v7  }
0x297: {  	vm12 =	vlt.f32 v16, v9;
	v9 =	vmin.f32 v9, v16;
	v10 =	vmax.f32 v10, v16  }
0x298: {  	v7 =	vsel vm12, v41, v7;
	vm13 =	vlt.f32 v17, v9;
	v9 =	vmin.f32 v9, v17  }
0x299: {  	v10 =	vmax.f32 v10, v17;
	v7 =	vsel vm13, v43, v7;
	vm14 =	vlt.f32 v18, v9  }
0x29a: {  	v9 =	vmin.f32 v9, v18;
	v10 =	vmax.f32 v10, v18;
	v7 =	vsel vm14, v46, v7  }
0x29b: {  	vm15 =	vlt.f32 v19, v9;
	v9 =	vmin.f32 v9, v19;
	v10 =	vmax.f32 v10, v19  }
0x29c: {  	v7 =	vsel vm15, v48, v7;
	vm4 =	vlt.f32 v20, v9;
	v9 =	vmin.f32 v9, v20  }
0x29d: {  	v7 =	vsel vm4, v52, v7;
	vm5 =	vlt.f32 v21, v9;
	v9 =	vmin.f32 v9, v21  }
0x29e: {  	v3 =	vsel vm5, v53, v7;
	vm6 =	vlt.f32 v22, v9;
	v9 =	vmin.f32 v9, v22  }
0x29f: {  	v10 =	vmax.f32 v10, v20;
	v3 =	vsel vm6, v54, v3;
	vm7 =	vlt.f32 v2, v9  }
0x2a0: {  	v55 =	vmax.f32 v10, v21;
	v3 =	vsel vm7, v4, v3  }
0x2a1: {  	v56 =	vmax.f32 v55, v22;
	v3 =	vsub.f32 $0.0e+00, v3  }
0x2a2: {  	v57 =	vmin.f32 v9, v2;
	v4 =	vmax.f32 v56, v2  }
0x2a3: {  	v7 =	vmul.f32 v3, v57;
	v4 =	vmul.f32 v3, v4  }
0x2a4: {  	v5 =	vmul.f32 v3, v5  }
0x2a5: {  	v4 =	vmax.f32 v7, v4  }
0x2a6: {  	v6 =	vmul.f32 v3, v6;
	v5 =	vsub.f32 v5, v4;
	_ =	sdelay $0x1  }
0x2a7: {  	v58 =	vmul.f32 v3, v8;
	v6 =	vsub.f32 v6, v4;
	v5 =	vmul.f32 $1.442695020e+00, v5  }
0x2a8: {  	v59 =	vmul.f32 v3, v11  }
0x2a9: {  	v60 =	vsub.f32 v58, v4;
	v6 =	vmul.f32 $1.442695020e+00, v6;
	(erf) = vpow2.f32 v5  }
0x2aa: {  	v62 =	vmul.f32 v3, v12  }
0x2ab: {  	v61 =	vsub.f32 v59, v4;
	v5 =	vmul.f32 $1.442695020e+00, v60;
	(erf) = vpow2.f32 v6  }
0x2ac: {  	v63 =	vmul.f32 v3, v13  }
0x2ad: {  	v12 =	vsub.f32 v62, v4;
	v6 =	vmul.f32 $1.442695020e+00, v61;
	(erf) = vpow2.f32 v5  }
0x2ae: {  	v23 =	vmul.f32 v3, v14;
	v13 =	vsub.f32 v63, v4  }
0x2af: {  	v5 =	vmul.f32 $1.442695020e+00, v12;
	(erf) = vpow2.f32 v6  }
0x2b0: {  	v6 =	vmul.f32 $1.442695020e+00, v13  }
0x2b1: {  	v24 =	vmul.f32 v3, v15;
	v25 =	vsub.f32 v23, v4;
	(erf) = vpow2.f32 v5  }
0x2b2: {  	v29 =	vmul.f32 v3, v16;
	v26 =	vpop (erf);
	(erf) = vpow2.f32 v6  }
0x2b3: {  	v27 =	vsub.f32 v24, v4;
	v5 =	vmul.f32 $1.442695020e+00, v25;
	v28 =	vadd.f32 $0.0e+00, v26  }
0x2b4: {  	v33 =	vmul.f32 v3, v17;
	v31 =	vsub.f32 v29, v4;
	v30 =	vpop (erf)  }
0x2b5: {  	v6 =	vmul.f32 $1.442695020e+00, v27;
	(erf) = vpow2.f32 v5;
	v8 =	vadd.f32 v28, v30  }
0x2b6: {  	v34 =	vmul.f32 v3, v18;
	v5 =	vmul.f32 $1.442695020e+00, v31;
	v32 =	vpop (erf)  }
0x2b7: {  	(erf) = vpow2.f32 v6;
	v6 =	vsub.f32 v33, v4;
	v8 =	vadd.f32 v8, v32  }
0x2b8: {  	v38 =	vmul.f32 v3, v19;
	v36 =	vsub.f32 v34, v4;
	v35 =	vpop (erf)  }
0x2b9: {  	(erf) = vpow2.f32 v5;
	v6 =	vmul.f32 $1.442695020e+00, v6;
	v8 =	vadd.f32 v8, v35  }
0x2ba: {  	v39 =	vmul.f32 v3, v20;
	v41 =	vsub.f32 v38, v4;
	v37 =	vpop (erf)  }
0x2bb: {  	v5 =	vmul.f32 $1.442695020e+00, v36;
	v8 =	vadd.f32 v8, v37;
	v40 =	vpop (erf);
	(erf) = vpow2.f32 v6  }
0x2bc: {  	v44 =	vmul.f32 v3, v21;
	v42 =	vsub.f32 v39, v4  }
0x2bd: {  	v6 =	vmul.f32 $1.442695020e+00, v41;
	(erf) = vpow2.f32 v5;
	v8 =	vadd.f32 v8, v40  }
0x2be: {  	v47 =	vmul.f32 v3, v22;
	v46 =	vsub.f32 v44, v4;
	v43 =	vpop (erf)  }
0x2bf: {  	v5 =	vmul.f32 $1.442695020e+00, v42;
	(erf) = vpow2.f32 v6;
	v8 =	vadd.f32 v8, v43  }
0x2c0: {  	v2 =	vmul.f32 v3, v2;
	v14 =	vsub.f32 v47, v4;
	v45 =	vpop (erf)  }
0x2c1: {  	v6 =	vmul.f32 $1.442695020e+00, v46;
	(erf) = vpow2.f32 v5;
	v8 =	vadd.f32 v8, v45  }
0x2c2: {  	v2 =	vsub.f32 v2, v4;
	v48 =	vpop (erf)  }
0x2c3: {  	v49 =	vmul.f32 $1.442695020e+00, v14;
	(erf) = vpow2.f32 v6;
	v3 =	vadd.f32 v8, v48  }
0x2c4: {  	v2 =	vmul.f32 $1.442695020e+00, v2;
	v50 =	vpop (erf)  }
0x2c5: {  	(erf) = vpow2.f32 v49;
	v3 =	vadd.f32 v3, v50  }
0x2c6: {  	v51 =	vpop (erf)  }
0x2c7: {  	(erf) = vpow2.f32 v2;
	v3 =	vadd.f32 v3, v51  }
0x2c8: {  	v2 =	vpop (erf)  }
0x2c9: {  	v3 =	vadd.f32 v3, v2  }
0x2ca: {  	v52 =	vpop (erf)  }
0x2cb: {  	v3 =	vadd.f32 v3, v52  }
0x2cc: {  	v53 =	vpop (erf)  }
0x2cd: {  	v3 =	vadd.f32 v3, v53  }
0x2ce: {  	v54 =	vpop (erf)  }
0x2cf: {  	v3 =	vadd.f32 v3, v54  }
0x2d0: {  	v55 =	vpop (erf)  }
0x2d1: {  	v3 =	vadd.f32 v3, v55;
	_ =	sdelay $0x1  }
0x2d2: {  	(erf) = vrcp.f32 v3;
	_ =	sdelay $0x6  }
0x2d3: {  	v3 =	vor.u32 $0x50, v1  }
0x2d4: {  	v56 =	vor.u32 $0x51, v1  }
0x2d5: {  	v58 =	vor.u32 $0x52, v1;
	v57 =	vpop (erf)  }
0x2d6: {  	v59 =	vor.u32 $0x53, v1;
	v7 =	vmul.f32 v57, v26  }
0x2d7: {  	v60 =	vor.u32 $0x54, v1;
	v10 =	vmul.f32 v57, v30  }
0x2d8: {  	v61 =	vor.u32 $0x55, v1;
	[tilespmem:v3+s12+$0x0] =	vst.idx.msk $0xffff, v7;
	v3 =	vmul.f32 v57, v32  }
0x2d9: {  	v63 =	vor.u32 $0x56, v1;
	v62 =	vmul.f32 v57, v35;
	[tilespmem:v56+s12+$0x0] =	vst.idx.msk $0xffff, v10  }
0x2da: {  	v19 =	vor.u32 $0x57, v1;
	[tilespmem:v58+s12+$0x0] =	vst.idx.msk $0xffff, v3;
	v3 =	vmul.f32 v57, v37  }
0x2db: {  	v22 =	vor.u32 $0x58, v1;
	v21 =	vmul.f32 v57, v40;
	[tilespmem:v59+s12+$0x0] =	vst.idx.msk $0xffff, v62  }
0x2dc: {  	v23 =	vor.u32 $0x59, v1;
	[tilespmem:v60+s12+$0x0] =	vst.idx.msk $0xffff, v3;
	v3 =	vmul.f32 v57, v43  }
0x2dd: {  	v25 =	vor.u32 $0x5A, v1;
	v24 =	vmul.f32 v57, v45;
	[tilespmem:v61+s12+$0x0] =	vst.idx.msk $0xffff, v21  }
0x2de: {  	v26 =	vor.u32 $0x5B, v1;
	[tilespmem:v63+s12+$0x0] =	vst.idx.msk $0xffff, v3;
	v3 =	vmul.f32 v57, v48  }
0x2df: {  	v27 =	vor.u32 $0x5C, v1;
	v4 =	vmul.f32 v57, v50;
	[tilespmem:v19+s12+$0x0] =	vst.idx.msk $0xffff, v24  }
0x2e0: {  	v28 =	vor.u32 $0x5D, v1;
	[tilespmem:v22+s12+$0x0] =	vst.idx.msk $0xffff, v3;
	v3 =	vmul.f32 v57, v51  }
0x2e1: {  	v29 =	vor.u32 $0x5E, v1;
	v2 =	vmul.f32 v57, v2;
	[tilespmem:v23+s12+$0x0] =	vst.idx.msk $0xffff, v4  }
0x2e2: {  	v30 =	vor.u32 $0x5F, v1;
	[tilespmem:v25+s12+$0x0] =	vst.idx.msk $0xffff, v3;
	v3 =	vmul.f32 v57, v52  }
0x2e3: {  	[tilespmem:v26+s12+$0x0] =	vst.idx.msk $0xffff, v2;
	v2 =	vmul.f32 v57, v53  }
0x2e4: {  	[tilespmem:v27+s12+$0x0] =	vst.idx.msk $0xffff, v3;
	v3 =	vmul.f32 v57, v54  }
0x2e5: {  	[tilespmem:v28+s12+$0x0] =	vst.idx.msk $0xffff, v2;
	v2 =	vmul.f32 v57, v55  }
0x2e6: {  	[tilespmem:v29+s12+$0x0] =	vst.idx.msk $0xffff, v3  }
0x2e7: {  	[tilespmem:v30+s12+$0x0] =	vst.idx.msk $0xffff, v2  }
0x2e8: {  	v2 =	vld [tilespmem:$0x300]  }
0x2e9: {  	v4 =	vld [tilespmem:$0x700];
	_ =	sdelay $0x3  }
0x2ea: {  	v31 =	vbroadcast v2, $0x0;
	v32 =	vbroadcast v2, $0x1  }
0x2eb: {  	v33 =	vbroadcast v4, $0x0;
	v34 =	vbroadcast v2, $0x2  }
0x2ec: {  	v36 =	vbroadcast v4, $0x1;
	v37 =	vbroadcast v2, $0x3  }
0x2ed: {  	v40 =	vbroadcast v4, $0x2;
	v41 =	vbroadcast v2, $0x4  }
0x2ee: {  	v42 =	vbroadcast v4, $0x3;
	v44 =	vbroadcast v2, $0x5  }
0x2ef: {  	v45 =	vbroadcast v4, $0x4;
	v46 =	vbroadcast v2, $0x6  }
0x2f0: {  	v48 =	vbroadcast v4, $0x5;
	v49 =	vbroadcast v2, $0x7  }
0x2f1: {  	v3 =	vld [tilespmem:s18+$0xB00];
	v50 =	vbroadcast v4, $0x6;
	v52 =	vbroadcast v2, $0x8  }
0x2f2: {  	v53 =	vbroadcast v4, $0x7;
	v54 =	vbroadcast v2, $0x9  }
0x2f3: {  	v56 =	vbroadcast v4, $0x8;
	v57 =	vbroadcast v2, $0xA  }
0x2f4: {  	v58 =	vbroadcast v4, $0x9;
	v60 =	vbroadcast v2, $0xB  }
0x2f5: {  	v61 =	vbroadcast v4, $0xA;
	v62 =	vbroadcast v2, $0xC  }
0x2f6: {  	v63 =	vbroadcast v4, $0xB;
	v5 =	vsub.f32 v3, v31;
	v6 =	vsub.f32 v3, v32  }
0x2f7: {  	v24 =	vbroadcast v2, $0xD;
	v8 =	vsub.f32 v3, v34;
	v11 =	vsub.f32 v3, v37  }
0x2f8: {  	v26 =	vbroadcast v2, $0xE;
	v43 =	vsub.f32 v3, v41;
	v13 =	vsub.f32 v3, v44  }
0x2f9: {  	v27 =	vbroadcast v4, $0xC;
	v47 =	vsub.f32 v3, v46;
	v51 =	vsub.f32 v3, v49  }
0x2fa: {  	v2 =	vbroadcast v2, $0xF;
	v16 =	vsub.f32 v3, v52;
	v55 =	vsub.f32 v3, v54  }
0x2fb: {  	v28 =	vbroadcast v4, $0xD;
	v59 =	vsub.f32 v3, v57;
	v19 =	vsub.f32 v3, v60  }
0x2fc: {  	v29 =	vbroadcast v4, $0xE;
	v20 =	vsub.f32 v3, v62;
	v25 =	vsub.f32 v3, v24  }
0x2fd: {  	v4 =	vbroadcast v4, $0xF;
	v22 =	vsub.f32 v3, v26;
	v2 =	vsub.f32 v3, v2  }
0x2fe: {  	v5 =	vand.u32 $0x7FFFFFFF, v5;
	v6 =	vand.u32 $0x7FFFFFFF, v6;
	v8 =	vand.u32 $0x7FFFFFFF, v8  }
0x2ff: {  	v11 =	vand.u32 $0x7FFFFFFF, v11;
	v12 =	vand.u32 $0x7FFFFFFF, v43;
	v13 =	vand.u32 $0x7FFFFFFF, v13  }
0x300: {  	v14 =	vand.u32 $0x7FFFFFFF, v47;
	v15 =	vand.u32 $0x7FFFFFFF, v51;
	v16 =	vand.u32 $0x7FFFFFFF, v16  }
0x301: {  	v17 =	vand.u32 $0x7FFFFFFF, v55;
	v18 =	vand.u32 $0x7FFFFFFF, v59;
	v19 =	vand.u32 $0x7FFFFFFF, v19  }
0x302: {  	v20 =	vand.u32 $0x7FFFFFFF, v20;
	v21 =	vand.u32 $0x7FFFFFFF, v25;
	v22 =	vand.u32 $0x7FFFFFFF, v22  }
0x303: {  	v2 =	vand.u32 $0x7FFFFFFF, v2;
	vm8 =	vlt.f32 v5, $3.399999950e+38;
	v35 =	vmin.f32 v5, $3.399999950e+38  }
0x304: {  	v38 =	vmax.f32 v5, $-3.399999950e+38;
	v7 =	vnsel vm8, $0x0, v33;
	vm9 =	vlt.f32 v6, v35  }
0x305: {  	v9 =	vmin.f32 v35, v6;
	v39 =	vmax.f32 v38, v6;
	v7 =	vsel vm9, v36, v7  }
0x306: {  	vm10 =	vlt.f32 v8, v9;
	v9 =	vmin.f32 v9, v8;
	v10 =	vmax.f32 v39, v8  }
0x307: {  	v7 =	vsel vm10, v40, v7;
	vm11 =	vlt.f32 v11, v9;
	v9 =	vmin.f32 v9, v11  }
0x308: {  	v10 =	vmax.f32 v10, v11;
	v7 =	vsel vm11, v42, v7;
	vm12 =	vlt.f32 v12, v9  }
0x309: {  	v9 =	vmin.f32 v9, v12;
	v10 =	vmax.f32 v10, v12;
	v7 =	vsel vm12, v45, v7  }
0x30a: {  	vm13 =	vlt.f32 v13, v9;
	v9 =	vmin.f32 v9, v13;
	v10 =	vmax.f32 v10, v13  }
0x30b: {  	v7 =	vsel vm13, v48, v7;
	vm14 =	vlt.f32 v14, v9;
	v9 =	vmin.f32 v9, v14  }
0x30c: {  	v10 =	vmax.f32 v10, v14;
	v7 =	vsel vm14, v50, v7;
	vm15 =	vlt.f32 v15, v9  }
0x30d: {  	v9 =	vmin.f32 v9, v15;
	v10 =	vmax.f32 v10, v15;
	v7 =	vsel vm15, v53, v7  }
0x30e: {  	vm4 =	vlt.f32 v16, v9;
	v9 =	vmin.f32 v9, v16;
	v10 =	vmax.f32 v10, v16  }
0x30f: {  	v7 =	vsel vm4, v56, v7;
	vm5 =	vlt.f32 v17, v9;
	v9 =	vmin.f32 v9, v17  }
0x310: {  	v10 =	vmax.f32 v10, v17;
	v7 =	vsel vm5, v58, v7;
	vm6 =	vlt.f32 v18, v9  }
0x311: {  	v9 =	vmin.f32 v9, v18;
	v10 =	vmax.f32 v10, v18;
	v7 =	vsel vm6, v61, v7  }
0x312: {  	vm7 =	vlt.f32 v19, v9;
	v9 =	vmin.f32 v9, v19;
	v10 =	vmax.f32 v10, v19  }
0x313: {  	v7 =	vsel vm7, v63, v7;
	vm8 =	vlt.f32 v20, v9;
	v9 =	vmin.f32 v9, v20  }
0x314: {  	v7 =	vsel vm8, v27, v7;
	vm9 =	vlt.f32 v21, v9;
	v9 =	vmin.f32 v9, v21  }
0x315: {  	v3 =	vsel vm9, v28, v7;
	vm10 =	vlt.f32 v22, v9;
	v9 =	vmin.f32 v9, v22  }
0x316: {  	v10 =	vmax.f32 v10, v20;
	v3 =	vsel vm10, v29, v3;
	vm11 =	vlt.f32 v2, v9  }
0x317: {  	v30 =	vmax.f32 v10, v21;
	v3 =	vsel vm11, v4, v3  }
0x318: {  	v31 =	vmax.f32 v30, v22;
	v3 =	vsub.f32 $0.0e+00, v3  }
0x319: {  	v32 =	vmin.f32 v9, v2;
	v4 =	vmax.f32 v31, v2  }
0x31a: {  	v7 =	vmul.f32 v3, v32;
	v4 =	vmul.f32 v3, v4  }
0x31b: {  	v5 =	vmul.f32 v3, v5  }
0x31c: {  	v4 =	vmax.f32 v7, v4  }
0x31d: {  	v6 =	vmul.f32 v3, v6;
	v5 =	vsub.f32 v5, v4;
	_ =	sdelay $0x1  }
0x31e: {  	v33 =	vmul.f32 v3, v8;
	v6 =	vsub.f32 v6, v4;
	v5 =	vmul.f32 $1.442695020e+00, v5  }
0x31f: {  	v34 =	vmul.f32 v3, v11  }
0x320: {  	v35 =	vsub.f32 v33, v4;
	v6 =	vmul.f32 $1.442695020e+00, v6;
	(erf) = vpow2.f32 v5  }
0x321: {  	v37 =	vmul.f32 v3, v12  }
0x322: {  	v36 =	vsub.f32 v34, v4;
	v5 =	vmul.f32 $1.442695020e+00, v35;
	(erf) = vpow2.f32 v6  }
0x323: {  	v38 =	vmul.f32 v3, v13  }
0x324: {  	v39 =	vsub.f32 v37, v4;
	v6 =	vmul.f32 $1.442695020e+00, v36;
	(erf) = vpow2.f32 v5  }
0x325: {  	v41 =	vmul.f32 v3, v14;
	v40 =	vsub.f32 v38, v4  }
0x326: {  	v5 =	vmul.f32 $1.442695020e+00, v39;
	(erf) = vpow2.f32 v6  }
0x327: {  	v6 =	vmul.f32 $1.442695020e+00, v40  }
0x328: {  	v42 =	vmul.f32 v3, v15;
	v43 =	vsub.f32 v41, v4;
	(erf) = vpow2.f32 v5  }
0x329: {  	v47 =	vmul.f32 v3, v16;
	v44 =	vpop (erf);
	(erf) = vpow2.f32 v6  }
0x32a: {  	v45 =	vsub.f32 v42, v4;
	v5 =	vmul.f32 $1.442695020e+00, v43;
	v46 =	vadd.f32 $0.0e+00, v44  }
0x32b: {  	v51 =	vmul.f32 v3, v17;
	v49 =	vsub.f32 v47, v4;
	v48 =	vpop (erf)  }
0x32c: {  	v6 =	vmul.f32 $1.442695020e+00, v45;
	(erf) = vpow2.f32 v5;
	v8 =	vadd.f32 v46, v48  }
0x32d: {  	v52 =	vmul.f32 v3, v18;
	v5 =	vmul.f32 $1.442695020e+00, v49;
	v50 =	vpop (erf)  }
0x32e: {  	(erf) = vpow2.f32 v6;
	v6 =	vsub.f32 v51, v4;
	v8 =	vadd.f32 v8, v50  }
0x32f: {  	v56 =	vmul.f32 v3, v19;
	v54 =	vsub.f32 v52, v4;
	v53 =	vpop (erf)  }
0x330: {  	(erf) = vpow2.f32 v5;
	v6 =	vmul.f32 $1.442695020e+00, v6;
	v8 =	vadd.f32 v8, v53  }
0x331: {  	v57 =	vmul.f32 v3, v20;
	v59 =	vsub.f32 v56, v4;
	v55 =	vpop (erf)  }
0x332: {  	v5 =	vmul.f32 $1.442695020e+00, v54;
	v8 =	vadd.f32 v8, v55;
	v58 =	vpop (erf);
	(erf) = vpow2.f32 v6  }
0x333: {  	v62 =	vmul.f32 v3, v21;
	v60 =	vsub.f32 v57, v4  }
0x334: {  	v6 =	vmul.f32 $1.442695020e+00, v59;
	(erf) = vpow2.f32 v5;
	v8 =	vadd.f32 v8, v58  }
0x335: {  	v24 =	vmul.f32 v3, v22;
	v23 =	vsub.f32 v62, v4;
	v61 =	vpop (erf)  }
0x336: {  	v5 =	vmul.f32 $1.442695020e+00, v60;
	(erf) = vpow2.f32 v6;
	v8 =	vadd.f32 v8, v61  }
0x337: {  	v2 =	vmul.f32 v3, v2;
	v14 =	vsub.f32 v24, v4;
	v63 =	vpop (erf)  }
0x338: {  	v6 =	vmul.f32 $1.442695020e+00, v23;
	(erf) = vpow2.f32 v5;
	v8 =	vadd.f32 v8, v63  }
0x339: {  	v2 =	vsub.f32 v2, v4;
	v25 =	vpop (erf)  }
0x33a: {  	v26 =	vmul.f32 $1.442695020e+00, v14;
	(erf) = vpow2.f32 v6;
	v3 =	vadd.f32 v8, v25  }
0x33b: {  	v2 =	vmul.f32 $1.442695020e+00, v2;
	v27 =	vpop (erf)  }
0x33c: {  	(erf) = vpow2.f32 v26;
	v3 =	vadd.f32 v3, v27  }
0x33d: {  	v28 =	vpop (erf)  }
0x33e: {  	(erf) = vpow2.f32 v2;
	v3 =	vadd.f32 v3, v28  }
0x33f: {  	v2 =	vpop (erf)  }
0x340: {  	v3 =	vadd.f32 v3, v2  }
0x341: {  	v29 =	vpop (erf)  }
0x342: {  	v3 =	vadd.f32 v3, v29  }
0x343: {  	v30 =	vpop (erf)  }
0x344: {  	v3 =	vadd.f32 v3, v30  }
0x345: {  	v31 =	vpop (erf)  }
0x346: {  	v3 =	vadd.f32 v3, v31  }
0x347: {  	v32 =	vpop (erf)  }
0x348: {  	v3 =	vadd.f32 v3, v32;
	_ =	sdelay $0x1  }
0x349: {  	(erf) = vrcp.f32 v3;
	_ =	sdelay $0x6  }
0x34a: {  	v3 =	vor.u32 $0x60, v1  }
0x34b: {  	v33 =	vor.u32 $0x61, v1  }
0x34c: {  	v35 =	vor.u32 $0x62, v1;
	v34 =	vpop (erf)  }
0x34d: {  	v36 =	vor.u32 $0x63, v1;
	v7 =	vmul.f32 v34, v44  }
0x34e: {  	v37 =	vor.u32 $0x64, v1;
	v10 =	vmul.f32 v34, v48  }
0x34f: {  	v38 =	vor.u32 $0x65, v1;
	[tilespmem:v3+s12+$0x0] =	vst.idx.msk $0xffff, v7;
	v3 =	vmul.f32 v34, v50  }
0x350: {  	v40 =	vor.u32 $0x66, v1;
	v39 =	vmul.f32 v34, v53;
	[tilespmem:v33+s12+$0x0] =	vst.idx.msk $0xffff, v10  }
0x351: {  	v41 =	vor.u32 $0x67, v1;
	[tilespmem:v35+s12+$0x0] =	vst.idx.msk $0xffff, v3;
	v3 =	vmul.f32 v34, v55  }
0x352: {  	v43 =	vor.u32 $0x68, v1;
	v42 =	vmul.f32 v34, v58;
	[tilespmem:v36+s12+$0x0] =	vst.idx.msk $0xffff, v39  }
0x353: {  	v44 =	vor.u32 $0x69, v1;
	[tilespmem:v37+s12+$0x0] =	vst.idx.msk $0xffff, v3;
	v3 =	vmul.f32 v34, v61  }
0x354: {  	v46 =	vor.u32 $0x6A, v1;
	v45 =	vmul.f32 v34, v63;
	[tilespmem:v38+s12+$0x0] =	vst.idx.msk $0xffff, v42  }
0x355: {  	v47 =	vor.u32 $0x6B, v1;
	[tilespmem:v40+s12+$0x0] =	vst.idx.msk $0xffff, v3;
	v3 =	vmul.f32 v34, v25  }
0x356: {  	v4 =	vmul.f32 v34, v27;
	v48 =	vor.u32 $0x6C, v1;
	[tilespmem:v41+s12+$0x0] =	vst.idx.msk $0xffff, v45  }
0x357: {  	v49 =	vor.u32 $0x6D, v1;
	[tilespmem:v43+s12+$0x0] =	vst.idx.msk $0xffff, v3;
	v3 =	vmul.f32 v34, v28  }
0x358: {  	v2 =	vmul.f32 v34, v2;
	v50 =	vor.u32 $0x6E, v1;
	[tilespmem:v44+s12+$0x0] =	vst.idx.msk $0xffff, v4  }
0x359: {  	v51 =	vor.u32 $0x6F, v1;
	[tilespmem:v46+s12+$0x0] =	vst.idx.msk $0xffff, v3;
	v3 =	vmul.f32 v34, v29  }
0x35a: {  	[tilespmem:v47+s12+$0x0] =	vst.idx.msk $0xffff, v2;
	v2 =	vmul.f32 v34, v30  }
0x35b: {  	[tilespmem:v48+s12+$0x0] =	vst.idx.msk $0xffff, v3;
	v3 =	vmul.f32 v34, v31  }
0x35c: {  	[tilespmem:v49+s12+$0x0] =	vst.idx.msk $0xffff, v2;
	v2 =	vmul.f32 v34, v32  }
0x35d: {  	[tilespmem:v50+s12+$0x0] =	vst.idx.msk $0xffff, v3  }
0x35e: {  	[tilespmem:v51+s12+$0x0] =	vst.idx.msk $0xffff, v2  }
0x35f: {  	v2 =	vld [tilespmem:$0x380]  }
0x360: {  	v4 =	vld [tilespmem:$0x780];
	_ =	sdelay $0x3  }
0x361: {  	v52 =	vbroadcast v2, $0x0;
	v53 =	vbroadcast v2, $0x1  }
0x362: {  	v54 =	vbroadcast v4, $0x0;
	v55 =	vbroadcast v2, $0x2  }
0x363: {  	v57 =	vbroadcast v4, $0x1;
	v58 =	vbroadcast v2, $0x3  }
0x364: {  	v61 =	vbroadcast v4, $0x2;
	v62 =	vbroadcast v2, $0x4  }
0x365: {  	v63 =	vbroadcast v4, $0x3;
	v17 =	vbroadcast v2, $0x5  }
0x366: {  	s31 =	sor.u32 s16, s17;
	v18 =	vbroadcast v4, $0x4;
	v19 =	vbroadcast v2, $0x6  }
0x367: {  	s18 =	sor.u32 $0x380, s31;
	v21 =	vbroadcast v4, $0x5;
	v22 =	vbroadcast v2, $0x7  }
0x368: {  	v3 =	vld [tilespmem:s18+$0x800];
	v23 =	vbroadcast v4, $0x6;
	v25 =	vbroadcast v2, $0x8  }
0x369: {  	v26 =	vbroadcast v4, $0x7;
	v27 =	vbroadcast v2, $0x9  }
0x36a: {  	v29 =	vbroadcast v4, $0x8;
	v30 =	vbroadcast v2, $0xA  }
0x36b: {  	v31 =	vbroadcast v4, $0x9;
	v33 =	vbroadcast v2, $0xB  }
0x36c: {  	v34 =	vbroadcast v4, $0xA;
	v35 =	vbroadcast v2, $0xC  }
0x36d: {  	v36 =	vbroadcast v4, $0xB;
	v37 =	vbroadcast v2, $0xD;
	v5 =	vsub.f32 v3, v52  }
0x36e: {  	v39 =	vbroadcast v2, $0xE;
	v6 =	vsub.f32 v3, v53;
	v8 =	vsub.f32 v3, v55  }
0x36f: {  	v40 =	vbroadcast v4, $0xC;
	v11 =	vsub.f32 v3, v58;
	v16 =	vsub.f32 v3, v62  }
0x370: {  	v2 =	vbroadcast v2, $0xF;
	v13 =	vsub.f32 v3, v17;
	v20 =	vsub.f32 v3, v19  }
0x371: {  	v41 =	vbroadcast v4, $0xD;
	v24 =	vsub.f32 v3, v22;
	v28 =	vsub.f32 v3, v27  }
0x372: {  	v42 =	vbroadcast v4, $0xE;
	v32 =	vsub.f32 v3, v30;
	v19 =	vsub.f32 v3, v33  }
0x373: {  	v4 =	vbroadcast v4, $0xF;
	v38 =	vsub.f32 v3, v37;
	v22 =	vsub.f32 v3, v39  }
0x374: {  	v2 =	vsub.f32 v3, v2;
	v5 =	vand.u32 $0x7FFFFFFF, v5;
	v6 =	vand.u32 $0x7FFFFFFF, v6  }
0x375: {  	v8 =	vand.u32 $0x7FFFFFFF, v8;
	v11 =	vand.u32 $0x7FFFFFFF, v11;
	v12 =	vand.u32 $0x7FFFFFFF, v16  }
0x376: {  	v13 =	vand.u32 $0x7FFFFFFF, v13;
	v14 =	vand.u32 $0x7FFFFFFF, v20;
	v15 =	vand.u32 $0x7FFFFFFF, v24  }
0x377: {  	v16 =	vsub.f32 v3, v25;
	v17 =	vand.u32 $0x7FFFFFFF, v28;
	v19 =	vand.u32 $0x7FFFFFFF, v19  }
0x378: {  	v20 =	vsub.f32 v3, v35;
	v22 =	vand.u32 $0x7FFFFFFF, v22;
	v2 =	vand.u32 $0x7FFFFFFF, v2  }
0x379: {  	vm12 =	vlt.f32 v5, $3.399999950e+38;
	v56 =	vmin.f32 v5, $3.399999950e+38;
	v59 =	vmax.f32 v5, $-3.399999950e+38  }
0x37a: {  	v7 =	vnsel vm12, $0x0, v54;
	vm13 =	vlt.f32 v6, v56;
	v9 =	vmin.f32 v56, v6  }
0x37b: {  	v60 =	vmax.f32 v59, v6;
	v16 =	vand.u32 $0x7FFFFFFF, v16;
	v20 =	vand.u32 $0x7FFFFFFF, v20  }
0x37c: {  	v7 =	vsel vm13, v57, v7;
	vm14 =	vlt.f32 v8, v9;
	v9 =	vmin.f32 v9, v8  }
0x37d: {  	v10 =	vmax.f32 v60, v8;
	v7 =	vsel vm14, v61, v7;
	vm15 =	vlt.f32 v11, v9  }
0x37e: {  	v9 =	vmin.f32 v9, v11;
	v10 =	vmax.f32 v10, v11;
	v7 =	vsel vm15, v63, v7  }
0x37f: {  	vm4 =	vlt.f32 v12, v9;
	v9 =	vmin.f32 v9, v12;
	v10 =	vmax.f32 v10, v12  }
0x380: {  	v7 =	vsel vm4, v18, v7;
	vm5 =	vlt.f32 v13, v9;
	v9 =	vmin.f32 v9, v13  }
0x381: {  	v10 =	vmax.f32 v10, v13;
	v18 =	vand.u32 $0x7FFFFFFF, v32;
	v7 =	vsel vm5, v21, v7  }
0x382: {  	vm6 =	vlt.f32 v14, v9;
	v9 =	vmin.f32 v9, v14;
	v10 =	vmax.f32 v10, v14  }
0x383: {  	v21 =	vand.u32 $0x7FFFFFFF, v38;
	v7 =	vsel vm6, v23, v7;
	vm7 =	vlt.f32 v15, v9  }
0x384: {  	v9 =	vmin.f32 v9, v15;
	v10 =	vmax.f32 v10, v15;
	v7 =	vsel vm7, v26, v7  }
0x385: {  	vm8 =	vlt.f32 v16, v9;
	v9 =	vmin.f32 v9, v16;
	v10 =	vmax.f32 v10, v16  }
0x386: {  	v7 =	vsel vm8, v29, v7;
	vm9 =	vlt.f32 v17, v9;
	v9 =	vmin.f32 v9, v17  }
0x387: {  	v10 =	vmax.f32 v10, v17;
	v7 =	vsel vm9, v31, v7;
	vm10 =	vlt.f32 v18, v9  }
0x388: {  	v9 =	vmin.f32 v9, v18;
	v10 =	vmax.f32 v10, v18;
	v7 =	vsel vm10, v34, v7  }
0x389: {  	vm11 =	vlt.f32 v19, v9;
	v9 =	vmin.f32 v9, v19;
	v10 =	vmax.f32 v10, v19  }
0x38a: {  	v7 =	vsel vm11, v36, v7;
	vm12 =	vlt.f32 v20, v9;
	v9 =	vmin.f32 v9, v20  }
0x38b: {  	v7 =	vsel vm12, v40, v7;
	vm13 =	vlt.f32 v21, v9;
	v9 =	vmin.f32 v9, v21  }
0x38c: {  	v3 =	vsel vm13, v41, v7;
	vm14 =	vlt.f32 v22, v9;
	v9 =	vmin.f32 v9, v22  }
0x38d: {  	v10 =	vmax.f32 v10, v20;
	v3 =	vsel vm14, v42, v3;
	vm15 =	vlt.f32 v2, v9  }
0x38e: {  	v43 =	vmax.f32 v10, v21;
	v3 =	vsel vm15, v4, v3  }
0x38f: {  	v44 =	vmax.f32 v43, v22;
	v3 =	vsub.f32 $0.0e+00, v3  }
0x390: {  	v45 =	vmin.f32 v9, v2;
	v4 =	vmax.f32 v44, v2  }
0x391: {  	v7 =	vmul.f32 v3, v45;
	v4 =	vmul.f32 v3, v4  }
0x392: {  	v5 =	vmul.f32 v3, v5  }
0x393: {  	v4 =	vmax.f32 v7, v4  }
0x394: {  	v6 =	vmul.f32 v3, v6;
	v5 =	vsub.f32 v5, v4;
	_ =	sdelay $0x1  }
0x395: {  	v46 =	vmul.f32 v3, v8;
	v6 =	vsub.f32 v6, v4;
	v5 =	vmul.f32 $1.442695020e+00, v5  }
0x396: {  	v47 =	vmul.f32 v3, v11  }
0x397: {  	v48 =	vsub.f32 v46, v4;
	v6 =	vmul.f32 $1.442695020e+00, v6;
	(erf) = vpow2.f32 v5  }
0x398: {  	v50 =	vmul.f32 v3, v12  }
0x399: {  	v49 =	vsub.f32 v47, v4;
	v5 =	vmul.f32 $1.442695020e+00, v48;
	(erf) = vpow2.f32 v6  }
0x39a: {  	v51 =	vmul.f32 v3, v13  }
0x39b: {  	v52 =	vsub.f32 v50, v4;
	v6 =	vmul.f32 $1.442695020e+00, v49;
	(erf) = vpow2.f32 v5  }
0x39c: {  	v54 =	vmul.f32 v3, v14;
	v53 =	vsub.f32 v51, v4  }
0x39d: {  	v5 =	vmul.f32 $1.442695020e+00, v52;
	(erf) = vpow2.f32 v6  }
0x39e: {  	v6 =	vmul.f32 $1.442695020e+00, v53  }
0x39f: {  	v55 =	vmul.f32 v3, v15;
	v56 =	vsub.f32 v54, v4;
	(erf) = vpow2.f32 v5  }
0x3a0: {  	v60 =	vmul.f32 v3, v16;
	v57 =	vpop (erf);
	(erf) = vpow2.f32 v6  }
0x3a1: {  	v58 =	vsub.f32 v55, v4;
	v5 =	vmul.f32 $1.442695020e+00, v56;
	v59 =	vadd.f32 $0.0e+00, v57  }
0x3a2: {  	v23 =	vmul.f32 v3, v17;
	v62 =	vsub.f32 v60, v4;
	v61 =	vpop (erf)  }
0x3a3: {  	v6 =	vmul.f32 $1.442695020e+00, v58;
	(erf) = vpow2.f32 v5;
	v8 =	vadd.f32 v59, v61  }
0x3a4: {  	v24 =	vmul.f32 v3, v18;
	v5 =	vmul.f32 $1.442695020e+00, v62;
	v63 =	vpop (erf)  }
0x3a5: {  	(erf) = vpow2.f32 v6;
	v6 =	vsub.f32 v23, v4;
	v8 =	vadd.f32 v8, v63  }
0x3a6: {  	v28 =	vmul.f32 v3, v19;
	v26 =	vsub.f32 v24, v4;
	v25 =	vpop (erf)  }
0x3a7: {  	(erf) = vpow2.f32 v5;
	v6 =	vmul.f32 $1.442695020e+00, v6;
	v8 =	vadd.f32 v8, v25  }
0x3a8: {  	v29 =	vmul.f32 v3, v20;
	v31 =	vsub.f32 v28, v4;
	v27 =	vpop (erf)  }
0x3a9: {  	v5 =	vmul.f32 $1.442695020e+00, v26;
	v8 =	vadd.f32 v8, v27;
	v30 =	vpop (erf);
	(erf) = vpow2.f32 v6  }
0x3aa: {  	v34 =	vmul.f32 v3, v21;
	v32 =	vsub.f32 v29, v4  }
0x3ab: {  	v6 =	vmul.f32 $1.442695020e+00, v31;
	(erf) = vpow2.f32 v5;
	v8 =	vadd.f32 v8, v30  }
0x3ac: {  	v37 =	vmul.f32 v3, v22;
	v36 =	vsub.f32 v34, v4;
	v33 =	vpop (erf)  }
0x3ad: {  	v5 =	vmul.f32 $1.442695020e+00, v32;
	(erf) = vpow2.f32 v6;
	v8 =	vadd.f32 v8, v33  }
0x3ae: {  	v2 =	vmul.f32 v3, v2;
	v14 =	vsub.f32 v37, v4;
	v35 =	vpop (erf)  }
0x3af: {  	v6 =	vmul.f32 $1.442695020e+00, v36;
	(erf) = vpow2.f32 v5;
	v8 =	vadd.f32 v8, v35  }
0x3b0: {  	v2 =	vsub.f32 v2, v4;
	v38 =	vpop (erf)  }
0x3b1: {  	v39 =	vmul.f32 $1.442695020e+00, v14;
	(erf) = vpow2.f32 v6;
	v3 =	vadd.f32 v8, v38  }
0x3b2: {  	v2 =	vmul.f32 $1.442695020e+00, v2;
	v40 =	vpop (erf)  }
0x3b3: {  	(erf) = vpow2.f32 v39;
	v3 =	vadd.f32 v3, v40  }
0x3b4: {  	v41 =	vpop (erf)  }
0x3b5: {  	(erf) = vpow2.f32 v2;
	v3 =	vadd.f32 v3, v41  }
0x3b6: {  	v2 =	vpop (erf)  }
0x3b7: {  	v3 =	vadd.f32 v3, v2  }
0x3b8: {  	v42 =	vpop (erf)  }
0x3b9: {  	v3 =	vadd.f32 v3, v42  }
0x3ba: {  	v43 =	vpop (erf)  }
0x3bb: {  	v3 =	vadd.f32 v3, v43  }
0x3bc: {  	v44 =	vpop (erf)  }
0x3bd: {  	v3 =	vadd.f32 v3, v44  }
0x3be: {  	v45 =	vpop (erf)  }
0x3bf: {  	v3 =	vadd.f32 v3, v45;
	_ =	sdelay $0x1  }
0x3c0: {  	(erf) = vrcp.f32 v3;
	_ =	sdelay $0x6  }
0x3c1: {  	v3 =	vor.u32 $0x70, v1  }
0x3c2: {  	v46 =	vor.u32 $0x71, v1  }
0x3c3: {  	v48 =	vor.u32 $0x72, v1;
	v47 =	vpop (erf)  }
0x3c4: {  	v49 =	vor.u32 $0x73, v1;
	v7 =	vmul.f32 v47, v57  }
0x3c5: {  	v50 =	vor.u32 $0x74, v1;
	v10 =	vmul.f32 v47, v61  }
0x3c6: {  	v51 =	vor.u32 $0x75, v1;
	[tilespmem:v3+s12+$0x0] =	vst.idx.msk $0xffff, v7;
	v3 =	vmul.f32 v47, v63  }
0x3c7: {  	v53 =	vor.u32 $0x76, v1;
	v52 =	vmul.f32 v47, v25;
	[tilespmem:v46+s12+$0x0] =	vst.idx.msk $0xffff, v10  }
0x3c8: {  	v54 =	vor.u32 $0x77, v1;
	[tilespmem:v48+s12+$0x0] =	vst.idx.msk $0xffff, v3;
	v3 =	vmul.f32 v47, v27  }
0x3c9: {  	v56 =	vor.u32 $0x78, v1;
	v55 =	vmul.f32 v47, v30;
	[tilespmem:v49+s12+$0x0] =	vst.idx.msk $0xffff, v52  }
0x3ca: {  	v57 =	vor.u32 $0x79, v1;
	[tilespmem:v50+s12+$0x0] =	vst.idx.msk $0xffff, v3;
	v3 =	vmul.f32 v47, v33  }
0x3cb: {  	v59 =	vor.u32 $0x7A, v1;
	v58 =	vmul.f32 v47, v35;
	[tilespmem:v51+s12+$0x0] =	vst.idx.msk $0xffff, v55  }
0x3cc: {  	v60 =	vor.u32 $0x7B, v1;
	[tilespmem:v53+s12+$0x0] =	vst.idx.msk $0xffff, v3;
	v3 =	vmul.f32 v47, v38  }
0x3cd: {  	v4 =	vmul.f32 v47, v40;
	v61 =	vor.u32 $0x7C, v1;
	[tilespmem:v54+s12+$0x0] =	vst.idx.msk $0xffff, v58  }
0x3ce: {  	v62 =	vor.u32 $0x7D, v1;
	[tilespmem:v56+s12+$0x0] =	vst.idx.msk $0xffff, v3;
	v3 =	vmul.f32 v47, v41  }
0x3cf: {  	v2 =	vmul.f32 v47, v2;
	v63 =	vor.u32 $0x7E, v1;
	[tilespmem:v57+s12+$0x0] =	vst.idx.msk $0xffff, v4  }
0x3d0: {  	p0 =	sne.s32 s17, $0xF0;
	v1 =	vor.u32 $0x7F, v1;
	[tilespmem:v59+s12+$0x0] =	vst.idx.msk $0xffff, v3;
	v3 =	vmul.f32 v47, v42  }
.Ltmp0:
0x3d1: {  	[tilespmem:v60+s12+$0x0] =	vst.idx.msk $0xffff, v2;
	v2 =	vmul.f32 v47, v43;
	(pc) =	sbr.rel @p0 .LBB2_3-.Ltmp0, $4  }
0x3d2: {  	[tilespmem:v61+s12+$0x0] =	vst.idx.msk $0xffff, v3;
	v3 =	vmul.f32 v47, v44  }
0x3d3: {  	[tilespmem:v62+s12+$0x0] =	vst.idx.msk $0xffff, v2;
	v2 =	vmul.f32 v47, v45  }
0x3d4: {  	[tilespmem:v63+s12+$0x0] =	vst.idx.msk $0xffff, v3  }
0x3d5: {  	s16 =	sadd.s32 $0x80, s16;
	s17 =	sadd.s32 $0x10, s17;
	[tilespmem:v1+s12+$0x0] =	vst.idx.msk $0xffff, v2  }
0x3d6: {  	s14 =	sadd.s32 $0x1, s14  }
0x3d7: {  	s15 =	sshll.u32 s15, $0x4;
	p0 =	sne.s32 s14, $0x19  }
.Ltmp1:
0x3d8: {  	s15 =	sadd.s32 s4, s15;
	(pc) =	sbr.rel @p0 .LBB2_2-.Ltmp1, $4  }
0x3d9: {  	[hbm4b:s15+s5] =	stream.linear.scatter [tilespmem:s12], [sflag:$0x1], $0x8000, $0x38;
	[tilespmem:$0x9000] =	vst v63  }
0x3da: {  	_ =	swait.ge [sflag:s9], $0x8000  }
0x3db: {  	[sflag:s9] =	ssyncset.done $0x0  }
0x3dc: {  	[sflag:s9] =	ssyncadd.s32 $0xFFFF8000  }
0x3dd: {  	s13 =	sadd.s32 $0x1, s13  }
0x3de: {  	p0 =	sne.s32 s13, s8  }
.Ltmp2:
0x3df: {  	_ = 	snop;
	(pc) =	sbr.rel @p0 .LBB2_1-.Ltmp2, $1  }
0x3e0: {  	_ =	sdelay $0x3  }
0x3e1: {  	_ =	sfence.sel $0x180000  }
0x3e2: {  	[bflag:$0x0] =	sbarrier.arrive $0xFFFF  }
0x3e3: {  	p0 =	sne.s32 s3, $0x0;
	_ =	strace $0x90000047  }
0x3e4: {  	s0 =	sadd.s32 @!p0 $0x100000, s0;
	[bflag:$0x2] =	sbarrier.arrive $0xFFFF  }
0x3e5: {  	[sflag:s0] =	ssyncadd.tile.s32 @!p0 $0x1;
	_ =	shalt  }
.Lfunc_end2:
_tile_overlayer_lowered:
.L_overlay_start_2:
0x3e6: {  	(tag) =	ssettag $0x2  }
0x3e7: {  	s0 =	rddreg [dreg:$0x0];
	s2 =	stileid.u32  }
0x3e8: {  	s1 =	rddreg [dreg:$0x1];
	p0 =	sne.s32 s2, $0x0  }
0x3e9: {  	s3 =	rddreg [dreg:$0x2];
	[bflag:$0x3] =	sbarrier.arrive $0xFFFF;
	s2 =	simm.s32 @!p0 $0x1C01  }
0x3ea: {  	[timem:s3], [sflag:s2] =	dma.local @!p0 [hbm:s0], s1  }
0x3eb: {  	s0 =	simm.s32 @!p0 $0x1  }
0x3ec: {  	_ =	swait.ge @!p0 [sflag:s0], s1  }
0x3ed: {  	s1 =	ssub.s32 @!p0 $0x0, s1;
	[sflag:s0] =	ssyncset.done @!p0 $0x0  }
0x3ee: {  	[sflag:s0] =	ssyncadd.s32 @!p0 s1  }
0x3ef: {  	[bflag:$0x3] =	sbarrier.arrive $0xFFFF  }
0x3f0: {  	_ =	shalt  }

// kernel: sparse-core-data-format-call.cloned.1.call-start
scs
called_computation_lowered:
.L_overlay_start_0:
0x0: {  	s2 =	sld [smem:$0x3FD9]  }
0x1: {  	s3 =	sld [smem:$0x3FFE];
	_ =	sdelay $0x1  }
0x2: {  	s1 =	srdreg.scid  }
0x3: {  	s0 =	sand.u32 $0x1, s1  }
0x4: {  	s18 =	sshll.u32 s0, $0xA;
	s2 =	sadd.s32 s3, s2  }
0x5: {  	s2 =	sadd.s32 s2, s18  }
0x6: {  	[smem:$0x3FC5] =	sst s2  }
0x7: {  	_ = 	snop  }
0x8: {  	s2 =	sld [smem:$0x3FD0];
	(tm) =	ssettm $0x1  }
0x9: {  	s19 =	sld [smem:$0x3FFB];
	_ =	sdelay $0x3  }
0xa: {  	_ =	strace s19  }
0xb: {  	s3 =	sld [smem:$0x3FFC];
	_ =	sdelay $0x3  }
0xc: {  	_ =	strace s3  }
0xd: {  	s3 =	sld [smem:$0x3FFD];
	_ =	sdelay $0x3  }
0xe: {  	_ =	strace s3  }
0xf: {  	_ =	strace $0x8FFFFFFF  }
0x10: {  	s20 =	sld [smem:$0x3FDB];
	_ =	sdelay $0x1  }
0x11: {  	s4 =	simm.s32 $_scs_section_size  }
0x12: {  	s5 =	simm.s32 $_size__tile_overlayer_lowered;
	s6 =	simm.s32 $_tile_overlayer_lowered  }
0x13: {  	s23 =	simm.s32 $0x1BFF;
	s22 =	sshll.u32 s6, $0x1;
	s3 =	sadd.s32 s4, s20  }
0x14: {  	s7 =	simm.s32 $0x0;
	s21 =	sshll.u32 s5, $0x1;
	s5 =	sadd.s32 s22, s3  }
0x15: {  	[timem:s7], [sflag:s23] =	dma.local [hbm:s5], s21  }
0x16: {  	_ =	swait.ge [sflag:s23], s21  }
0x17: {  	s4 =	ssub.s32 $0x0, s21;
	[sflag:s23] =	ssyncset.done $0x0  }
0x18: {  	[sflag:s23] =	ssyncadd.s32 s4;
	_ =	sdelay $0x1  }
0x19: {  	s24 =	simm.s32 $0x1B8B  }
0x1a: {  	_ =	swait.ge [sflag:s24], $0x1  }
0x1b: {  	[sflag:s24] =	ssyncset.done $0x0  }
0x1c: {  	s26 =	simm.s32 $0x1B8E;
	s25 =	sld [smem:$0x3FFE];
	[sflag:s24] =	ssyncadd.s32 $0xFFFFFFFF  }
0x1d: {  	s27 =	simm.s32 $execute0_lowered;
	[smem:$0x3FD2] =	sst s26  }
0x1e: {  	s5 =	sshll.u32 s27, $0x1;
	_ =	strace $0x80000049;
	[dreg:$0x1] =	wrdreg $0xFFFFFFFF  }
0x1f: {  	s28 =	simm.s32 $_size_execute0_lowered;
	s3 =	sadd.s32 s3, s5;
	[dreg:$0x0] =	wrdreg $0x0  }
0x20: {  	s5 =	sshll.u32 s28, $0x1;
	[dreg:$0x2] =	wrdreg s3  }
0x21: {  	[dreg:$0x3] =	wrdreg s5  }
0x22: {  	[dreg:$0x4] =	wrdreg $0xC0  }
0x23: {  	_ =	task [dreg:s7], $0x5FFFF  }
0x24: {  	[dreg:$0x1] =	wrdreg $0xFFFFFFFF  }
0x25: {  	[dreg:$0x0] =	wrdreg $0x60  }
0x26: {  	[dreg:$0x2] =	wrdreg s25  }
0x27: {  	[dreg:$0x3] =	wrdreg s2  }
0x28: {  	[dreg:$0x4] =	wrdreg $0x9  }
0x29: {  	_ =	task.clear_ibuf [dreg:s7], $0x5FFFF;
	_ =	strace $0x90000049  }
0x2a: {  	s29 =	simm.s32 $0x9;
	_ =	strace $0x8000004B  }
0x2b: {  	_ =	swait.ge [sflag:s29], $0x1  }
0x2c: {  	[sflag:s29] =	ssyncadd.s32 $0xFFFFFFFF  }
0x2d: {  	_ =	strace $0x9000004B  }
0x2e: {  	_ =	sfence  }
0x2f: {  	s30 =	sld [smem:$0x0];
	_ =	sdelay $0x2  }
0x30: {  	s31 =	sshll.u32 s1, $0xD;
	s1 =	sshrl.u32 s1, $0x2  }
0x31: {  	s3 =	sand.u32 $0x4000, s31;
	s1 =	sadd.s32 s1, s30  }
0x32: {  	s0 =	sor.u32 s3, s0;
	s1 =	sshll.u32 s1, $0x11  }
0x33: {  	s0 =	sor.u32 s1, s0  }
0x34: {  	s0 =	sadd.s32 $0x8F2B, s0  }
0x35: {  	[sflag:s0] =	ssyncadd.remote.s32 $0x1  }
0x36: {  	_ =	sfence.sel $0xFFFF  }
0x37: {  	[dreg:$0x0] =	wrdreg $0xFFFFFFFF;
	(pc) =	sbr.abs _section_cstart, $3  }
0x38: {  	[dreg:$0x1] =	wrdreg $0xFFFFFFFF  }
0x39: {  	_ =	task.clear_ibuf [dreg:s7], $0x2FFFF;
	_ =	strace $0x9FFFFFFF  }
0x3a: {  	(tm) =	ssettm $0x7FFFFFFF  }
0x3b: {  	_ =	shalt  }
tec
execute0_lowered:
.L_overlay_start_1:
0x0: {  	(tag) =	ssettag $0x1  }
0x1: {  	s0 =	srdreg.scid  }
0x2: {  	s1 =	sshll.u32 s0, $0x4  }
0x3: {  	s0 =	stileid.u32;
	s1 =	sand.u32 $0x10, s1  }
0x4: {  	s1 =	sor.u32 s0, s1  }
0x5: {  	s6 =	rddreg [dreg:$0x0];
	s4 =	simm.s32 $0x1;
	s2 =	sshll.u32 s1, $0x6  }
0x6: {  	s7 =	simm.s32 $0x2;
	s13 =	simm.s32 $0x0;
	s1 =	ssub.s32 $0x1000, s2  }
0x7: {  	s8 =	simm.s32 $0x2000;
	s9 =	simm.s32 $0x80000;
	s3 =	sand.u32 $0x7C0, s1  }
0x8: {  	s14 =	simm.s32 $0x0;
	s5 =	sshrl.u32 s1, $0xB;
	p0 =	sne.s32 s3, $0x0  }
.Ltmp0:
0x9: {  	s1 =	rddreg [dreg:$0x2];
	s4 =	simm.s32 @!p0 $0x0;
	(pc) =	sbr.rel .LBB1_1-.Ltmp0, $4  }
0xa: {  	s10 =	simm.s32 $0x0;
	s3 =	rddreg [dreg:$0x1];
	s5 =	sadd.s32 s4, s5  }
0xb: {  	_ =	strace $0x8000004A;
	s4 =	simm.s32 $0x1;
	s5 =	smul.u32 $0x19, s5  }
0xc: {  	s12 =	simm.s32 $0x0;
	s6 =	sadd.s32 $0x800, s6;
	[sflag:s4] =	ssyncpa.u1 $0x0  }
0xd: {  	s11 =	smov.u32 s2;
	[sflag:s7] =	ssyncpa.u1 $0x0;
	s7 =	sadd.s32 $0x1, s5  }
.LBB1_7:
0xe: {  	s15 =	sadd.s32 $0x2, s10  }
0xf: {  	s13 =	sadd.s32 $0x800, s11;
	s17 =	smov.u32 s11;
	p1 =	sgt.s32 s15, $0x31  }
0x10: {  	s17 =	smov.u32 @p1 s13  }
0x11: {  	s15 =	simm.s32 @p1 $0x0;
	p1 =	sgt.s32 s17, $0xFFF  }
0x12: {  	s17 =	smov.u32 @p1 s2;
	p1 =	sne.s32 s12, s7  }
.Ltmp1:
0x13: {  	p0 =	slt.u32 s12, $0x2;
	(pc) =	sbr.rel @!p1 .LBB1_8-.Ltmp1, $4  }
0x14: {  	s16 =	simm.s32 @!p0 $0x2  }
0x15: {  	s14 =	smov.u32 s11;
	_ =	swait.ge @!p0 [sflag:s16], $0x4000  }
0x16: {  	s13 =	smov.u32 s10;
	[sflag:s16] =	ssyncset.done @!p0 $0x0;
	s10 =	smov.u32 s15  }
0x17: {  	s12 =	sadd.s32 $0x1, s12;
	[sflag:s16] =	ssyncadd.s32 @!p0 $0xFFFFC000;
	s11 =	smov.u32 s17  }
.LBB1_1:
0x18: {  	p0 =	sge.u32 s12, s5  }
0x19: {  	s15 =	sand.u32 @!p0 $0x1FFFFFF, s10  }
0x1a: {  	s16 =	smulhi.u32 @!p0 $0x4924925, s15;
	_ =	sdelay $0x1  }
0x1b: {  	s16 =	smul.u32 @!p0 $0x38, s16  }
0x1c: {  	s17 =	sxor.u32 @!p0 $0xFFFFFFFF, s12;
	s18 =	smul.u32 @!p0 $0x380, s11  }
0x1d: {  	s31 =	sadd.s32 $0xFFFFFFFF, s12;
	s17 =	sshll.u32 @!p0 s17, $0xE;
	s15 =	ssub.s32 @!p0 s15, s16  }
0x1e: {  	s16 =	sand.u32 @!p0 $0x4000, s17;
	s17 =	sadd.s32 @!p0 s6, s18;
	s15 =	sshll.u32 @!p0 s15, $0x4  }
0x1f: {  	s18 =	simm.s32 @!p0 $0x1C00;
	s15 =	sadd.s32 @!p0 s15, s17;
	s17 =	simm.s32 @!p0 $0x100  }
0x20: {  	[tilespmem:s16], [sflag:$0x1] =	stream.strided.gather @!p0 [hbm4b:s15+s17], $0x4000, s18, s17, $0x38;
	[tilespmem:$0x10000] =	vst v63  }
0x21: {  	p0 =	sge.u32 s31, s5  }
.Ltmp2:
0x22: {  	_ = 	snop;
	(pc) =	sbr.rel @p0 .LBB1_7-.Ltmp2, $1  }
0x23: {  	_ =	sdelay $0x3  }
0x24: {  	_ =	swait.ge [sflag:s4], $0x4000;
	s15 =	sshll.u32 s12, $0xE  }
0x25: {  	[sflag:s4] =	ssyncset.done $0x0;
	s16 =	sand.u32 $0x4000, s15  }
0x26: {  	s17 =	simm.s32 $0x0;
	[sflag:s4] =	ssyncadd.s32 $0xFFFFC000;
	s15 =	sor.u32 $0x8000, s16  }
.LBB1_3:
0x27: {  	s18 =	sshll.u32 s17, $0x8  }
0x28: {  	s18 =	sand.u32 $0x3FFFFF00, s18  }
0x29: {  	s19 =	sshll.u32 s17, $0x7;
	s18 =	sadd.s32 s18, s16  }
0x2a: {  	s19 =	sand.u32 $0x3FFFFF80, s19;
	v0 =	vmov s18  }
0x2b: {  	s19 =	sadd.s32 s19, s15  }
0x2c: {  	p0 =	por $0x1, $0x1;
	v1 =	vmov s19;
	s18 =	simm.s32 $0x0  }
.LBB1_4:
0x2d: {  	s19 =	sshll.u32 s18, $0x7  }
0x2e: {  	s19 =	sand.u32 $0x3FFFFF80, s19  }
0x2f: {  	v2 =	vld.idx.msk [tilespmem:v0+s19+$0x0 ss:$0x1], $0xffff  }
0x30: {  	v3 =	vld.idx.msk [tilespmem:v0+s19+$0x10 ss:$0x1], $0xffff  }
0x31: {  	v4 =	vld.idx.msk [tilespmem:v0+s19+$0x20 ss:$0x1], $0xffff  }
0x32: {  	s31 =	sshll.u32 s18, $0xD;
	v5 =	vld.idx.msk [tilespmem:v0+s19+$0x30 ss:$0x1], $0xffff  }
0x33: {  	s18 =	sand.u32 $0x3FFFE000, s31;
	v6 =	vld.idx.msk [tilespmem:v0+s19+$0x40 ss:$0x1], $0xffff  }
0x34: {  	v63 =	vld.idx.msk [tilespmem:v0+s19+$0x70 ss:$0x1], $0xffff;
	[tilespmem:v1+s18+$0x0 ss:$0x1] =	vst.idx.msk $0xffff, v2  }
0x35: {  	v2 =	vld.idx.msk [tilespmem:v0+s19+$0x50 ss:$0x1], $0xffff;
	[tilespmem:v1+s18+$0x10 ss:$0x1] =	vst.idx.msk $0xffff, v3  }
0x36: {  	p1 =	por p0, p0;
	v3 =	vld.idx.msk [tilespmem:v0+s19+$0x60 ss:$0x1], $0xffff;
	[tilespmem:v1+s18+$0x20 ss:$0x1] =	vst.idx.msk $0xffff, v4  }
.Ltmp3:
0x37: {  	[tilespmem:v1+s18+$0x30 ss:$0x1] =	vst.idx.msk $0xffff, v5;
	(pc) =	sbr.rel @p1 .LBB1_4-.Ltmp3, $4  }
0x38: {  	[tilespmem:v1+s18+$0x40 ss:$0x1] =	vst.idx.msk $0xffff, v6  }
0x39: {  	[tilespmem:v1+s18+$0x70 ss:$0x1] =	vst.idx.msk $0xffff, v63  }
0x3a: {  	[tilespmem:v1+s18+$0x50 ss:$0x1] =	vst.idx.msk $0xffff, v2  }
0x3b: {  	p0 =	por $0x0, $0x0;
	[tilespmem:v1+s18+$0x60 ss:$0x1] =	vst.idx.msk $0xffff, v3;
	s18 =	simm.s32 $0x1  }
0x3c: {  	s17 =	sadd.s32 $0x1, s17  }
0x3d: {  	p0 =	sne.s32 s17, $0x40  }
.Ltmp4:
0x3e: {  	_ = 	snop;
	(pc) =	sbr.rel @p0 .LBB1_3-.Ltmp4, $1  }
0x3f: {  	_ =	sdelay $0x3  }
.Ltmp5:
0x40: {  	s14 =	sshll.u32 s14, $0x4;
	(pc) =	sbr.rel .LBB1_7-.Ltmp5, $4  }
0x41: {  	s14 =	sand.u32 $0xFFF0, s14  }
0x42: {  	s13 =	sshll.u32 s13, $0x10;
	s14 =	sadd.s32 s3, s14  }
0x43: {  	s13 =	sadd.s32 s13, s14  }
0x44: {  	[hbm4b:s13+s8] =	stream.strided.scatter [tilespmem:s15], [sflag:$0x2], $0x4000, s9, s8, $0x38;
	[tilespmem:$0x10000] =	vst v63  }
.LBB1_8:
0x45: {  	_ =	sfence.sel $0x180000  }
0x46: {  	s2 =	simm.s32 $0x1;
	[bflag:$0x0] =	sbarrier.arrive $0xFFFF  }
0x47: {  	s31 =	simm.s32 $0x2;
	[sflag:s2] =	ssyncpa.u1 $0x1  }
0x48: {  	[sflag:s31] =	ssyncpa.u1 $0x1  }
0x49: {  	p0 =	sne.s32 s0, $0x0;
	_ =	strace $0x9000004A  }
0x4a: {  	s0 =	sadd.s32 @!p0 $0x100000, s1;
	[bflag:$0x2] =	sbarrier.arrive $0xFFFF  }
0x4b: {  	[sflag:s0] =	ssyncadd.tile.s32 @!p0 $0x1;
	_ =	shalt  }
.Lfunc_end1:
_tile_overlayer_lowered:
.L_overlay_start_2:
0x4c: {  	(tag) =	ssettag $0x2  }
0x4d: {  	s0 =	rddreg [dreg:$0x0];
	s2 =	stileid.u32  }
0x4e: {  	s1 =	rddreg [dreg:$0x1];
	p0 =	sne.s32 s2, $0x0  }
0x4f: {  	s3 =	rddreg [dreg:$0x2];
	[bflag:$0x3] =	sbarrier.arrive $0xFFFF;
	s2 =	simm.s32 @!p0 $0x1C01  }
0x50: {  	[timem:s3], [sflag:s2] =	dma.local @!p0 [hbm:s0], s1  }
0x51: {  	s0 =	simm.s32 @!p0 $0x1  }
0x52: {  	_ =	swait.ge @!p0 [sflag:s0], s1  }
0x53: {  	s1 =	ssub.s32 @!p0 $0x0, s1;
	[sflag:s0] =	ssyncset.done @!p0 $0x0  }
0x54: {  	[sflag:s0] =	ssyncadd.s32 @!p0 s1  }
0x55: {  	[bflag:$0x3] =	sbarrier.arrive $0xFFFF  }
0x56: {  	_ =	shalt  }

</sc_bundles>
